<compile_context>
chip_gen: v7x
topology: tpu7x:2x2x1
jax: 0.10.2.dev20260603
libtpu: 0.0.44.dev20260713+nightly
codegen_flags: <defaults>
</compile_context>

<pallas_src>
import jax
import jax.numpy as jnp
from jax import lax
from jax.experimental import pallas as pl
from jax.experimental.pallas import tpu as pltpu
from jax.experimental.pallas import tpu_sc as plsc

NQ = 1024
D = 64
NP = 100000
KOUT = 10
NPP = 131072
NL1 = 8192
NL2 = 512
NEG = -3.0e38

QB = 256
PCH = 32768
NPC = NPP // PCH
L1W = PCH // 16
L2W = L1W // 16

NC, NS, NLANE = 2, 16, 16
NW = NC * NS
QPW = NQ // NW



def _tc_body(q_ref, p_ref, l1_ref, l2_ref):
    s = jnp.dot(q_ref[...], p_ref[...].T, preferred_element_type=jnp.float32)
    l1 = s[:, :L1W]
    for a in range(1, 16):
        l1 = jnp.maximum(l1, s[:, a * L1W:(a + 1) * L1W])
    l1_ref[...] = l1
    l2 = l1[:, :L2W]
    for a in range(1, 16):
        l2 = jnp.maximum(l2, l1[:, a * L2W:(a + 1) * L2W])
    l2_ref[...] = l2


_tc_call = pl.pallas_call(
    _tc_body,
    grid=(NQ // QB, NPC),
    in_specs=[
        pl.BlockSpec((QB, D), lambda i, j: (i, 0)),
        pl.BlockSpec((PCH, D), lambda i, j: (j, 0)),
    ],
    out_specs=[
        pl.BlockSpec((QB, L1W), lambda i, j: (i, j)),
        pl.BlockSpec((QB, L2W), lambda i, j: (i, j)),
    ],
    out_shape=[
        jax.ShapeDtypeStruct((NQ, NL1), jnp.float32),
        jax.ShapeDtypeStruct((NQ, NL2), jnp.float32),
    ],
)


def _merge16(tv, ti, cv, ci):
    cv, ci = plsc.sort_key_val(cv, ci, descending=True)
    rcv = lax.rev(cv, (0,))
    rci = lax.rev(ci, (0,))
    m = tv >= rcv
    mv = jnp.where(m, tv, rcv)
    mi = jnp.where(m, ti, rci)
    sv, si = plsc.sort_key_val(mv, mi, descending=True)
    return sv, si


def _bcast_lane(v, j):
    idx = jnp.full((NLANE,), j, jnp.int32)
    return v.at[idx].get(mode="promise_in_bounds")


def _sc_body(l1_hbm, l2_hbm, p_hbm, q_hbm, vals_hbm, inds_hbm,
             qrow_v, l2a_v, l1row_v, qb_v, blk_a1, blk_b1, blk_a2, blk_b2,
             idxu1_v, idxu2_v, idxa1_v, idxb1_v, idxa2_v, idxb2_v,
             ov_v, oi_v, sem_a, sem_b, sem_r1, sem_r2):
    cid = lax.axis_index("c")
    sid = lax.axis_index("s")
    wid = sid * NC + cid
    base = wid * QPW
    pltpu.sync_copy(q_hbm.at[pl.ds(base, QPW)], qrow_v)
    pltpu.sync_copy(l2_hbm.at[pl.ds(base, QPW)], l2a_v)
    iota = lax.iota(jnp.int32, NLANE)
    negv = jnp.full((NLANE,), NEG, jnp.float32)
    zi = jnp.zeros((NLANE,), jnp.int32)
    HP = QPW // 2

    def per_pair(i, carry):
        i2 = i + HP
        q1 = base + i
        q2 = base + i2
        if1 = jnp.full((NLANE,), i, jnp.int32)
        if2 = jnp.full((NLANE,), i2, jnp.int32)
        cp_r1 = pltpu.make_async_copy(l1_hbm.at[q1], l1row_v.at[0], sem_r1)
        cp_r2 = pltpu.make_async_copy(l1_hbm.at[q2], l1row_v.at[1], sem_r2)
        cp_r1.start()
        cp_r2.start()

        tva, tia = negv, zi
        tvb, tib = negv, zi
        for k in range(8):
            cva = l2a_v[i, pl.ds(k * NLANE, NLANE)]
            cvb = l2a_v[i2, pl.ds(k * NLANE, NLANE)]
            for pc in range(1, NPC):
                off = (pc * 8 + k) * NLANE
                cva = jnp.maximum(cva, l2a_v[i, pl.ds(off, NLANE)])
                cvb = jnp.maximum(cvb, l2a_v[i2, pl.ds(off, NLANE)])
            tva, tia = _merge16(tva, tia, cva, k * NLANE + iota)
            tvb, tib = _merge16(tvb, tib, cvb, k * NLANE + iota)

        tv2a, ti2a = negv, zi
        tv2b, ti2b = negv, zi
        for pc in range(NPC):
            cia = pc * L2W + tia
            cib = pc * L2W + tib
            cva = plsc.load_gather(l2a_v, [if1, cia])
            cvb = plsc.load_gather(l2a_v, [if2, cib])
            tv2a, ti2a = _merge16(tv2a, ti2a, cva, cia)
            tv2b, ti2b = _merge16(tv2b, ti2b, cvb, cib)

        cp_r1.wait()
        cp_r2.wait()
        z0 = jnp.zeros((NLANE,), jnp.int32)
        z1 = jnp.full((NLANE,), 1, jnp.int32)
        tv1a, ti1a = negv, zi
        tv1b, ti1b = negv, zi
        for j in range(NLANE):
            g2a = _bcast_lane(ti2a, j)
            g2b = _bcast_lane(ti2b, j)
            g1ma = (g2a >> 7) * L1W + (g2a & 127) + 128 * iota
            g1mb = (g2b >> 7) * L1W + (g2b & 127) + 128 * iota
            cva = plsc.load_gather(l1row_v, [z0, g1ma])
            cvb = plsc.load_gather(l1row_v, [z1, g1mb])
            tv1a, ti1a = _merge16(tv1a, ti1a, cva, g1ma)
            tv1b, ti1b = _merge16(tv1b, ti1b, cvb, g1mb)

        for j in range(NLANE):
            g1a = _bcast_lane(ti1a, j)
            g1b = _bcast_lane(ti1b, j)
            pida = (g1a >> 11) * PCH + (g1a & (L1W - 1)) + L1W * iota
            pidb = (g1b >> 11) * PCH + (g1b & (L1W - 1)) + L1W * iota
            idxu1_v[j, :] = pida
            idxu2_v[j, :] = pidb
            pca = jnp.minimum(pida, NP - 1)
            pcb = jnp.minimum(pidb, NP - 1)
            if j < 8:
                idxa1_v[pl.ds(j * NLANE, NLANE)] = pca
                idxa2_v[pl.ds(j * NLANE, NLANE)] = pcb
            else:
                idxb1_v[pl.ds((j - 8) * NLANE, NLANE)] = pca
                idxb2_v[pl.ds((j - 8) * NLANE, NLANE)] = pcb
        cps = [pltpu.make_async_copy(p_hbm.at[idxa1_v], blk_a1, sem_a),
               pltpu.make_async_copy(p_hbm.at[idxb1_v], blk_b1, sem_a),
               pltpu.make_async_copy(p_hbm.at[idxa2_v], blk_a2, sem_b),
               pltpu.make_async_copy(p_hbm.at[idxb2_v], blk_b2, sem_b)]
        for cp in cps:
            cp.start()

        def qb_step(d, c):
            d2 = 2 * d
            for dd in (d2, d2 + 1):
                dcol = jnp.full((NLANE,), dd, jnp.int32)
                qb_v[0, dd, :] = plsc.load_gather(qrow_v, [if1, dcol])
                qb_v[1, dd, :] = plsc.load_gather(qrow_v, [if2, dcol])
            return c

        lax.fori_loop(0, D // 2, qb_step, 0)
        for cp in cps:
            cp.wait()

        def rec_step(d, accs):
            accs1, accs2 = accs
            for dd in (2 * d, 2 * d + 1):
                dcol = jnp.full((NLANE,), dd, jnp.int32)
                qbd1 = qb_v[0, dd, :]
                qbd2 = qb_v[1, dd, :]
                o1, o2 = [], []
                for j in range(KOUT):
                    row0 = (j if j < 8 else j - 8) * NLANE + iota
                    r1 = plsc.load_gather(blk_a1 if j < 8 else blk_b1,
                                          [row0, dcol])
                    r2 = plsc.load_gather(blk_a2 if j < 8 else blk_b2,
                                          [row0, dcol])
                    o1.append(accs1[j] + r1 * qbd1)
                    o2.append(accs2[j] + r2 * qbd2)
                accs1, accs2 = tuple(o1), tuple(o2)
            return accs1, accs2

        z10 = (jnp.zeros((NLANE,), jnp.float32),) * KOUT
        accs1, accs2 = lax.fori_loop(0, D // 2, rec_step, (z10, z10))

        fva, fia = negv, zi
        fvb, fib = negv, zi
        for j in range(KOUT):
            cia = idxu1_v[j, :]
            cib = idxu2_v[j, :]
            sca = jnp.where(cia < NP, accs1[j], NEG)
            scb = jnp.where(cib < NP, accs2[j], NEG)
            fva, fia = _merge16(fva, fia, sca, cia)
            fvb, fib = _merge16(fvb, fib, scb, cib)

        ov_v[...] = fva
        oi_v[...] = fia
        pltpu.sync_copy(ov_v, vals_hbm.at[q1])
        pltpu.sync_copy(oi_v, inds_hbm.at[q1])
        ov_v[...] = fvb
        oi_v[...] = fib
        pltpu.sync_copy(ov_v, vals_hbm.at[q2])
        pltpu.sync_copy(oi_v, inds_hbm.at[q2])
        return carry

    lax.fori_loop(0, HP, per_pair, 0)


_sc_mesh = plsc.VectorSubcoreMesh(
    core_axis_name="c", subcore_axis_name="s", num_cores=NC, num_subcores=NS)

_SC_OUT = [
    jax.ShapeDtypeStruct((NQ, NLANE), jnp.float32),
    jax.ShapeDtypeStruct((NQ, NLANE), jnp.int32),
]
_SC_SCRATCH = [
    pltpu.VMEM((QPW, D), jnp.float32),
    pltpu.VMEM((QPW, NL2), jnp.float32),
    pltpu.VMEM((2, NL1), jnp.float32),
    pltpu.VMEM((2, D, NLANE), jnp.float32),
    pltpu.VMEM((8 * NLANE, D), jnp.float32),
    pltpu.VMEM((8 * NLANE, D), jnp.float32),
    pltpu.VMEM((8 * NLANE, D), jnp.float32),
    pltpu.VMEM((8 * NLANE, D), jnp.float32),
    pltpu.VMEM((NLANE, NLANE), jnp.int32),
    pltpu.VMEM((NLANE, NLANE), jnp.int32),
    pltpu.VMEM((8 * NLANE,), jnp.int32),
    pltpu.VMEM((8 * NLANE,), jnp.int32),
    pltpu.VMEM((8 * NLANE,), jnp.int32),
    pltpu.VMEM((8 * NLANE,), jnp.int32),
    pltpu.VMEM((NLANE,), jnp.float32),
    pltpu.VMEM((NLANE,), jnp.int32),
    pltpu.SemaphoreType.DMA,
    pltpu.SemaphoreType.DMA,
    pltpu.SemaphoreType.DMA,
    pltpu.SemaphoreType.DMA,
]

_sc_call = pl.kernel(
    _sc_body,
    out_type=_SC_OUT,
    mesh=_sc_mesh,
    compiler_params=pltpu.CompilerParams(
        needs_layout_passes=False, use_tc_tiling_on_sc=False),
    scratch_types=_SC_SCRATCH,
)


def kernel(query_embed, passage_embed, top_k):
    qb16 = query_embed.astype(jnp.bfloat16)
    pb16 = passage_embed.astype(jnp.bfloat16)
    p_pad = jnp.pad(pb16, ((0, NPP - NP), (0, 0)))
    l1, l2 = _tc_call(qb16, p_pad)
    p32 = pb16.astype(jnp.float32)
    vals16, inds16 = _sc_call(l1, l2, p32, qb16.astype(jnp.float32))
    return inds16[:, :KOUT], vals16[:, :KOUT]

# --- scband reference (transcript-rebuilt; emitter-appended) ---
"""Pipeline reference for scband-auto-model-for-match-52132313038852 (READ-ONLY COPY).

The authoritative reference and input builder live on the scoring server;
editing this copy changes nothing except your own understanding.
"""

import jax, jax.numpy as jnp
import numpy as np

def setup_inputs(seed: int = 0) -> dict:
    key = jax.random.key(seed)
    k1, k2 = jax.random.split(key)
    query_embed = jax.random.normal(k1, (1024, 64), dtype=jnp.float32)
    passage_embed = jax.random.normal(k2, (100000, 64), dtype=jnp.float32)
    return {"query_embed": query_embed, "passage_embed": passage_embed, "top_k": 10}

def reference(query_embed, passage_embed, top_k):
    # cosine_similarity_search: chunked mm + nan_to_num + topk, then concat.
    # Chunking is a memory optimization; math is identical to full mm.
    chunk = 512
    n = query_embed.shape[0]
    vals_list = []
    inds_list = []
    k = min(10, passage_embed.shape[0])
    for i in range(0, n, chunk):
        q = query_embed[i:i + chunk]
        cos_sim_chunk = jnp.nan_to_num(q @ passage_embed.T, nan=0.0)
        vals_chunk, inds_chunk = jax.lax.top_k(cos_sim_chunk, k)
        vals_list.append(vals_chunk)
        inds_list.append(inds_chunk)
    vals = jnp.concatenate(vals_list, axis=0)
    inds = jnp.concatenate(inds_list, axis=0)
    inds = inds + (top_k - top_k)
    return (inds, vals)

if __name__ == "__main__":
    import jax
    _d = setup_inputs()
    print(jax.jit(kernel)(*tuple(_d.values())))

</pallas_src>

<mosaic_0001>
#map = affine_map<(d0, d1) -> (0, 0)>
module attributes {stable_mosaic.version = 14 : i64} {
  func.func @_sc_body(%arg0: i32, %arg1: i32, %arg2: memref<1024x8192xf32, #tpu.memory_space<hbm>>, %arg3: memref<1024x512xf32, #tpu.memory_space<hbm>>, %arg4: memref<100000x64xf32, #tpu.memory_space<hbm>>, %arg5: memref<1024x64xf32, #tpu.memory_space<hbm>>, %arg6: memref<1024x16xf32, #tpu.memory_space<hbm>>, %arg7: memref<1024x16xi32, #tpu.memory_space<hbm>>, %arg8: memref<32x64xf32, #tpu.memory_space<vmem>>, %arg9: memref<32x512xf32, #tpu.memory_space<vmem>>, %arg10: memref<2x8192xf32, #tpu.memory_space<vmem>>, %arg11: memref<2x64x16xf32, #tpu.memory_space<vmem>>, %arg12: memref<128x64xf32, #tpu.memory_space<vmem>>, %arg13: memref<128x64xf32, #tpu.memory_space<vmem>>, %arg14: memref<128x64xf32, #tpu.memory_space<vmem>>, %arg15: memref<128x64xf32, #tpu.memory_space<vmem>>, %arg16: memref<16x16xi32, #tpu.memory_space<vmem>>, %arg17: memref<16x16xi32, #tpu.memory_space<vmem>>, %arg18: memref<128xi32, #tpu.memory_space<vmem>>, %arg19: memref<128xi32, #tpu.memory_space<vmem>>, %arg20: memref<128xi32, #tpu.memory_space<vmem>>, %arg21: memref<128xi32, #tpu.memory_space<vmem>>, %arg22: memref<16xf32, #tpu.memory_space<vmem>>, %arg23: memref<16xi32, #tpu.memory_space<vmem>>, %arg24: memref<!tpu.dma_semaphore, #tpu.memory_space<semaphore_mem>>, %arg25: memref<!tpu.dma_semaphore, #tpu.memory_space<semaphore_mem>>, %arg26: memref<!tpu.dma_semaphore, #tpu.memory_space<semaphore_mem>>, %arg27: memref<!tpu.dma_semaphore, #tpu.memory_space<semaphore_mem>>) attributes {dimension_semantics = [#tpu.dimension_semantics<core_parallel>, #tpu.dimension_semantics<subcore_parallel>], iteration_bounds = array<i64: 2, 16>, scalar_prefetch = 0 : i64, scratch_operands = 20 : i64, tpu.core_type = #tpu.core_type<sc_vector_subcore>, window_params = [{transform_indices = #map}, {transform_indices = #map}, {transform_indices = #map}, {transform_indices = #map}, {transform_indices = #map}, {transform_indices = #map}]} {
    %mul3A = arith.constant 2 : i32
    %mul3A_0 = arith.muli %arg1, %mul3A : i32
    %add3A = arith.addi %mul3A_0, %arg0 : i32
    %mul3A_1 = arith.constant 32 : i32
    %mul3A_2 = arith.muli %add3A, %mul3A_1 : i32
    "tpu.region"() ({
      %run_scoped3A = tpu.sem_alloc : memref<!tpu.dma_semaphore, #tpu.memory_space<semaphore_mem>>
      %dma_start3A = arith.constant 0 : i32
      %dma_start3A_11 = tpu.memref_slice %arg5[%mul3A_2, %dma_start3A] : memref<1024x64xf32, #tpu.memory_space<hbm>> -> memref<32x64xf32, #tpu.memory_space<hbm>>
      %dma_start3A_12 = arith.constant 0 : i32
      %dma_start3A_13 = tpu.memref_slice %arg5[%mul3A_2, %dma_start3A_12] : memref<1024x64xf32, #tpu.memory_space<hbm>> -> memref<32x64xf32, #tpu.memory_space<hbm>>
      tpu.enqueue_dma source(%dma_start3A_13 : memref<32x64xf32, #tpu.memory_space<hbm>>) target(%arg8 : memref<32x64xf32, #tpu.memory_space<vmem>>) target_semaphore(%run_scoped3A : memref<!tpu.dma_semaphore, #tpu.memory_space<semaphore_mem>>)
      %dma_wait3A = arith.constant 0 : i32
      %dma_wait3A_14 = tpu.memref_slice %arg5[%mul3A_2, %dma_wait3A] : memref<1024x64xf32, #tpu.memory_space<hbm>> -> memref<32x64xf32, #tpu.memory_space<hbm>>
      %dma_wait3A_15 = arith.constant 0 : i32
      %dma_wait3A_16 = tpu.memref_slice %arg5[%mul3A_2, %dma_wait3A_15] : memref<1024x64xf32, #tpu.memory_space<hbm>> -> memref<32x64xf32, #tpu.memory_space<hbm>>
      tpu.wait_dma2 semaphore(%run_scoped3A : memref<!tpu.dma_semaphore, #tpu.memory_space<semaphore_mem>>) src(%dma_wait3A_16 : memref<32x64xf32, #tpu.memory_space<hbm>>) dst(%arg8 : memref<32x64xf32, #tpu.memory_space<vmem>>)
      tpu.yield
    }) : () -> ()
    "tpu.region"() ({
      %run_scoped3A = tpu.sem_alloc : memref<!tpu.dma_semaphore, #tpu.memory_space<semaphore_mem>>
      %dma_start3A = arith.constant 0 : i32
      %dma_start3A_11 = tpu.memref_slice %arg3[%mul3A_2, %dma_start3A] : memref<1024x512xf32, #tpu.memory_space<hbm>> -> memref<32x512xf32, #tpu.memory_space<hbm>>
      %dma_start3A_12 = arith.constant 0 : i32
      %dma_start3A_13 = tpu.memref_slice %arg3[%mul3A_2, %dma_start3A_12] : memref<1024x512xf32, #tpu.memory_space<hbm>> -> memref<32x512xf32, #tpu.memory_space<hbm>>
      tpu.enqueue_dma source(%dma_start3A_13 : memref<32x512xf32, #tpu.memory_space<hbm>>) target(%arg9 : memref<32x512xf32, #tpu.memory_space<vmem>>) target_semaphore(%run_scoped3A : memref<!tpu.dma_semaphore, #tpu.memory_space<semaphore_mem>>)
      %dma_wait3A = arith.constant 0 : i32
      %dma_wait3A_14 = tpu.memref_slice %arg3[%mul3A_2, %dma_wait3A] : memref<1024x512xf32, #tpu.memory_space<hbm>> -> memref<32x512xf32, #tpu.memory_space<hbm>>
      %dma_wait3A_15 = arith.constant 0 : i32
      %dma_wait3A_16 = tpu.memref_slice %arg3[%mul3A_2, %dma_wait3A_15] : memref<1024x512xf32, #tpu.memory_space<hbm>> -> memref<32x512xf32, #tpu.memory_space<hbm>>
      tpu.wait_dma2 semaphore(%run_scoped3A : memref<!tpu.dma_semaphore, #tpu.memory_space<semaphore_mem>>) src(%dma_wait3A_16 : memref<32x512xf32, #tpu.memory_space<hbm>>) dst(%arg9 : memref<32x512xf32, #tpu.memory_space<vmem>>)
      tpu.yield
    }) : () -> ()
    %iota3A = tpu.iota {dimensions = array<i32: 0>} : vector<16xi32>
    %broadcast_in_dim3A = arith.constant -3.000000e+38 : f32
    %broadcast_in_dim3A_3 = vector.broadcast %broadcast_in_dim3A : f32 to vector<16xf32>
    %broadcast_in_dim3A_4 = arith.constant 0 : i32
    %broadcast_in_dim3A_5 = vector.broadcast %broadcast_in_dim3A_4 : i32 to vector<16xi32>
    %scan3A = arith.constant 0 : i32
    %scan3A_6 = arith.constant 0 : i32
    %scan3A_7 = arith.constant 16 : i32
    %scan3A_8 = arith.addi %scan3A_6, %scan3A_7 : i32
    %scan3A_9 = arith.constant 1 : i32
    scf.for %scan3A_11 = %scan3A_6 to %scan3A_8 step %scan3A_9  : i32 {
      %add3A_12 = arith.constant 16 : i32
      %add3A_13 = arith.addi %scan3A_11, %add3A_12 : i32
      %add3A_14 = arith.addi %mul3A_2, %scan3A_11 : i32
      %add3A_15 = arith.addi %mul3A_2, %add3A_13 : i32
      %broadcast_in_dim3A_16 = vector.broadcast %scan3A_11 : i32 to vector<16xi32>
      %broadcast_in_dim3A_17 = vector.broadcast %add3A_13 : i32 to vector<16xi32>
      %dma_start3A = arith.constant 0 : i32
      %dma_start3A_18 = arith.constant 0 : i32
      %dma_start3A_19 = tpu.memref_slice %arg10[%dma_start3A, %dma_start3A_18] : memref<2x8192xf32, #tpu.memory_space<vmem>> -> memref<1x8192xf32, #tpu.memory_space<vmem>>
      %dma_start3A_20 = tpu.memref_squeeze %dma_start3A_19 : memref<1x8192xf32, #tpu.memory_space<vmem>> -> memref<8192xf32, #tpu.memory_space<vmem>>
      %dma_start3A_21 = arith.constant 0 : i32
      %dma_start3A_22 = tpu.memref_slice %arg2[%add3A_14, %dma_start3A_21] : memref<1024x8192xf32, #tpu.memory_space<hbm>> -> memref<1x8192xf32, #tpu.memory_space<hbm>>
      %dma_start3A_23 = tpu.memref_squeeze %dma_start3A_22 : memref<1x8192xf32, #tpu.memory_space<hbm>> -> memref<8192xf32, #tpu.memory_space<hbm>>
      %dma_start3A_24 = arith.constant 0 : i32
      %dma_start3A_25 = tpu.memref_slice %arg10[%dma_start3A, %dma_start3A_24] : memref<2x8192xf32, #tpu.memory_space<vmem>> -> memref<1x8192xf32, #tpu.memory_space<vmem>>
      %dma_start3A_26 = tpu.memref_squeeze %dma_start3A_25 : memref<1x8192xf32, #tpu.memory_space<vmem>> -> memref<8192xf32, #tpu.memory_space<vmem>>
      %dma_start3A_27 = arith.constant 0 : i32
      %dma_start3A_28 = tpu.memref_slice %arg2[%add3A_14, %dma_start3A_27] : memref<1024x8192xf32, #tpu.memory_space<hbm>> -> memref<1x8192xf32, #tpu.memory_space<hbm>>
      %dma_start3A_29 = tpu.memref_squeeze %dma_start3A_28 : memref<1x8192xf32, #tpu.memory_space<hbm>> -> memref<8192xf32, #tpu.memory_space<hbm>>
      tpu.enqueue_dma source(%dma_start3A_29 : memref<8192xf32, #tpu.memory_space<hbm>>) target(%dma_start3A_26 : memref<8192xf32, #tpu.memory_space<vmem>>) target_semaphore(%arg26 : memref<!tpu.dma_semaphore, #tpu.memory_space<semaphore_mem>>)
      %dma_start3A_30 = arith.constant 1 : i32
      %dma_start3A_31 = arith.constant 0 : i32
      %dma_start3A_32 = tpu.memref_slice %arg10[%dma_start3A_30, %dma_start3A_31] : memref<2x8192xf32, #tpu.memory_space<vmem>> -> memref<1x8192xf32, #tpu.memory_space<vmem>>
      %dma_start3A_33 = tpu.memref_squeeze %dma_start3A_32 : memref<1x8192xf32, #tpu.memory_space<vmem>> -> memref<8192xf32, #tpu.memory_space<vmem>>
      %dma_start3A_34 = arith.constant 0 : i32
      %dma_start3A_35 = tpu.memref_slice %arg2[%add3A_15, %dma_start3A_34] : memref<1024x8192xf32, #tpu.memory_space<hbm>> -> memref<1x8192xf32, #tpu.memory_space<hbm>>
      %dma_start3A_36 = tpu.memref_squeeze %dma_start3A_35 : memref<1x8192xf32, #tpu.memory_space<hbm>> -> memref<8192xf32, #tpu.memory_space<hbm>>
      %dma_start3A_37 = arith.constant 0 : i32
      %dma_start3A_38 = tpu.memref_slice %arg10[%dma_start3A_30, %dma_start3A_37] : memref<2x8192xf32, #tpu.memory_space<vmem>> -> memref<1x8192xf32, #tpu.memory_space<vmem>>
      %dma_start3A_39 = tpu.memref_squeeze %dma_start3A_38 : memref<1x8192xf32, #tpu.memory_space<vmem>> -> memref<8192xf32, #tpu.memory_space<vmem>>
      %dma_start3A_40 = arith.constant 0 : i32
      %dma_start3A_41 = tpu.memref_slice %arg2[%add3A_15, %dma_start3A_40] : memref<1024x8192xf32, #tpu.memory_space<hbm>> -> memref<1x8192xf32, #tpu.memory_space<hbm>>
      %dma_start3A_42 = tpu.memref_squeeze %dma_start3A_41 : memref<1x8192xf32, #tpu.memory_space<hbm>> -> memref<8192xf32, #tpu.memory_space<hbm>>
      tpu.enqueue_dma source(%dma_start3A_42 : memref<8192xf32, #tpu.memory_space<hbm>>) target(%dma_start3A_39 : memref<8192xf32, #tpu.memory_space<vmem>>) target_semaphore(%arg27 : memref<!tpu.dma_semaphore, #tpu.memory_space<semaphore_mem>>)
      %get3A = arith.index_cast %scan3A_11 : i32 to index
      %get3A_43 = arith.constant 0 : index
      %get3A_44 = tpu.vector_load %arg9[%get3A, %get3A_43] {strides = array<i32>} : memref<32x512xf32, #tpu.memory_space<vmem>>, vector<16xf32>,
      %get3A_45 = arith.index_cast %add3A_13 : i32 to index
      %get3A_46 = arith.constant 0 : index
      %get3A_47 = tpu.vector_load %arg9[%get3A_45, %get3A_46] {strides = array<i32>} : memref<32x512xf32, #tpu.memory_space<vmem>>, vector<16xf32>,
      %get3A_48 = arith.index_cast %scan3A_11 : i32 to index
      %get3A_49 = arith.constant 128 : index
      %get3A_50 = tpu.vector_load %arg9[%get3A_48, %get3A_49] {strides = array<i32>} : memref<32x512xf32, #tpu.memory_space<vmem>>, vector<16xf32>,
      %max3A = arith.maximumf %get3A_44, %get3A_50 : vector<16xf32>
      %get3A_51 = arith.index_cast %add3A_13 : i32 to index
      %get3A_52 = arith.constant 128 : index
      %get3A_53 = tpu.vector_load %arg9[%get3A_51, %get3A_52] {strides = array<i32>} : memref<32x512xf32, #tpu.memory_space<vmem>>, vector<16xf32>,
      %max3A_54 = arith.maximumf %get3A_47, %get3A_53 : vector<16xf32>
      %get3A_55 = arith.index_cast %scan3A_11 : i32 to index
      %get3A_56 = arith.constant 256 : index
      %get3A_57 = tpu.vector_load %arg9[%get3A_55, %get3A_56] {strides = array<i32>} : memref<32x512xf32, #tpu.memory_space<vmem>>, vector<16xf32>,
      %max3A_58 = arith.maximumf %max3A, %get3A_57 : vector<16xf32>
      %get3A_59 = arith.index_cast %add3A_13 : i32 to index
      %get3A_60 = arith.constant 256 : index
      %get3A_61 = tpu.vector_load %arg9[%get3A_59, %get3A_60] {strides = array<i32>} : memref<32x512xf32, #tpu.memory_space<vmem>>, vector<16xf32>,
      %max3A_62 = arith.maximumf %max3A_54, %get3A_61 : vector<16xf32>
      %get3A_63 = arith.index_cast %scan3A_11 : i32 to index
      %get3A_64 = arith.constant 384 : index
      %get3A_65 = tpu.vector_load %arg9[%get3A_63, %get3A_64] {strides = array<i32>} : memref<32x512xf32, #tpu.memory_space<vmem>>, vector<16xf32>,
      %max3A_66 = arith.maximumf %max3A_58, %get3A_65 : vector<16xf32>
      %get3A_67 = arith.index_cast %add3A_13 : i32 to index
      %get3A_68 = arith.constant 384 : index
      %get3A_69 = tpu.vector_load %arg9[%get3A_67, %get3A_68] {strides = array<i32>} : memref<32x512xf32, #tpu.memory_space<vmem>>, vector<16xf32>,
      %max3A_70 = arith.maximumf %max3A_62, %get3A_69 : vector<16xf32>
      %add3A_71 = arith.constant 0 : i32
      %add3A_72 = vector.broadcast %add3A_71 : i32 to vector<16xi32>
      %add3A_73 = arith.addi %add3A_72, %iota3A : vector<16xi32>
      %masked_sort3A = arith.constant dense<true> : vector<16xi1>
      %masked_sort3A_74, %masked_sort3A_75, %masked_sort3A_76 = tpu.sort %max3A_66, %add3A_73 masked %masked_sort3A {descending = true} : (vector<16xf32>, vector<16xi32>, vector<16xi1>) -> (vector<16xi1>, vector<16xf32>, vector<16xi32>)
      %rev3A = arith.constant 15 : i32
      %rev3A_77 = vector.broadcast %rev3A : i32 to vector<16xi32>
      %rev3A_78 = tpu.iota {dimensions = array<i32: 0>} : vector<16xi32>
      %rev3A_79 = arith.subi %rev3A_77, %rev3A_78 : vector<16xi32>
      %rev3A_80 = tpu.dynamic_gather %masked_sort3A_75[%rev3A_79] in [0] : vector<16xf32>, vector<16xi32> -> vector<16xf32>
      %rev3A_81 = arith.constant 15 : i32
      %rev3A_82 = vector.broadcast %rev3A_81 : i32 to vector<16xi32>
      %rev3A_83 = tpu.iota {dimensions = array<i32: 0>} : vector<16xi32>
      %rev3A_84 = arith.subi %rev3A_82, %rev3A_83 : vector<16xi32>
      %rev3A_85 = tpu.dynamic_gather %masked_sort3A_76[%rev3A_84] in [0] : vector<16xi32>, vector<16xi32> -> vector<16xi32>
      %ge3A = arith.cmpf oge, %broadcast_in_dim3A_3, %rev3A_80 : vector<16xf32>
      %select_n3A = arith.select %ge3A, %broadcast_in_dim3A_3, %rev3A_80 : vector<16xi1>, vector<16xf32>
      %select_n3A_86 = arith.select %ge3A, %broadcast_in_dim3A_5, %rev3A_85 : vector<16xi1>, vector<16xi32>
      %masked_sort3A_87 = arith.constant dense<true> : vector<16xi1>
      %masked_sort3A_88, %masked_sort3A_89, %masked_sort3A_90 = tpu.sort %select_n3A, %select_n3A_86 masked %masked_sort3A_87 {descending = true} : (vector<16xf32>, vector<16xi32>, vector<16xi1>) -> (vector<16xi1>, vector<16xf32>, vector<16xi32>)
      %add3A_91 = arith.constant 0 : i32
      %add3A_92 = vector.broadcast %add3A_91 : i32 to vector<16xi32>
      %add3A_93 = arith.addi %add3A_92, %iota3A : vector<16xi32>
      %masked_sort3A_94 = arith.constant dense<true> : vector<16xi1>
      %masked_sort3A_95, %masked_sort3A_96, %masked_sort3A_97 = tpu.sort %max3A_70, %add3A_93 masked %masked_sort3A_94 {descending = true} : (vector<16xf32>, vector<16xi32>, vector<16xi1>) -> (vector<16xi1>, vector<16xf32>, vector<16xi32>)
      %rev3A_98 = arith.constant 15 : i32
      %rev3A_99 = vector.broadcast %rev3A_98 : i32 to vector<16xi32>
      %rev3A_100 = tpu.iota {dimensions = array<i32: 0>} : vector<16xi32>
      %rev3A_101 = arith.subi %rev3A_99, %rev3A_100 : vector<16xi32>
      %rev3A_102 = tpu.dynamic_gather %masked_sort3A_96[%rev3A_101] in [0] : vector<16xf32>, vector<16xi32> -> vector<16xf32>
      %rev3A_103 = arith.constant 15 : i32
      %rev3A_104 = vector.broadcast %rev3A_103 : i32 to vector<16xi32>
      %rev3A_105 = tpu.iota {dimensions = array<i32: 0>} : vector<16xi32>
      %rev3A_106 = arith.subi %rev3A_104, %rev3A_105 : vector<16xi32>
      %rev3A_107 = tpu.dynamic_gather %masked_sort3A_97[%rev3A_106] in [0] : vector<16xi32>, vector<16xi32> -> vector<16xi32>
      %ge3A_108 = arith.cmpf oge, %broadcast_in_dim3A_3, %rev3A_102 : vector<16xf32>
      %select_n3A_109 = arith.select %ge3A_108, %broadcast_in_dim3A_3, %rev3A_102 : vector<16xi1>, vector<16xf32>
      %select_n3A_110 = arith.select %ge3A_108, %broadcast_in_dim3A_5, %rev3A_107 : vector<16xi1>, vector<16xi32>
      %masked_sort3A_111 = arith.constant dense<true> : vector<16xi1>
      %masked_sort3A_112, %masked_sort3A_113, %masked_sort3A_114 = tpu.sort %select_n3A_109, %select_n3A_110 masked %masked_sort3A_111 {descending = true} : (vector<16xf32>, vector<16xi32>, vector<16xi1>) -> (vector<16xi1>, vector<16xf32>, vector<16xi32>)
      %get3A_115 = arith.index_cast %scan3A_11 : i32 to index
      %get3A_116 = arith.constant 16 : index
      %get3A_117 = tpu.vector_load %arg9[%get3A_115, %get3A_116] {strides = array<i32>} : memref<32x512xf32, #tpu.memory_space<vmem>>, vector<16xf32>,
      %get3A_118 = arith.index_cast %add3A_13 : i32 to index
      %get3A_119 = arith.constant 16 : index
      %get3A_120 = tpu.vector_load %arg9[%get3A_118, %get3A_119] {strides = array<i32>} : memref<32x512xf32, #tpu.memory_space<vmem>>, vector<16xf32>,
      %get3A_121 = arith.index_cast %scan3A_11 : i32 to index
      %get3A_122 = arith.constant 144 : index
      %get3A_123 = tpu.vector_load %arg9[%get3A_121, %get3A_122] {strides = array<i32>} : memref<32x512xf32, #tpu.memory_space<vmem>>, vector<16xf32>,
      %max3A_124 = arith.maximumf %get3A_117, %get3A_123 : vector<16xf32>
      %get3A_125 = arith.index_cast %add3A_13 : i32 to index
      %get3A_126 = arith.constant 144 : index
      %get3A_127 = tpu.vector_load %arg9[%get3A_125, %get3A_126] {strides = array<i32>} : memref<32x512xf32, #tpu.memory_space<vmem>>, vector<16xf32>,
      %max3A_128 = arith.maximumf %get3A_120, %get3A_127 : vector<16xf32>
      %get3A_129 = arith.index_cast %scan3A_11 : i32 to index
      %get3A_130 = arith.constant 272 : index
      %get3A_131 = tpu.vector_load %arg9[%get3A_129, %get3A_130] {strides = array<i32>} : memref<32x512xf32, #tpu.memory_space<vmem>>, vector<16xf32>,
      %max3A_132 = arith.maximumf %max3A_124, %get3A_131 : vector<16xf32>
      %get3A_133 = arith.index_cast %add3A_13 : i32 to index
      %get3A_134 = arith.constant 272 : index
      %get3A_135 = tpu.vector_load %arg9[%get3A_133, %get3A_134] {strides = array<i32>} : memref<32x512xf32, #tpu.memory_space<vmem>>, vector<16xf32>,
      %max3A_136 = arith.maximumf %max3A_128, %get3A_135 : vector<16xf32>
      %get3A_137 = arith.index_cast %scan3A_11 : i32 to index
      %get3A_138 = arith.constant 400 : index
      %get3A_139 = tpu.vector_load %arg9[%get3A_137, %get3A_138] {strides = array<i32>} : memref<32x512xf32, #tpu.memory_space<vmem>>, vector<16xf32>,
      %max3A_140 = arith.maximumf %max3A_132, %get3A_139 : vector<16xf32>
      %get3A_141 = arith.index_cast %add3A_13 : i32 to index
      %get3A_142 = arith.constant 400 : index
      %get3A_143 = tpu.vector_load %arg9[%get3A_141, %get3A_142] {strides = array<i32>} : memref<32x512xf32, #tpu.memory_space<vmem>>, vector<16xf32>,
      %max3A_144 = arith.maximumf %max3A_136, %get3A_143 : vector<16xf32>
      %add3A_145 = arith.constant 16 : i32
      %add3A_146 = vector.broadcast %add3A_145 : i32 to vector<16xi32>
      %add3A_147 = arith.addi %add3A_146, %iota3A : vector<16xi32>
      %masked_sort3A_148 = arith.constant dense<true> : vector<16xi1>
      %masked_sort3A_149, %masked_sort3A_150, %masked_sort3A_151 = tpu.sort %max3A_140, %add3A_147 masked %masked_sort3A_148 {descending = true} : (vector<16xf32>, vector<16xi32>, vector<16xi1>) -> (vector<16xi1>, vector<16xf32>, vector<16xi32>)
      %rev3A_152 = arith.constant 15 : i32
      %rev3A_153 = vector.broadcast %rev3A_152 : i32 to vector<16xi32>
      %rev3A_154 = tpu.iota {dimensions = array<i32: 0>} : vector<16xi32>
      %rev3A_155 = arith.subi %rev3A_153, %rev3A_154 : vector<16xi32>
      %rev3A_156 = tpu.dynamic_gather %masked_sort3A_150[%rev3A_155] in [0] : vector<16xf32>, vector<16xi32> -> vector<16xf32>
      %rev3A_157 = arith.constant 15 : i32
      %rev3A_158 = vector.broadcast %rev3A_157 : i32 to vector<16xi32>
      %rev3A_159 = tpu.iota {dimensions = array<i32: 0>} : vector<16xi32>
      %rev3A_160 = arith.subi %rev3A_158, %rev3A_159 : vector<16xi32>
      %rev3A_161 = tpu.dynamic_gather %masked_sort3A_151[%rev3A_160] in [0] : vector<16xi32>, vector<16xi32> -> vector<16xi32>
      %ge3A_162 = arith.cmpf oge, %masked_sort3A_89, %rev3A_156 : vector<16xf32>
      %select_n3A_163 = arith.select %ge3A_162, %masked_sort3A_89, %rev3A_156 : vector<16xi1>, vector<16xf32>
      %select_n3A_164 = arith.select %ge3A_162, %masked_sort3A_90, %rev3A_161 : vector<16xi1>, vector<16xi32>
      %masked_sort3A_165 = arith.constant dense<true> : vector<16xi1>
      %masked_sort3A_166, %masked_sort3A_167, %masked_sort3A_168 = tpu.sort %select_n3A_163, %select_n3A_164 masked %masked_sort3A_165 {descending = true} : (vector<16xf32>, vector<16xi32>, vector<16xi1>) -> (vector<16xi1>, vector<16xf32>, vector<16xi32>)
      %add3A_169 = arith.constant 16 : i32
      %add3A_170 = vector.broadcast %add3A_169 : i32 to vector<16xi32>
      %add3A_171 = arith.addi %add3A_170, %iota3A : vector<16xi32>
      %masked_sort3A_172 = arith.constant dense<true> : vector<16xi1>
      %masked_sort3A_173, %masked_sort3A_174, %masked_sort3A_175 = tpu.sort %max3A_144, %add3A_171 masked %masked_sort3A_172 {descending = true} : (vector<16xf32>, vector<16xi32>, vector<16xi1>) -> (vector<16xi1>, vector<16xf32>, vector<16xi32>)
      %rev3A_176 = arith.constant 15 : i32
      %rev3A_177 = vector.broadcast %rev3A_176 : i32 to vector<16xi32>
      %rev3A_178 = tpu.iota {dimensions = array<i32: 0>} : vector<16xi32>
      %rev3A_179 = arith.subi %rev3A_177, %rev3A_178 : vector<16xi32>
      %rev3A_180 = tpu.dynamic_gather %masked_sort3A_174[%rev3A_179] in [0] : vector<16xf32>, vector<16xi32> -> vector<16xf32>
      %rev3A_181 = arith.constant 15 : i32
      %rev3A_182 = vector.broadcast %rev3A_181 : i32 to vector<16xi32>
      %rev3A_183 = tpu.iota {dimensions = array<i32: 0>} : vector<16xi32>
      %rev3A_184 = arith.subi %rev3A_182, %rev3A_183 : vector<16xi32>
      %rev3A_185 = tpu.dynamic_gather %masked_sort3A_175[%rev3A_184] in [0] : vector<16xi32>, vector<16xi32> -> vector<16xi32>
      %ge3A_186 = arith.cmpf oge, %masked_sort3A_113, %rev3A_180 : vector<16xf32>
      %select_n3A_187 = arith.select %ge3A_186, %masked_sort3A_113, %rev3A_180 : vector<16xi1>, vector<16xf32>
      %select_n3A_188 = arith.select %ge3A_186, %masked_sort3A_114, %rev3A_185 : vector<16xi1>, vector<16xi32>
      %masked_sort3A_189 = arith.constant dense<true> : vector<16xi1>
      %masked_sort3A_190, %masked_sort3A_191, %masked_sort3A_192 = tpu.sort %select_n3A_187, %select_n3A_188 masked %masked_sort3A_189 {descending = true} : (vector<16xf32>, vector<16xi32>, vector<16xi1>) -> (vector<16xi1>, vector<16xf32>, vector<16xi32>)
      %get3A_193 = arith.index_cast %scan3A_11 : i32 to index
      %get3A_194 = arith.constant 32 : index
      %get3A_195 = tpu.vector_load %arg9[%get3A_193, %get3A_194] {strides = array<i32>} : memref<32x512xf32, #tpu.memory_space<vmem>>, vector<16xf32>,
      %get3A_196 = arith.index_cast %add3A_13 : i32 to index
      %get3A_197 = arith.constant 32 : index
      %get3A_198 = tpu.vector_load %arg9[%get3A_196, %get3A_197] {strides = array<i32>} : memref<32x512xf32, #tpu.memory_space<vmem>>, vector<16xf32>,
      %get3A_199 = arith.index_cast %scan3A_11 : i32 to index
      %get3A_200 = arith.constant 160 : index
      %get3A_201 = tpu.vector_load %arg9[%get3A_199, %get3A_200] {strides = array<i32>} : memref<32x512xf32, #tpu.memory_space<vmem>>, vector<16xf32>,
      %max3A_202 = arith.maximumf %get3A_195, %get3A_201 : vector<16xf32>
      %get3A_203 = arith.index_cast %add3A_13 : i32 to index
      %get3A_204 = arith.constant 160 : index
      %get3A_205 = tpu.vector_load %arg9[%get3A_203, %get3A_204] {strides = array<i32>} : memref<32x512xf32, #tpu.memory_space<vmem>>, vector<16xf32>,
      %max3A_206 = arith.maximumf %get3A_198, %get3A_205 : vector<16xf32>
      %get3A_207 = arith.index_cast %scan3A_11 : i32 to index
      %get3A_208 = arith.constant 288 : index
      %get3A_209 = tpu.vector_load %arg9[%get3A_207, %get3A_208] {strides = array<i32>} : memref<32x512xf32, #tpu.memory_space<vmem>>, vector<16xf32>,
      %max3A_210 = arith.maximumf %max3A_202, %get3A_209 : vector<16xf32>
      %get3A_211 = arith.index_cast %add3A_13 : i32 to index
      %get3A_212 = arith.constant 288 : index
      %get3A_213 = tpu.vector_load %arg9[%get3A_211, %get3A_212] {strides = array<i32>} : memref<32x512xf32, #tpu.memory_space<vmem>>, vector<16xf32>,
      %max3A_214 = arith.maximumf %max3A_206, %get3A_213 : vector<16xf32>
      %get3A_215 = arith.index_cast %scan3A_11 : i32 to index
      %get3A_216 = arith.constant 416 : index
      %get3A_217 = tpu.vector_load %arg9[%get3A_215, %get3A_216] {strides = array<i32>} : memref<32x512xf32, #tpu.memory_space<vmem>>, vector<16xf32>,
      %max3A_218 = arith.maximumf %max3A_210, %get3A_217 : vector<16xf32>
      %get3A_219 = arith.index_cast %add3A_13 : i32 to index
      %get3A_220 = arith.constant 416 : index
      %get3A_221 = tpu.vector_load %arg9[%get3A_219, %get3A_220] {strides = array<i32>} : memref<32x512xf32, #tpu.memory_space<vmem>>, vector<16xf32>,
      %max3A_222 = arith.maximumf %max3A_214, %get3A_221 : vector<16xf32>
      %add3A_223 = arith.constant 32 : i32
      %add3A_224 = vector.broadcast %add3A_223 : i32 to vector<16xi32>
      %add3A_225 = arith.addi %add3A_224, %iota3A : vector<16xi32>
      %masked_sort3A_226 = arith.constant dense<true> : vector<16xi1>
      %masked_sort3A_227, %masked_sort3A_228, %masked_sort3A_229 = tpu.sort %max3A_218, %add3A_225 masked %masked_sort3A_226 {descending = true} : (vector<16xf32>, vector<16xi32>, vector<16xi1>) -> (vector<16xi1>, vector<16xf32>, vector<16xi32>)
      %rev3A_230 = arith.constant 15 : i32
      %rev3A_231 = vector.broadcast %rev3A_230 : i32 to vector<16xi32>
      %rev3A_232 = tpu.iota {dimensions = array<i32: 0>} : vector<16xi32>
      %rev3A_233 = arith.subi %rev3A_231, %rev3A_232 : vector<16xi32>
      %rev3A_234 = tpu.dynamic_gather %masked_sort3A_228[%rev3A_233] in [0] : vector<16xf32>, vector<16xi32> -> vector<16xf32>
      %rev3A_235 = arith.constant 15 : i32
      %rev3A_236 = vector.broadcast %rev3A_235 : i32 to vector<16xi32>
      %rev3A_237 = tpu.iota {dimensions = array<i32: 0>} : vector<16xi32>
      %rev3A_238 = arith.subi %rev3A_236, %rev3A_237 : vector<16xi32>
      %rev3A_239 = tpu.dynamic_gather %masked_sort3A_229[%rev3A_238] in [0] : vector<16xi32>, vector<16xi32> -> vector<16xi32>
      %ge3A_240 = arith.cmpf oge, %masked_sort3A_167, %rev3A_234 : vector<16xf32>
      %select_n3A_241 = arith.select %ge3A_240, %masked_sort3A_167, %rev3A_234 : vector<16xi1>, vector<16xf32>
      %select_n3A_242 = arith.select %ge3A_240, %masked_sort3A_168, %rev3A_239 : vector<16xi1>, vector<16xi32>
      %masked_sort3A_243 = arith.constant dense<true> : vector<16xi1>
      %masked_sort3A_244, %masked_sort3A_245, %masked_sort3A_246 = tpu.sort %select_n3A_241, %select_n3A_242 masked %masked_sort3A_243 {descending = true} : (vector<16xf32>, vector<16xi32>, vector<16xi1>) -> (vector<16xi1>, vector<16xf32>, vector<16xi32>)
      %add3A_247 = arith.constant 32 : i32
      %add3A_248 = vector.broadcast %add3A_247 : i32 to vector<16xi32>
      %add3A_249 = arith.addi %add3A_248, %iota3A : vector<16xi32>
      %masked_sort3A_250 = arith.constant dense<true> : vector<16xi1>
      %masked_sort3A_251, %masked_sort3A_252, %masked_sort3A_253 = tpu.sort %max3A_222, %add3A_249 masked %masked_sort3A_250 {descending = true} : (vector<16xf32>, vector<16xi32>, vector<16xi1>) -> (vector<16xi1>, vector<16xf32>, vector<16xi32>)
      %rev3A_254 = arith.constant 15 : i32
      %rev3A_255 = vector.broadcast %rev3A_254 : i32 to vector<16xi32>
      %rev3A_256 = tpu.iota {dimensions = array<i32: 0>} : vector<16xi32>
      %rev3A_257 = arith.subi %rev3A_255, %rev3A_256 : vector<16xi32>
      %rev3A_258 = tpu.dynamic_gather %masked_sort3A_252[%rev3A_257] in [0] : vector<16xf32>, vector<16xi32> -> vector<16xf32>
      %rev3A_259 = arith.constant 15 : i32
      %rev3A_260 = vector.broadcast %rev3A_259 : i32 to vector<16xi32>
      %rev3A_261 = tpu.iota {dimensions = array<i32: 0>} : vector<16xi32>
      %rev3A_262 = arith.subi %rev3A_260, %rev3A_261 : vector<16xi32>
      %rev3A_263 = tpu.dynamic_gather %masked_sort3A_253[%rev3A_262] in [0] : vector<16xi32>, vector<16xi32> -> vector<16xi32>
      %ge3A_264 = arith.cmpf oge, %masked_sort3A_191, %rev3A_258 : vector<16xf32>
      %select_n3A_265 = arith.select %ge3A_264, %masked_sort3A_191, %rev3A_258 : vector<16xi1>, vector<16xf32>
      %select_n3A_266 = arith.select %ge3A_264, %masked_sort3A_192, %rev3A_263 : vector<16xi1>, vector<16xi32>
      %masked_sort3A_267 = arith.constant dense<true> : vector<16xi1>
      %masked_sort3A_268, %masked_sort3A_269, %masked_sort3A_270 = tpu.sort %select_n3A_265, %select_n3A_266 masked %masked_sort3A_267 {descending = true} : (vector<16xf32>, vector<16xi32>, vector<16xi1>) -> (vector<16xi1>, vector<16xf32>, vector<16xi32>)
      %get3A_271 = arith.index_cast %scan3A_11 : i32 to index
      %get3A_272 = arith.constant 48 : index
      %get3A_273 = tpu.vector_load %arg9[%get3A_271, %get3A_272] {strides = array<i32>} : memref<32x512xf32, #tpu.memory_space<vmem>>, vector<16xf32>,
      %get3A_274 = arith.index_cast %add3A_13 : i32 to index
      %get3A_275 = arith.constant 48 : index
      %get3A_276 = tpu.vector_load %arg9[%get3A_274, %get3A_275] {strides = array<i32>} : memref<32x512xf32, #tpu.memory_space<vmem>>, vector<16xf32>,
      %get3A_277 = arith.index_cast %scan3A_11 : i32 to index
      %get3A_278 = arith.constant 176 : index
      %get3A_279 = tpu.vector_load %arg9[%get3A_277, %get3A_278] {strides = array<i32>} : memref<32x512xf32, #tpu.memory_space<vmem>>, vector<16xf32>,
      %max3A_280 = arith.maximumf %get3A_273, %get3A_279 : vector<16xf32>
      %get3A_281 = arith.index_cast %add3A_13 : i32 to index
      %get3A_282 = arith.constant 176 : index
      %get3A_283 = tpu.vector_load %arg9[%get3A_281, %get3A_282] {strides = array<i32>} : memref<32x512xf32, #tpu.memory_space<vmem>>, vector<16xf32>,
      %max3A_284 = arith.maximumf %get3A_276, %get3A_283 : vector<16xf32>
      %get3A_285 = arith.index_cast %scan3A_11 : i32 to index
      %get3A_286 = arith.constant 304 : index
      %get3A_287 = tpu.vector_load %arg9[%get3A_285, %get3A_286] {strides = array<i32>} : memref<32x512xf32, #tpu.memory_space<vmem>>, vector<16xf32>,
      %max3A_288 = arith.maximumf %max3A_280, %get3A_287 : vector<16xf32>
      %get3A_289 = arith.index_cast %add3A_13 : i32 to index
      %get3A_290 = arith.constant 304 : index
      %get3A_291 = tpu.vector_load %arg9[%get3A_289, %get3A_290] {strides = array<i32>} : memref<32x512xf32, #tpu.memory_space<vmem>>, vector<16xf32>,
      %max3A_292 = arith.maximumf %max3A_284, %get3A_291 : vector<16xf32>
      %get3A_293 = arith.index_cast %scan3A_11 : i32 to index
      %get3A_294 = arith.constant 432 : index
      %get3A_295 = tpu.vector_load %arg9[%get3A_293, %get3A_294] {strides = array<i32>} : memref<32x512xf32, #tpu.memory_space<vmem>>, vector<16xf32>,
      %max3A_296 = arith.maximumf %max3A_288, %get3A_295 : vector<16xf32>
      %get3A_297 = arith.index_cast %add3A_13 : i32 to index
      %get3A_298 = arith.constant 432 : index
      %get3A_299 = tpu.vector_load %arg9[%get3A_297, %get3A_298] {strides = array<i32>} : memref<32x512xf32, #tpu.memory_space<vmem>>, vector<16xf32>,
      %max3A_300 = arith.maximumf %max3A_292, %get3A_299 : vector<16xf32>
      %add3A_301 = arith.constant 48 : i32
      %add3A_302 = vector.broadcast %add3A_301 : i32 to vector<16xi32>
      %add3A_303 = arith.addi %add3A_302, %iota3A : vector<16xi32>
      %masked_sort3A_304 = arith.constant dense<true> : vector<16xi1>
      %masked_sort3A_305, %masked_sort3A_306, %masked_sort3A_307 = tpu.sort %max3A_296, %add3A_303 masked %masked_sort3A_304 {descending = true} : (vector<16xf32>, vector<16xi32>, vector<16xi1>) -> (vector<16xi1>, vector<16xf32>, vector<16xi32>)
      %rev3A_308 = arith.constant 15 : i32
      %rev3A_309 = vector.broadcast %rev3A_308 : i32 to vector<16xi32>
      %rev3A_310 = tpu.iota {dimensions = array<i32: 0>} : vector<16xi32>
      %rev3A_311 = arith.subi %rev3A_309, %rev3A_310 : vector<16xi32>
      %rev3A_312 = tpu.dynamic_gather %masked_sort3A_306[%rev3A_311] in [0] : vector<16xf32>, vector<16xi32> -> vector<16xf32>
      %rev3A_313 = arith.constant 15 : i32
      %rev3A_314 = vector.broadcast %rev3A_313 : i32 to vector<16xi32>
      %rev3A_315 = tpu.iota {dimensions = array<i32: 0>} : vector<16xi32>
      %rev3A_316 = arith.subi %rev3A_314, %rev3A_315 : vector<16xi32>
      %rev3A_317 = tpu.dynamic_gather %masked_sort3A_307[%rev3A_316] in [0] : vector<16xi32>, vector<16xi32> -> vector<16xi32>
      %ge3A_318 = arith.cmpf oge, %masked_sort3A_245, %rev3A_312 : vector<16xf32>
      %select_n3A_319 = arith.select %ge3A_318, %masked_sort3A_245, %rev3A_312 : vector<16xi1>, vector<16xf32>
      %select_n3A_320 = arith.select %ge3A_318, %masked_sort3A_246, %rev3A_317 : vector<16xi1>, vector<16xi32>
      %masked_sort3A_321 = arith.constant dense<true> : vector<16xi1>
      %masked_sort3A_322, %masked_sort3A_323, %masked_sort3A_324 = tpu.sort %select_n3A_319, %select_n3A_320 masked %masked_sort3A_321 {descending = true} : (vector<16xf32>, vector<16xi32>, vector<16xi1>) -> (vector<16xi1>, vector<16xf32>, vector<16xi32>)
      %add3A_325 = arith.constant 48 : i32
      %add3A_326 = vector.broadcast %add3A_325 : i32 to vector<16xi32>
      %add3A_327 = arith.addi %add3A_326, %iota3A : vector<16xi32>
      %masked_sort3A_328 = arith.constant dense<true> : vector<16xi1>
      %masked_sort3A_329, %masked_sort3A_330, %masked_sort3A_331 = tpu.sort %max3A_300, %add3A_327 masked %masked_sort3A_328 {descending = true} : (vector<16xf32>, vector<16xi32>, vector<16xi1>) -> (vector<16xi1>, vector<16xf32>, vector<16xi32>)
      %rev3A_332 = arith.constant 15 : i32
      %rev3A_333 = vector.broadcast %rev3A_332 : i32 to vector<16xi32>
      %rev3A_334 = tpu.iota {dimensions = array<i32: 0>} : vector<16xi32>
      %rev3A_335 = arith.subi %rev3A_333, %rev3A_334 : vector<16xi32>
      %rev3A_336 = tpu.dynamic_gather %masked_sort3A_330[%rev3A_335] in [0] : vector<16xf32>, vector<16xi32> -> vector<16xf32>
      %rev3A_337 = arith.constant 15 : i32
      %rev3A_338 = vector.broadcast %rev3A_337 : i32 to vector<16xi32>
      %rev3A_339 = tpu.iota {dimensions = array<i32: 0>} : vector<16xi32>
      %rev3A_340 = arith.subi %rev3A_338, %rev3A_339 : vector<16xi32>
      %rev3A_341 = tpu.dynamic_gather %masked_sort3A_331[%rev3A_340] in [0] : vector<16xi32>, vector<16xi32> -> vector<16xi32>
      %ge3A_342 = arith.cmpf oge, %masked_sort3A_269, %rev3A_336 : vector<16xf32>
      %select_n3A_343 = arith.select %ge3A_342, %masked_sort3A_269, %rev3A_336 : vector<16xi1>, vector<16xf32>
      %select_n3A_344 = arith.select %ge3A_342, %masked_sort3A_270, %rev3A_341 : vector<16xi1>, vector<16xi32>
      %masked_sort3A_345 = arith.constant dense<true> : vector<16xi1>
      %masked_sort3A_346, %masked_sort3A_347, %masked_sort3A_348 = tpu.sort %select_n3A_343, %select_n3A_344 masked %masked_sort3A_345 {descending = true} : (vector<16xf32>, vector<16xi32>, vector<16xi1>) -> (vector<16xi1>, vector<16xf32>, vector<16xi32>)
      %get3A_349 = arith.index_cast %scan3A_11 : i32 to index
      %get3A_350 = arith.constant 64 : index
      %get3A_351 = tpu.vector_load %arg9[%get3A_349, %get3A_350] {strides = array<i32>} : memref<32x512xf32, #tpu.memory_space<vmem>>, vector<16xf32>,
      %get3A_352 = arith.index_cast %add3A_13 : i32 to index
      %get3A_353 = arith.constant 64 : index
      %get3A_354 = tpu.vector_load %arg9[%get3A_352, %get3A_353] {strides = array<i32>} : memref<32x512xf32, #tpu.memory_space<vmem>>, vector<16xf32>,
      %get3A_355 = arith.index_cast %scan3A_11 : i32 to index
      %get3A_356 = arith.constant 192 : index
      %get3A_357 = tpu.vector_load %arg9[%get3A_355, %get3A_356] {strides = array<i32>} : memref<32x512xf32, #tpu.memory_space<vmem>>, vector<16xf32>,
      %max3A_358 = arith.maximumf %get3A_351, %get3A_357 : vector<16xf32>
      %get3A_359 = arith.index_cast %add3A_13 : i32 to index
      %get3A_360 = arith.constant 192 : index
      %get3A_361 = tpu.vector_load %arg9[%get3A_359, %get3A_360] {strides = array<i32>} : memref<32x512xf32, #tpu.memory_space<vmem>>, vector<16xf32>,
      %max3A_362 = arith.maximumf %get3A_354, %get3A_361 : vector<16xf32>
      %get3A_363 = arith.index_cast %scan3A_11 : i32 to index
      %get3A_364 = arith.constant 320 : index
      %get3A_365 = tpu.vector_load %arg9[%get3A_363, %get3A_364] {strides = array<i32>} : memref<32x512xf32, #tpu.memory_space<vmem>>, vector<16xf32>,
      %max3A_366 = arith.maximumf %max3A_358, %get3A_365 : vector<16xf32>
      %get3A_367 = arith.index_cast %add3A_13 : i32 to index
      %get3A_368 = arith.constant 320 : index
      %get3A_369 = tpu.vector_load %arg9[%get3A_367, %get3A_368] {strides = array<i32>} : memref<32x512xf32, #tpu.memory_space<vmem>>, vector<16xf32>,
      %max3A_370 = arith.maximumf %max3A_362, %get3A_369 : vector<16xf32>
      %get3A_371 = arith.index_cast %scan3A_11 : i32 to index
      %get3A_372 = arith.constant 448 : index
      %get3A_373 = tpu.vector_load %arg9[%get3A_371, %get3A_372] {strides = array<i32>} : memref<32x512xf32, #tpu.memory_space<vmem>>, vector<16xf32>,
      %max3A_374 = arith.maximumf %max3A_366, %get3A_373 : vector<16xf32>
      %get3A_375 = arith.index_cast %add3A_13 : i32 to index
      %get3A_376 = arith.constant 448 : index
      %get3A_377 = tpu.vector_load %arg9[%get3A_375, %get3A_376] {strides = array<i32>} : memref<32x512xf32, #tpu.memory_space<vmem>>, vector<16xf32>,
      %max3A_378 = arith.maximumf %max3A_370, %get3A_377 : vector<16xf32>
      %add3A_379 = arith.constant 64 : i32
      %add3A_380 = vector.broadcast %add3A_379 : i32 to vector<16xi32>
      %add3A_381 = arith.addi %add3A_380, %iota3A : vector<16xi32>
      %masked_sort3A_382 = arith.constant dense<true> : vector<16xi1>
      %masked_sort3A_383, %masked_sort3A_384, %masked_sort3A_385 = tpu.sort %max3A_374, %add3A_381 masked %masked_sort3A_382 {descending = true} : (vector<16xf32>, vector<16xi32>, vector<16xi1>) -> (vector<16xi1>, vector<16xf32>, vector<16xi32>)
      %rev3A_386 = arith.constant 15 : i32
      %rev3A_387 = vector.broadcast %rev3A_386 : i32 to vector<16xi32>
      %rev3A_388 = tpu.iota {dimensions = array<i32: 0>} : vector<16xi32>
      %rev3A_389 = arith.subi %rev3A_387, %rev3A_388 : vector<16xi32>
      %rev3A_390 = tpu.dynamic_gather %masked_sort3A_384[%rev3A_389] in [0] : vector<16xf32>, vector<16xi32> -> vector<16xf32>
      %rev3A_391 = arith.constant 15 : i32
      %rev3A_392 = vector.broadcast %rev3A_391 : i32 to vector<16xi32>
      %rev3A_393 = tpu.iota {dimensions = array<i32: 0>} : vector<16xi32>
      %rev3A_394 = arith.subi %rev3A_392, %rev3A_393 : vector<16xi32>
      %rev3A_395 = tpu.dynamic_gather %masked_sort3A_385[%rev3A_394] in [0] : vector<16xi32>, vector<16xi32> -> vector<16xi32>
      %ge3A_396 = arith.cmpf oge, %masked_sort3A_323, %rev3A_390 : vector<16xf32>
      %select_n3A_397 = arith.select %ge3A_396, %masked_sort3A_323, %rev3A_390 : vector<16xi1>, vector<16xf32>
      %select_n3A_398 = arith.select %ge3A_396, %masked_sort3A_324, %rev3A_395 : vector<16xi1>, vector<16xi32>
      %masked_sort3A_399 = arith.constant dense<true> : vector<16xi1>
      %masked_sort3A_400, %masked_sort3A_401, %masked_sort3A_402 = tpu.sort %select_n3A_397, %select_n3A_398 masked %masked_sort3A_399 {descending = true} : (vector<16xf32>, vector<16xi32>, vector<16xi1>) -> (vector<16xi1>, vector<16xf32>, vector<16xi32>)
      %add3A_403 = arith.constant 64 : i32
      %add3A_404 = vector.broadcast %add3A_403 : i32 to vector<16xi32>
      %add3A_405 = arith.addi %add3A_404, %iota3A : vector<16xi32>
      %masked_sort3A_406 = arith.constant dense<true> : vector<16xi1>
      %masked_sort3A_407, %masked_sort3A_408, %masked_sort3A_409 = tpu.sort %max3A_378, %add3A_405 masked %masked_sort3A_406 {descending = true} : (vector<16xf32>, vector<16xi32>, vector<16xi1>) -> (vector<16xi1>, vector<16xf32>, vector<16xi32>)
      %rev3A_410 = arith.constant 15 : i32
      %rev3A_411 = vector.broadcast %rev3A_410 : i32 to vector<16xi32>
      %rev3A_412 = tpu.iota {dimensions = array<i32: 0>} : vector<16xi32>
      %rev3A_413 = arith.subi %rev3A_411, %rev3A_412 : vector<16xi32>
      %rev3A_414 = tpu.dynamic_gather %masked_sort3A_408[%rev3A_413] in [0] : vector<16xf32>, vector<16xi32> -> vector<16xf32>
      %rev3A_415 = arith.constant 15 : i32
      %rev3A_416 = vector.broadcast %rev3A_415 : i32 to vector<16xi32>
      %rev3A_417 = tpu.iota {dimensions = array<i32: 0>} : vector<16xi32>
      %rev3A_418 = arith.subi %rev3A_416, %rev3A_417 : vector<16xi32>
      %rev3A_419 = tpu.dynamic_gather %masked_sort3A_409[%rev3A_418] in [0] : vector<16xi32>, vector<16xi32> -> vector<16xi32>
      %ge3A_420 = arith.cmpf oge, %masked_sort3A_347, %rev3A_414 : vector<16xf32>
      %select_n3A_421 = arith.select %ge3A_420, %masked_sort3A_347, %rev3A_414 : vector<16xi1>, vector<16xf32>
      %select_n3A_422 = arith.select %ge3A_420, %masked_sort3A_348, %rev3A_419 : vector<16xi1>, vector<16xi32>
      %masked_sort3A_423 = arith.constant dense<true> : vector<16xi1>
      %masked_sort3A_424, %masked_sort3A_425, %masked_sort3A_426 = tpu.sort %select_n3A_421, %select_n3A_422 masked %masked_sort3A_423 {descending = true} : (vector<16xf32>, vector<16xi32>, vector<16xi1>) -> (vector<16xi1>, vector<16xf32>, vector<16xi32>)
      %get3A_427 = arith.index_cast %scan3A_11 : i32 to index
      %get3A_428 = arith.constant 80 : index
      %get3A_429 = tpu.vector_load %arg9[%get3A_427, %get3A_428] {strides = array<i32>} : memref<32x512xf32, #tpu.memory_space<vmem>>, vector<16xf32>,
      %get3A_430 = arith.index_cast %add3A_13 : i32 to index
      %get3A_431 = arith.constant 80 : index
      %get3A_432 = tpu.vector_load %arg9[%get3A_430, %get3A_431] {strides = array<i32>} : memref<32x512xf32, #tpu.memory_space<vmem>>, vector<16xf32>,
      %get3A_433 = arith.index_cast %scan3A_11 : i32 to index
      %get3A_434 = arith.constant 208 : index
      %get3A_435 = tpu.vector_load %arg9[%get3A_433, %get3A_434] {strides = array<i32>} : memref<32x512xf32, #tpu.memory_space<vmem>>, vector<16xf32>,
      %max3A_436 = arith.maximumf %get3A_429, %get3A_435 : vector<16xf32>
      %get3A_437 = arith.index_cast %add3A_13 : i32 to index
      %get3A_438 = arith.constant 208 : index
      %get3A_439 = tpu.vector_load %arg9[%get3A_437, %get3A_438] {strides = array<i32>} : memref<32x512xf32, #tpu.memory_space<vmem>>, vector<16xf32>,
      %max3A_440 = arith.maximumf %get3A_432, %get3A_439 : vector<16xf32>
      %get3A_441 = arith.index_cast %scan3A_11 : i32 to index
      %get3A_442 = arith.constant 336 : index
      %get3A_443 = tpu.vector_load %arg9[%get3A_441, %get3A_442] {strides = array<i32>} : memref<32x512xf32, #tpu.memory_space<vmem>>, vector<16xf32>,
      %max3A_444 = arith.maximumf %max3A_436, %get3A_443 : vector<16xf32>
      %get3A_445 = arith.index_cast %add3A_13 : i32 to index
      %get3A_446 = arith.constant 336 : index
      %get3A_447 = tpu.vector_load %arg9[%get3A_445, %get3A_446] {strides = array<i32>} : memref<32x512xf32, #tpu.memory_space<vmem>>, vector<16xf32>,
      %max3A_448 = arith.maximumf %max3A_440, %get3A_447 : vector<16xf32>
      %get3A_449 = arith.index_cast %scan3A_11 : i32 to index
      %get3A_450 = arith.constant 464 : index
      %get3A_451 = tpu.vector_load %arg9[%get3A_449, %get3A_450] {strides = array<i32>} : memref<32x512xf32, #tpu.memory_space<vmem>>, vector<16xf32>,
      %max3A_452 = arith.maximumf %max3A_444, %get3A_451 : vector<16xf32>
      %get3A_453 = arith.index_cast %add3A_13 : i32 to index
      %get3A_454 = arith.constant 464 : index
      %get3A_455 = tpu.vector_load %arg9[%get3A_453, %get3A_454] {strides = array<i32>} : memref<32x512xf32, #tpu.memory_space<vmem>>, vector<16xf32>,
      %max3A_456 = arith.maximumf %max3A_448, %get3A_455 : vector<16xf32>
      %add3A_457 = arith.constant 80 : i32
      %add3A_458 = vector.broadcast %add3A_457 : i32 to vector<16xi32>
      %add3A_459 = arith.addi %add3A_458, %iota3A : vector<16xi32>
      %masked_sort3A_460 = arith.constant dense<true> : vector<16xi1>
      %masked_sort3A_461, %masked_sort3A_462, %masked_sort3A_463 = tpu.sort %max3A_452, %add3A_459 masked %masked_sort3A_460 {descending = true} : (vector<16xf32>, vector<16xi32>, vector<16xi1>) -> (vector<16xi1>, vector<16xf32>, vector<16xi32>)
      %rev3A_464 = arith.constant 15 : i32
      %rev3A_465 = vector.broadcast %rev3A_464 : i32 to vector<16xi32>
      %rev3A_466 = tpu.iota {dimensions = array<i32: 0>} : vector<16xi32>
      %rev3A_467 = arith.subi %rev3A_465, %rev3A_466 : vector<16xi32>
      %rev3A_468 = tpu.dynamic_gather %masked_sort3A_462[%rev3A_467] in [0] : vector<16xf32>, vector<16xi32> -> vector<16xf32>
      %rev3A_469 = arith.constant 15 : i32
      %rev3A_470 = vector.broadcast %rev3A_469 : i32 to vector<16xi32>
      %rev3A_471 = tpu.iota {dimensions = array<i32: 0>} : vector<16xi32>
      %rev3A_472 = arith.subi %rev3A_470, %rev3A_471 : vector<16xi32>
      %rev3A_473 = tpu.dynamic_gather %masked_sort3A_463[%rev3A_472] in [0] : vector<16xi32>, vector<16xi32> -> vector<16xi32>
      %ge3A_474 = arith.cmpf oge, %masked_sort3A_401, %rev3A_468 : vector<16xf32>
      %select_n3A_475 = arith.select %ge3A_474, %masked_sort3A_401, %rev3A_468 : vector<16xi1>, vector<16xf32>
      %select_n3A_476 = arith.select %ge3A_474, %masked_sort3A_402, %rev3A_473 : vector<16xi1>, vector<16xi32>
      %masked_sort3A_477 = arith.constant dense<true> : vector<16xi1>
      %masked_sort3A_478, %masked_sort3A_479, %masked_sort3A_480 = tpu.sort %select_n3A_475, %select_n3A_476 masked %masked_sort3A_477 {descending = true} : (vector<16xf32>, vector<16xi32>, vector<16xi1>) -> (vector<16xi1>, vector<16xf32>, vector<16xi32>)
      %add3A_481 = arith.constant 80 : i32
      %add3A_482 = vector.broadcast %add3A_481 : i32 to vector<16xi32>
      %add3A_483 = arith.addi %add3A_482, %iota3A : vector<16xi32>
      %masked_sort3A_484 = arith.constant dense<true> : vector<16xi1>
      %masked_sort3A_485, %masked_sort3A_486, %masked_sort3A_487 = tpu.sort %max3A_456, %add3A_483 masked %masked_sort3A_484 {descending = true} : (vector<16xf32>, vector<16xi32>, vector<16xi1>) -> (vector<16xi1>, vector<16xf32>, vector<16xi32>)
      %rev3A_488 = arith.constant 15 : i32
      %rev3A_489 = vector.broadcast %rev3A_488 : i32 to vector<16xi32>
      %rev3A_490 = tpu.iota {dimensions = array<i32: 0>} : vector<16xi32>
      %rev3A_491 = arith.subi %rev3A_489, %rev3A_490 : vector<16xi32>
      %rev3A_492 = tpu.dynamic_gather %masked_sort3A_486[%rev3A_491] in [0] : vector<16xf32>, vector<16xi32> -> vector<16xf32>
      %rev3A_493 = arith.constant 15 : i32
      %rev3A_494 = vector.broadcast %rev3A_493 : i32 to vector<16xi32>
      %rev3A_495 = tpu.iota {dimensions = array<i32: 0>} : vector<16xi32>
      %rev3A_496 = arith.subi %rev3A_494, %rev3A_495 : vector<16xi32>
      %rev3A_497 = tpu.dynamic_gather %masked_sort3A_487[%rev3A_496] in [0] : vector<16xi32>, vector<16xi32> -> vector<16xi32>
      %ge3A_498 = arith.cmpf oge, %masked_sort3A_425, %rev3A_492 : vector<16xf32>
      %select_n3A_499 = arith.select %ge3A_498, %masked_sort3A_425, %rev3A_492 : vector<16xi1>, vector<16xf32>
      %select_n3A_500 = arith.select %ge3A_498, %masked_sort3A_426, %rev3A_497 : vector<16xi1>, vector<16xi32>
      %masked_sort3A_501 = arith.constant dense<true> : vector<16xi1>
      %masked_sort3A_502, %masked_sort3A_503, %masked_sort3A_504 = tpu.sort %select_n3A_499, %select_n3A_500 masked %masked_sort3A_501 {descending = true} : (vector<16xf32>, vector<16xi32>, vector<16xi1>) -> (vector<16xi1>, vector<16xf32>, vector<16xi32>)
      %get3A_505 = arith.index_cast %scan3A_11 : i32 to index
      %get3A_506 = arith.constant 96 : index
      %get3A_507 = tpu.vector_load %arg9[%get3A_505, %get3A_506] {strides = array<i32>} : memref<32x512xf32, #tpu.memory_space<vmem>>, vector<16xf32>,
      %get3A_508 = arith.index_cast %add3A_13 : i32 to index
      %get3A_509 = arith.constant 96 : index
      %get3A_510 = tpu.vector_load %arg9[%get3A_508, %get3A_509] {strides = array<i32>} : memref<32x512xf32, #tpu.memory_space<vmem>>, vector<16xf32>,
      %get3A_511 = arith.index_cast %scan3A_11 : i32 to index
      %get3A_512 = arith.constant 224 : index
      %get3A_513 = tpu.vector_load %arg9[%get3A_511, %get3A_512] {strides = array<i32>} : memref<32x512xf32, #tpu.memory_space<vmem>>, vector<16xf32>,
      %max3A_514 = arith.maximumf %get3A_507, %get3A_513 : vector<16xf32>
      %get3A_515 = arith.index_cast %add3A_13 : i32 to index
      %get3A_516 = arith.constant 224 : index
      %get3A_517 = tpu.vector_load %arg9[%get3A_515, %get3A_516] {strides = array<i32>} : memref<32x512xf32, #tpu.memory_space<vmem>>, vector<16xf32>,
      %max3A_518 = arith.maximumf %get3A_510, %get3A_517 : vector<16xf32>
      %get3A_519 = arith.index_cast %scan3A_11 : i32 to index
      %get3A_520 = arith.constant 352 : index
      %get3A_521 = tpu.vector_load %arg9[%get3A_519, %get3A_520] {strides = array<i32>} : memref<32x512xf32, #tpu.memory_space<vmem>>, vector<16xf32>,
      %max3A_522 = arith.maximumf %max3A_514, %get3A_521 : vector<16xf32>
      %get3A_523 = arith.index_cast %add3A_13 : i32 to index
      %get3A_524 = arith.constant 352 : index
      %get3A_525 = tpu.vector_load %arg9[%get3A_523, %get3A_524] {strides = array<i32>} : memref<32x512xf32, #tpu.memory_space<vmem>>, vector<16xf32>,
      %max3A_526 = arith.maximumf %max3A_518, %get3A_525 : vector<16xf32>
      %get3A_527 = arith.index_cast %scan3A_11 : i32 to index
      %get3A_528 = arith.constant 480 : index
      %get3A_529 = tpu.vector_load %arg9[%get3A_527, %get3A_528] {strides = array<i32>} : memref<32x512xf32, #tpu.memory_space<vmem>>, vector<16xf32>,
      %max3A_530 = arith.maximumf %max3A_522, %get3A_529 : vector<16xf32>
      %get3A_531 = arith.index_cast %add3A_13 : i32 to index
      %get3A_532 = arith.constant 480 : index
      %get3A_533 = tpu.vector_load %arg9[%get3A_531, %get3A_532] {strides = array<i32>} : memref<32x512xf32, #tpu.memory_space<vmem>>, vector<16xf32>,
      %max3A_534 = arith.maximumf %max3A_526, %get3A_533 : vector<16xf32>
      %add3A_535 = arith.constant 96 : i32
      %add3A_536 = vector.broadcast %add3A_535 : i32 to vector<16xi32>
      %add3A_537 = arith.addi %add3A_536, %iota3A : vector<16xi32>
      %masked_sort3A_538 = arith.constant dense<true> : vector<16xi1>
      %masked_sort3A_539, %masked_sort3A_540, %masked_sort3A_541 = tpu.sort %max3A_530, %add3A_537 masked %masked_sort3A_538 {descending = true} : (vector<16xf32>, vector<16xi32>, vector<16xi1>) -> (vector<16xi1>, vector<16xf32>, vector<16xi32>)
      %rev3A_542 = arith.constant 15 : i32
      %rev3A_543 = vector.broadcast %rev3A_542 : i32 to vector<16xi32>
      %rev3A_544 = tpu.iota {dimensions = array<i32: 0>} : vector<16xi32>
      %rev3A_545 = arith.subi %rev3A_543, %rev3A_544 : vector<16xi32>
      %rev3A_546 = tpu.dynamic_gather %masked_sort3A_540[%rev3A_545] in [0] : vector<16xf32>, vector<16xi32> -> vector<16xf32>
      %rev3A_547 = arith.constant 15 : i32
      %rev3A_548 = vector.broadcast %rev3A_547 : i32 to vector<16xi32>
      %rev3A_549 = tpu.iota {dimensions = array<i32: 0>} : vector<16xi32>
      %rev3A_550 = arith.subi %rev3A_548, %rev3A_549 : vector<16xi32>
      %rev3A_551 = tpu.dynamic_gather %masked_sort3A_541[%rev3A_550] in [0] : vector<16xi32>, vector<16xi32> -> vector<16xi32>
      %ge3A_552 = arith.cmpf oge, %masked_sort3A_479, %rev3A_546 : vector<16xf32>
      %select_n3A_553 = arith.select %ge3A_552, %masked_sort3A_479, %rev3A_546 : vector<16xi1>, vector<16xf32>
      %select_n3A_554 = arith.select %ge3A_552, %masked_sort3A_480, %rev3A_551 : vector<16xi1>, vector<16xi32>
      %masked_sort3A_555 = arith.constant dense<true> : vector<16xi1>
      %masked_sort3A_556, %masked_sort3A_557, %masked_sort3A_558 = tpu.sort %select_n3A_553, %select_n3A_554 masked %masked_sort3A_555 {descending = true} : (vector<16xf32>, vector<16xi32>, vector<16xi1>) -> (vector<16xi1>, vector<16xf32>, vector<16xi32>)
      %add3A_559 = arith.constant 96 : i32
      %add3A_560 = vector.broadcast %add3A_559 : i32 to vector<16xi32>
      %add3A_561 = arith.addi %add3A_560, %iota3A : vector<16xi32>
      %masked_sort3A_562 = arith.constant dense<true> : vector<16xi1>
      %masked_sort3A_563, %masked_sort3A_564, %masked_sort3A_565 = tpu.sort %max3A_534, %add3A_561 masked %masked_sort3A_562 {descending = true} : (vector<16xf32>, vector<16xi32>, vector<16xi1>) -> (vector<16xi1>, vector<16xf32>, vector<16xi32>)
      %rev3A_566 = arith.constant 15 : i32
      %rev3A_567 = vector.broadcast %rev3A_566 : i32 to vector<16xi32>
      %rev3A_568 = tpu.iota {dimensions = array<i32: 0>} : vector<16xi32>
      %rev3A_569 = arith.subi %rev3A_567, %rev3A_568 : vector<16xi32>
      %rev3A_570 = tpu.dynamic_gather %masked_sort3A_564[%rev3A_569] in [0] : vector<16xf32>, vector<16xi32> -> vector<16xf32>
      %rev3A_571 = arith.constant 15 : i32
      %rev3A_572 = vector.broadcast %rev3A_571 : i32 to vector<16xi32>
      %rev3A_573 = tpu.iota {dimensions = array<i32: 0>} : vector<16xi32>
      %rev3A_574 = arith.subi %rev3A_572, %rev3A_573 : vector<16xi32>
      %rev3A_575 = tpu.dynamic_gather %masked_sort3A_565[%rev3A_574] in [0] : vector<16xi32>, vector<16xi32> -> vector<16xi32>
      %ge3A_576 = arith.cmpf oge, %masked_sort3A_503, %rev3A_570 : vector<16xf32>
      %select_n3A_577 = arith.select %ge3A_576, %masked_sort3A_503, %rev3A_570 : vector<16xi1>, vector<16xf32>
      %select_n3A_578 = arith.select %ge3A_576, %masked_sort3A_504, %rev3A_575 : vector<16xi1>, vector<16xi32>
      %masked_sort3A_579 = arith.constant dense<true> : vector<16xi1>
      %masked_sort3A_580, %masked_sort3A_581, %masked_sort3A_582 = tpu.sort %select_n3A_577, %select_n3A_578 masked %masked_sort3A_579 {descending = true} : (vector<16xf32>, vector<16xi32>, vector<16xi1>) -> (vector<16xi1>, vector<16xf32>, vector<16xi32>)
      %get3A_583 = arith.index_cast %scan3A_11 : i32 to index
      %get3A_584 = arith.constant 112 : index
      %get3A_585 = tpu.vector_load %arg9[%get3A_583, %get3A_584] {strides = array<i32>} : memref<32x512xf32, #tpu.memory_space<vmem>>, vector<16xf32>,
      %get3A_586 = arith.index_cast %add3A_13 : i32 to index
      %get3A_587 = arith.constant 112 : index
      %get3A_588 = tpu.vector_load %arg9[%get3A_586, %get3A_587] {strides = array<i32>} : memref<32x512xf32, #tpu.memory_space<vmem>>, vector<16xf32>,
      %get3A_589 = arith.index_cast %scan3A_11 : i32 to index
      %get3A_590 = arith.constant 240 : index
      %get3A_591 = tpu.vector_load %arg9[%get3A_589, %get3A_590] {strides = array<i32>} : memref<32x512xf32, #tpu.memory_space<vmem>>, vector<16xf32>,
      %max3A_592 = arith.maximumf %get3A_585, %get3A_591 : vector<16xf32>
      %get3A_593 = arith.index_cast %add3A_13 : i32 to index
      %get3A_594 = arith.constant 240 : index
      %get3A_595 = tpu.vector_load %arg9[%get3A_593, %get3A_594] {strides = array<i32>} : memref<32x512xf32, #tpu.memory_space<vmem>>, vector<16xf32>,
      %max3A_596 = arith.maximumf %get3A_588, %get3A_595 : vector<16xf32>
      %get3A_597 = arith.index_cast %scan3A_11 : i32 to index
      %get3A_598 = arith.constant 368 : index
      %get3A_599 = tpu.vector_load %arg9[%get3A_597, %get3A_598] {strides = array<i32>} : memref<32x512xf32, #tpu.memory_space<vmem>>, vector<16xf32>,
      %max3A_600 = arith.maximumf %max3A_592, %get3A_599 : vector<16xf32>
      %get3A_601 = arith.index_cast %add3A_13 : i32 to index
      %get3A_602 = arith.constant 368 : index
      %get3A_603 = tpu.vector_load %arg9[%get3A_601, %get3A_602] {strides = array<i32>} : memref<32x512xf32, #tpu.memory_space<vmem>>, vector<16xf32>,
      %max3A_604 = arith.maximumf %max3A_596, %get3A_603 : vector<16xf32>
      %get3A_605 = arith.index_cast %scan3A_11 : i32 to index
      %get3A_606 = arith.constant 496 : index
      %get3A_607 = tpu.vector_load %arg9[%get3A_605, %get3A_606] {strides = array<i32>} : memref<32x512xf32, #tpu.memory_space<vmem>>, vector<16xf32>,
      %max3A_608 = arith.maximumf %max3A_600, %get3A_607 : vector<16xf32>
      %get3A_609 = arith.index_cast %add3A_13 : i32 to index
      %get3A_610 = arith.constant 496 : index
      %get3A_611 = tpu.vector_load %arg9[%get3A_609, %get3A_610] {strides = array<i32>} : memref<32x512xf32, #tpu.memory_space<vmem>>, vector<16xf32>,
      %max3A_612 = arith.maximumf %max3A_604, %get3A_611 : vector<16xf32>
      %add3A_613 = arith.constant 112 : i32
      %add3A_614 = vector.broadcast %add3A_613 : i32 to vector<16xi32>
      %add3A_615 = arith.addi %add3A_614, %iota3A : vector<16xi32>
      %masked_sort3A_616 = arith.constant dense<true> : vector<16xi1>
      %masked_sort3A_617, %masked_sort3A_618, %masked_sort3A_619 = tpu.sort %max3A_608, %add3A_615 masked %masked_sort3A_616 {descending = true} : (vector<16xf32>, vector<16xi32>, vector<16xi1>) -> (vector<16xi1>, vector<16xf32>, vector<16xi32>)
      %rev3A_620 = arith.constant 15 : i32
      %rev3A_621 = vector.broadcast %rev3A_620 : i32 to vector<16xi32>
      %rev3A_622 = tpu.iota {dimensions = array<i32: 0>} : vector<16xi32>
      %rev3A_623 = arith.subi %rev3A_621, %rev3A_622 : vector<16xi32>
      %rev3A_624 = tpu.dynamic_gather %masked_sort3A_618[%rev3A_623] in [0] : vector<16xf32>, vector<16xi32> -> vector<16xf32>
      %rev3A_625 = arith.constant 15 : i32
      %rev3A_626 = vector.broadcast %rev3A_625 : i32 to vector<16xi32>
      %rev3A_627 = tpu.iota {dimensions = array<i32: 0>} : vector<16xi32>
      %rev3A_628 = arith.subi %rev3A_626, %rev3A_627 : vector<16xi32>
      %rev3A_629 = tpu.dynamic_gather %masked_sort3A_619[%rev3A_628] in [0] : vector<16xi32>, vector<16xi32> -> vector<16xi32>
      %ge3A_630 = arith.cmpf oge, %masked_sort3A_557, %rev3A_624 : vector<16xf32>
      %select_n3A_631 = arith.select %ge3A_630, %masked_sort3A_557, %rev3A_624 : vector<16xi1>, vector<16xf32>
      %select_n3A_632 = arith.select %ge3A_630, %masked_sort3A_558, %rev3A_629 : vector<16xi1>, vector<16xi32>
      %masked_sort3A_633 = arith.constant dense<true> : vector<16xi1>
      %masked_sort3A_634, %masked_sort3A_635, %masked_sort3A_636 = tpu.sort %select_n3A_631, %select_n3A_632 masked %masked_sort3A_633 {descending = true} : (vector<16xf32>, vector<16xi32>, vector<16xi1>) -> (vector<16xi1>, vector<16xf32>, vector<16xi32>)
      %add3A_637 = arith.constant 112 : i32
      %add3A_638 = vector.broadcast %add3A_637 : i32 to vector<16xi32>
      %add3A_639 = arith.addi %add3A_638, %iota3A : vector<16xi32>
      %masked_sort3A_640 = arith.constant dense<true> : vector<16xi1>
      %masked_sort3A_641, %masked_sort3A_642, %masked_sort3A_643 = tpu.sort %max3A_612, %add3A_639 masked %masked_sort3A_640 {descending = true} : (vector<16xf32>, vector<16xi32>, vector<16xi1>) -> (vector<16xi1>, vector<16xf32>, vector<16xi32>)
      %rev3A_644 = arith.constant 15 : i32
      %rev3A_645 = vector.broadcast %rev3A_644 : i32 to vector<16xi32>
      %rev3A_646 = tpu.iota {dimensions = array<i32: 0>} : vector<16xi32>
      %rev3A_647 = arith.subi %rev3A_645, %rev3A_646 : vector<16xi32>
      %rev3A_648 = tpu.dynamic_gather %masked_sort3A_642[%rev3A_647] in [0] : vector<16xf32>, vector<16xi32> -> vector<16xf32>
      %rev3A_649 = arith.constant 15 : i32
      %rev3A_650 = vector.broadcast %rev3A_649 : i32 to vector<16xi32>
      %rev3A_651 = tpu.iota {dimensions = array<i32: 0>} : vector<16xi32>
      %rev3A_652 = arith.subi %rev3A_650, %rev3A_651 : vector<16xi32>
      %rev3A_653 = tpu.dynamic_gather %masked_sort3A_643[%rev3A_652] in [0] : vector<16xi32>, vector<16xi32> -> vector<16xi32>
      %ge3A_654 = arith.cmpf oge, %masked_sort3A_581, %rev3A_648 : vector<16xf32>
      %select_n3A_655 = arith.select %ge3A_654, %masked_sort3A_581, %rev3A_648 : vector<16xi1>, vector<16xf32>
      %select_n3A_656 = arith.select %ge3A_654, %masked_sort3A_582, %rev3A_653 : vector<16xi1>, vector<16xi32>
      %masked_sort3A_657 = arith.constant dense<true> : vector<16xi1>
      %masked_sort3A_658, %masked_sort3A_659, %masked_sort3A_660 = tpu.sort %select_n3A_655, %select_n3A_656 masked %masked_sort3A_657 {descending = true} : (vector<16xf32>, vector<16xi32>, vector<16xi1>) -> (vector<16xi1>, vector<16xf32>, vector<16xi32>)
      %add3A_661 = arith.constant 0 : i32
      %add3A_662 = vector.broadcast %add3A_661 : i32 to vector<16xi32>
      %add3A_663 = arith.addi %add3A_662, %masked_sort3A_636 : vector<16xi32>
      %add3A_664 = arith.constant 0 : i32
      %add3A_665 = vector.broadcast %add3A_664 : i32 to vector<16xi32>
      %add3A_666 = arith.addi %add3A_665, %masked_sort3A_660 : vector<16xi32>
      %gather3A = tpu.vector_load_idx %arg9[%broadcast_in_dim3A_16, %add3A_663] : memref<32x512xf32, #tpu.memory_space<vmem>>[vector<16xi32>, vector<16xi32>], vector<16xf32>,
      %gather3A_667 = tpu.vector_load_idx %arg9[%broadcast_in_dim3A_17, %add3A_666] : memref<32x512xf32, #tpu.memory_space<vmem>>[vector<16xi32>, vector<16xi32>], vector<16xf32>,
      %masked_sort3A_668 = arith.constant dense<true> : vector<16xi1>
      %masked_sort3A_669, %masked_sort3A_670, %masked_sort3A_671 = tpu.sort %gather3A, %add3A_663 masked %masked_sort3A_668 {descending = true} : (vector<16xf32>, vector<16xi32>, vector<16xi1>) -> (vector<16xi1>, vector<16xf32>, vector<16xi32>)
      %rev3A_672 = arith.constant 15 : i32
      %rev3A_673 = vector.broadcast %rev3A_672 : i32 to vector<16xi32>
      %rev3A_674 = tpu.iota {dimensions = array<i32: 0>} : vector<16xi32>
      %rev3A_675 = arith.subi %rev3A_673, %rev3A_674 : vector<16xi32>
      %rev3A_676 = tpu.dynamic_gather %masked_sort3A_670[%rev3A_675] in [0] : vector<16xf32>, vector<16xi32> -> vector<16xf32>
      %rev3A_677 = arith.constant 15 : i32
      %rev3A_678 = vector.broadcast %rev3A_677 : i32 to vector<16xi32>
      %rev3A_679 = tpu.iota {dimensions = array<i32: 0>} : vector<16xi32>
      %rev3A_680 = arith.subi %rev3A_678, %rev3A_679 : vector<16xi32>
      %rev3A_681 = tpu.dynamic_gather %masked_sort3A_671[%rev3A_680] in [0] : vector<16xi32>, vector<16xi32> -> vector<16xi32>
      %ge3A_682 = arith.cmpf oge, %broadcast_in_dim3A_3, %rev3A_676 : vector<16xf32>
      %select_n3A_683 = arith.select %ge3A_682, %broadcast_in_dim3A_3, %rev3A_676 : vector<16xi1>, vector<16xf32>
      %select_n3A_684 = arith.select %ge3A_682, %broadcast_in_dim3A_5, %rev3A_681 : vector<16xi1>, vector<16xi32>
      %masked_sort3A_685 = arith.constant dense<true> : vector<16xi1>
      %masked_sort3A_686, %masked_sort3A_687, %masked_sort3A_688 = tpu.sort %select_n3A_683, %select_n3A_684 masked %masked_sort3A_685 {descending = true} : (vector<16xf32>, vector<16xi32>, vector<16xi1>) -> (vector<16xi1>, vector<16xf32>, vector<16xi32>)
      %masked_sort3A_689 = arith.constant dense<true> : vector<16xi1>
      %masked_sort3A_690, %masked_sort3A_691, %masked_sort3A_692 = tpu.sort %gather3A_667, %add3A_666 masked %masked_sort3A_689 {descending = true} : (vector<16xf32>, vector<16xi32>, vector<16xi1>) -> (vector<16xi1>, vector<16xf32>, vector<16xi32>)
      %rev3A_693 = arith.constant 15 : i32
      %rev3A_694 = vector.broadcast %rev3A_693 : i32 to vector<16xi32>
      %rev3A_695 = tpu.iota {dimensions = array<i32: 0>} : vector<16xi32>
      %rev3A_696 = arith.subi %rev3A_694, %rev3A_695 : vector<16xi32>
      %rev3A_697 = tpu.dynamic_gather %masked_sort3A_691[%rev3A_696] in [0] : vector<16xf32>, vector<16xi32> -> vector<16xf32>
      %rev3A_698 = arith.constant 15 : i32
      %rev3A_699 = vector.broadcast %rev3A_698 : i32 to vector<16xi32>
      %rev3A_700 = tpu.iota {dimensions = array<i32: 0>} : vector<16xi32>
      %rev3A_701 = arith.subi %rev3A_699, %rev3A_700 : vector<16xi32>
      %rev3A_702 = tpu.dynamic_gather %masked_sort3A_692[%rev3A_701] in [0] : vector<16xi32>, vector<16xi32> -> vector<16xi32>
      %ge3A_703 = arith.cmpf oge, %broadcast_in_dim3A_3, %rev3A_697 : vector<16xf32>
      %select_n3A_704 = arith.select %ge3A_703, %broadcast_in_dim3A_3, %rev3A_697 : vector<16xi1>, vector<16xf32>
      %select_n3A_705 = arith.select %ge3A_703, %broadcast_in_dim3A_5, %rev3A_702 : vector<16xi1>, vector<16xi32>
      %masked_sort3A_706 = arith.constant dense<true> : vector<16xi1>
      %masked_sort3A_707, %masked_sort3A_708, %masked_sort3A_709 = tpu.sort %select_n3A_704, %select_n3A_705 masked %masked_sort3A_706 {descending = true} : (vector<16xf32>, vector<16xi32>, vector<16xi1>) -> (vector<16xi1>, vector<16xf32>, vector<16xi32>)
      %add3A_710 = arith.constant 128 : i32
      %add3A_711 = vector.broadcast %add3A_710 : i32 to vector<16xi32>
      %add3A_712 = arith.addi %add3A_711, %masked_sort3A_636 : vector<16xi32>
      %add3A_713 = arith.constant 128 : i32
      %add3A_714 = vector.broadcast %add3A_713 : i32 to vector<16xi32>
      %add3A_715 = arith.addi %add3A_714, %masked_sort3A_660 : vector<16xi32>
      %gather3A_716 = tpu.vector_load_idx %arg9[%broadcast_in_dim3A_16, %add3A_712] : memref<32x512xf32, #tpu.memory_space<vmem>>[vector<16xi32>, vector<16xi32>], vector<16xf32>,
      %gather3A_717 = tpu.vector_load_idx %arg9[%broadcast_in_dim3A_17, %add3A_715] : memref<32x512xf32, #tpu.memory_space<vmem>>[vector<16xi32>, vector<16xi32>], vector<16xf32>,
      %masked_sort3A_718 = arith.constant dense<true> : vector<16xi1>
      %masked_sort3A_719, %masked_sort3A_720, %masked_sort3A_721 = tpu.sort %gather3A_716, %add3A_712 masked %masked_sort3A_718 {descending = true} : (vector<16xf32>, vector<16xi32>, vector<16xi1>) -> (vector<16xi1>, vector<16xf32>, vector<16xi32>)
      %rev3A_722 = arith.constant 15 : i32
      %rev3A_723 = vector.broadcast %rev3A_722 : i32 to vector<16xi32>
      %rev3A_724 = tpu.iota {dimensions = array<i32: 0>} : vector<16xi32>
      %rev3A_725 = arith.subi %rev3A_723, %rev3A_724 : vector<16xi32>
      %rev3A_726 = tpu.dynamic_gather %masked_sort3A_720[%rev3A_725] in [0] : vector<16xf32>, vector<16xi32> -> vector<16xf32>
      %rev3A_727 = arith.constant 15 : i32
      %rev3A_728 = vector.broadcast %rev3A_727 : i32 to vector<16xi32>
      %rev3A_729 = tpu.iota {dimensions = array<i32: 0>} : vector<16xi32>
      %rev3A_730 = arith.subi %rev3A_728, %rev3A_729 : vector<16xi32>
      %rev3A_731 = tpu.dynamic_gather %masked_sort3A_721[%rev3A_730] in [0] : vector<16xi32>, vector<16xi32> -> vector<16xi32>
      %ge3A_732 = arith.cmpf oge, %masked_sort3A_687, %rev3A_726 : vector<16xf32>
      %select_n3A_733 = arith.select %ge3A_732, %masked_sort3A_687, %rev3A_726 : vector<16xi1>, vector<16xf32>
      %select_n3A_734 = arith.select %ge3A_732, %masked_sort3A_688, %rev3A_731 : vector<16xi1>, vector<16xi32>
      %masked_sort3A_735 = arith.constant dense<true> : vector<16xi1>
      %masked_sort3A_736, %masked_sort3A_737, %masked_sort3A_738 = tpu.sort %select_n3A_733, %select_n3A_734 masked %masked_sort3A_735 {descending = true} : (vector<16xf32>, vector<16xi32>, vector<16xi1>) -> (vector<16xi1>, vector<16xf32>, vector<16xi32>)
      %masked_sort3A_739 = arith.constant dense<true> : vector<16xi1>
      %masked_sort3A_740, %masked_sort3A_741, %masked_sort3A_742 = tpu.sort %gather3A_717, %add3A_715 masked %masked_sort3A_739 {descending = true} : (vector<16xf32>, vector<16xi32>, vector<16xi1>) -> (vector<16xi1>, vector<16xf32>, vector<16xi32>)
      %rev3A_743 = arith.constant 15 : i32
      %rev3A_744 = vector.broadcast %rev3A_743 : i32 to vector<16xi32>
      %rev3A_745 = tpu.iota {dimensions = array<i32: 0>} : vector<16xi32>
      %rev3A_746 = arith.subi %rev3A_744, %rev3A_745 : vector<16xi32>
      %rev3A_747 = tpu.dynamic_gather %masked_sort3A_741[%rev3A_746] in [0] : vector<16xf32>, vector<16xi32> -> vector<16xf32>
      %rev3A_748 = arith.constant 15 : i32
      %rev3A_749 = vector.broadcast %rev3A_748 : i32 to vector<16xi32>
      %rev3A_750 = tpu.iota {dimensions = array<i32: 0>} : vector<16xi32>
      %rev3A_751 = arith.subi %rev3A_749, %rev3A_750 : vector<16xi32>
      %rev3A_752 = tpu.dynamic_gather %masked_sort3A_742[%rev3A_751] in [0] : vector<16xi32>, vector<16xi32> -> vector<16xi32>
      %ge3A_753 = arith.cmpf oge, %masked_sort3A_708, %rev3A_747 : vector<16xf32>
      %select_n3A_754 = arith.select %ge3A_753, %masked_sort3A_708, %rev3A_747 : vector<16xi1>, vector<16xf32>
      %select_n3A_755 = arith.select %ge3A_753, %masked_sort3A_709, %rev3A_752 : vector<16xi1>, vector<16xi32>
      %masked_sort3A_756 = arith.constant dense<true> : vector<16xi1>
      %masked_sort3A_757, %masked_sort3A_758, %masked_sort3A_759 = tpu.sort %select_n3A_754, %select_n3A_755 masked %masked_sort3A_756 {descending = true} : (vector<16xf32>, vector<16xi32>, vector<16xi1>) -> (vector<16xi1>, vector<16xf32>, vector<16xi32>)
      %add3A_760 = arith.constant 256 : i32
      %add3A_761 = vector.broadcast %add3A_760 : i32 to vector<16xi32>
      %add3A_762 = arith.addi %add3A_761, %masked_sort3A_636 : vector<16xi32>
      %add3A_763 = arith.constant 256 : i32
      %add3A_764 = vector.broadcast %add3A_763 : i32 to vector<16xi32>
      %add3A_765 = arith.addi %add3A_764, %masked_sort3A_660 : vector<16xi32>
      %gather3A_766 = tpu.vector_load_idx %arg9[%broadcast_in_dim3A_16, %add3A_762] : memref<32x512xf32, #tpu.memory_space<vmem>>[vector<16xi32>, vector<16xi32>], vector<16xf32>,
      %gather3A_767 = tpu.vector_load_idx %arg9[%broadcast_in_dim3A_17, %add3A_765] : memref<32x512xf32, #tpu.memory_space<vmem>>[vector<16xi32>, vector<16xi32>], vector<16xf32>,
      %masked_sort3A_768 = arith.constant dense<true> : vector<16xi1>
      %masked_sort3A_769, %masked_sort3A_770, %masked_sort3A_771 = tpu.sort %gather3A_766, %add3A_762 masked %masked_sort3A_768 {descending = true} : (vector<16xf32>, vector<16xi32>, vector<16xi1>) -> (vector<16xi1>, vector<16xf32>, vector<16xi32>)
      %rev3A_772 = arith.constant 15 : i32
      %rev3A_773 = vector.broadcast %rev3A_772 : i32 to vector<16xi32>
      %rev3A_774 = tpu.iota {dimensions = array<i32: 0>} : vector<16xi32>
      %rev3A_775 = arith.subi %rev3A_773, %rev3A_774 : vector<16xi32>
      %rev3A_776 = tpu.dynamic_gather %masked_sort3A_770[%rev3A_775] in [0] : vector<16xf32>, vector<16xi32> -> vector<16xf32>
      %rev3A_777 = arith.constant 15 : i32
      %rev3A_778 = vector.broadcast %rev3A_777 : i32 to vector<16xi32>
      %rev3A_779 = tpu.iota {dimensions = array<i32: 0>} : vector<16xi32>
      %rev3A_780 = arith.subi %rev3A_778, %rev3A_779 : vector<16xi32>
      %rev3A_781 = tpu.dynamic_gather %masked_sort3A_771[%rev3A_780] in [0] : vector<16xi32>, vector<16xi32> -> vector<16xi32>
      %ge3A_782 = arith.cmpf oge, %masked_sort3A_737, %rev3A_776 : vector<16xf32>
      %select_n3A_783 = arith.select %ge3A_782, %masked_sort3A_737, %rev3A_776 : vector<16xi1>, vector<16xf32>
      %select_n3A_784 = arith.select %ge3A_782, %masked_sort3A_738, %rev3A_781 : vector<16xi1>, vector<16xi32>
      %masked_sort3A_785 = arith.constant dense<true> : vector<16xi1>
      %masked_sort3A_786, %masked_sort3A_787, %masked_sort3A_788 = tpu.sort %select_n3A_783, %select_n3A_784 masked %masked_sort3A_785 {descending = true} : (vector<16xf32>, vector<16xi32>, vector<16xi1>) -> (vector<16xi1>, vector<16xf32>, vector<16xi32>)
      %masked_sort3A_789 = arith.constant dense<true> : vector<16xi1>
      %masked_sort3A_790, %masked_sort3A_791, %masked_sort3A_792 = tpu.sort %gather3A_767, %add3A_765 masked %masked_sort3A_789 {descending = true} : (vector<16xf32>, vector<16xi32>, vector<16xi1>) -> (vector<16xi1>, vector<16xf32>, vector<16xi32>)
      %rev3A_793 = arith.constant 15 : i32
      %rev3A_794 = vector.broadcast %rev3A_793 : i32 to vector<16xi32>
      %rev3A_795 = tpu.iota {dimensions = array<i32: 0>} : vector<16xi32>
      %rev3A_796 = arith.subi %rev3A_794, %rev3A_795 : vector<16xi32>
      %rev3A_797 = tpu.dynamic_gather %masked_sort3A_791[%rev3A_796] in [0] : vector<16xf32>, vector<16xi32> -> vector<16xf32>
      %rev3A_798 = arith.constant 15 : i32
      %rev3A_799 = vector.broadcast %rev3A_798 : i32 to vector<16xi32>
      %rev3A_800 = tpu.iota {dimensions = array<i32: 0>} : vector<16xi32>
      %rev3A_801 = arith.subi %rev3A_799, %rev3A_800 : vector<16xi32>
      %rev3A_802 = tpu.dynamic_gather %masked_sort3A_792[%rev3A_801] in [0] : vector<16xi32>, vector<16xi32> -> vector<16xi32>
      %ge3A_803 = arith.cmpf oge, %masked_sort3A_758, %rev3A_797 : vector<16xf32>
      %select_n3A_804 = arith.select %ge3A_803, %masked_sort3A_758, %rev3A_797 : vector<16xi1>, vector<16xf32>
      %select_n3A_805 = arith.select %ge3A_803, %masked_sort3A_759, %rev3A_802 : vector<16xi1>, vector<16xi32>
      %masked_sort3A_806 = arith.constant dense<true> : vector<16xi1>
      %masked_sort3A_807, %masked_sort3A_808, %masked_sort3A_809 = tpu.sort %select_n3A_804, %select_n3A_805 masked %masked_sort3A_806 {descending = true} : (vector<16xf32>, vector<16xi32>, vector<16xi1>) -> (vector<16xi1>, vector<16xf32>, vector<16xi32>)
      %add3A_810 = arith.constant 384 : i32
      %add3A_811 = vector.broadcast %add3A_810 : i32 to vector<16xi32>
      %add3A_812 = arith.addi %add3A_811, %masked_sort3A_636 : vector<16xi32>
      %add3A_813 = arith.constant 384 : i32
      %add3A_814 = vector.broadcast %add3A_813 : i32 to vector<16xi32>
      %add3A_815 = arith.addi %add3A_814, %masked_sort3A_660 : vector<16xi32>
      %gather3A_816 = tpu.vector_load_idx %arg9[%broadcast_in_dim3A_16, %add3A_812] : memref<32x512xf32, #tpu.memory_space<vmem>>[vector<16xi32>, vector<16xi32>], vector<16xf32>,
      %gather3A_817 = tpu.vector_load_idx %arg9[%broadcast_in_dim3A_17, %add3A_815] : memref<32x512xf32, #tpu.memory_space<vmem>>[vector<16xi32>, vector<16xi32>], vector<16xf32>,
      %masked_sort3A_818 = arith.constant dense<true> : vector<16xi1>
      %masked_sort3A_819, %masked_sort3A_820, %masked_sort3A_821 = tpu.sort %gather3A_816, %add3A_812 masked %masked_sort3A_818 {descending = true} : (vector<16xf32>, vector<16xi32>, vector<16xi1>) -> (vector<16xi1>, vector<16xf32>, vector<16xi32>)
      %rev3A_822 = arith.constant 15 : i32
      %rev3A_823 = vector.broadcast %rev3A_822 : i32 to vector<16xi32>
      %rev3A_824 = tpu.iota {dimensions = array<i32: 0>} : vector<16xi32>
      %rev3A_825 = arith.subi %rev3A_823, %rev3A_824 : vector<16xi32>
      %rev3A_826 = tpu.dynamic_gather %masked_sort3A_820[%rev3A_825] in [0] : vector<16xf32>, vector<16xi32> -> vector<16xf32>
      %rev3A_827 = arith.constant 15 : i32
      %rev3A_828 = vector.broadcast %rev3A_827 : i32 to vector<16xi32>
      %rev3A_829 = tpu.iota {dimensions = array<i32: 0>} : vector<16xi32>
      %rev3A_830 = arith.subi %rev3A_828, %rev3A_829 : vector<16xi32>
      %rev3A_831 = tpu.dynamic_gather %masked_sort3A_821[%rev3A_830] in [0] : vector<16xi32>, vector<16xi32> -> vector<16xi32>
      %ge3A_832 = arith.cmpf oge, %masked_sort3A_787, %rev3A_826 : vector<16xf32>
      %select_n3A_833 = arith.select %ge3A_832, %masked_sort3A_787, %rev3A_826 : vector<16xi1>, vector<16xf32>
      %select_n3A_834 = arith.select %ge3A_832, %masked_sort3A_788, %rev3A_831 : vector<16xi1>, vector<16xi32>
      %masked_sort3A_835 = arith.constant dense<true> : vector<16xi1>
      %masked_sort3A_836, %masked_sort3A_837, %masked_sort3A_838 = tpu.sort %select_n3A_833, %select_n3A_834 masked %masked_sort3A_835 {descending = true} : (vector<16xf32>, vector<16xi32>, vector<16xi1>) -> (vector<16xi1>, vector<16xf32>, vector<16xi32>)
      %masked_sort3A_839 = arith.constant dense<true> : vector<16xi1>
      %masked_sort3A_840, %masked_sort3A_841, %masked_sort3A_842 = tpu.sort %gather3A_817, %add3A_815 masked %masked_sort3A_839 {descending = true} : (vector<16xf32>, vector<16xi32>, vector<16xi1>) -> (vector<16xi1>, vector<16xf32>, vector<16xi32>)
      %rev3A_843 = arith.constant 15 : i32
      %rev3A_844 = vector.broadcast %rev3A_843 : i32 to vector<16xi32>
      %rev3A_845 = tpu.iota {dimensions = array<i32: 0>} : vector<16xi32>
      %rev3A_846 = arith.subi %rev3A_844, %rev3A_845 : vector<16xi32>
      %rev3A_847 = tpu.dynamic_gather %masked_sort3A_841[%rev3A_846] in [0] : vector<16xf32>, vector<16xi32> -> vector<16xf32>
      %rev3A_848 = arith.constant 15 : i32
      %rev3A_849 = vector.broadcast %rev3A_848 : i32 to vector<16xi32>
      %rev3A_850 = tpu.iota {dimensions = array<i32: 0>} : vector<16xi32>
      %rev3A_851 = arith.subi %rev3A_849, %rev3A_850 : vector<16xi32>
      %rev3A_852 = tpu.dynamic_gather %masked_sort3A_842[%rev3A_851] in [0] : vector<16xi32>, vector<16xi32> -> vector<16xi32>
      %ge3A_853 = arith.cmpf oge, %masked_sort3A_808, %rev3A_847 : vector<16xf32>
      %select_n3A_854 = arith.select %ge3A_853, %masked_sort3A_808, %rev3A_847 : vector<16xi1>, vector<16xf32>
      %select_n3A_855 = arith.select %ge3A_853, %masked_sort3A_809, %rev3A_852 : vector<16xi1>, vector<16xi32>
      %masked_sort3A_856 = arith.constant dense<true> : vector<16xi1>
      %masked_sort3A_857, %masked_sort3A_858, %masked_sort3A_859 = tpu.sort %select_n3A_854, %select_n3A_855 masked %masked_sort3A_856 {descending = true} : (vector<16xf32>, vector<16xi32>, vector<16xi1>) -> (vector<16xi1>, vector<16xf32>, vector<16xi32>)
      %dma_wait3A = arith.constant 0 : i32
      %dma_wait3A_860 = arith.constant 0 : i32
      %dma_wait3A_861 = tpu.memref_slice %arg10[%dma_wait3A, %dma_wait3A_860] : memref<2x8192xf32, #tpu.memory_space<vmem>> -> memref<1x8192xf32, #tpu.memory_space<vmem>>
      %dma_wait3A_862 = tpu.memref_squeeze %dma_wait3A_861 : memref<1x8192xf32, #tpu.memory_space<vmem>> -> memref<8192xf32, #tpu.memory_space<vmem>>
      %dma_wait3A_863 = arith.constant 0 : i32
      %dma_wait3A_864 = tpu.memref_slice %arg2[%add3A_14, %dma_wait3A_863] : memref<1024x8192xf32, #tpu.memory_space<hbm>> -> memref<1x8192xf32, #tpu.memory_space<hbm>>
      %dma_wait3A_865 = tpu.memref_squeeze %dma_wait3A_864 : memref<1x8192xf32, #tpu.memory_space<hbm>> -> memref<8192xf32, #tpu.memory_space<hbm>>
      %dma_wait3A_866 = arith.constant 0 : i32
      %dma_wait3A_867 = tpu.memref_slice %arg10[%dma_wait3A, %dma_wait3A_866] : memref<2x8192xf32, #tpu.memory_space<vmem>> -> memref<1x8192xf32, #tpu.memory_space<vmem>>
      %dma_wait3A_868 = tpu.memref_squeeze %dma_wait3A_867 : memref<1x8192xf32, #tpu.memory_space<vmem>> -> memref<8192xf32, #tpu.memory_space<vmem>>
      %dma_wait3A_869 = arith.constant 0 : i32
      %dma_wait3A_870 = tpu.memref_slice %arg2[%add3A_14, %dma_wait3A_869] : memref<1024x8192xf32, #tpu.memory_space<hbm>> -> memref<1x8192xf32, #tpu.memory_space<hbm>>
      %dma_wait3A_871 = tpu.memref_squeeze %dma_wait3A_870 : memref<1x8192xf32, #tpu.memory_space<hbm>> -> memref<8192xf32, #tpu.memory_space<hbm>>
      tpu.wait_dma2 semaphore(%arg26 : memref<!tpu.dma_semaphore, #tpu.memory_space<semaphore_mem>>) src(%dma_wait3A_871 : memref<8192xf32, #tpu.memory_space<hbm>>) dst(%dma_wait3A_868 : memref<8192xf32, #tpu.memory_space<vmem>>)
      %dma_wait3A_872 = arith.constant 1 : i32
      %dma_wait3A_873 = arith.constant 0 : i32
      %dma_wait3A_874 = tpu.memref_slice %arg10[%dma_wait3A_872, %dma_wait3A_873] : memref<2x8192xf32, #tpu.memory_space<vmem>> -> memref<1x8192xf32, #tpu.memory_space<vmem>>
      %dma_wait3A_875 = tpu.memref_squeeze %dma_wait3A_874 : memref<1x8192xf32, #tpu.memory_space<vmem>> -> memref<8192xf32, #tpu.memory_space<vmem>>
      %dma_wait3A_876 = arith.constant 0 : i32
      %dma_wait3A_877 = tpu.memref_slice %arg2[%add3A_15, %dma_wait3A_876] : memref<1024x8192xf32, #tpu.memory_space<hbm>> -> memref<1x8192xf32, #tpu.memory_space<hbm>>
      %dma_wait3A_878 = tpu.memref_squeeze %dma_wait3A_877 : memref<1x8192xf32, #tpu.memory_space<hbm>> -> memref<8192xf32, #tpu.memory_space<hbm>>
      %dma_wait3A_879 = arith.constant 0 : i32
      %dma_wait3A_880 = tpu.memref_slice %arg10[%dma_wait3A_872, %dma_wait3A_879] : memref<2x8192xf32, #tpu.memory_space<vmem>> -> memref<1x8192xf32, #tpu.memory_space<vmem>>
      %dma_wait3A_881 = tpu.memref_squeeze %dma_wait3A_880 : memref<1x8192xf32, #tpu.memory_space<vmem>> -> memref<8192xf32, #tpu.memory_space<vmem>>
      %dma_wait3A_882 = arith.constant 0 : i32
      %dma_wait3A_883 = tpu.memref_slice %arg2[%add3A_15, %dma_wait3A_882] : memref<1024x8192xf32, #tpu.memory_space<hbm>> -> memref<1x8192xf32, #tpu.memory_space<hbm>>
      %dma_wait3A_884 = tpu.memref_squeeze %dma_wait3A_883 : memref<1x8192xf32, #tpu.memory_space<hbm>> -> memref<8192xf32, #tpu.memory_space<hbm>>
      tpu.wait_dma2 semaphore(%arg27 : memref<!tpu.dma_semaphore, #tpu.memory_space<semaphore_mem>>) src(%dma_wait3A_884 : memref<8192xf32, #tpu.memory_space<hbm>>) dst(%dma_wait3A_881 : memref<8192xf32, #tpu.memory_space<vmem>>)
      %broadcast_in_dim3A_885 = arith.constant 0 : i32
      %broadcast_in_dim3A_886 = vector.broadcast %broadcast_in_dim3A_885 : i32 to vector<16xi32>
      %broadcast_in_dim3A_887 = arith.constant 1 : i32
      %broadcast_in_dim3A_888 = vector.broadcast %broadcast_in_dim3A_887 : i32 to vector<16xi32>
      %broadcast_in_dim3A_889 = arith.constant 0 : i32
      %broadcast_in_dim3A_890 = vector.broadcast %broadcast_in_dim3A_889 : i32 to vector<16xi32>
      %lt3A = arith.constant 0 : i32
      %lt3A_891 = vector.broadcast %lt3A : i32 to vector<16xi32>
      %lt3A_892 = arith.cmpi slt, %broadcast_in_dim3A_890, %lt3A_891 : vector<16xi32>
      %add3A_893 = arith.constant 16 : i32
      %add3A_894 = vector.broadcast %add3A_893 : i32 to vector<16xi32>
      %add3A_895 = arith.addi %broadcast_in_dim3A_890, %add3A_894 : vector<16xi32>
      %select_n3A_896 = arith.select %lt3A_892, %add3A_895, %broadcast_in_dim3A_890 : vector<16xi1>, vector<16xi32>
      %broadcast_in_dim3A_897 = vector.shape_cast %select_n3A_896 : vector<16xi32> to vector<16x1xi32>
      %gather3A_898 = vector.shape_cast %broadcast_in_dim3A_897 : vector<16x1xi32> to vector<16xi32>
      %gather3A_899 = tpu.dynamic_gather %masked_sort3A_838[%gather3A_898] in [0] : vector<16xi32>, vector<16xi32> -> vector<16xi32>
      %broadcast_in_dim3A_900 = arith.constant 0 : i32
      %broadcast_in_dim3A_901 = vector.broadcast %broadcast_in_dim3A_900 : i32 to vector<16xi32>
      %lt3A_902 = arith.constant 0 : i32
      %lt3A_903 = vector.broadcast %lt3A_902 : i32 to vector<16xi32>
      %lt3A_904 = arith.cmpi slt, %broadcast_in_dim3A_901, %lt3A_903 : vector<16xi32>
      %add3A_905 = arith.constant 16 : i32
      %add3A_906 = vector.broadcast %add3A_905 : i32 to vector<16xi32>
      %add3A_907 = arith.addi %broadcast_in_dim3A_901, %add3A_906 : vector<16xi32>
      %select_n3A_908 = arith.select %lt3A_904, %add3A_907, %broadcast_in_dim3A_901 : vector<16xi1>, vector<16xi32>
      %broadcast_in_dim3A_909 = vector.shape_cast %select_n3A_908 : vector<16xi32> to vector<16x1xi32>
      %gather3A_910 = vector.shape_cast %broadcast_in_dim3A_909 : vector<16x1xi32> to vector<16xi32>
      %gather3A_911 = tpu.dynamic_gather %masked_sort3A_859[%gather3A_910] in [0] : vector<16xi32>, vector<16xi32> -> vector<16xi32>
      %shift_right_arithmetic3A = arith.constant 7 : i32
      %shift_right_arithmetic3A_912 = vector.broadcast %shift_right_arithmetic3A : i32 to vector<16xi32>
      %shift_right_arithmetic3A_913 = arith.shrsi %gather3A_899, %shift_right_arithmetic3A_912 : vector<16xi32>
      %mul3A_914 = arith.constant 2048 : i32
      %mul3A_915 = vector.broadcast %mul3A_914 : i32 to vector<16xi32>
      %mul3A_916 = arith.muli %shift_right_arithmetic3A_913, %mul3A_915 : vector<16xi32>
      %and3A = arith.constant 127 : i32
      %and3A_917 = vector.broadcast %and3A : i32 to vector<16xi32>
      %and3A_918 = arith.andi %gather3A_899, %and3A_917 : vector<16xi32>
      %add3A_919 = arith.addi %mul3A_916, %and3A_918 : vector<16xi32>
      %mul3A_920 = arith.constant 128 : i32
      %mul3A_921 = vector.broadcast %mul3A_920 : i32 to vector<16xi32>
      %mul3A_922 = arith.muli %mul3A_921, %iota3A : vector<16xi32>
      %add3A_923 = arith.addi %add3A_919, %mul3A_922 : vector<16xi32>
      %shift_right_arithmetic3A_924 = arith.constant 7 : i32
      %shift_right_arithmetic3A_925 = vector.broadcast %shift_right_arithmetic3A_924 : i32 to vector<16xi32>
      %shift_right_arithmetic3A_926 = arith.shrsi %gather3A_911, %shift_right_arithmetic3A_925 : vector<16xi32>
      %mul3A_927 = arith.constant 2048 : i32
      %mul3A_928 = vector.broadcast %mul3A_927 : i32 to vector<16xi32>
      %mul3A_929 = arith.muli %shift_right_arithmetic3A_926, %mul3A_928 : vector<16xi32>
      %and3A_930 = arith.constant 127 : i32
      %and3A_931 = vector.broadcast %and3A_930 : i32 to vector<16xi32>
      %and3A_932 = arith.andi %gather3A_911, %and3A_931 : vector<16xi32>
      %add3A_933 = arith.addi %mul3A_929, %and3A_932 : vector<16xi32>
      %mul3A_934 = arith.constant 128 : i32
      %mul3A_935 = vector.broadcast %mul3A_934 : i32 to vector<16xi32>
      %mul3A_936 = arith.muli %mul3A_935, %iota3A : vector<16xi32>
      %add3A_937 = arith.addi %add3A_933, %mul3A_936 : vector<16xi32>
      %gather3A_938 = tpu.vector_load_idx %arg10[%broadcast_in_dim3A_886, %add3A_923] : memref<2x8192xf32, #tpu.memory_space<vmem>>[vector<16xi32>, vector<16xi32>], vector<16xf32>,
      %gather3A_939 = tpu.vector_load_idx %arg10[%broadcast_in_dim3A_888, %add3A_937] : memref<2x8192xf32, #tpu.memory_space<vmem>>[vector<16xi32>, vector<16xi32>], vector<16xf32>,
      %masked_sort3A_940 = arith.constant dense<true> : vector<16xi1>
      %masked_sort3A_941, %masked_sort3A_942, %masked_sort3A_943 = tpu.sort %gather3A_938, %add3A_923 masked %masked_sort3A_940 {descending = true} : (vector<16xf32>, vector<16xi32>, vector<16xi1>) -> (vector<16xi1>, vector<16xf32>, vector<16xi32>)
      %rev3A_944 = arith.constant 15 : i32
      %rev3A_945 = vector.broadcast %rev3A_944 : i32 to vector<16xi32>
      %rev3A_946 = tpu.iota {dimensions = array<i32: 0>} : vector<16xi32>
      %rev3A_947 = arith.subi %rev3A_945, %rev3A_946 : vector<16xi32>
      %rev3A_948 = tpu.dynamic_gather %masked_sort3A_942[%rev3A_947] in [0] : vector<16xf32>, vector<16xi32> -> vector<16xf32>
      %rev3A_949 = arith.constant 15 : i32
      %rev3A_950 = vector.broadcast %rev3A_949 : i32 to vector<16xi32>
      %rev3A_951 = tpu.iota {dimensions = array<i32: 0>} : vector<16xi32>
      %rev3A_952 = arith.subi %rev3A_950, %rev3A_951 : vector<16xi32>
      %rev3A_953 = tpu.dynamic_gather %masked_sort3A_943[%rev3A_952] in [0] : vector<16xi32>, vector<16xi32> -> vector<16xi32>
      %ge3A_954 = arith.cmpf oge, %broadcast_in_dim3A_3, %rev3A_948 : vector<16xf32>
      %select_n3A_955 = arith.select %ge3A_954, %broadcast_in_dim3A_3, %rev3A_948 : vector<16xi1>, vector<16xf32>
      %select_n3A_956 = arith.select %ge3A_954, %broadcast_in_dim3A_5, %rev3A_953 : vector<16xi1>, vector<16xi32>
      %masked_sort3A_957 = arith.constant dense<true> : vector<16xi1>
      %masked_sort3A_958, %masked_sort3A_959, %masked_sort3A_960 = tpu.sort %select_n3A_955, %select_n3A_956 masked %masked_sort3A_957 {descending = true} : (vector<16xf32>, vector<16xi32>, vector<16xi1>) -> (vector<16xi1>, vector<16xf32>, vector<16xi32>)
      %masked_sort3A_961 = arith.constant dense<true> : vector<16xi1>
      %masked_sort3A_962, %masked_sort3A_963, %masked_sort3A_964 = tpu.sort %gather3A_939, %add3A_937 masked %masked_sort3A_961 {descending = true} : (vector<16xf32>, vector<16xi32>, vector<16xi1>) -> (vector<16xi1>, vector<16xf32>, vector<16xi32>)
      %rev3A_965 = arith.constant 15 : i32
      %rev3A_966 = vector.broadcast %rev3A_965 : i32 to vector<16xi32>
      %rev3A_967 = tpu.iota {dimensions = array<i32: 0>} : vector<16xi32>
      %rev3A_968 = arith.subi %rev3A_966, %rev3A_967 : vector<16xi32>
      %rev3A_969 = tpu.dynamic_gather %masked_sort3A_963[%rev3A_968] in [0] : vector<16xf32>, vector<16xi32> -> vector<16xf32>
      %rev3A_970 = arith.constant 15 : i32
      %rev3A_971 = vector.broadcast %rev3A_970 : i32 to vector<16xi32>
      %rev3A_972 = tpu.iota {dimensions = array<i32: 0>} : vector<16xi32>
      %rev3A_973 = arith.subi %rev3A_971, %rev3A_972 : vector<16xi32>
      %rev3A_974 = tpu.dynamic_gather %masked_sort3A_964[%rev3A_973] in [0] : vector<16xi32>, vector<16xi32> -> vector<16xi32>
      %ge3A_975 = arith.cmpf oge, %broadcast_in_dim3A_3, %rev3A_969 : vector<16xf32>
      %select_n3A_976 = arith.select %ge3A_975, %broadcast_in_dim3A_3, %rev3A_969 : vector<16xi1>, vector<16xf32>
      %select_n3A_977 = arith.select %ge3A_975, %broadcast_in_dim3A_5, %rev3A_974 : vector<16xi1>, vector<16xi32>
      %masked_sort3A_978 = arith.constant dense<true> : vector<16xi1>
      %masked_sort3A_979, %masked_sort3A_980, %masked_sort3A_981 = tpu.sort %select_n3A_976, %select_n3A_977 masked %masked_sort3A_978 {descending = true} : (vector<16xf32>, vector<16xi32>, vector<16xi1>) -> (vector<16xi1>, vector<16xf32>, vector<16xi32>)
      %broadcast_in_dim3A_982 = arith.constant 1 : i32
      %broadcast_in_dim3A_983 = vector.broadcast %broadcast_in_dim3A_982 : i32 to vector<16xi32>
      %lt3A_984 = arith.constant 0 : i32
      %lt3A_985 = vector.broadcast %lt3A_984 : i32 to vector<16xi32>
      %lt3A_986 = arith.cmpi slt, %broadcast_in_dim3A_983, %lt3A_985 : vector<16xi32>
      %add3A_987 = arith.constant 16 : i32
      %add3A_988 = vector.broadcast %add3A_987 : i32 to vector<16xi32>
      %add3A_989 = arith.addi %broadcast_in_dim3A_983, %add3A_988 : vector<16xi32>
      %select_n3A_990 = arith.select %lt3A_986, %add3A_989, %broadcast_in_dim3A_983 : vector<16xi1>, vector<16xi32>
      %broadcast_in_dim3A_991 = vector.shape_cast %select_n3A_990 : vector<16xi32> to vector<16x1xi32>
      %gather3A_992 = vector.shape_cast %broadcast_in_dim3A_991 : vector<16x1xi32> to vector<16xi32>
      %gather3A_993 = tpu.dynamic_gather %masked_sort3A_838[%gather3A_992] in [0] : vector<16xi32>, vector<16xi32> -> vector<16xi32>
      %broadcast_in_dim3A_994 = arith.constant 1 : i32
      %broadcast_in_dim3A_995 = vector.broadcast %broadcast_in_dim3A_994 : i32 to vector<16xi32>
      %lt3A_996 = arith.constant 0 : i32
      %lt3A_997 = vector.broadcast %lt3A_996 : i32 to vector<16xi32>
      %lt3A_998 = arith.cmpi slt, %broadcast_in_dim3A_995, %lt3A_997 : vector<16xi32>
      %add3A_999 = arith.constant 16 : i32
      %add3A_1000 = vector.broadcast %add3A_999 : i32 to vector<16xi32>
      %add3A_1001 = arith.addi %broadcast_in_dim3A_995, %add3A_1000 : vector<16xi32>
      %select_n3A_1002 = arith.select %lt3A_998, %add3A_1001, %broadcast_in_dim3A_995 : vector<16xi1>, vector<16xi32>
      %broadcast_in_dim3A_1003 = vector.shape_cast %select_n3A_1002 : vector<16xi32> to vector<16x1xi32>
      %gather3A_1004 = vector.shape_cast %broadcast_in_dim3A_1003 : vector<16x1xi32> to vector<16xi32>
      %gather3A_1005 = tpu.dynamic_gather %masked_sort3A_859[%gather3A_1004] in [0] : vector<16xi32>, vector<16xi32> -> vector<16xi32>
      %shift_right_arithmetic3A_1006 = arith.constant 7 : i32
      %shift_right_arithmetic3A_1007 = vector.broadcast %shift_right_arithmetic3A_1006 : i32 to vector<16xi32>
      %shift_right_arithmetic3A_1008 = arith.shrsi %gather3A_993, %shift_right_arithmetic3A_1007 : vector<16xi32>
      %mul3A_1009 = arith.constant 2048 : i32
      %mul3A_1010 = vector.broadcast %mul3A_1009 : i32 to vector<16xi32>
      %mul3A_1011 = arith.muli %shift_right_arithmetic3A_1008, %mul3A_1010 : vector<16xi32>
      %and3A_1012 = arith.constant 127 : i32
      %and3A_1013 = vector.broadcast %and3A_1012 : i32 to vector<16xi32>
      %and3A_1014 = arith.andi %gather3A_993, %and3A_1013 : vector<16xi32>
      %add3A_1015 = arith.addi %mul3A_1011, %and3A_1014 : vector<16xi32>
      %mul3A_1016 = arith.constant 128 : i32
      %mul3A_1017 = vector.broadcast %mul3A_1016 : i32 to vector<16xi32>
      %mul3A_1018 = arith.muli %mul3A_1017, %iota3A : vector<16xi32>
      %add3A_1019 = arith.addi %add3A_1015, %mul3A_1018 : vector<16xi32>
      %shift_right_arithmetic3A_1020 = arith.constant 7 : i32
      %shift_right_arithmetic3A_1021 = vector.broadcast %shift_right_arithmetic3A_1020 : i32 to vector<16xi32>
      %shift_right_arithmetic3A_1022 = arith.shrsi %gather3A_1005, %shift_right_arithmetic3A_1021 : vector<16xi32>
      %mul3A_1023 = arith.constant 2048 : i32
      %mul3A_1024 = vector.broadcast %mul3A_1023 : i32 to vector<16xi32>
      %mul3A_1025 = arith.muli %shift_right_arithmetic3A_1022, %mul3A_1024 : vector<16xi32>
      %and3A_1026 = arith.constant 127 : i32
      %and3A_1027 = vector.broadcast %and3A_1026 : i32 to vector<16xi32>
      %and3A_1028 = arith.andi %gather3A_1005, %and3A_1027 : vector<16xi32>
      %add3A_1029 = arith.addi %mul3A_1025, %and3A_1028 : vector<16xi32>
      %mul3A_1030 = arith.constant 128 : i32
      %mul3A_1031 = vector.broadcast %mul3A_1030 : i32 to vector<16xi32>
      %mul3A_1032 = arith.muli %mul3A_1031, %iota3A : vector<16xi32>
      %add3A_1033 = arith.addi %add3A_1029, %mul3A_1032 : vector<16xi32>
      %gather3A_1034 = tpu.vector_load_idx %arg10[%broadcast_in_dim3A_886, %add3A_1019] : memref<2x8192xf32, #tpu.memory_space<vmem>>[vector<16xi32>, vector<16xi32>], vector<16xf32>,
      %gather3A_1035 = tpu.vector_load_idx %arg10[%broadcast_in_dim3A_888, %add3A_1033] : memref<2x8192xf32, #tpu.memory_space<vmem>>[vector<16xi32>, vector<16xi32>], vector<16xf32>,
      %masked_sort3A_1036 = arith.constant dense<true> : vector<16xi1>
      %masked_sort3A_1037, %masked_sort3A_1038, %masked_sort3A_1039 = tpu.sort %gather3A_1034, %add3A_1019 masked %masked_sort3A_1036 {descending = true} : (vector<16xf32>, vector<16xi32>, vector<16xi1>) -> (vector<16xi1>, vector<16xf32>, vector<16xi32>)
      %rev3A_1040 = arith.constant 15 : i32
      %rev3A_1041 = vector.broadcast %rev3A_1040 : i32 to vector<16xi32>
      %rev3A_1042 = tpu.iota {dimensions = array<i32: 0>} : vector<16xi32>
      %rev3A_1043 = arith.subi %rev3A_1041, %rev3A_1042 : vector<16xi32>
      %rev3A_1044 = tpu.dynamic_gather %masked_sort3A_1038[%rev3A_1043] in [0] : vector<16xf32>, vector<16xi32> -> vector<16xf32>
      %rev3A_1045 = arith.constant 15 : i32
      %rev3A_1046 = vector.broadcast %rev3A_1045 : i32 to vector<16xi32>
      %rev3A_1047 = tpu.iota {dimensions = array<i32: 0>} : vector<16xi32>
      %rev3A_1048 = arith.subi %rev3A_1046, %rev3A_1047 : vector<16xi32>
      %rev3A_1049 = tpu.dynamic_gather %masked_sort3A_1039[%rev3A_1048] in [0] : vector<16xi32>, vector<16xi32> -> vector<16xi32>
      %ge3A_1050 = arith.cmpf oge, %masked_sort3A_959, %rev3A_1044 : vector<16xf32>
      %select_n3A_1051 = arith.select %ge3A_1050, %masked_sort3A_959, %rev3A_1044 : vector<16xi1>, vector<16xf32>
      %select_n3A_1052 = arith.select %ge3A_1050, %masked_sort3A_960, %rev3A_1049 : vector<16xi1>, vector<16xi32>
      %masked_sort3A_1053 = arith.constant dense<true> : vector<16xi1>
      %masked_sort3A_1054, %masked_sort3A_1055, %masked_sort3A_1056 = tpu.sort %select_n3A_1051, %select_n3A_1052 masked %masked_sort3A_1053 {descending = true} : (vector<16xf32>, vector<16xi32>, vector<16xi1>) -> (vector<16xi1>, vector<16xf32>, vector<16xi32>)
      %masked_sort3A_1057 = arith.constant dense<true> : vector<16xi1>
      %masked_sort3A_1058, %masked_sort3A_1059, %masked_sort3A_1060 = tpu.sort %gather3A_1035, %add3A_1033 masked %masked_sort3A_1057 {descending = true} : (vector<16xf32>, vector<16xi32>, vector<16xi1>) -> (vector<16xi1>, vector<16xf32>, vector<16xi32>)
      %rev3A_1061 = arith.constant 15 : i32
      %rev3A_1062 = vector.broadcast %rev3A_1061 : i32 to vector<16xi32>
      %rev3A_1063 = tpu.iota {dimensions = array<i32: 0>} : vector<16xi32>
      %rev3A_1064 = arith.subi %rev3A_1062, %rev3A_1063 : vector<16xi32>
      %rev3A_1065 = tpu.dynamic_gather %masked_sort3A_1059[%rev3A_1064] in [0] : vector<16xf32>, vector<16xi32> -> vector<16xf32>
      %rev3A_1066 = arith.constant 15 : i32
      %rev3A_1067 = vector.broadcast %rev3A_1066 : i32 to vector<16xi32>
      %rev3A_1068 = tpu.iota {dimensions = array<i32: 0>} : vector<16xi32>
      %rev3A_1069 = arith.subi %rev3A_1067, %rev3A_1068 : vector<16xi32>
      %rev3A_1070 = tpu.dynamic_gather %masked_sort3A_1060[%rev3A_1069] in [0] : vector<16xi32>, vector<16xi32> -> vector<16xi32>
      %ge3A_1071 = arith.cmpf oge, %masked_sort3A_980, %rev3A_1065 : vector<16xf32>
      %select_n3A_1072 = arith.select %ge3A_1071, %masked_sort3A_980, %rev3A_1065 : vector<16xi1>, vector<16xf32>
      %select_n3A_1073 = arith.select %ge3A_1071, %masked_sort3A_981, %rev3A_1070 : vector<16xi1>, vector<16xi32>
      %masked_sort3A_1074 = arith.constant dense<true> : vector<16xi1>
      %masked_sort3A_1075, %masked_sort3A_1076, %masked_sort3A_1077 = tpu.sort %select_n3A_1072, %select_n3A_1073 masked %masked_sort3A_1074 {descending = true} : (vector<16xf32>, vector<16xi32>, vector<16xi1>) -> (vector<16xi1>, vector<16xf32>, vector<16xi32>)
      %broadcast_in_dim3A_1078 = arith.constant 2 : i32
      %broadcast_in_dim3A_1079 = vector.broadcast %broadcast_in_dim3A_1078 : i32 to vector<16xi32>
      %lt3A_1080 = arith.constant 0 : i32
      %lt3A_1081 = vector.broadcast %lt3A_1080 : i32 to vector<16xi32>
      %lt3A_1082 = arith.cmpi slt, %broadcast_in_dim3A_1079, %lt3A_1081 : vector<16xi32>
      %add3A_1083 = arith.constant 16 : i32
      %add3A_1084 = vector.broadcast %add3A_1083 : i32 to vector<16xi32>
      %add3A_1085 = arith.addi %broadcast_in_dim3A_1079, %add3A_1084 : vector<16xi32>
      %select_n3A_1086 = arith.select %lt3A_1082, %add3A_1085, %broadcast_in_dim3A_1079 : vector<16xi1>, vector<16xi32>
      %broadcast_in_dim3A_1087 = vector.shape_cast %select_n3A_1086 : vector<16xi32> to vector<16x1xi32>
      %gather3A_1088 = vector.shape_cast %broadcast_in_dim3A_1087 : vector<16x1xi32> to vector<16xi32>
      %gather3A_1089 = tpu.dynamic_gather %masked_sort3A_838[%gather3A_1088] in [0] : vector<16xi32>, vector<16xi32> -> vector<16xi32>
      %broadcast_in_dim3A_1090 = arith.constant 2 : i32
      %broadcast_in_dim3A_1091 = vector.broadcast %broadcast_in_dim3A_1090 : i32 to vector<16xi32>
      %lt3A_1092 = arith.constant 0 : i32
      %lt3A_1093 = vector.broadcast %lt3A_1092 : i32 to vector<16xi32>
      %lt3A_1094 = arith.cmpi slt, %broadcast_in_dim3A_1091, %lt3A_1093 : vector<16xi32>
      %add3A_1095 = arith.constant 16 : i32
      %add3A_1096 = vector.broadcast %add3A_1095 : i32 to vector<16xi32>
      %add3A_1097 = arith.addi %broadcast_in_dim3A_1091, %add3A_1096 : vector<16xi32>
      %select_n3A_1098 = arith.select %lt3A_1094, %add3A_1097, %broadcast_in_dim3A_1091 : vector<16xi1>, vector<16xi32>
      %broadcast_in_dim3A_1099 = vector.shape_cast %select_n3A_1098 : vector<16xi32> to vector<16x1xi32>
      %gather3A_1100 = vector.shape_cast %broadcast_in_dim3A_1099 : vector<16x1xi32> to vector<16xi32>
      %gather3A_1101 = tpu.dynamic_gather %masked_sort3A_859[%gather3A_1100] in [0] : vector<16xi32>, vector<16xi32> -> vector<16xi32>
      %shift_right_arithmetic3A_1102 = arith.constant 7 : i32
      %shift_right_arithmetic3A_1103 = vector.broadcast %shift_right_arithmetic3A_1102 : i32 to vector<16xi32>
      %shift_right_arithmetic3A_1104 = arith.shrsi %gather3A_1089, %shift_right_arithmetic3A_1103 : vector<16xi32>
      %mul3A_1105 = arith.constant 2048 : i32
      %mul3A_1106 = vector.broadcast %mul3A_1105 : i32 to vector<16xi32>
      %mul3A_1107 = arith.muli %shift_right_arithmetic3A_1104, %mul3A_1106 : vector<16xi32>
      %and3A_1108 = arith.constant 127 : i32
      %and3A_1109 = vector.broadcast %and3A_1108 : i32 to vector<16xi32>
      %and3A_1110 = arith.andi %gather3A_1089, %and3A_1109 : vector<16xi32>
      %add3A_1111 = arith.addi %mul3A_1107, %and3A_1110 : vector<16xi32>
      %mul3A_1112 = arith.constant 128 : i32
      %mul3A_1113 = vector.broadcast %mul3A_1112 : i32 to vector<16xi32>
      %mul3A_1114 = arith.muli %mul3A_1113, %iota3A : vector<16xi32>
      %add3A_1115 = arith.addi %add3A_1111, %mul3A_1114 : vector<16xi32>
      %shift_right_arithmetic3A_1116 = arith.constant 7 : i32
      %shift_right_arithmetic3A_1117 = vector.broadcast %shift_right_arithmetic3A_1116 : i32 to vector<16xi32>
      %shift_right_arithmetic3A_1118 = arith.shrsi %gather3A_1101, %shift_right_arithmetic3A_1117 : vector<16xi32>
      %mul3A_1119 = arith.constant 2048 : i32
      %mul3A_1120 = vector.broadcast %mul3A_1119 : i32 to vector<16xi32>
      %mul3A_1121 = arith.muli %shift_right_arithmetic3A_1118, %mul3A_1120 : vector<16xi32>
      %and3A_1122 = arith.constant 127 : i32
      %and3A_1123 = vector.broadcast %and3A_1122 : i32 to vector<16xi32>
      %and3A_1124 = arith.andi %gather3A_1101, %and3A_1123 : vector<16xi32>
      %add3A_1125 = arith.addi %mul3A_1121, %and3A_1124 : vector<16xi32>
      %mul3A_1126 = arith.constant 128 : i32
      %mul3A_1127 = vector.broadcast %mul3A_1126 : i32 to vector<16xi32>
      %mul3A_1128 = arith.muli %mul3A_1127, %iota3A : vector<16xi32>
      %add3A_1129 = arith.addi %add3A_1125, %mul3A_1128 : vector<16xi32>
      %gather3A_1130 = tpu.vector_load_idx %arg10[%broadcast_in_dim3A_886, %add3A_1115] : memref<2x8192xf32, #tpu.memory_space<vmem>>[vector<16xi32>, vector<16xi32>], vector<16xf32>,
      %gather3A_1131 = tpu.vector_load_idx %arg10[%broadcast_in_dim3A_888, %add3A_1129] : memref<2x8192xf32, #tpu.memory_space<vmem>>[vector<16xi32>, vector<16xi32>], vector<16xf32>,
      %masked_sort3A_1132 = arith.constant dense<true> : vector<16xi1>
      %masked_sort3A_1133, %masked_sort3A_1134, %masked_sort3A_1135 = tpu.sort %gather3A_1130, %add3A_1115 masked %masked_sort3A_1132 {descending = true} : (vector<16xf32>, vector<16xi32>, vector<16xi1>) -> (vector<16xi1>, vector<16xf32>, vector<16xi32>)
      %rev3A_1136 = arith.constant 15 : i32
      %rev3A_1137 = vector.broadcast %rev3A_1136 : i32 to vector<16xi32>
      %rev3A_1138 = tpu.iota {dimensions = array<i32: 0>} : vector<16xi32>
      %rev3A_1139 = arith.subi %rev3A_1137, %rev3A_1138 : vector<16xi32>
      %rev3A_1140 = tpu.dynamic_gather %masked_sort3A_1134[%rev3A_1139] in [0] : vector<16xf32>, vector<16xi32> -> vector<16xf32>
      %rev3A_1141 = arith.constant 15 : i32
      %rev3A_1142 = vector.broadcast %rev3A_1141 : i32 to vector<16xi32>
      %rev3A_1143 = tpu.iota {dimensions = array<i32: 0>} : vector<16xi32>
      %rev3A_1144 = arith.subi %rev3A_1142, %rev3A_1143 : vector<16xi32>
      %rev3A_1145 = tpu.dynamic_gather %masked_sort3A_1135[%rev3A_1144] in [0] : vector<16xi32>, vector<16xi32> -> vector<16xi32>
      %ge3A_1146 = arith.cmpf oge, %masked_sort3A_1055, %rev3A_1140 : vector<16xf32>
      %select_n3A_1147 = arith.select %ge3A_1146, %masked_sort3A_1055, %rev3A_1140 : vector<16xi1>, vector<16xf32>
      %select_n3A_1148 = arith.select %ge3A_1146, %masked_sort3A_1056, %rev3A_1145 : vector<16xi1>, vector<16xi32>
      %masked_sort3A_1149 = arith.constant dense<true> : vector<16xi1>
      %masked_sort3A_1150, %masked_sort3A_1151, %masked_sort3A_1152 = tpu.sort %select_n3A_1147, %select_n3A_1148 masked %masked_sort3A_1149 {descending = true} : (vector<16xf32>, vector<16xi32>, vector<16xi1>) -> (vector<16xi1>, vector<16xf32>, vector<16xi32>)
      %masked_sort3A_1153 = arith.constant dense<true> : vector<16xi1>
      %masked_sort3A_1154, %masked_sort3A_1155, %masked_sort3A_1156 = tpu.sort %gather3A_1131, %add3A_1129 masked %masked_sort3A_1153 {descending = true} : (vector<16xf32>, vector<16xi32>, vector<16xi1>) -> (vector<16xi1>, vector<16xf32>, vector<16xi32>)
      %rev3A_1157 = arith.constant 15 : i32
      %rev3A_1158 = vector.broadcast %rev3A_1157 : i32 to vector<16xi32>
      %rev3A_1159 = tpu.iota {dimensions = array<i32: 0>} : vector<16xi32>
      %rev3A_1160 = arith.subi %rev3A_1158, %rev3A_1159 : vector<16xi32>
      %rev3A_1161 = tpu.dynamic_gather %masked_sort3A_1155[%rev3A_1160] in [0] : vector<16xf32>, vector<16xi32> -> vector<16xf32>
      %rev3A_1162 = arith.constant 15 : i32
      %rev3A_1163 = vector.broadcast %rev3A_1162 : i32 to vector<16xi32>
      %rev3A_1164 = tpu.iota {dimensions = array<i32: 0>} : vector<16xi32>
      %rev3A_1165 = arith.subi %rev3A_1163, %rev3A_1164 : vector<16xi32>
      %rev3A_1166 = tpu.dynamic_gather %masked_sort3A_1156[%rev3A_1165] in [0] : vector<16xi32>, vector<16xi32> -> vector<16xi32>
      %ge3A_1167 = arith.cmpf oge, %masked_sort3A_1076, %rev3A_1161 : vector<16xf32>
      %select_n3A_1168 = arith.select %ge3A_1167, %masked_sort3A_1076, %rev3A_1161 : vector<16xi1>, vector<16xf32>
      %select_n3A_1169 = arith.select %ge3A_1167, %masked_sort3A_1077, %rev3A_1166 : vector<16xi1>, vector<16xi32>
      %masked_sort3A_1170 = arith.constant dense<true> : vector<16xi1>
      %masked_sort3A_1171, %masked_sort3A_1172, %masked_sort3A_1173 = tpu.sort %select_n3A_1168, %select_n3A_1169 masked %masked_sort3A_1170 {descending = true} : (vector<16xf32>, vector<16xi32>, vector<16xi1>) -> (vector<16xi1>, vector<16xf32>, vector<16xi32>)
      %broadcast_in_dim3A_1174 = arith.constant 3 : i32
      %broadcast_in_dim3A_1175 = vector.broadcast %broadcast_in_dim3A_1174 : i32 to vector<16xi32>
      %lt3A_1176 = arith.constant 0 : i32
      %lt3A_1177 = vector.broadcast %lt3A_1176 : i32 to vector<16xi32>
      %lt3A_1178 = arith.cmpi slt, %broadcast_in_dim3A_1175, %lt3A_1177 : vector<16xi32>
      %add3A_1179 = arith.constant 16 : i32
      %add3A_1180 = vector.broadcast %add3A_1179 : i32 to vector<16xi32>
      %add3A_1181 = arith.addi %broadcast_in_dim3A_1175, %add3A_1180 : vector<16xi32>
      %select_n3A_1182 = arith.select %lt3A_1178, %add3A_1181, %broadcast_in_dim3A_1175 : vector<16xi1>, vector<16xi32>
      %broadcast_in_dim3A_1183 = vector.shape_cast %select_n3A_1182 : vector<16xi32> to vector<16x1xi32>
      %gather3A_1184 = vector.shape_cast %broadcast_in_dim3A_1183 : vector<16x1xi32> to vector<16xi32>
      %gather3A_1185 = tpu.dynamic_gather %masked_sort3A_838[%gather3A_1184] in [0] : vector<16xi32>, vector<16xi32> -> vector<16xi32>
      %broadcast_in_dim3A_1186 = arith.constant 3 : i32
      %broadcast_in_dim3A_1187 = vector.broadcast %broadcast_in_dim3A_1186 : i32 to vector<16xi32>
      %lt3A_1188 = arith.constant 0 : i32
      %lt3A_1189 = vector.broadcast %lt3A_1188 : i32 to vector<16xi32>
      %lt3A_1190 = arith.cmpi slt, %broadcast_in_dim3A_1187, %lt3A_1189 : vector<16xi32>
      %add3A_1191 = arith.constant 16 : i32
      %add3A_1192 = vector.broadcast %add3A_1191 : i32 to vector<16xi32>
      %add3A_1193 = arith.addi %broadcast_in_dim3A_1187, %add3A_1192 : vector<16xi32>
      %select_n3A_1194 = arith.select %lt3A_1190, %add3A_1193, %broadcast_in_dim3A_1187 : vector<16xi1>, vector<16xi32>
      %broadcast_in_dim3A_1195 = vector.shape_cast %select_n3A_1194 : vector<16xi32> to vector<16x1xi32>
      %gather3A_1196 = vector.shape_cast %broadcast_in_dim3A_1195 : vector<16x1xi32> to vector<16xi32>
      %gather3A_1197 = tpu.dynamic_gather %masked_sort3A_859[%gather3A_1196] in [0] : vector<16xi32>, vector<16xi32> -> vector<16xi32>
      %shift_right_arithmetic3A_1198 = arith.constant 7 : i32
      %shift_right_arithmetic3A_1199 = vector.broadcast %shift_right_arithmetic3A_1198 : i32 to vector<16xi32>
      %shift_right_arithmetic3A_1200 = arith.shrsi %gather3A_1185, %shift_right_arithmetic3A_1199 : vector<16xi32>
      %mul3A_1201 = arith.constant 2048 : i32
      %mul3A_1202 = vector.broadcast %mul3A_1201 : i32 to vector<16xi32>
      %mul3A_1203 = arith.muli %shift_right_arithmetic3A_1200, %mul3A_1202 : vector<16xi32>
      %and3A_1204 = arith.constant 127 : i32
      %and3A_1205 = vector.broadcast %and3A_1204 : i32 to vector<16xi32>
      %and3A_1206 = arith.andi %gather3A_1185, %and3A_1205 : vector<16xi32>
      %add3A_1207 = arith.addi %mul3A_1203, %and3A_1206 : vector<16xi32>
      %mul3A_1208 = arith.constant 128 : i32
      %mul3A_1209 = vector.broadcast %mul3A_1208 : i32 to vector<16xi32>
      %mul3A_1210 = arith.muli %mul3A_1209, %iota3A : vector<16xi32>
      %add3A_1211 = arith.addi %add3A_1207, %mul3A_1210 : vector<16xi32>
      %shift_right_arithmetic3A_1212 = arith.constant 7 : i32
      %shift_right_arithmetic3A_1213 = vector.broadcast %shift_right_arithmetic3A_1212 : i32 to vector<16xi32>
      %shift_right_arithmetic3A_1214 = arith.shrsi %gather3A_1197, %shift_right_arithmetic3A_1213 : vector<16xi32>
      %mul3A_1215 = arith.constant 2048 : i32
      %mul3A_1216 = vector.broadcast %mul3A_1215 : i32 to vector<16xi32>
      %mul3A_1217 = arith.muli %shift_right_arithmetic3A_1214, %mul3A_1216 : vector<16xi32>
      %and3A_1218 = arith.constant 127 : i32
      %and3A_1219 = vector.broadcast %and3A_1218 : i32 to vector<16xi32>
      %and3A_1220 = arith.andi %gather3A_1197, %and3A_1219 : vector<16xi32>
      %add3A_1221 = arith.addi %mul3A_1217, %and3A_1220 : vector<16xi32>
      %mul3A_1222 = arith.constant 128 : i32
      %mul3A_1223 = vector.broadcast %mul3A_1222 : i32 to vector<16xi32>
      %mul3A_1224 = arith.muli %mul3A_1223, %iota3A : vector<16xi32>
      %add3A_1225 = arith.addi %add3A_1221, %mul3A_1224 : vector<16xi32>
      %gather3A_1226 = tpu.vector_load_idx %arg10[%broadcast_in_dim3A_886, %add3A_1211] : memref<2x8192xf32, #tpu.memory_space<vmem>>[vector<16xi32>, vector<16xi32>], vector<16xf32>,
      %gather3A_1227 = tpu.vector_load_idx %arg10[%broadcast_in_dim3A_888, %add3A_1225] : memref<2x8192xf32, #tpu.memory_space<vmem>>[vector<16xi32>, vector<16xi32>], vector<16xf32>,
      %masked_sort3A_1228 = arith.constant dense<true> : vector<16xi1>
      %masked_sort3A_1229, %masked_sort3A_1230, %masked_sort3A_1231 = tpu.sort %gather3A_1226, %add3A_1211 masked %masked_sort3A_1228 {descending = true} : (vector<16xf32>, vector<16xi32>, vector<16xi1>) -> (vector<16xi1>, vector<16xf32>, vector<16xi32>)
      %rev3A_1232 = arith.constant 15 : i32
      %rev3A_1233 = vector.broadcast %rev3A_1232 : i32 to vector<16xi32>
      %rev3A_1234 = tpu.iota {dimensions = array<i32: 0>} : vector<16xi32>
      %rev3A_1235 = arith.subi %rev3A_1233, %rev3A_1234 : vector<16xi32>
      %rev3A_1236 = tpu.dynamic_gather %masked_sort3A_1230[%rev3A_1235] in [0] : vector<16xf32>, vector<16xi32> -> vector<16xf32>
      %rev3A_1237 = arith.constant 15 : i32
      %rev3A_1238 = vector.broadcast %rev3A_1237 : i32 to vector<16xi32>
      %rev3A_1239 = tpu.iota {dimensions = array<i32: 0>} : vector<16xi32>
      %rev3A_1240 = arith.subi %rev3A_1238, %rev3A_1239 : vector<16xi32>
      %rev3A_1241 = tpu.dynamic_gather %masked_sort3A_1231[%rev3A_1240] in [0] : vector<16xi32>, vector<16xi32> -> vector<16xi32>
      %ge3A_1242 = arith.cmpf oge, %masked_sort3A_1151, %rev3A_1236 : vector<16xf32>
      %select_n3A_1243 = arith.select %ge3A_1242, %masked_sort3A_1151, %rev3A_1236 : vector<16xi1>, vector<16xf32>
      %select_n3A_1244 = arith.select %ge3A_1242, %masked_sort3A_1152, %rev3A_1241 : vector<16xi1>, vector<16xi32>
      %masked_sort3A_1245 = arith.constant dense<true> : vector<16xi1>
      %masked_sort3A_1246, %masked_sort3A_1247, %masked_sort3A_1248 = tpu.sort %select_n3A_1243, %select_n3A_1244 masked %masked_sort3A_1245 {descending = true} : (vector<16xf32>, vector<16xi32>, vector<16xi1>) -> (vector<16xi1>, vector<16xf32>, vector<16xi32>)
      %masked_sort3A_1249 = arith.constant dense<true> : vector<16xi1>
      %masked_sort3A_1250, %masked_sort3A_1251, %masked_sort3A_1252 = tpu.sort %gather3A_1227, %add3A_1225 masked %masked_sort3A_1249 {descending = true} : (vector<16xf32>, vector<16xi32>, vector<16xi1>) -> (vector<16xi1>, vector<16xf32>, vector<16xi32>)
      %rev3A_1253 = arith.constant 15 : i32
      %rev3A_1254 = vector.broadcast %rev3A_1253 : i32 to vector<16xi32>
      %rev3A_1255 = tpu.iota {dimensions = array<i32: 0>} : vector<16xi32>
      %rev3A_1256 = arith.subi %rev3A_1254, %rev3A_1255 : vector<16xi32>
      %rev3A_1257 = tpu.dynamic_gather %masked_sort3A_1251[%rev3A_1256] in [0] : vector<16xf32>, vector<16xi32> -> vector<16xf32>
      %rev3A_1258 = arith.constant 15 : i32
      %rev3A_1259 = vector.broadcast %rev3A_1258 : i32 to vector<16xi32>
      %rev3A_1260 = tpu.iota {dimensions = array<i32: 0>} : vector<16xi32>
      %rev3A_1261 = arith.subi %rev3A_1259, %rev3A_1260 : vector<16xi32>
      %rev3A_1262 = tpu.dynamic_gather %masked_sort3A_1252[%rev3A_1261] in [0] : vector<16xi32>, vector<16xi32> -> vector<16xi32>
      %ge3A_1263 = arith.cmpf oge, %masked_sort3A_1172, %rev3A_1257 : vector<16xf32>
      %select_n3A_1264 = arith.select %ge3A_1263, %masked_sort3A_1172, %rev3A_1257 : vector<16xi1>, vector<16xf32>
      %select_n3A_1265 = arith.select %ge3A_1263, %masked_sort3A_1173, %rev3A_1262 : vector<16xi1>, vector<16xi32>
      %masked_sort3A_1266 = arith.constant dense<true> : vector<16xi1>
      %masked_sort3A_1267, %masked_sort3A_1268, %masked_sort3A_1269 = tpu.sort %select_n3A_1264, %select_n3A_1265 masked %masked_sort3A_1266 {descending = true} : (vector<16xf32>, vector<16xi32>, vector<16xi1>) -> (vector<16xi1>, vector<16xf32>, vector<16xi32>)
      %broadcast_in_dim3A_1270 = arith.constant 4 : i32
      %broadcast_in_dim3A_1271 = vector.broadcast %broadcast_in_dim3A_1270 : i32 to vector<16xi32>
      %lt3A_1272 = arith.constant 0 : i32
      %lt3A_1273 = vector.broadcast %lt3A_1272 : i32 to vector<16xi32>
      %lt3A_1274 = arith.cmpi slt, %broadcast_in_dim3A_1271, %lt3A_1273 : vector<16xi32>
      %add3A_1275 = arith.constant 16 : i32
      %add3A_1276 = vector.broadcast %add3A_1275 : i32 to vector<16xi32>
      %add3A_1277 = arith.addi %broadcast_in_dim3A_1271, %add3A_1276 : vector<16xi32>
      %select_n3A_1278 = arith.select %lt3A_1274, %add3A_1277, %broadcast_in_dim3A_1271 : vector<16xi1>, vector<16xi32>
      %broadcast_in_dim3A_1279 = vector.shape_cast %select_n3A_1278 : vector<16xi32> to vector<16x1xi32>
      %gather3A_1280 = vector.shape_cast %broadcast_in_dim3A_1279 : vector<16x1xi32> to vector<16xi32>
      %gather3A_1281 = tpu.dynamic_gather %masked_sort3A_838[%gather3A_1280] in [0] : vector<16xi32>, vector<16xi32> -> vector<16xi32>
      %broadcast_in_dim3A_1282 = arith.constant 4 : i32
      %broadcast_in_dim3A_1283 = vector.broadcast %broadcast_in_dim3A_1282 : i32 to vector<16xi32>
      %lt3A_1284 = arith.constant 0 : i32
      %lt3A_1285 = vector.broadcast %lt3A_1284 : i32 to vector<16xi32>
      %lt3A_1286 = arith.cmpi slt, %broadcast_in_dim3A_1283, %lt3A_1285 : vector<16xi32>
      %add3A_1287 = arith.constant 16 : i32
      %add3A_1288 = vector.broadcast %add3A_1287 : i32 to vector<16xi32>
      %add3A_1289 = arith.addi %broadcast_in_dim3A_1283, %add3A_1288 : vector<16xi32>
      %select_n3A_1290 = arith.select %lt3A_1286, %add3A_1289, %broadcast_in_dim3A_1283 : vector<16xi1>, vector<16xi32>
      %broadcast_in_dim3A_1291 = vector.shape_cast %select_n3A_1290 : vector<16xi32> to vector<16x1xi32>
      %gather3A_1292 = vector.shape_cast %broadcast_in_dim3A_1291 : vector<16x1xi32> to vector<16xi32>
      %gather3A_1293 = tpu.dynamic_gather %masked_sort3A_859[%gather3A_1292] in [0] : vector<16xi32>, vector<16xi32> -> vector<16xi32>
      %shift_right_arithmetic3A_1294 = arith.constant 7 : i32
      %shift_right_arithmetic3A_1295 = vector.broadcast %shift_right_arithmetic3A_1294 : i32 to vector<16xi32>
      %shift_right_arithmetic3A_1296 = arith.shrsi %gather3A_1281, %shift_right_arithmetic3A_1295 : vector<16xi32>
      %mul3A_1297 = arith.constant 2048 : i32
      %mul3A_1298 = vector.broadcast %mul3A_1297 : i32 to vector<16xi32>
      %mul3A_1299 = arith.muli %shift_right_arithmetic3A_1296, %mul3A_1298 : vector<16xi32>
      %and3A_1300 = arith.constant 127 : i32
      %and3A_1301 = vector.broadcast %and3A_1300 : i32 to vector<16xi32>
      %and3A_1302 = arith.andi %gather3A_1281, %and3A_1301 : vector<16xi32>
      %add3A_1303 = arith.addi %mul3A_1299, %and3A_1302 : vector<16xi32>
      %mul3A_1304 = arith.constant 128 : i32
      %mul3A_1305 = vector.broadcast %mul3A_1304 : i32 to vector<16xi32>
      %mul3A_1306 = arith.muli %mul3A_1305, %iota3A : vector<16xi32>
      %add3A_1307 = arith.addi %add3A_1303, %mul3A_1306 : vector<16xi32>
      %shift_right_arithmetic3A_1308 = arith.constant 7 : i32
      %shift_right_arithmetic3A_1309 = vector.broadcast %shift_right_arithmetic3A_1308 : i32 to vector<16xi32>
      %shift_right_arithmetic3A_1310 = arith.shrsi %gather3A_1293, %shift_right_arithmetic3A_1309 : vector<16xi32>
      %mul3A_1311 = arith.constant 2048 : i32
      %mul3A_1312 = vector.broadcast %mul3A_1311 : i32 to vector<16xi32>
      %mul3A_1313 = arith.muli %shift_right_arithmetic3A_1310, %mul3A_1312 : vector<16xi32>
      %and3A_1314 = arith.constant 127 : i32
      %and3A_1315 = vector.broadcast %and3A_1314 : i32 to vector<16xi32>
      %and3A_1316 = arith.andi %gather3A_1293, %and3A_1315 : vector<16xi32>
      %add3A_1317 = arith.addi %mul3A_1313, %and3A_1316 : vector<16xi32>
      %mul3A_1318 = arith.constant 128 : i32
      %mul3A_1319 = vector.broadcast %mul3A_1318 : i32 to vector<16xi32>
      %mul3A_1320 = arith.muli %mul3A_1319, %iota3A : vector<16xi32>
      %add3A_1321 = arith.addi %add3A_1317, %mul3A_1320 : vector<16xi32>
      %gather3A_1322 = tpu.vector_load_idx %arg10[%broadcast_in_dim3A_886, %add3A_1307] : memref<2x8192xf32, #tpu.memory_space<vmem>>[vector<16xi32>, vector<16xi32>], vector<16xf32>,
      %gather3A_1323 = tpu.vector_load_idx %arg10[%broadcast_in_dim3A_888, %add3A_1321] : memref<2x8192xf32, #tpu.memory_space<vmem>>[vector<16xi32>, vector<16xi32>], vector<16xf32>,
      %masked_sort3A_1324 = arith.constant dense<true> : vector<16xi1>
      %masked_sort3A_1325, %masked_sort3A_1326, %masked_sort3A_1327 = tpu.sort %gather3A_1322, %add3A_1307 masked %masked_sort3A_1324 {descending = true} : (vector<16xf32>, vector<16xi32>, vector<16xi1>) -> (vector<16xi1>, vector<16xf32>, vector<16xi32>)
      %rev3A_1328 = arith.constant 15 : i32
      %rev3A_1329 = vector.broadcast %rev3A_1328 : i32 to vector<16xi32>
      %rev3A_1330 = tpu.iota {dimensions = array<i32: 0>} : vector<16xi32>
      %rev3A_1331 = arith.subi %rev3A_1329, %rev3A_1330 : vector<16xi32>
      %rev3A_1332 = tpu.dynamic_gather %masked_sort3A_1326[%rev3A_1331] in [0] : vector<16xf32>, vector<16xi32> -> vector<16xf32>
      %rev3A_1333 = arith.constant 15 : i32
      %rev3A_1334 = vector.broadcast %rev3A_1333 : i32 to vector<16xi32>
      %rev3A_1335 = tpu.iota {dimensions = array<i32: 0>} : vector<16xi32>
      %rev3A_1336 = arith.subi %rev3A_1334, %rev3A_1335 : vector<16xi32>
      %rev3A_1337 = tpu.dynamic_gather %masked_sort3A_1327[%rev3A_1336] in [0] : vector<16xi32>, vector<16xi32> -> vector<16xi32>
      %ge3A_1338 = arith.cmpf oge, %masked_sort3A_1247, %rev3A_1332 : vector<16xf32>
      %select_n3A_1339 = arith.select %ge3A_1338, %masked_sort3A_1247, %rev3A_1332 : vector<16xi1>, vector<16xf32>
      %select_n3A_1340 = arith.select %ge3A_1338, %masked_sort3A_1248, %rev3A_1337 : vector<16xi1>, vector<16xi32>
      %masked_sort3A_1341 = arith.constant dense<true> : vector<16xi1>
      %masked_sort3A_1342, %masked_sort3A_1343, %masked_sort3A_1344 = tpu.sort %select_n3A_1339, %select_n3A_1340 masked %masked_sort3A_1341 {descending = true} : (vector<16xf32>, vector<16xi32>, vector<16xi1>) -> (vector<16xi1>, vector<16xf32>, vector<16xi32>)
      %masked_sort3A_1345 = arith.constant dense<true> : vector<16xi1>
      %masked_sort3A_1346, %masked_sort3A_1347, %masked_sort3A_1348 = tpu.sort %gather3A_1323, %add3A_1321 masked %masked_sort3A_1345 {descending = true} : (vector<16xf32>, vector<16xi32>, vector<16xi1>) -> (vector<16xi1>, vector<16xf32>, vector<16xi32>)
      %rev3A_1349 = arith.constant 15 : i32
      %rev3A_1350 = vector.broadcast %rev3A_1349 : i32 to vector<16xi32>
      %rev3A_1351 = tpu.iota {dimensions = array<i32: 0>} : vector<16xi32>
      %rev3A_1352 = arith.subi %rev3A_1350, %rev3A_1351 : vector<16xi32>
      %rev3A_1353 = tpu.dynamic_gather %masked_sort3A_1347[%rev3A_1352] in [0] : vector<16xf32>, vector<16xi32> -> vector<16xf32>
      %rev3A_1354 = arith.constant 15 : i32
      %rev3A_1355 = vector.broadcast %rev3A_1354 : i32 to vector<16xi32>
      %rev3A_1356 = tpu.iota {dimensions = array<i32: 0>} : vector<16xi32>
      %rev3A_1357 = arith.subi %rev3A_1355, %rev3A_1356 : vector<16xi32>
      %rev3A_1358 = tpu.dynamic_gather %masked_sort3A_1348[%rev3A_1357] in [0] : vector<16xi32>, vector<16xi32> -> vector<16xi32>
      %ge3A_1359 = arith.cmpf oge, %masked_sort3A_1268, %rev3A_1353 : vector<16xf32>
      %select_n3A_1360 = arith.select %ge3A_1359, %masked_sort3A_1268, %rev3A_1353 : vector<16xi1>, vector<16xf32>
      %select_n3A_1361 = arith.select %ge3A_1359, %masked_sort3A_1269, %rev3A_1358 : vector<16xi1>, vector<16xi32>
      %masked_sort3A_1362 = arith.constant dense<true> : vector<16xi1>
      %masked_sort3A_1363, %masked_sort3A_1364, %masked_sort3A_1365 = tpu.sort %select_n3A_1360, %select_n3A_1361 masked %masked_sort3A_1362 {descending = true} : (vector<16xf32>, vector<16xi32>, vector<16xi1>) -> (vector<16xi1>, vector<16xf32>, vector<16xi32>)
      %broadcast_in_dim3A_1366 = arith.constant 5 : i32
      %broadcast_in_dim3A_1367 = vector.broadcast %broadcast_in_dim3A_1366 : i32 to vector<16xi32>
      %lt3A_1368 = arith.constant 0 : i32
      %lt3A_1369 = vector.broadcast %lt3A_1368 : i32 to vector<16xi32>
      %lt3A_1370 = arith.cmpi slt, %broadcast_in_dim3A_1367, %lt3A_1369 : vector<16xi32>
      %add3A_1371 = arith.constant 16 : i32
      %add3A_1372 = vector.broadcast %add3A_1371 : i32 to vector<16xi32>
      %add3A_1373 = arith.addi %broadcast_in_dim3A_1367, %add3A_1372 : vector<16xi32>
      %select_n3A_1374 = arith.select %lt3A_1370, %add3A_1373, %broadcast_in_dim3A_1367 : vector<16xi1>, vector<16xi32>
      %broadcast_in_dim3A_1375 = vector.shape_cast %select_n3A_1374 : vector<16xi32> to vector<16x1xi32>
      %gather3A_1376 = vector.shape_cast %broadcast_in_dim3A_1375 : vector<16x1xi32> to vector<16xi32>
      %gather3A_1377 = tpu.dynamic_gather %masked_sort3A_838[%gather3A_1376] in [0] : vector<16xi32>, vector<16xi32> -> vector<16xi32>
      %broadcast_in_dim3A_1378 = arith.constant 5 : i32
      %broadcast_in_dim3A_1379 = vector.broadcast %broadcast_in_dim3A_1378 : i32 to vector<16xi32>
      %lt3A_1380 = arith.constant 0 : i32
      %lt3A_1381 = vector.broadcast %lt3A_1380 : i32 to vector<16xi32>
      %lt3A_1382 = arith.cmpi slt, %broadcast_in_dim3A_1379, %lt3A_1381 : vector<16xi32>
      %add3A_1383 = arith.constant 16 : i32
      %add3A_1384 = vector.broadcast %add3A_1383 : i32 to vector<16xi32>
      %add3A_1385 = arith.addi %broadcast_in_dim3A_1379, %add3A_1384 : vector<16xi32>
      %select_n3A_1386 = arith.select %lt3A_1382, %add3A_1385, %broadcast_in_dim3A_1379 : vector<16xi1>, vector<16xi32>
      %broadcast_in_dim3A_1387 = vector.shape_cast %select_n3A_1386 : vector<16xi32> to vector<16x1xi32>
      %gather3A_1388 = vector.shape_cast %broadcast_in_dim3A_1387 : vector<16x1xi32> to vector<16xi32>
      %gather3A_1389 = tpu.dynamic_gather %masked_sort3A_859[%gather3A_1388] in [0] : vector<16xi32>, vector<16xi32> -> vector<16xi32>
      %shift_right_arithmetic3A_1390 = arith.constant 7 : i32
      %shift_right_arithmetic3A_1391 = vector.broadcast %shift_right_arithmetic3A_1390 : i32 to vector<16xi32>
      %shift_right_arithmetic3A_1392 = arith.shrsi %gather3A_1377, %shift_right_arithmetic3A_1391 : vector<16xi32>
      %mul3A_1393 = arith.constant 2048 : i32
      %mul3A_1394 = vector.broadcast %mul3A_1393 : i32 to vector<16xi32>
      %mul3A_1395 = arith.muli %shift_right_arithmetic3A_1392, %mul3A_1394 : vector<16xi32>
      %and3A_1396 = arith.constant 127 : i32
      %and3A_1397 = vector.broadcast %and3A_1396 : i32 to vector<16xi32>
      %and3A_1398 = arith.andi %gather3A_1377, %and3A_1397 : vector<16xi32>
      %add3A_1399 = arith.addi %mul3A_1395, %and3A_1398 : vector<16xi32>
      %mul3A_1400 = arith.constant 128 : i32
      %mul3A_1401 = vector.broadcast %mul3A_1400 : i32 to vector<16xi32>
      %mul3A_1402 = arith.muli %mul3A_1401, %iota3A : vector<16xi32>
      %add3A_1403 = arith.addi %add3A_1399, %mul3A_1402 : vector<16xi32>
      %shift_right_arithmetic3A_1404 = arith.constant 7 : i32
      %shift_right_arithmetic3A_1405 = vector.broadcast %shift_right_arithmetic3A_1404 : i32 to vector<16xi32>
      %shift_right_arithmetic3A_1406 = arith.shrsi %gather3A_1389, %shift_right_arithmetic3A_1405 : vector<16xi32>
      %mul3A_1407 = arith.constant 2048 : i32
      %mul3A_1408 = vector.broadcast %mul3A_1407 : i32 to vector<16xi32>
      %mul3A_1409 = arith.muli %shift_right_arithmetic3A_1406, %mul3A_1408 : vector<16xi32>
      %and3A_1410 = arith.constant 127 : i32
      %and3A_1411 = vector.broadcast %and3A_1410 : i32 to vector<16xi32>
      %and3A_1412 = arith.andi %gather3A_1389, %and3A_1411 : vector<16xi32>
      %add3A_1413 = arith.addi %mul3A_1409, %and3A_1412 : vector<16xi32>
      %mul3A_1414 = arith.constant 128 : i32
      %mul3A_1415 = vector.broadcast %mul3A_1414 : i32 to vector<16xi32>
      %mul3A_1416 = arith.muli %mul3A_1415, %iota3A : vector<16xi32>
      %add3A_1417 = arith.addi %add3A_1413, %mul3A_1416 : vector<16xi32>
      %gather3A_1418 = tpu.vector_load_idx %arg10[%broadcast_in_dim3A_886, %add3A_1403] : memref<2x8192xf32, #tpu.memory_space<vmem>>[vector<16xi32>, vector<16xi32>], vector<16xf32>,
      %gather3A_1419 = tpu.vector_load_idx %arg10[%broadcast_in_dim3A_888, %add3A_1417] : memref<2x8192xf32, #tpu.memory_space<vmem>>[vector<16xi32>, vector<16xi32>], vector<16xf32>,
      %masked_sort3A_1420 = arith.constant dense<true> : vector<16xi1>
      %masked_sort3A_1421, %masked_sort3A_1422, %masked_sort3A_1423 = tpu.sort %gather3A_1418, %add3A_1403 masked %masked_sort3A_1420 {descending = true} : (vector<16xf32>, vector<16xi32>, vector<16xi1>) -> (vector<16xi1>, vector<16xf32>, vector<16xi32>)
      %rev3A_1424 = arith.constant 15 : i32
      %rev3A_1425 = vector.broadcast %rev3A_1424 : i32 to vector<16xi32>
      %rev3A_1426 = tpu.iota {dimensions = array<i32: 0>} : vector<16xi32>
      %rev3A_1427 = arith.subi %rev3A_1425, %rev3A_1426 : vector<16xi32>
      %rev3A_1428 = tpu.dynamic_gather %masked_sort3A_1422[%rev3A_1427] in [0] : vector<16xf32>, vector<16xi32> -> vector<16xf32>
      %rev3A_1429 = arith.constant 15 : i32
      %rev3A_1430 = vector.broadcast %rev3A_1429 : i32 to vector<16xi32>
      %rev3A_1431 = tpu.iota {dimensions = array<i32: 0>} : vector<16xi32>
      %rev3A_1432 = arith.subi %rev3A_1430, %rev3A_1431 : vector<16xi32>
      %rev3A_1433 = tpu.dynamic_gather %masked_sort3A_1423[%rev3A_1432] in [0] : vector<16xi32>, vector<16xi32> -> vector<16xi32>
      %ge3A_1434 = arith.cmpf oge, %masked_sort3A_1343, %rev3A_1428 : vector<16xf32>
      %select_n3A_1435 = arith.select %ge3A_1434, %masked_sort3A_1343, %rev3A_1428 : vector<16xi1>, vector<16xf32>
      %select_n3A_1436 = arith.select %ge3A_1434, %masked_sort3A_1344, %rev3A_1433 : vector<16xi1>, vector<16xi32>
      %masked_sort3A_1437 = arith.constant dense<true> : vector<16xi1>
      %masked_sort3A_1438, %masked_sort3A_1439, %masked_sort3A_1440 = tpu.sort %select_n3A_1435, %select_n3A_1436 masked %masked_sort3A_1437 {descending = true} : (vector<16xf32>, vector<16xi32>, vector<16xi1>) -> (vector<16xi1>, vector<16xf32>, vector<16xi32>)
      %masked_sort3A_1441 = arith.constant dense<true> : vector<16xi1>
      %masked_sort3A_1442, %masked_sort3A_1443, %masked_sort3A_1444 = tpu.sort %gather3A_1419, %add3A_1417 masked %masked_sort3A_1441 {descending = true} : (vector<16xf32>, vector<16xi32>, vector<16xi1>) -> (vector<16xi1>, vector<16xf32>, vector<16xi32>)
      %rev3A_1445 = arith.constant 15 : i32
      %rev3A_1446 = vector.broadcast %rev3A_1445 : i32 to vector<16xi32>
      %rev3A_1447 = tpu.iota {dimensions = array<i32: 0>} : vector<16xi32>
      %rev3A_1448 = arith.subi %rev3A_1446, %rev3A_1447 : vector<16xi32>
      %rev3A_1449 = tpu.dynamic_gather %masked_sort3A_1443[%rev3A_1448] in [0] : vector<16xf32>, vector<16xi32> -> vector<16xf32>
      %rev3A_1450 = arith.constant 15 : i32
      %rev3A_1451 = vector.broadcast %rev3A_1450 : i32 to vector<16xi32>
      %rev3A_1452 = tpu.iota {dimensions = array<i32: 0>} : vector<16xi32>
      %rev3A_1453 = arith.subi %rev3A_1451, %rev3A_1452 : vector<16xi32>
      %rev3A_1454 = tpu.dynamic_gather %masked_sort3A_1444[%rev3A_1453] in [0] : vector<16xi32>, vector<16xi32> -> vector<16xi32>
      %ge3A_1455 = arith.cmpf oge, %masked_sort3A_1364, %rev3A_1449 : vector<16xf32>
      %select_n3A_1456 = arith.select %ge3A_1455, %masked_sort3A_1364, %rev3A_1449 : vector<16xi1>, vector<16xf32>
      %select_n3A_1457 = arith.select %ge3A_1455, %masked_sort3A_1365, %rev3A_1454 : vector<16xi1>, vector<16xi32>
      %masked_sort3A_1458 = arith.constant dense<true> : vector<16xi1>
      %masked_sort3A_1459, %masked_sort3A_1460, %masked_sort3A_1461 = tpu.sort %select_n3A_1456, %select_n3A_1457 masked %masked_sort3A_1458 {descending = true} : (vector<16xf32>, vector<16xi32>, vector<16xi1>) -> (vector<16xi1>, vector<16xf32>, vector<16xi32>)
      %broadcast_in_dim3A_1462 = arith.constant 6 : i32
      %broadcast_in_dim3A_1463 = vector.broadcast %broadcast_in_dim3A_1462 : i32 to vector<16xi32>
      %lt3A_1464 = arith.constant 0 : i32
      %lt3A_1465 = vector.broadcast %lt3A_1464 : i32 to vector<16xi32>
      %lt3A_1466 = arith.cmpi slt, %broadcast_in_dim3A_1463, %lt3A_1465 : vector<16xi32>
      %add3A_1467 = arith.constant 16 : i32
      %add3A_1468 = vector.broadcast %add3A_1467 : i32 to vector<16xi32>
      %add3A_1469 = arith.addi %broadcast_in_dim3A_1463, %add3A_1468 : vector<16xi32>
      %select_n3A_1470 = arith.select %lt3A_1466, %add3A_1469, %broadcast_in_dim3A_1463 : vector<16xi1>, vector<16xi32>
      %broadcast_in_dim3A_1471 = vector.shape_cast %select_n3A_1470 : vector<16xi32> to vector<16x1xi32>
      %gather3A_1472 = vector.shape_cast %broadcast_in_dim3A_1471 : vector<16x1xi32> to vector<16xi32>
      %gather3A_1473 = tpu.dynamic_gather %masked_sort3A_838[%gather3A_1472] in [0] : vector<16xi32>, vector<16xi32> -> vector<16xi32>
      %broadcast_in_dim3A_1474 = arith.constant 6 : i32
      %broadcast_in_dim3A_1475 = vector.broadcast %broadcast_in_dim3A_1474 : i32 to vector<16xi32>
      %lt3A_1476 = arith.constant 0 : i32
      %lt3A_1477 = vector.broadcast %lt3A_1476 : i32 to vector<16xi32>
      %lt3A_1478 = arith.cmpi slt, %broadcast_in_dim3A_1475, %lt3A_1477 : vector<16xi32>
      %add3A_1479 = arith.constant 16 : i32
      %add3A_1480 = vector.broadcast %add3A_1479 : i32 to vector<16xi32>
      %add3A_1481 = arith.addi %broadcast_in_dim3A_1475, %add3A_1480 : vector<16xi32>
      %select_n3A_1482 = arith.select %lt3A_1478, %add3A_1481, %broadcast_in_dim3A_1475 : vector<16xi1>, vector<16xi32>
      %broadcast_in_dim3A_1483 = vector.shape_cast %select_n3A_1482 : vector<16xi32> to vector<16x1xi32>
      %gather3A_1484 = vector.shape_cast %broadcast_in_dim3A_1483 : vector<16x1xi32> to vector<16xi32>
      %gather3A_1485 = tpu.dynamic_gather %masked_sort3A_859[%gather3A_1484] in [0] : vector<16xi32>, vector<16xi32> -> vector<16xi32>
      %shift_right_arithmetic3A_1486 = arith.constant 7 : i32
      %shift_right_arithmetic3A_1487 = vector.broadcast %shift_right_arithmetic3A_1486 : i32 to vector<16xi32>
      %shift_right_arithmetic3A_1488 = arith.shrsi %gather3A_1473, %shift_right_arithmetic3A_1487 : vector<16xi32>
      %mul3A_1489 = arith.constant 2048 : i32
      %mul3A_1490 = vector.broadcast %mul3A_1489 : i32 to vector<16xi32>
      %mul3A_1491 = arith.muli %shift_right_arithmetic3A_1488, %mul3A_1490 : vector<16xi32>
      %and3A_1492 = arith.constant 127 : i32
      %and3A_1493 = vector.broadcast %and3A_1492 : i32 to vector<16xi32>
      %and3A_1494 = arith.andi %gather3A_1473, %and3A_1493 : vector<16xi32>
      %add3A_1495 = arith.addi %mul3A_1491, %and3A_1494 : vector<16xi32>
      %mul3A_1496 = arith.constant 128 : i32
      %mul3A_1497 = vector.broadcast %mul3A_1496 : i32 to vector<16xi32>
      %mul3A_1498 = arith.muli %mul3A_1497, %iota3A : vector<16xi32>
      %add3A_1499 = arith.addi %add3A_1495, %mul3A_1498 : vector<16xi32>
      %shift_right_arithmetic3A_1500 = arith.constant 7 : i32
      %shift_right_arithmetic3A_1501 = vector.broadcast %shift_right_arithmetic3A_1500 : i32 to vector<16xi32>
      %shift_right_arithmetic3A_1502 = arith.shrsi %gather3A_1485, %shift_right_arithmetic3A_1501 : vector<16xi32>
      %mul3A_1503 = arith.constant 2048 : i32
      %mul3A_1504 = vector.broadcast %mul3A_1503 : i32 to vector<16xi32>
      %mul3A_1505 = arith.muli %shift_right_arithmetic3A_1502, %mul3A_1504 : vector<16xi32>
      %and3A_1506 = arith.constant 127 : i32
      %and3A_1507 = vector.broadcast %and3A_1506 : i32 to vector<16xi32>
      %and3A_1508 = arith.andi %gather3A_1485, %and3A_1507 : vector<16xi32>
      %add3A_1509 = arith.addi %mul3A_1505, %and3A_1508 : vector<16xi32>
      %mul3A_1510 = arith.constant 128 : i32
      %mul3A_1511 = vector.broadcast %mul3A_1510 : i32 to vector<16xi32>
      %mul3A_1512 = arith.muli %mul3A_1511, %iota3A : vector<16xi32>
      %add3A_1513 = arith.addi %add3A_1509, %mul3A_1512 : vector<16xi32>
      %gather3A_1514 = tpu.vector_load_idx %arg10[%broadcast_in_dim3A_886, %add3A_1499] : memref<2x8192xf32, #tpu.memory_space<vmem>>[vector<16xi32>, vector<16xi32>], vector<16xf32>,
      %gather3A_1515 = tpu.vector_load_idx %arg10[%broadcast_in_dim3A_888, %add3A_1513] : memref<2x8192xf32, #tpu.memory_space<vmem>>[vector<16xi32>, vector<16xi32>], vector<16xf32>,
      %masked_sort3A_1516 = arith.constant dense<true> : vector<16xi1>
      %masked_sort3A_1517, %masked_sort3A_1518, %masked_sort3A_1519 = tpu.sort %gather3A_1514, %add3A_1499 masked %masked_sort3A_1516 {descending = true} : (vector<16xf32>, vector<16xi32>, vector<16xi1>) -> (vector<16xi1>, vector<16xf32>, vector<16xi32>)
      %rev3A_1520 = arith.constant 15 : i32
      %rev3A_1521 = vector.broadcast %rev3A_1520 : i32 to vector<16xi32>
      %rev3A_1522 = tpu.iota {dimensions = array<i32: 0>} : vector<16xi32>
      %rev3A_1523 = arith.subi %rev3A_1521, %rev3A_1522 : vector<16xi32>
      %rev3A_1524 = tpu.dynamic_gather %masked_sort3A_1518[%rev3A_1523] in [0] : vector<16xf32>, vector<16xi32> -> vector<16xf32>
      %rev3A_1525 = arith.constant 15 : i32
      %rev3A_1526 = vector.broadcast %rev3A_1525 : i32 to vector<16xi32>
      %rev3A_1527 = tpu.iota {dimensions = array<i32: 0>} : vector<16xi32>
      %rev3A_1528 = arith.subi %rev3A_1526, %rev3A_1527 : vector<16xi32>
      %rev3A_1529 = tpu.dynamic_gather %masked_sort3A_1519[%rev3A_1528] in [0] : vector<16xi32>, vector<16xi32> -> vector<16xi32>
      %ge3A_1530 = arith.cmpf oge, %masked_sort3A_1439, %rev3A_1524 : vector<16xf32>
      %select_n3A_1531 = arith.select %ge3A_1530, %masked_sort3A_1439, %rev3A_1524 : vector<16xi1>, vector<16xf32>
      %select_n3A_1532 = arith.select %ge3A_1530, %masked_sort3A_1440, %rev3A_1529 : vector<16xi1>, vector<16xi32>
      %masked_sort3A_1533 = arith.constant dense<true> : vector<16xi1>
      %masked_sort3A_1534, %masked_sort3A_1535, %masked_sort3A_1536 = tpu.sort %select_n3A_1531, %select_n3A_1532 masked %masked_sort3A_1533 {descending = true} : (vector<16xf32>, vector<16xi32>, vector<16xi1>) -> (vector<16xi1>, vector<16xf32>, vector<16xi32>)
      %masked_sort3A_1537 = arith.constant dense<true> : vector<16xi1>
      %masked_sort3A_1538, %masked_sort3A_1539, %masked_sort3A_1540 = tpu.sort %gather3A_1515, %add3A_1513 masked %masked_sort3A_1537 {descending = true} : (vector<16xf32>, vector<16xi32>, vector<16xi1>) -> (vector<16xi1>, vector<16xf32>, vector<16xi32>)
      %rev3A_1541 = arith.constant 15 : i32
      %rev3A_1542 = vector.broadcast %rev3A_1541 : i32 to vector<16xi32>
      %rev3A_1543 = tpu.iota {dimensions = array<i32: 0>} : vector<16xi32>
      %rev3A_1544 = arith.subi %rev3A_1542, %rev3A_1543 : vector<16xi32>
      %rev3A_1545 = tpu.dynamic_gather %masked_sort3A_1539[%rev3A_1544] in [0] : vector<16xf32>, vector<16xi32> -> vector<16xf32>
      %rev3A_1546 = arith.constant 15 : i32
      %rev3A_1547 = vector.broadcast %rev3A_1546 : i32 to vector<16xi32>
      %rev3A_1548 = tpu.iota {dimensions = array<i32: 0>} : vector<16xi32>
      %rev3A_1549 = arith.subi %rev3A_1547, %rev3A_1548 : vector<16xi32>
      %rev3A_1550 = tpu.dynamic_gather %masked_sort3A_1540[%rev3A_1549] in [0] : vector<16xi32>, vector<16xi32> -> vector<16xi32>
      %ge3A_1551 = arith.cmpf oge, %masked_sort3A_1460, %rev3A_1545 : vector<16xf32>
      %select_n3A_1552 = arith.select %ge3A_1551, %masked_sort3A_1460, %rev3A_1545 : vector<16xi1>, vector<16xf32>
      %select_n3A_1553 = arith.select %ge3A_1551, %masked_sort3A_1461, %rev3A_1550 : vector<16xi1>, vector<16xi32>
      %masked_sort3A_1554 = arith.constant dense<true> : vector<16xi1>
      %masked_sort3A_1555, %masked_sort3A_1556, %masked_sort3A_1557 = tpu.sort %select_n3A_1552, %select_n3A_1553 masked %masked_sort3A_1554 {descending = true} : (vector<16xf32>, vector<16xi32>, vector<16xi1>) -> (vector<16xi1>, vector<16xf32>, vector<16xi32>)
      %broadcast_in_dim3A_1558 = arith.constant 7 : i32
      %broadcast_in_dim3A_1559 = vector.broadcast %broadcast_in_dim3A_1558 : i32 to vector<16xi32>
      %lt3A_1560 = arith.constant 0 : i32
      %lt3A_1561 = vector.broadcast %lt3A_1560 : i32 to vector<16xi32>
      %lt3A_1562 = arith.cmpi slt, %broadcast_in_dim3A_1559, %lt3A_1561 : vector<16xi32>
      %add3A_1563 = arith.constant 16 : i32
      %add3A_1564 = vector.broadcast %add3A_1563 : i32 to vector<16xi32>
      %add3A_1565 = arith.addi %broadcast_in_dim3A_1559, %add3A_1564 : vector<16xi32>
      %select_n3A_1566 = arith.select %lt3A_1562, %add3A_1565, %broadcast_in_dim3A_1559 : vector<16xi1>, vector<16xi32>
      %broadcast_in_dim3A_1567 = vector.shape_cast %select_n3A_1566 : vector<16xi32> to vector<16x1xi32>
      %gather3A_1568 = vector.shape_cast %broadcast_in_dim3A_1567 : vector<16x1xi32> to vector<16xi32>
      %gather3A_1569 = tpu.dynamic_gather %masked_sort3A_838[%gather3A_1568] in [0] : vector<16xi32>, vector<16xi32> -> vector<16xi32>
      %broadcast_in_dim3A_1570 = arith.constant 7 : i32
      %broadcast_in_dim3A_1571 = vector.broadcast %broadcast_in_dim3A_1570 : i32 to vector<16xi32>
      %lt3A_1572 = arith.constant 0 : i32
      %lt3A_1573 = vector.broadcast %lt3A_1572 : i32 to vector<16xi32>
      %lt3A_1574 = arith.cmpi slt, %broadcast_in_dim3A_1571, %lt3A_1573 : vector<16xi32>
      %add3A_1575 = arith.constant 16 : i32
      %add3A_1576 = vector.broadcast %add3A_1575 : i32 to vector<16xi32>
      %add3A_1577 = arith.addi %broadcast_in_dim3A_1571, %add3A_1576 : vector<16xi32>
      %select_n3A_1578 = arith.select %lt3A_1574, %add3A_1577, %broadcast_in_dim3A_1571 : vector<16xi1>, vector<16xi32>
      %broadcast_in_dim3A_1579 = vector.shape_cast %select_n3A_1578 : vector<16xi32> to vector<16x1xi32>
      %gather3A_1580 = vector.shape_cast %broadcast_in_dim3A_1579 : vector<16x1xi32> to vector<16xi32>
      %gather3A_1581 = tpu.dynamic_gather %masked_sort3A_859[%gather3A_1580] in [0] : vector<16xi32>, vector<16xi32> -> vector<16xi32>
      %shift_right_arithmetic3A_1582 = arith.constant 7 : i32
      %shift_right_arithmetic3A_1583 = vector.broadcast %shift_right_arithmetic3A_1582 : i32 to vector<16xi32>
      %shift_right_arithmetic3A_1584 = arith.shrsi %gather3A_1569, %shift_right_arithmetic3A_1583 : vector<16xi32>
      %mul3A_1585 = arith.constant 2048 : i32
      %mul3A_1586 = vector.broadcast %mul3A_1585 : i32 to vector<16xi32>
      %mul3A_1587 = arith.muli %shift_right_arithmetic3A_1584, %mul3A_1586 : vector<16xi32>
      %and3A_1588 = arith.constant 127 : i32
      %and3A_1589 = vector.broadcast %and3A_1588 : i32 to vector<16xi32>
      %and3A_1590 = arith.andi %gather3A_1569, %and3A_1589 : vector<16xi32>
      %add3A_1591 = arith.addi %mul3A_1587, %and3A_1590 : vector<16xi32>
      %mul3A_1592 = arith.constant 128 : i32
      %mul3A_1593 = vector.broadcast %mul3A_1592 : i32 to vector<16xi32>
      %mul3A_1594 = arith.muli %mul3A_1593, %iota3A : vector<16xi32>
      %add3A_1595 = arith.addi %add3A_1591, %mul3A_1594 : vector<16xi32>
      %shift_right_arithmetic3A_1596 = arith.constant 7 : i32
      %shift_right_arithmetic3A_1597 = vector.broadcast %shift_right_arithmetic3A_1596 : i32 to vector<16xi32>
      %shift_right_arithmetic3A_1598 = arith.shrsi %gather3A_1581, %shift_right_arithmetic3A_1597 : vector<16xi32>
      %mul3A_1599 = arith.constant 2048 : i32
      %mul3A_1600 = vector.broadcast %mul3A_1599 : i32 to vector<16xi32>
      %mul3A_1601 = arith.muli %shift_right_arithmetic3A_1598, %mul3A_1600 : vector<16xi32>
      %and3A_1602 = arith.constant 127 : i32
      %and3A_1603 = vector.broadcast %and3A_1602 : i32 to vector<16xi32>
      %and3A_1604 = arith.andi %gather3A_1581, %and3A_1603 : vector<16xi32>
      %add3A_1605 = arith.addi %mul3A_1601, %and3A_1604 : vector<16xi32>
      %mul3A_1606 = arith.constant 128 : i32
      %mul3A_1607 = vector.broadcast %mul3A_1606 : i32 to vector<16xi32>
      %mul3A_1608 = arith.muli %mul3A_1607, %iota3A : vector<16xi32>
      %add3A_1609 = arith.addi %add3A_1605, %mul3A_1608 : vector<16xi32>
      %gather3A_1610 = tpu.vector_load_idx %arg10[%broadcast_in_dim3A_886, %add3A_1595] : memref<2x8192xf32, #tpu.memory_space<vmem>>[vector<16xi32>, vector<16xi32>], vector<16xf32>,
      %gather3A_1611 = tpu.vector_load_idx %arg10[%broadcast_in_dim3A_888, %add3A_1609] : memref<2x8192xf32, #tpu.memory_space<vmem>>[vector<16xi32>, vector<16xi32>], vector<16xf32>,
      %masked_sort3A_1612 = arith.constant dense<true> : vector<16xi1>
      %masked_sort3A_1613, %masked_sort3A_1614, %masked_sort3A_1615 = tpu.sort %gather3A_1610, %add3A_1595 masked %masked_sort3A_1612 {descending = true} : (vector<16xf32>, vector<16xi32>, vector<16xi1>) -> (vector<16xi1>, vector<16xf32>, vector<16xi32>)
      %rev3A_1616 = arith.constant 15 : i32
      %rev3A_1617 = vector.broadcast %rev3A_1616 : i32 to vector<16xi32>
      %rev3A_1618 = tpu.iota {dimensions = array<i32: 0>} : vector<16xi32>
      %rev3A_1619 = arith.subi %rev3A_1617, %rev3A_1618 : vector<16xi32>
      %rev3A_1620 = tpu.dynamic_gather %masked_sort3A_1614[%rev3A_1619] in [0] : vector<16xf32>, vector<16xi32> -> vector<16xf32>
      %rev3A_1621 = arith.constant 15 : i32
      %rev3A_1622 = vector.broadcast %rev3A_1621 : i32 to vector<16xi32>
      %rev3A_1623 = tpu.iota {dimensions = array<i32: 0>} : vector<16xi32>
      %rev3A_1624 = arith.subi %rev3A_1622, %rev3A_1623 : vector<16xi32>
      %rev3A_1625 = tpu.dynamic_gather %masked_sort3A_1615[%rev3A_1624] in [0] : vector<16xi32>, vector<16xi32> -> vector<16xi32>
      %ge3A_1626 = arith.cmpf oge, %masked_sort3A_1535, %rev3A_1620 : vector<16xf32>
      %select_n3A_1627 = arith.select %ge3A_1626, %masked_sort3A_1535, %rev3A_1620 : vector<16xi1>, vector<16xf32>
      %select_n3A_1628 = arith.select %ge3A_1626, %masked_sort3A_1536, %rev3A_1625 : vector<16xi1>, vector<16xi32>
      %masked_sort3A_1629 = arith.constant dense<true> : vector<16xi1>
      %masked_sort3A_1630, %masked_sort3A_1631, %masked_sort3A_1632 = tpu.sort %select_n3A_1627, %select_n3A_1628 masked %masked_sort3A_1629 {descending = true} : (vector<16xf32>, vector<16xi32>, vector<16xi1>) -> (vector<16xi1>, vector<16xf32>, vector<16xi32>)
      %masked_sort3A_1633 = arith.constant dense<true> : vector<16xi1>
      %masked_sort3A_1634, %masked_sort3A_1635, %masked_sort3A_1636 = tpu.sort %gather3A_1611, %add3A_1609 masked %masked_sort3A_1633 {descending = true} : (vector<16xf32>, vector<16xi32>, vector<16xi1>) -> (vector<16xi1>, vector<16xf32>, vector<16xi32>)
      %rev3A_1637 = arith.constant 15 : i32
      %rev3A_1638 = vector.broadcast %rev3A_1637 : i32 to vector<16xi32>
      %rev3A_1639 = tpu.iota {dimensions = array<i32: 0>} : vector<16xi32>
      %rev3A_1640 = arith.subi %rev3A_1638, %rev3A_1639 : vector<16xi32>
      %rev3A_1641 = tpu.dynamic_gather %masked_sort3A_1635[%rev3A_1640] in [0] : vector<16xf32>, vector<16xi32> -> vector<16xf32>
      %rev3A_1642 = arith.constant 15 : i32
      %rev3A_1643 = vector.broadcast %rev3A_1642 : i32 to vector<16xi32>
      %rev3A_1644 = tpu.iota {dimensions = array<i32: 0>} : vector<16xi32>
      %rev3A_1645 = arith.subi %rev3A_1643, %rev3A_1644 : vector<16xi32>
      %rev3A_1646 = tpu.dynamic_gather %masked_sort3A_1636[%rev3A_1645] in [0] : vector<16xi32>, vector<16xi32> -> vector<16xi32>
      %ge3A_1647 = arith.cmpf oge, %masked_sort3A_1556, %rev3A_1641 : vector<16xf32>
      %select_n3A_1648 = arith.select %ge3A_1647, %masked_sort3A_1556, %rev3A_1641 : vector<16xi1>, vector<16xf32>
      %select_n3A_1649 = arith.select %ge3A_1647, %masked_sort3A_1557, %rev3A_1646 : vector<16xi1>, vector<16xi32>
      %masked_sort3A_1650 = arith.constant dense<true> : vector<16xi1>
      %masked_sort3A_1651, %masked_sort3A_1652, %masked_sort3A_1653 = tpu.sort %select_n3A_1648, %select_n3A_1649 masked %masked_sort3A_1650 {descending = true} : (vector<16xf32>, vector<16xi32>, vector<16xi1>) -> (vector<16xi1>, vector<16xf32>, vector<16xi32>)
      %broadcast_in_dim3A_1654 = arith.constant 8 : i32
      %broadcast_in_dim3A_1655 = vector.broadcast %broadcast_in_dim3A_1654 : i32 to vector<16xi32>
      %lt3A_1656 = arith.constant 0 : i32
      %lt3A_1657 = vector.broadcast %lt3A_1656 : i32 to vector<16xi32>
      %lt3A_1658 = arith.cmpi slt, %broadcast_in_dim3A_1655, %lt3A_1657 : vector<16xi32>
      %add3A_1659 = arith.constant 16 : i32
      %add3A_1660 = vector.broadcast %add3A_1659 : i32 to vector<16xi32>
      %add3A_1661 = arith.addi %broadcast_in_dim3A_1655, %add3A_1660 : vector<16xi32>
      %select_n3A_1662 = arith.select %lt3A_1658, %add3A_1661, %broadcast_in_dim3A_1655 : vector<16xi1>, vector<16xi32>
      %broadcast_in_dim3A_1663 = vector.shape_cast %select_n3A_1662 : vector<16xi32> to vector<16x1xi32>
      %gather3A_1664 = vector.shape_cast %broadcast_in_dim3A_1663 : vector<16x1xi32> to vector<16xi32>
      %gather3A_1665 = tpu.dynamic_gather %masked_sort3A_838[%gather3A_1664] in [0] : vector<16xi32>, vector<16xi32> -> vector<16xi32>
      %broadcast_in_dim3A_1666 = arith.constant 8 : i32
      %broadcast_in_dim3A_1667 = vector.broadcast %broadcast_in_dim3A_1666 : i32 to vector<16xi32>
      %lt3A_1668 = arith.constant 0 : i32
      %lt3A_1669 = vector.broadcast %lt3A_1668 : i32 to vector<16xi32>
      %lt3A_1670 = arith.cmpi slt, %broadcast_in_dim3A_1667, %lt3A_1669 : vector<16xi32>
      %add3A_1671 = arith.constant 16 : i32
      %add3A_1672 = vector.broadcast %add3A_1671 : i32 to vector<16xi32>
      %add3A_1673 = arith.addi %broadcast_in_dim3A_1667, %add3A_1672 : vector<16xi32>
      %select_n3A_1674 = arith.select %lt3A_1670, %add3A_1673, %broadcast_in_dim3A_1667 : vector<16xi1>, vector<16xi32>
      %broadcast_in_dim3A_1675 = vector.shape_cast %select_n3A_1674 : vector<16xi32> to vector<16x1xi32>
      %gather3A_1676 = vector.shape_cast %broadcast_in_dim3A_1675 : vector<16x1xi32> to vector<16xi32>
      %gather3A_1677 = tpu.dynamic_gather %masked_sort3A_859[%gather3A_1676] in [0] : vector<16xi32>, vector<16xi32> -> vector<16xi32>
      %shift_right_arithmetic3A_1678 = arith.constant 7 : i32
      %shift_right_arithmetic3A_1679 = vector.broadcast %shift_right_arithmetic3A_1678 : i32 to vector<16xi32>
      %shift_right_arithmetic3A_1680 = arith.shrsi %gather3A_1665, %shift_right_arithmetic3A_1679 : vector<16xi32>
      %mul3A_1681 = arith.constant 2048 : i32
      %mul3A_1682 = vector.broadcast %mul3A_1681 : i32 to vector<16xi32>
      %mul3A_1683 = arith.muli %shift_right_arithmetic3A_1680, %mul3A_1682 : vector<16xi32>
      %and3A_1684 = arith.constant 127 : i32
      %and3A_1685 = vector.broadcast %and3A_1684 : i32 to vector<16xi32>
      %and3A_1686 = arith.andi %gather3A_1665, %and3A_1685 : vector<16xi32>
      %add3A_1687 = arith.addi %mul3A_1683, %and3A_1686 : vector<16xi32>
      %mul3A_1688 = arith.constant 128 : i32
      %mul3A_1689 = vector.broadcast %mul3A_1688 : i32 to vector<16xi32>
      %mul3A_1690 = arith.muli %mul3A_1689, %iota3A : vector<16xi32>
      %add3A_1691 = arith.addi %add3A_1687, %mul3A_1690 : vector<16xi32>
      %shift_right_arithmetic3A_1692 = arith.constant 7 : i32
      %shift_right_arithmetic3A_1693 = vector.broadcast %shift_right_arithmetic3A_1692 : i32 to vector<16xi32>
      %shift_right_arithmetic3A_1694 = arith.shrsi %gather3A_1677, %shift_right_arithmetic3A_1693 : vector<16xi32>
      %mul3A_1695 = arith.constant 2048 : i32
      %mul3A_1696 = vector.broadcast %mul3A_1695 : i32 to vector<16xi32>
      %mul3A_1697 = arith.muli %shift_right_arithmetic3A_1694, %mul3A_1696 : vector<16xi32>
      %and3A_1698 = arith.constant 127 : i32
      %and3A_1699 = vector.broadcast %and3A_1698 : i32 to vector<16xi32>
      %and3A_1700 = arith.andi %gather3A_1677, %and3A_1699 : vector<16xi32>
      %add3A_1701 = arith.addi %mul3A_1697, %and3A_1700 : vector<16xi32>
      %mul3A_1702 = arith.constant 128 : i32
      %mul3A_1703 = vector.broadcast %mul3A_1702 : i32 to vector<16xi32>
      %mul3A_1704 = arith.muli %mul3A_1703, %iota3A : vector<16xi32>
      %add3A_1705 = arith.addi %add3A_1701, %mul3A_1704 : vector<16xi32>
      %gather3A_1706 = tpu.vector_load_idx %arg10[%broadcast_in_dim3A_886, %add3A_1691] : memref<2x8192xf32, #tpu.memory_space<vmem>>[vector<16xi32>, vector<16xi32>], vector<16xf32>,
      %gather3A_1707 = tpu.vector_load_idx %arg10[%broadcast_in_dim3A_888, %add3A_1705] : memref<2x8192xf32, #tpu.memory_space<vmem>>[vector<16xi32>, vector<16xi32>], vector<16xf32>,
      %masked_sort3A_1708 = arith.constant dense<true> : vector<16xi1>
      %masked_sort3A_1709, %masked_sort3A_1710, %masked_sort3A_1711 = tpu.sort %gather3A_1706, %add3A_1691 masked %masked_sort3A_1708 {descending = true} : (vector<16xf32>, vector<16xi32>, vector<16xi1>) -> (vector<16xi1>, vector<16xf32>, vector<16xi32>)
      %rev3A_1712 = arith.constant 15 : i32
      %rev3A_1713 = vector.broadcast %rev3A_1712 : i32 to vector<16xi32>
      %rev3A_1714 = tpu.iota {dimensions = array<i32: 0>} : vector<16xi32>
      %rev3A_1715 = arith.subi %rev3A_1713, %rev3A_1714 : vector<16xi32>
      %rev3A_1716 = tpu.dynamic_gather %masked_sort3A_1710[%rev3A_1715] in [0] : vector<16xf32>, vector<16xi32> -> vector<16xf32>
      %rev3A_1717 = arith.constant 15 : i32
      %rev3A_1718 = vector.broadcast %rev3A_1717 : i32 to vector<16xi32>
      %rev3A_1719 = tpu.iota {dimensions = array<i32: 0>} : vector<16xi32>
      %rev3A_1720 = arith.subi %rev3A_1718, %rev3A_1719 : vector<16xi32>
      %rev3A_1721 = tpu.dynamic_gather %masked_sort3A_1711[%rev3A_1720] in [0] : vector<16xi32>, vector<16xi32> -> vector<16xi32>
      %ge3A_1722 = arith.cmpf oge, %masked_sort3A_1631, %rev3A_1716 : vector<16xf32>
      %select_n3A_1723 = arith.select %ge3A_1722, %masked_sort3A_1631, %rev3A_1716 : vector<16xi1>, vector<16xf32>
      %select_n3A_1724 = arith.select %ge3A_1722, %masked_sort3A_1632, %rev3A_1721 : vector<16xi1>, vector<16xi32>
      %masked_sort3A_1725 = arith.constant dense<true> : vector<16xi1>
      %masked_sort3A_1726, %masked_sort3A_1727, %masked_sort3A_1728 = tpu.sort %select_n3A_1723, %select_n3A_1724 masked %masked_sort3A_1725 {descending = true} : (vector<16xf32>, vector<16xi32>, vector<16xi1>) -> (vector<16xi1>, vector<16xf32>, vector<16xi32>)
      %masked_sort3A_1729 = arith.constant dense<true> : vector<16xi1>
      %masked_sort3A_1730, %masked_sort3A_1731, %masked_sort3A_1732 = tpu.sort %gather3A_1707, %add3A_1705 masked %masked_sort3A_1729 {descending = true} : (vector<16xf32>, vector<16xi32>, vector<16xi1>) -> (vector<16xi1>, vector<16xf32>, vector<16xi32>)
      %rev3A_1733 = arith.constant 15 : i32
      %rev3A_1734 = vector.broadcast %rev3A_1733 : i32 to vector<16xi32>
      %rev3A_1735 = tpu.iota {dimensions = array<i32: 0>} : vector<16xi32>
      %rev3A_1736 = arith.subi %rev3A_1734, %rev3A_1735 : vector<16xi32>
      %rev3A_1737 = tpu.dynamic_gather %masked_sort3A_1731[%rev3A_1736] in [0] : vector<16xf32>, vector<16xi32> -> vector<16xf32>
      %rev3A_1738 = arith.constant 15 : i32
      %rev3A_1739 = vector.broadcast %rev3A_1738 : i32 to vector<16xi32>
      %rev3A_1740 = tpu.iota {dimensions = array<i32: 0>} : vector<16xi32>
      %rev3A_1741 = arith.subi %rev3A_1739, %rev3A_1740 : vector<16xi32>
      %rev3A_1742 = tpu.dynamic_gather %masked_sort3A_1732[%rev3A_1741] in [0] : vector<16xi32>, vector<16xi32> -> vector<16xi32>
      %ge3A_1743 = arith.cmpf oge, %masked_sort3A_1652, %rev3A_1737 : vector<16xf32>
      %select_n3A_1744 = arith.select %ge3A_1743, %masked_sort3A_1652, %rev3A_1737 : vector<16xi1>, vector<16xf32>
      %select_n3A_1745 = arith.select %ge3A_1743, %masked_sort3A_1653, %rev3A_1742 : vector<16xi1>, vector<16xi32>
      %masked_sort3A_1746 = arith.constant dense<true> : vector<16xi1>
      %masked_sort3A_1747, %masked_sort3A_1748, %masked_sort3A_1749 = tpu.sort %select_n3A_1744, %select_n3A_1745 masked %masked_sort3A_1746 {descending = true} : (vector<16xf32>, vector<16xi32>, vector<16xi1>) -> (vector<16xi1>, vector<16xf32>, vector<16xi32>)
      %broadcast_in_dim3A_1750 = arith.constant 9 : i32
      %broadcast_in_dim3A_1751 = vector.broadcast %broadcast_in_dim3A_1750 : i32 to vector<16xi32>
      %lt3A_1752 = arith.constant 0 : i32
      %lt3A_1753 = vector.broadcast %lt3A_1752 : i32 to vector<16xi32>
      %lt3A_1754 = arith.cmpi slt, %broadcast_in_dim3A_1751, %lt3A_1753 : vector<16xi32>
      %add3A_1755 = arith.constant 16 : i32
      %add3A_1756 = vector.broadcast %add3A_1755 : i32 to vector<16xi32>
      %add3A_1757 = arith.addi %broadcast_in_dim3A_1751, %add3A_1756 : vector<16xi32>
      %select_n3A_1758 = arith.select %lt3A_1754, %add3A_1757, %broadcast_in_dim3A_1751 : vector<16xi1>, vector<16xi32>
      %broadcast_in_dim3A_1759 = vector.shape_cast %select_n3A_1758 : vector<16xi32> to vector<16x1xi32>
      %gather3A_1760 = vector.shape_cast %broadcast_in_dim3A_1759 : vector<16x1xi32> to vector<16xi32>
      %gather3A_1761 = tpu.dynamic_gather %masked_sort3A_838[%gather3A_1760] in [0] : vector<16xi32>, vector<16xi32> -> vector<16xi32>
      %broadcast_in_dim3A_1762 = arith.constant 9 : i32
      %broadcast_in_dim3A_1763 = vector.broadcast %broadcast_in_dim3A_1762 : i32 to vector<16xi32>
      %lt3A_1764 = arith.constant 0 : i32
      %lt3A_1765 = vector.broadcast %lt3A_1764 : i32 to vector<16xi32>
      %lt3A_1766 = arith.cmpi slt, %broadcast_in_dim3A_1763, %lt3A_1765 : vector<16xi32>
      %add3A_1767 = arith.constant 16 : i32
      %add3A_1768 = vector.broadcast %add3A_1767 : i32 to vector<16xi32>
      %add3A_1769 = arith.addi %broadcast_in_dim3A_1763, %add3A_1768 : vector<16xi32>
      %select_n3A_1770 = arith.select %lt3A_1766, %add3A_1769, %broadcast_in_dim3A_1763 : vector<16xi1>, vector<16xi32>
      %broadcast_in_dim3A_1771 = vector.shape_cast %select_n3A_1770 : vector<16xi32> to vector<16x1xi32>
      %gather3A_1772 = vector.shape_cast %broadcast_in_dim3A_1771 : vector<16x1xi32> to vector<16xi32>
      %gather3A_1773 = tpu.dynamic_gather %masked_sort3A_859[%gather3A_1772] in [0] : vector<16xi32>, vector<16xi32> -> vector<16xi32>
      %shift_right_arithmetic3A_1774 = arith.constant 7 : i32
      %shift_right_arithmetic3A_1775 = vector.broadcast %shift_right_arithmetic3A_1774 : i32 to vector<16xi32>
      %shift_right_arithmetic3A_1776 = arith.shrsi %gather3A_1761, %shift_right_arithmetic3A_1775 : vector<16xi32>
      %mul3A_1777 = arith.constant 2048 : i32
      %mul3A_1778 = vector.broadcast %mul3A_1777 : i32 to vector<16xi32>
      %mul3A_1779 = arith.muli %shift_right_arithmetic3A_1776, %mul3A_1778 : vector<16xi32>
      %and3A_1780 = arith.constant 127 : i32
      %and3A_1781 = vector.broadcast %and3A_1780 : i32 to vector<16xi32>
      %and3A_1782 = arith.andi %gather3A_1761, %and3A_1781 : vector<16xi32>
      %add3A_1783 = arith.addi %mul3A_1779, %and3A_1782 : vector<16xi32>
      %mul3A_1784 = arith.constant 128 : i32
      %mul3A_1785 = vector.broadcast %mul3A_1784 : i32 to vector<16xi32>
      %mul3A_1786 = arith.muli %mul3A_1785, %iota3A : vector<16xi32>
      %add3A_1787 = arith.addi %add3A_1783, %mul3A_1786 : vector<16xi32>
      %shift_right_arithmetic3A_1788 = arith.constant 7 : i32
      %shift_right_arithmetic3A_1789 = vector.broadcast %shift_right_arithmetic3A_1788 : i32 to vector<16xi32>
      %shift_right_arithmetic3A_1790 = arith.shrsi %gather3A_1773, %shift_right_arithmetic3A_1789 : vector<16xi32>
      %mul3A_1791 = arith.constant 2048 : i32
      %mul3A_1792 = vector.broadcast %mul3A_1791 : i32 to vector<16xi32>
      %mul3A_1793 = arith.muli %shift_right_arithmetic3A_1790, %mul3A_1792 : vector<16xi32>
      %and3A_1794 = arith.constant 127 : i32
      %and3A_1795 = vector.broadcast %and3A_1794 : i32 to vector<16xi32>
      %and3A_1796 = arith.andi %gather3A_1773, %and3A_1795 : vector<16xi32>
      %add3A_1797 = arith.addi %mul3A_1793, %and3A_1796 : vector<16xi32>
      %mul3A_1798 = arith.constant 128 : i32
      %mul3A_1799 = vector.broadcast %mul3A_1798 : i32 to vector<16xi32>
      %mul3A_1800 = arith.muli %mul3A_1799, %iota3A : vector<16xi32>
      %add3A_1801 = arith.addi %add3A_1797, %mul3A_1800 : vector<16xi32>
      %gather3A_1802 = tpu.vector_load_idx %arg10[%broadcast_in_dim3A_886, %add3A_1787] : memref<2x8192xf32, #tpu.memory_space<vmem>>[vector<16xi32>, vector<16xi32>], vector<16xf32>,
      %gather3A_1803 = tpu.vector_load_idx %arg10[%broadcast_in_dim3A_888, %add3A_1801] : memref<2x8192xf32, #tpu.memory_space<vmem>>[vector<16xi32>, vector<16xi32>], vector<16xf32>,
      %masked_sort3A_1804 = arith.constant dense<true> : vector<16xi1>
      %masked_sort3A_1805, %masked_sort3A_1806, %masked_sort3A_1807 = tpu.sort %gather3A_1802, %add3A_1787 masked %masked_sort3A_1804 {descending = true} : (vector<16xf32>, vector<16xi32>, vector<16xi1>) -> (vector<16xi1>, vector<16xf32>, vector<16xi32>)
      %rev3A_1808 = arith.constant 15 : i32
      %rev3A_1809 = vector.broadcast %rev3A_1808 : i32 to vector<16xi32>
      %rev3A_1810 = tpu.iota {dimensions = array<i32: 0>} : vector<16xi32>
      %rev3A_1811 = arith.subi %rev3A_1809, %rev3A_1810 : vector<16xi32>
      %rev3A_1812 = tpu.dynamic_gather %masked_sort3A_1806[%rev3A_1811] in [0] : vector<16xf32>, vector<16xi32> -> vector<16xf32>
      %rev3A_1813 = arith.constant 15 : i32
      %rev3A_1814 = vector.broadcast %rev3A_1813 : i32 to vector<16xi32>
      %rev3A_1815 = tpu.iota {dimensions = array<i32: 0>} : vector<16xi32>
      %rev3A_1816 = arith.subi %rev3A_1814, %rev3A_1815 : vector<16xi32>
      %rev3A_1817 = tpu.dynamic_gather %masked_sort3A_1807[%rev3A_1816] in [0] : vector<16xi32>, vector<16xi32> -> vector<16xi32>
      %ge3A_1818 = arith.cmpf oge, %masked_sort3A_1727, %rev3A_1812 : vector<16xf32>
      %select_n3A_1819 = arith.select %ge3A_1818, %masked_sort3A_1727, %rev3A_1812 : vector<16xi1>, vector<16xf32>
      %select_n3A_1820 = arith.select %ge3A_1818, %masked_sort3A_1728, %rev3A_1817 : vector<16xi1>, vector<16xi32>
      %masked_sort3A_1821 = arith.constant dense<true> : vector<16xi1>
      %masked_sort3A_1822, %masked_sort3A_1823, %masked_sort3A_1824 = tpu.sort %select_n3A_1819, %select_n3A_1820 masked %masked_sort3A_1821 {descending = true} : (vector<16xf32>, vector<16xi32>, vector<16xi1>) -> (vector<16xi1>, vector<16xf32>, vector<16xi32>)
      %masked_sort3A_1825 = arith.constant dense<true> : vector<16xi1>
      %masked_sort3A_1826, %masked_sort3A_1827, %masked_sort3A_1828 = tpu.sort %gather3A_1803, %add3A_1801 masked %masked_sort3A_1825 {descending = true} : (vector<16xf32>, vector<16xi32>, vector<16xi1>) -> (vector<16xi1>, vector<16xf32>, vector<16xi32>)
      %rev3A_1829 = arith.constant 15 : i32
      %rev3A_1830 = vector.broadcast %rev3A_1829 : i32 to vector<16xi32>
      %rev3A_1831 = tpu.iota {dimensions = array<i32: 0>} : vector<16xi32>
      %rev3A_1832 = arith.subi %rev3A_1830, %rev3A_1831 : vector<16xi32>
      %rev3A_1833 = tpu.dynamic_gather %masked_sort3A_1827[%rev3A_1832] in [0] : vector<16xf32>, vector<16xi32> -> vector<16xf32>
      %rev3A_1834 = arith.constant 15 : i32
      %rev3A_1835 = vector.broadcast %rev3A_1834 : i32 to vector<16xi32>
      %rev3A_1836 = tpu.iota {dimensions = array<i32: 0>} : vector<16xi32>
      %rev3A_1837 = arith.subi %rev3A_1835, %rev3A_1836 : vector<16xi32>
      %rev3A_1838 = tpu.dynamic_gather %masked_sort3A_1828[%rev3A_1837] in [0] : vector<16xi32>, vector<16xi32> -> vector<16xi32>
      %ge3A_1839 = arith.cmpf oge, %masked_sort3A_1748, %rev3A_1833 : vector<16xf32>
      %select_n3A_1840 = arith.select %ge3A_1839, %masked_sort3A_1748, %rev3A_1833 : vector<16xi1>, vector<16xf32>
      %select_n3A_1841 = arith.select %ge3A_1839, %masked_sort3A_1749, %rev3A_1838 : vector<16xi1>, vector<16xi32>
      %masked_sort3A_1842 = arith.constant dense<true> : vector<16xi1>
      %masked_sort3A_1843, %masked_sort3A_1844, %masked_sort3A_1845 = tpu.sort %select_n3A_1840, %select_n3A_1841 masked %masked_sort3A_1842 {descending = true} : (vector<16xf32>, vector<16xi32>, vector<16xi1>) -> (vector<16xi1>, vector<16xf32>, vector<16xi32>)
      %broadcast_in_dim3A_1846 = arith.constant 10 : i32
      %broadcast_in_dim3A_1847 = vector.broadcast %broadcast_in_dim3A_1846 : i32 to vector<16xi32>
      %lt3A_1848 = arith.constant 0 : i32
      %lt3A_1849 = vector.broadcast %lt3A_1848 : i32 to vector<16xi32>
      %lt3A_1850 = arith.cmpi slt, %broadcast_in_dim3A_1847, %lt3A_1849 : vector<16xi32>
      %add3A_1851 = arith.constant 16 : i32
      %add3A_1852 = vector.broadcast %add3A_1851 : i32 to vector<16xi32>
      %add3A_1853 = arith.addi %broadcast_in_dim3A_1847, %add3A_1852 : vector<16xi32>
      %select_n3A_1854 = arith.select %lt3A_1850, %add3A_1853, %broadcast_in_dim3A_1847 : vector<16xi1>, vector<16xi32>
      %broadcast_in_dim3A_1855 = vector.shape_cast %select_n3A_1854 : vector<16xi32> to vector<16x1xi32>
      %gather3A_1856 = vector.shape_cast %broadcast_in_dim3A_1855 : vector<16x1xi32> to vector<16xi32>
      %gather3A_1857 = tpu.dynamic_gather %masked_sort3A_838[%gather3A_1856] in [0] : vector<16xi32>, vector<16xi32> -> vector<16xi32>
      %broadcast_in_dim3A_1858 = arith.constant 10 : i32
      %broadcast_in_dim3A_1859 = vector.broadcast %broadcast_in_dim3A_1858 : i32 to vector<16xi32>
      %lt3A_1860 = arith.constant 0 : i32
      %lt3A_1861 = vector.broadcast %lt3A_1860 : i32 to vector<16xi32>
      %lt3A_1862 = arith.cmpi slt, %broadcast_in_dim3A_1859, %lt3A_1861 : vector<16xi32>
      %add3A_1863 = arith.constant 16 : i32
      %add3A_1864 = vector.broadcast %add3A_1863 : i32 to vector<16xi32>
      %add3A_1865 = arith.addi %broadcast_in_dim3A_1859, %add3A_1864 : vector<16xi32>
      %select_n3A_1866 = arith.select %lt3A_1862, %add3A_1865, %broadcast_in_dim3A_1859 : vector<16xi1>, vector<16xi32>
      %broadcast_in_dim3A_1867 = vector.shape_cast %select_n3A_1866 : vector<16xi32> to vector<16x1xi32>
      %gather3A_1868 = vector.shape_cast %broadcast_in_dim3A_1867 : vector<16x1xi32> to vector<16xi32>
      %gather3A_1869 = tpu.dynamic_gather %masked_sort3A_859[%gather3A_1868] in [0] : vector<16xi32>, vector<16xi32> -> vector<16xi32>
      %shift_right_arithmetic3A_1870 = arith.constant 7 : i32
      %shift_right_arithmetic3A_1871 = vector.broadcast %shift_right_arithmetic3A_1870 : i32 to vector<16xi32>
      %shift_right_arithmetic3A_1872 = arith.shrsi %gather3A_1857, %shift_right_arithmetic3A_1871 : vector<16xi32>
      %mul3A_1873 = arith.constant 2048 : i32
      %mul3A_1874 = vector.broadcast %mul3A_1873 : i32 to vector<16xi32>
      %mul3A_1875 = arith.muli %shift_right_arithmetic3A_1872, %mul3A_1874 : vector<16xi32>
      %and3A_1876 = arith.constant 127 : i32
      %and3A_1877 = vector.broadcast %and3A_1876 : i32 to vector<16xi32>
      %and3A_1878 = arith.andi %gather3A_1857, %and3A_1877 : vector<16xi32>
      %add3A_1879 = arith.addi %mul3A_1875, %and3A_1878 : vector<16xi32>
      %mul3A_1880 = arith.constant 128 : i32
      %mul3A_1881 = vector.broadcast %mul3A_1880 : i32 to vector<16xi32>
      %mul3A_1882 = arith.muli %mul3A_1881, %iota3A : vector<16xi32>
      %add3A_1883 = arith.addi %add3A_1879, %mul3A_1882 : vector<16xi32>
      %shift_right_arithmetic3A_1884 = arith.constant 7 : i32
      %shift_right_arithmetic3A_1885 = vector.broadcast %shift_right_arithmetic3A_1884 : i32 to vector<16xi32>
      %shift_right_arithmetic3A_1886 = arith.shrsi %gather3A_1869, %shift_right_arithmetic3A_1885 : vector<16xi32>
      %mul3A_1887 = arith.constant 2048 : i32
      %mul3A_1888 = vector.broadcast %mul3A_1887 : i32 to vector<16xi32>
      %mul3A_1889 = arith.muli %shift_right_arithmetic3A_1886, %mul3A_1888 : vector<16xi32>
      %and3A_1890 = arith.constant 127 : i32
      %and3A_1891 = vector.broadcast %and3A_1890 : i32 to vector<16xi32>
      %and3A_1892 = arith.andi %gather3A_1869, %and3A_1891 : vector<16xi32>
      %add3A_1893 = arith.addi %mul3A_1889, %and3A_1892 : vector<16xi32>
      %mul3A_1894 = arith.constant 128 : i32
      %mul3A_1895 = vector.broadcast %mul3A_1894 : i32 to vector<16xi32>
      %mul3A_1896 = arith.muli %mul3A_1895, %iota3A : vector<16xi32>
      %add3A_1897 = arith.addi %add3A_1893, %mul3A_1896 : vector<16xi32>
      %gather3A_1898 = tpu.vector_load_idx %arg10[%broadcast_in_dim3A_886, %add3A_1883] : memref<2x8192xf32, #tpu.memory_space<vmem>>[vector<16xi32>, vector<16xi32>], vector<16xf32>,
      %gather3A_1899 = tpu.vector_load_idx %arg10[%broadcast_in_dim3A_888, %add3A_1897] : memref<2x8192xf32, #tpu.memory_space<vmem>>[vector<16xi32>, vector<16xi32>], vector<16xf32>,
      %masked_sort3A_1900 = arith.constant dense<true> : vector<16xi1>
      %masked_sort3A_1901, %masked_sort3A_1902, %masked_sort3A_1903 = tpu.sort %gather3A_1898, %add3A_1883 masked %masked_sort3A_1900 {descending = true} : (vector<16xf32>, vector<16xi32>, vector<16xi1>) -> (vector<16xi1>, vector<16xf32>, vector<16xi32>)
      %rev3A_1904 = arith.constant 15 : i32
      %rev3A_1905 = vector.broadcast %rev3A_1904 : i32 to vector<16xi32>
      %rev3A_1906 = tpu.iota {dimensions = array<i32: 0>} : vector<16xi32>
      %rev3A_1907 = arith.subi %rev3A_1905, %rev3A_1906 : vector<16xi32>
      %rev3A_1908 = tpu.dynamic_gather %masked_sort3A_1902[%rev3A_1907] in [0] : vector<16xf32>, vector<16xi32> -> vector<16xf32>
      %rev3A_1909 = arith.constant 15 : i32
      %rev3A_1910 = vector.broadcast %rev3A_1909 : i32 to vector<16xi32>
      %rev3A_1911 = tpu.iota {dimensions = array<i32: 0>} : vector<16xi32>
      %rev3A_1912 = arith.subi %rev3A_1910, %rev3A_1911 : vector<16xi32>
      %rev3A_1913 = tpu.dynamic_gather %masked_sort3A_1903[%rev3A_1912] in [0] : vector<16xi32>, vector<16xi32> -> vector<16xi32>
      %ge3A_1914 = arith.cmpf oge, %masked_sort3A_1823, %rev3A_1908 : vector<16xf32>
      %select_n3A_1915 = arith.select %ge3A_1914, %masked_sort3A_1823, %rev3A_1908 : vector<16xi1>, vector<16xf32>
      %select_n3A_1916 = arith.select %ge3A_1914, %masked_sort3A_1824, %rev3A_1913 : vector<16xi1>, vector<16xi32>
      %masked_sort3A_1917 = arith.constant dense<true> : vector<16xi1>
      %masked_sort3A_1918, %masked_sort3A_1919, %masked_sort3A_1920 = tpu.sort %select_n3A_1915, %select_n3A_1916 masked %masked_sort3A_1917 {descending = true} : (vector<16xf32>, vector<16xi32>, vector<16xi1>) -> (vector<16xi1>, vector<16xf32>, vector<16xi32>)
      %masked_sort3A_1921 = arith.constant dense<true> : vector<16xi1>
      %masked_sort3A_1922, %masked_sort3A_1923, %masked_sort3A_1924 = tpu.sort %gather3A_1899, %add3A_1897 masked %masked_sort3A_1921 {descending = true} : (vector<16xf32>, vector<16xi32>, vector<16xi1>) -> (vector<16xi1>, vector<16xf32>, vector<16xi32>)
      %rev3A_1925 = arith.constant 15 : i32
      %rev3A_1926 = vector.broadcast %rev3A_1925 : i32 to vector<16xi32>
      %rev3A_1927 = tpu.iota {dimensions = array<i32: 0>} : vector<16xi32>
      %rev3A_1928 = arith.subi %rev3A_1926, %rev3A_1927 : vector<16xi32>
      %rev3A_1929 = tpu.dynamic_gather %masked_sort3A_1923[%rev3A_1928] in [0] : vector<16xf32>, vector<16xi32> -> vector<16xf32>
      %rev3A_1930 = arith.constant 15 : i32
      %rev3A_1931 = vector.broadcast %rev3A_1930 : i32 to vector<16xi32>
      %rev3A_1932 = tpu.iota {dimensions = array<i32: 0>} : vector<16xi32>
      %rev3A_1933 = arith.subi %rev3A_1931, %rev3A_1932 : vector<16xi32>
      %rev3A_1934 = tpu.dynamic_gather %masked_sort3A_1924[%rev3A_1933] in [0] : vector<16xi32>, vector<16xi32> -> vector<16xi32>
      %ge3A_1935 = arith.cmpf oge, %masked_sort3A_1844, %rev3A_1929 : vector<16xf32>
      %select_n3A_1936 = arith.select %ge3A_1935, %masked_sort3A_1844, %rev3A_1929 : vector<16xi1>, vector<16xf32>
      %select_n3A_1937 = arith.select %ge3A_1935, %masked_sort3A_1845, %rev3A_1934 : vector<16xi1>, vector<16xi32>
      %masked_sort3A_1938 = arith.constant dense<true> : vector<16xi1>
      %masked_sort3A_1939, %masked_sort3A_1940, %masked_sort3A_1941 = tpu.sort %select_n3A_1936, %select_n3A_1937 masked %masked_sort3A_1938 {descending = true} : (vector<16xf32>, vector<16xi32>, vector<16xi1>) -> (vector<16xi1>, vector<16xf32>, vector<16xi32>)
      %broadcast_in_dim3A_1942 = arith.constant 11 : i32
      %broadcast_in_dim3A_1943 = vector.broadcast %broadcast_in_dim3A_1942 : i32 to vector<16xi32>
      %lt3A_1944 = arith.constant 0 : i32
      %lt3A_1945 = vector.broadcast %lt3A_1944 : i32 to vector<16xi32>
      %lt3A_1946 = arith.cmpi slt, %broadcast_in_dim3A_1943, %lt3A_1945 : vector<16xi32>
      %add3A_1947 = arith.constant 16 : i32
      %add3A_1948 = vector.broadcast %add3A_1947 : i32 to vector<16xi32>
      %add3A_1949 = arith.addi %broadcast_in_dim3A_1943, %add3A_1948 : vector<16xi32>
      %select_n3A_1950 = arith.select %lt3A_1946, %add3A_1949, %broadcast_in_dim3A_1943 : vector<16xi1>, vector<16xi32>
      %broadcast_in_dim3A_1951 = vector.shape_cast %select_n3A_1950 : vector<16xi32> to vector<16x1xi32>
      %gather3A_1952 = vector.shape_cast %broadcast_in_dim3A_1951 : vector<16x1xi32> to vector<16xi32>
      %gather3A_1953 = tpu.dynamic_gather %masked_sort3A_838[%gather3A_1952] in [0] : vector<16xi32>, vector<16xi32> -> vector<16xi32>
      %broadcast_in_dim3A_1954 = arith.constant 11 : i32
      %broadcast_in_dim3A_1955 = vector.broadcast %broadcast_in_dim3A_1954 : i32 to vector<16xi32>
      %lt3A_1956 = arith.constant 0 : i32
      %lt3A_1957 = vector.broadcast %lt3A_1956 : i32 to vector<16xi32>
      %lt3A_1958 = arith.cmpi slt, %broadcast_in_dim3A_1955, %lt3A_1957 : vector<16xi32>
      %add3A_1959 = arith.constant 16 : i32
      %add3A_1960 = vector.broadcast %add3A_1959 : i32 to vector<16xi32>
      %add3A_1961 = arith.addi %broadcast_in_dim3A_1955, %add3A_1960 : vector<16xi32>
      %select_n3A_1962 = arith.select %lt3A_1958, %add3A_1961, %broadcast_in_dim3A_1955 : vector<16xi1>, vector<16xi32>
      %broadcast_in_dim3A_1963 = vector.shape_cast %select_n3A_1962 : vector<16xi32> to vector<16x1xi32>
      %gather3A_1964 = vector.shape_cast %broadcast_in_dim3A_1963 : vector<16x1xi32> to vector<16xi32>
      %gather3A_1965 = tpu.dynamic_gather %masked_sort3A_859[%gather3A_1964] in [0] : vector<16xi32>, vector<16xi32> -> vector<16xi32>
      %shift_right_arithmetic3A_1966 = arith.constant 7 : i32
      %shift_right_arithmetic3A_1967 = vector.broadcast %shift_right_arithmetic3A_1966 : i32 to vector<16xi32>
      %shift_right_arithmetic3A_1968 = arith.shrsi %gather3A_1953, %shift_right_arithmetic3A_1967 : vector<16xi32>
      %mul3A_1969 = arith.constant 2048 : i32
      %mul3A_1970 = vector.broadcast %mul3A_1969 : i32 to vector<16xi32>
      %mul3A_1971 = arith.muli %shift_right_arithmetic3A_1968, %mul3A_1970 : vector<16xi32>
      %and3A_1972 = arith.constant 127 : i32
      %and3A_1973 = vector.broadcast %and3A_1972 : i32 to vector<16xi32>
      %and3A_1974 = arith.andi %gather3A_1953, %and3A_1973 : vector<16xi32>
      %add3A_1975 = arith.addi %mul3A_1971, %and3A_1974 : vector<16xi32>
      %mul3A_1976 = arith.constant 128 : i32
      %mul3A_1977 = vector.broadcast %mul3A_1976 : i32 to vector<16xi32>
      %mul3A_1978 = arith.muli %mul3A_1977, %iota3A : vector<16xi32>
      %add3A_1979 = arith.addi %add3A_1975, %mul3A_1978 : vector<16xi32>
      %shift_right_arithmetic3A_1980 = arith.constant 7 : i32
      %shift_right_arithmetic3A_1981 = vector.broadcast %shift_right_arithmetic3A_1980 : i32 to vector<16xi32>
      %shift_right_arithmetic3A_1982 = arith.shrsi %gather3A_1965, %shift_right_arithmetic3A_1981 : vector<16xi32>
      %mul3A_1983 = arith.constant 2048 : i32
      %mul3A_1984 = vector.broadcast %mul3A_1983 : i32 to vector<16xi32>
      %mul3A_1985 = arith.muli %shift_right_arithmetic3A_1982, %mul3A_1984 : vector<16xi32>
      %and3A_1986 = arith.constant 127 : i32
      %and3A_1987 = vector.broadcast %and3A_1986 : i32 to vector<16xi32>
      %and3A_1988 = arith.andi %gather3A_1965, %and3A_1987 : vector<16xi32>
      %add3A_1989 = arith.addi %mul3A_1985, %and3A_1988 : vector<16xi32>
      %mul3A_1990 = arith.constant 128 : i32
      %mul3A_1991 = vector.broadcast %mul3A_1990 : i32 to vector<16xi32>
      %mul3A_1992 = arith.muli %mul3A_1991, %iota3A : vector<16xi32>
      %add3A_1993 = arith.addi %add3A_1989, %mul3A_1992 : vector<16xi32>
      %gather3A_1994 = tpu.vector_load_idx %arg10[%broadcast_in_dim3A_886, %add3A_1979] : memref<2x8192xf32, #tpu.memory_space<vmem>>[vector<16xi32>, vector<16xi32>], vector<16xf32>,
      %gather3A_1995 = tpu.vector_load_idx %arg10[%broadcast_in_dim3A_888, %add3A_1993] : memref<2x8192xf32, #tpu.memory_space<vmem>>[vector<16xi32>, vector<16xi32>], vector<16xf32>,
      %masked_sort3A_1996 = arith.constant dense<true> : vector<16xi1>
      %masked_sort3A_1997, %masked_sort3A_1998, %masked_sort3A_1999 = tpu.sort %gather3A_1994, %add3A_1979 masked %masked_sort3A_1996 {descending = true} : (vector<16xf32>, vector<16xi32>, vector<16xi1>) -> (vector<16xi1>, vector<16xf32>, vector<16xi32>)
      %rev3A_2000 = arith.constant 15 : i32
      %rev3A_2001 = vector.broadcast %rev3A_2000 : i32 to vector<16xi32>
      %rev3A_2002 = tpu.iota {dimensions = array<i32: 0>} : vector<16xi32>
      %rev3A_2003 = arith.subi %rev3A_2001, %rev3A_2002 : vector<16xi32>
      %rev3A_2004 = tpu.dynamic_gather %masked_sort3A_1998[%rev3A_2003] in [0] : vector<16xf32>, vector<16xi32> -> vector<16xf32>
      %rev3A_2005 = arith.constant 15 : i32
      %rev3A_2006 = vector.broadcast %rev3A_2005 : i32 to vector<16xi32>
      %rev3A_2007 = tpu.iota {dimensions = array<i32: 0>} : vector<16xi32>
      %rev3A_2008 = arith.subi %rev3A_2006, %rev3A_2007 : vector<16xi32>
      %rev3A_2009 = tpu.dynamic_gather %masked_sort3A_1999[%rev3A_2008] in [0] : vector<16xi32>, vector<16xi32> -> vector<16xi32>
      %ge3A_2010 = arith.cmpf oge, %masked_sort3A_1919, %rev3A_2004 : vector<16xf32>
      %select_n3A_2011 = arith.select %ge3A_2010, %masked_sort3A_1919, %rev3A_2004 : vector<16xi1>, vector<16xf32>
      %select_n3A_2012 = arith.select %ge3A_2010, %masked_sort3A_1920, %rev3A_2009 : vector<16xi1>, vector<16xi32>
      %masked_sort3A_2013 = arith.constant dense<true> : vector<16xi1>
      %masked_sort3A_2014, %masked_sort3A_2015, %masked_sort3A_2016 = tpu.sort %select_n3A_2011, %select_n3A_2012 masked %masked_sort3A_2013 {descending = true} : (vector<16xf32>, vector<16xi32>, vector<16xi1>) -> (vector<16xi1>, vector<16xf32>, vector<16xi32>)
      %masked_sort3A_2017 = arith.constant dense<true> : vector<16xi1>
      %masked_sort3A_2018, %masked_sort3A_2019, %masked_sort3A_2020 = tpu.sort %gather3A_1995, %add3A_1993 masked %masked_sort3A_2017 {descending = true} : (vector<16xf32>, vector<16xi32>, vector<16xi1>) -> (vector<16xi1>, vector<16xf32>, vector<16xi32>)
      %rev3A_2021 = arith.constant 15 : i32
      %rev3A_2022 = vector.broadcast %rev3A_2021 : i32 to vector<16xi32>
      %rev3A_2023 = tpu.iota {dimensions = array<i32: 0>} : vector<16xi32>
      %rev3A_2024 = arith.subi %rev3A_2022, %rev3A_2023 : vector<16xi32>
      %rev3A_2025 = tpu.dynamic_gather %masked_sort3A_2019[%rev3A_2024] in [0] : vector<16xf32>, vector<16xi32> -> vector<16xf32>
      %rev3A_2026 = arith.constant 15 : i32
      %rev3A_2027 = vector.broadcast %rev3A_2026 : i32 to vector<16xi32>
      %rev3A_2028 = tpu.iota {dimensions = array<i32: 0>} : vector<16xi32>
      %rev3A_2029 = arith.subi %rev3A_2027, %rev3A_2028 : vector<16xi32>
      %rev3A_2030 = tpu.dynamic_gather %masked_sort3A_2020[%rev3A_2029] in [0] : vector<16xi32>, vector<16xi32> -> vector<16xi32>
      %ge3A_2031 = arith.cmpf oge, %masked_sort3A_1940, %rev3A_2025 : vector<16xf32>
      %select_n3A_2032 = arith.select %ge3A_2031, %masked_sort3A_1940, %rev3A_2025 : vector<16xi1>, vector<16xf32>
      %select_n3A_2033 = arith.select %ge3A_2031, %masked_sort3A_1941, %rev3A_2030 : vector<16xi1>, vector<16xi32>
      %masked_sort3A_2034 = arith.constant dense<true> : vector<16xi1>
      %masked_sort3A_2035, %masked_sort3A_2036, %masked_sort3A_2037 = tpu.sort %select_n3A_2032, %select_n3A_2033 masked %masked_sort3A_2034 {descending = true} : (vector<16xf32>, vector<16xi32>, vector<16xi1>) -> (vector<16xi1>, vector<16xf32>, vector<16xi32>)
      %broadcast_in_dim3A_2038 = arith.constant 12 : i32
      %broadcast_in_dim3A_2039 = vector.broadcast %broadcast_in_dim3A_2038 : i32 to vector<16xi32>
      %lt3A_2040 = arith.constant 0 : i32
      %lt3A_2041 = vector.broadcast %lt3A_2040 : i32 to vector<16xi32>
      %lt3A_2042 = arith.cmpi slt, %broadcast_in_dim3A_2039, %lt3A_2041 : vector<16xi32>
      %add3A_2043 = arith.constant 16 : i32
      %add3A_2044 = vector.broadcast %add3A_2043 : i32 to vector<16xi32>
      %add3A_2045 = arith.addi %broadcast_in_dim3A_2039, %add3A_2044 : vector<16xi32>
      %select_n3A_2046 = arith.select %lt3A_2042, %add3A_2045, %broadcast_in_dim3A_2039 : vector<16xi1>, vector<16xi32>
      %broadcast_in_dim3A_2047 = vector.shape_cast %select_n3A_2046 : vector<16xi32> to vector<16x1xi32>
      %gather3A_2048 = vector.shape_cast %broadcast_in_dim3A_2047 : vector<16x1xi32> to vector<16xi32>
      %gather3A_2049 = tpu.dynamic_gather %masked_sort3A_838[%gather3A_2048] in [0] : vector<16xi32>, vector<16xi32> -> vector<16xi32>
      %broadcast_in_dim3A_2050 = arith.constant 12 : i32
      %broadcast_in_dim3A_2051 = vector.broadcast %broadcast_in_dim3A_2050 : i32 to vector<16xi32>
      %lt3A_2052 = arith.constant 0 : i32
      %lt3A_2053 = vector.broadcast %lt3A_2052 : i32 to vector<16xi32>
      %lt3A_2054 = arith.cmpi slt, %broadcast_in_dim3A_2051, %lt3A_2053 : vector<16xi32>
      %add3A_2055 = arith.constant 16 : i32
      %add3A_2056 = vector.broadcast %add3A_2055 : i32 to vector<16xi32>
      %add3A_2057 = arith.addi %broadcast_in_dim3A_2051, %add3A_2056 : vector<16xi32>
      %select_n3A_2058 = arith.select %lt3A_2054, %add3A_2057, %broadcast_in_dim3A_2051 : vector<16xi1>, vector<16xi32>
      %broadcast_in_dim3A_2059 = vector.shape_cast %select_n3A_2058 : vector<16xi32> to vector<16x1xi32>
      %gather3A_2060 = vector.shape_cast %broadcast_in_dim3A_2059 : vector<16x1xi32> to vector<16xi32>
      %gather3A_2061 = tpu.dynamic_gather %masked_sort3A_859[%gather3A_2060] in [0] : vector<16xi32>, vector<16xi32> -> vector<16xi32>
      %shift_right_arithmetic3A_2062 = arith.constant 7 : i32
      %shift_right_arithmetic3A_2063 = vector.broadcast %shift_right_arithmetic3A_2062 : i32 to vector<16xi32>
      %shift_right_arithmetic3A_2064 = arith.shrsi %gather3A_2049, %shift_right_arithmetic3A_2063 : vector<16xi32>
      %mul3A_2065 = arith.constant 2048 : i32
      %mul3A_2066 = vector.broadcast %mul3A_2065 : i32 to vector<16xi32>
      %mul3A_2067 = arith.muli %shift_right_arithmetic3A_2064, %mul3A_2066 : vector<16xi32>
      %and3A_2068 = arith.constant 127 : i32
      %and3A_2069 = vector.broadcast %and3A_2068 : i32 to vector<16xi32>
      %and3A_2070 = arith.andi %gather3A_2049, %and3A_2069 : vector<16xi32>
      %add3A_2071 = arith.addi %mul3A_2067, %and3A_2070 : vector<16xi32>
      %mul3A_2072 = arith.constant 128 : i32
      %mul3A_2073 = vector.broadcast %mul3A_2072 : i32 to vector<16xi32>
      %mul3A_2074 = arith.muli %mul3A_2073, %iota3A : vector<16xi32>
      %add3A_2075 = arith.addi %add3A_2071, %mul3A_2074 : vector<16xi32>
      %shift_right_arithmetic3A_2076 = arith.constant 7 : i32
      %shift_right_arithmetic3A_2077 = vector.broadcast %shift_right_arithmetic3A_2076 : i32 to vector<16xi32>
      %shift_right_arithmetic3A_2078 = arith.shrsi %gather3A_2061, %shift_right_arithmetic3A_2077 : vector<16xi32>
      %mul3A_2079 = arith.constant 2048 : i32
      %mul3A_2080 = vector.broadcast %mul3A_2079 : i32 to vector<16xi32>
      %mul3A_2081 = arith.muli %shift_right_arithmetic3A_2078, %mul3A_2080 : vector<16xi32>
      %and3A_2082 = arith.constant 127 : i32
      %and3A_2083 = vector.broadcast %and3A_2082 : i32 to vector<16xi32>
      %and3A_2084 = arith.andi %gather3A_2061, %and3A_2083 : vector<16xi32>
      %add3A_2085 = arith.addi %mul3A_2081, %and3A_2084 : vector<16xi32>
      %mul3A_2086 = arith.constant 128 : i32
      %mul3A_2087 = vector.broadcast %mul3A_2086 : i32 to vector<16xi32>
      %mul3A_2088 = arith.muli %mul3A_2087, %iota3A : vector<16xi32>
      %add3A_2089 = arith.addi %add3A_2085, %mul3A_2088 : vector<16xi32>
      %gather3A_2090 = tpu.vector_load_idx %arg10[%broadcast_in_dim3A_886, %add3A_2075] : memref<2x8192xf32, #tpu.memory_space<vmem>>[vector<16xi32>, vector<16xi32>], vector<16xf32>,
      %gather3A_2091 = tpu.vector_load_idx %arg10[%broadcast_in_dim3A_888, %add3A_2089] : memref<2x8192xf32, #tpu.memory_space<vmem>>[vector<16xi32>, vector<16xi32>], vector<16xf32>,
      %masked_sort3A_2092 = arith.constant dense<true> : vector<16xi1>
      %masked_sort3A_2093, %masked_sort3A_2094, %masked_sort3A_2095 = tpu.sort %gather3A_2090, %add3A_2075 masked %masked_sort3A_2092 {descending = true} : (vector<16xf32>, vector<16xi32>, vector<16xi1>) -> (vector<16xi1>, vector<16xf32>, vector<16xi32>)
      %rev3A_2096 = arith.constant 15 : i32
      %rev3A_2097 = vector.broadcast %rev3A_2096 : i32 to vector<16xi32>
      %rev3A_2098 = tpu.iota {dimensions = array<i32: 0>} : vector<16xi32>
      %rev3A_2099 = arith.subi %rev3A_2097, %rev3A_2098 : vector<16xi32>
      %rev3A_2100 = tpu.dynamic_gather %masked_sort3A_2094[%rev3A_2099] in [0] : vector<16xf32>, vector<16xi32> -> vector<16xf32>
      %rev3A_2101 = arith.constant 15 : i32
      %rev3A_2102 = vector.broadcast %rev3A_2101 : i32 to vector<16xi32>
      %rev3A_2103 = tpu.iota {dimensions = array<i32: 0>} : vector<16xi32>
      %rev3A_2104 = arith.subi %rev3A_2102, %rev3A_2103 : vector<16xi32>
      %rev3A_2105 = tpu.dynamic_gather %masked_sort3A_2095[%rev3A_2104] in [0] : vector<16xi32>, vector<16xi32> -> vector<16xi32>
      %ge3A_2106 = arith.cmpf oge, %masked_sort3A_2015, %rev3A_2100 : vector<16xf32>
      %select_n3A_2107 = arith.select %ge3A_2106, %masked_sort3A_2015, %rev3A_2100 : vector<16xi1>, vector<16xf32>
      %select_n3A_2108 = arith.select %ge3A_2106, %masked_sort3A_2016, %rev3A_2105 : vector<16xi1>, vector<16xi32>
      %masked_sort3A_2109 = arith.constant dense<true> : vector<16xi1>
      %masked_sort3A_2110, %masked_sort3A_2111, %masked_sort3A_2112 = tpu.sort %select_n3A_2107, %select_n3A_2108 masked %masked_sort3A_2109 {descending = true} : (vector<16xf32>, vector<16xi32>, vector<16xi1>) -> (vector<16xi1>, vector<16xf32>, vector<16xi32>)
      %masked_sort3A_2113 = arith.constant dense<true> : vector<16xi1>
      %masked_sort3A_2114, %masked_sort3A_2115, %masked_sort3A_2116 = tpu.sort %gather3A_2091, %add3A_2089 masked %masked_sort3A_2113 {descending = true} : (vector<16xf32>, vector<16xi32>, vector<16xi1>) -> (vector<16xi1>, vector<16xf32>, vector<16xi32>)
      %rev3A_2117 = arith.constant 15 : i32
      %rev3A_2118 = vector.broadcast %rev3A_2117 : i32 to vector<16xi32>
      %rev3A_2119 = tpu.iota {dimensions = array<i32: 0>} : vector<16xi32>
      %rev3A_2120 = arith.subi %rev3A_2118, %rev3A_2119 : vector<16xi32>
      %rev3A_2121 = tpu.dynamic_gather %masked_sort3A_2115[%rev3A_2120] in [0] : vector<16xf32>, vector<16xi32> -> vector<16xf32>
      %rev3A_2122 = arith.constant 15 : i32
      %rev3A_2123 = vector.broadcast %rev3A_2122 : i32 to vector<16xi32>
      %rev3A_2124 = tpu.iota {dimensions = array<i32: 0>} : vector<16xi32>
      %rev3A_2125 = arith.subi %rev3A_2123, %rev3A_2124 : vector<16xi32>
      %rev3A_2126 = tpu.dynamic_gather %masked_sort3A_2116[%rev3A_2125] in [0] : vector<16xi32>, vector<16xi32> -> vector<16xi32>
      %ge3A_2127 = arith.cmpf oge, %masked_sort3A_2036, %rev3A_2121 : vector<16xf32>
      %select_n3A_2128 = arith.select %ge3A_2127, %masked_sort3A_2036, %rev3A_2121 : vector<16xi1>, vector<16xf32>
      %select_n3A_2129 = arith.select %ge3A_2127, %masked_sort3A_2037, %rev3A_2126 : vector<16xi1>, vector<16xi32>
      %masked_sort3A_2130 = arith.constant dense<true> : vector<16xi1>
      %masked_sort3A_2131, %masked_sort3A_2132, %masked_sort3A_2133 = tpu.sort %select_n3A_2128, %select_n3A_2129 masked %masked_sort3A_2130 {descending = true} : (vector<16xf32>, vector<16xi32>, vector<16xi1>) -> (vector<16xi1>, vector<16xf32>, vector<16xi32>)
      %broadcast_in_dim3A_2134 = arith.constant 13 : i32
      %broadcast_in_dim3A_2135 = vector.broadcast %broadcast_in_dim3A_2134 : i32 to vector<16xi32>
      %lt3A_2136 = arith.constant 0 : i32
      %lt3A_2137 = vector.broadcast %lt3A_2136 : i32 to vector<16xi32>
      %lt3A_2138 = arith.cmpi slt, %broadcast_in_dim3A_2135, %lt3A_2137 : vector<16xi32>
      %add3A_2139 = arith.constant 16 : i32
      %add3A_2140 = vector.broadcast %add3A_2139 : i32 to vector<16xi32>
      %add3A_2141 = arith.addi %broadcast_in_dim3A_2135, %add3A_2140 : vector<16xi32>
      %select_n3A_2142 = arith.select %lt3A_2138, %add3A_2141, %broadcast_in_dim3A_2135 : vector<16xi1>, vector<16xi32>
      %broadcast_in_dim3A_2143 = vector.shape_cast %select_n3A_2142 : vector<16xi32> to vector<16x1xi32>
      %gather3A_2144 = vector.shape_cast %broadcast_in_dim3A_2143 : vector<16x1xi32> to vector<16xi32>
      %gather3A_2145 = tpu.dynamic_gather %masked_sort3A_838[%gather3A_2144] in [0] : vector<16xi32>, vector<16xi32> -> vector<16xi32>
      %broadcast_in_dim3A_2146 = arith.constant 13 : i32
      %broadcast_in_dim3A_2147 = vector.broadcast %broadcast_in_dim3A_2146 : i32 to vector<16xi32>
      %lt3A_2148 = arith.constant 0 : i32
      %lt3A_2149 = vector.broadcast %lt3A_2148 : i32 to vector<16xi32>
      %lt3A_2150 = arith.cmpi slt, %broadcast_in_dim3A_2147, %lt3A_2149 : vector<16xi32>
      %add3A_2151 = arith.constant 16 : i32
      %add3A_2152 = vector.broadcast %add3A_2151 : i32 to vector<16xi32>
      %add3A_2153 = arith.addi %broadcast_in_dim3A_2147, %add3A_2152 : vector<16xi32>
      %select_n3A_2154 = arith.select %lt3A_2150, %add3A_2153, %broadcast_in_dim3A_2147 : vector<16xi1>, vector<16xi32>
      %broadcast_in_dim3A_2155 = vector.shape_cast %select_n3A_2154 : vector<16xi32> to vector<16x1xi32>
      %gather3A_2156 = vector.shape_cast %broadcast_in_dim3A_2155 : vector<16x1xi32> to vector<16xi32>
      %gather3A_2157 = tpu.dynamic_gather %masked_sort3A_859[%gather3A_2156] in [0] : vector<16xi32>, vector<16xi32> -> vector<16xi32>
      %shift_right_arithmetic3A_2158 = arith.constant 7 : i32
      %shift_right_arithmetic3A_2159 = vector.broadcast %shift_right_arithmetic3A_2158 : i32 to vector<16xi32>
      %shift_right_arithmetic3A_2160 = arith.shrsi %gather3A_2145, %shift_right_arithmetic3A_2159 : vector<16xi32>
      %mul3A_2161 = arith.constant 2048 : i32
      %mul3A_2162 = vector.broadcast %mul3A_2161 : i32 to vector<16xi32>
      %mul3A_2163 = arith.muli %shift_right_arithmetic3A_2160, %mul3A_2162 : vector<16xi32>
      %and3A_2164 = arith.constant 127 : i32
      %and3A_2165 = vector.broadcast %and3A_2164 : i32 to vector<16xi32>
      %and3A_2166 = arith.andi %gather3A_2145, %and3A_2165 : vector<16xi32>
      %add3A_2167 = arith.addi %mul3A_2163, %and3A_2166 : vector<16xi32>
      %mul3A_2168 = arith.constant 128 : i32
      %mul3A_2169 = vector.broadcast %mul3A_2168 : i32 to vector<16xi32>
      %mul3A_2170 = arith.muli %mul3A_2169, %iota3A : vector<16xi32>
      %add3A_2171 = arith.addi %add3A_2167, %mul3A_2170 : vector<16xi32>
      %shift_right_arithmetic3A_2172 = arith.constant 7 : i32
      %shift_right_arithmetic3A_2173 = vector.broadcast %shift_right_arithmetic3A_2172 : i32 to vector<16xi32>
      %shift_right_arithmetic3A_2174 = arith.shrsi %gather3A_2157, %shift_right_arithmetic3A_2173 : vector<16xi32>
      %mul3A_2175 = arith.constant 2048 : i32
      %mul3A_2176 = vector.broadcast %mul3A_2175 : i32 to vector<16xi32>
      %mul3A_2177 = arith.muli %shift_right_arithmetic3A_2174, %mul3A_2176 : vector<16xi32>
      %and3A_2178 = arith.constant 127 : i32
      %and3A_2179 = vector.broadcast %and3A_2178 : i32 to vector<16xi32>
      %and3A_2180 = arith.andi %gather3A_2157, %and3A_2179 : vector<16xi32>
      %add3A_2181 = arith.addi %mul3A_2177, %and3A_2180 : vector<16xi32>
      %mul3A_2182 = arith.constant 128 : i32
      %mul3A_2183 = vector.broadcast %mul3A_2182 : i32 to vector<16xi32>
      %mul3A_2184 = arith.muli %mul3A_2183, %iota3A : vector<16xi32>
      %add3A_2185 = arith.addi %add3A_2181, %mul3A_2184 : vector<16xi32>
      %gather3A_2186 = tpu.vector_load_idx %arg10[%broadcast_in_dim3A_886, %add3A_2171] : memref<2x8192xf32, #tpu.memory_space<vmem>>[vector<16xi32>, vector<16xi32>], vector<16xf32>,
      %gather3A_2187 = tpu.vector_load_idx %arg10[%broadcast_in_dim3A_888, %add3A_2185] : memref<2x8192xf32, #tpu.memory_space<vmem>>[vector<16xi32>, vector<16xi32>], vector<16xf32>,
      %masked_sort3A_2188 = arith.constant dense<true> : vector<16xi1>
      %masked_sort3A_2189, %masked_sort3A_2190, %masked_sort3A_2191 = tpu.sort %gather3A_2186, %add3A_2171 masked %masked_sort3A_2188 {descending = true} : (vector<16xf32>, vector<16xi32>, vector<16xi1>) -> (vector<16xi1>, vector<16xf32>, vector<16xi32>)
      %rev3A_2192 = arith.constant 15 : i32
      %rev3A_2193 = vector.broadcast %rev3A_2192 : i32 to vector<16xi32>
      %rev3A_2194 = tpu.iota {dimensions = array<i32: 0>} : vector<16xi32>
      %rev3A_2195 = arith.subi %rev3A_2193, %rev3A_2194 : vector<16xi32>
      %rev3A_2196 = tpu.dynamic_gather %masked_sort3A_2190[%rev3A_2195] in [0] : vector<16xf32>, vector<16xi32> -> vector<16xf32>
      %rev3A_2197 = arith.constant 15 : i32
      %rev3A_2198 = vector.broadcast %rev3A_2197 : i32 to vector<16xi32>
      %rev3A_2199 = tpu.iota {dimensions = array<i32: 0>} : vector<16xi32>
      %rev3A_2200 = arith.subi %rev3A_2198, %rev3A_2199 : vector<16xi32>
      %rev3A_2201 = tpu.dynamic_gather %masked_sort3A_2191[%rev3A_2200] in [0] : vector<16xi32>, vector<16xi32> -> vector<16xi32>
      %ge3A_2202 = arith.cmpf oge, %masked_sort3A_2111, %rev3A_2196 : vector<16xf32>
      %select_n3A_2203 = arith.select %ge3A_2202, %masked_sort3A_2111, %rev3A_2196 : vector<16xi1>, vector<16xf32>
      %select_n3A_2204 = arith.select %ge3A_2202, %masked_sort3A_2112, %rev3A_2201 : vector<16xi1>, vector<16xi32>
      %masked_sort3A_2205 = arith.constant dense<true> : vector<16xi1>
      %masked_sort3A_2206, %masked_sort3A_2207, %masked_sort3A_2208 = tpu.sort %select_n3A_2203, %select_n3A_2204 masked %masked_sort3A_2205 {descending = true} : (vector<16xf32>, vector<16xi32>, vector<16xi1>) -> (vector<16xi1>, vector<16xf32>, vector<16xi32>)
      %masked_sort3A_2209 = arith.constant dense<true> : vector<16xi1>
      %masked_sort3A_2210, %masked_sort3A_2211, %masked_sort3A_2212 = tpu.sort %gather3A_2187, %add3A_2185 masked %masked_sort3A_2209 {descending = true} : (vector<16xf32>, vector<16xi32>, vector<16xi1>) -> (vector<16xi1>, vector<16xf32>, vector<16xi32>)
      %rev3A_2213 = arith.constant 15 : i32
      %rev3A_2214 = vector.broadcast %rev3A_2213 : i32 to vector<16xi32>
      %rev3A_2215 = tpu.iota {dimensions = array<i32: 0>} : vector<16xi32>
      %rev3A_2216 = arith.subi %rev3A_2214, %rev3A_2215 : vector<16xi32>
      %rev3A_2217 = tpu.dynamic_gather %masked_sort3A_2211[%rev3A_2216] in [0] : vector<16xf32>, vector<16xi32> -> vector<16xf32>
      %rev3A_2218 = arith.constant 15 : i32
      %rev3A_2219 = vector.broadcast %rev3A_2218 : i32 to vector<16xi32>
      %rev3A_2220 = tpu.iota {dimensions = array<i32: 0>} : vector<16xi32>
      %rev3A_2221 = arith.subi %rev3A_2219, %rev3A_2220 : vector<16xi32>
      %rev3A_2222 = tpu.dynamic_gather %masked_sort3A_2212[%rev3A_2221] in [0] : vector<16xi32>, vector<16xi32> -> vector<16xi32>
      %ge3A_2223 = arith.cmpf oge, %masked_sort3A_2132, %rev3A_2217 : vector<16xf32>
      %select_n3A_2224 = arith.select %ge3A_2223, %masked_sort3A_2132, %rev3A_2217 : vector<16xi1>, vector<16xf32>
      %select_n3A_2225 = arith.select %ge3A_2223, %masked_sort3A_2133, %rev3A_2222 : vector<16xi1>, vector<16xi32>
      %masked_sort3A_2226 = arith.constant dense<true> : vector<16xi1>
      %masked_sort3A_2227, %masked_sort3A_2228, %masked_sort3A_2229 = tpu.sort %select_n3A_2224, %select_n3A_2225 masked %masked_sort3A_2226 {descending = true} : (vector<16xf32>, vector<16xi32>, vector<16xi1>) -> (vector<16xi1>, vector<16xf32>, vector<16xi32>)
      %broadcast_in_dim3A_2230 = arith.constant 14 : i32
      %broadcast_in_dim3A_2231 = vector.broadcast %broadcast_in_dim3A_2230 : i32 to vector<16xi32>
      %lt3A_2232 = arith.constant 0 : i32
      %lt3A_2233 = vector.broadcast %lt3A_2232 : i32 to vector<16xi32>
      %lt3A_2234 = arith.cmpi slt, %broadcast_in_dim3A_2231, %lt3A_2233 : vector<16xi32>
      %add3A_2235 = arith.constant 16 : i32
      %add3A_2236 = vector.broadcast %add3A_2235 : i32 to vector<16xi32>
      %add3A_2237 = arith.addi %broadcast_in_dim3A_2231, %add3A_2236 : vector<16xi32>
      %select_n3A_2238 = arith.select %lt3A_2234, %add3A_2237, %broadcast_in_dim3A_2231 : vector<16xi1>, vector<16xi32>
      %broadcast_in_dim3A_2239 = vector.shape_cast %select_n3A_2238 : vector<16xi32> to vector<16x1xi32>
      %gather3A_2240 = vector.shape_cast %broadcast_in_dim3A_2239 : vector<16x1xi32> to vector<16xi32>
      %gather3A_2241 = tpu.dynamic_gather %masked_sort3A_838[%gather3A_2240] in [0] : vector<16xi32>, vector<16xi32> -> vector<16xi32>
      %broadcast_in_dim3A_2242 = arith.constant 14 : i32
      %broadcast_in_dim3A_2243 = vector.broadcast %broadcast_in_dim3A_2242 : i32 to vector<16xi32>
      %lt3A_2244 = arith.constant 0 : i32
      %lt3A_2245 = vector.broadcast %lt3A_2244 : i32 to vector<16xi32>
      %lt3A_2246 = arith.cmpi slt, %broadcast_in_dim3A_2243, %lt3A_2245 : vector<16xi32>
      %add3A_2247 = arith.constant 16 : i32
      %add3A_2248 = vector.broadcast %add3A_2247 : i32 to vector<16xi32>
      %add3A_2249 = arith.addi %broadcast_in_dim3A_2243, %add3A_2248 : vector<16xi32>
      %select_n3A_2250 = arith.select %lt3A_2246, %add3A_2249, %broadcast_in_dim3A_2243 : vector<16xi1>, vector<16xi32>
      %broadcast_in_dim3A_2251 = vector.shape_cast %select_n3A_2250 : vector<16xi32> to vector<16x1xi32>
      %gather3A_2252 = vector.shape_cast %broadcast_in_dim3A_2251 : vector<16x1xi32> to vector<16xi32>
      %gather3A_2253 = tpu.dynamic_gather %masked_sort3A_859[%gather3A_2252] in [0] : vector<16xi32>, vector<16xi32> -> vector<16xi32>
      %shift_right_arithmetic3A_2254 = arith.constant 7 : i32
      %shift_right_arithmetic3A_2255 = vector.broadcast %shift_right_arithmetic3A_2254 : i32 to vector<16xi32>
      %shift_right_arithmetic3A_2256 = arith.shrsi %gather3A_2241, %shift_right_arithmetic3A_2255 : vector<16xi32>
      %mul3A_2257 = arith.constant 2048 : i32
      %mul3A_2258 = vector.broadcast %mul3A_2257 : i32 to vector<16xi32>
      %mul3A_2259 = arith.muli %shift_right_arithmetic3A_2256, %mul3A_2258 : vector<16xi32>
      %and3A_2260 = arith.constant 127 : i32
      %and3A_2261 = vector.broadcast %and3A_2260 : i32 to vector<16xi32>
      %and3A_2262 = arith.andi %gather3A_2241, %and3A_2261 : vector<16xi32>
      %add3A_2263 = arith.addi %mul3A_2259, %and3A_2262 : vector<16xi32>
      %mul3A_2264 = arith.constant 128 : i32
      %mul3A_2265 = vector.broadcast %mul3A_2264 : i32 to vector<16xi32>
      %mul3A_2266 = arith.muli %mul3A_2265, %iota3A : vector<16xi32>
      %add3A_2267 = arith.addi %add3A_2263, %mul3A_2266 : vector<16xi32>
      %shift_right_arithmetic3A_2268 = arith.constant 7 : i32
      %shift_right_arithmetic3A_2269 = vector.broadcast %shift_right_arithmetic3A_2268 : i32 to vector<16xi32>
      %shift_right_arithmetic3A_2270 = arith.shrsi %gather3A_2253, %shift_right_arithmetic3A_2269 : vector<16xi32>
      %mul3A_2271 = arith.constant 2048 : i32
      %mul3A_2272 = vector.broadcast %mul3A_2271 : i32 to vector<16xi32>
      %mul3A_2273 = arith.muli %shift_right_arithmetic3A_2270, %mul3A_2272 : vector<16xi32>
      %and3A_2274 = arith.constant 127 : i32
      %and3A_2275 = vector.broadcast %and3A_2274 : i32 to vector<16xi32>
      %and3A_2276 = arith.andi %gather3A_2253, %and3A_2275 : vector<16xi32>
      %add3A_2277 = arith.addi %mul3A_2273, %and3A_2276 : vector<16xi32>
      %mul3A_2278 = arith.constant 128 : i32
      %mul3A_2279 = vector.broadcast %mul3A_2278 : i32 to vector<16xi32>
      %mul3A_2280 = arith.muli %mul3A_2279, %iota3A : vector<16xi32>
      %add3A_2281 = arith.addi %add3A_2277, %mul3A_2280 : vector<16xi32>
      %gather3A_2282 = tpu.vector_load_idx %arg10[%broadcast_in_dim3A_886, %add3A_2267] : memref<2x8192xf32, #tpu.memory_space<vmem>>[vector<16xi32>, vector<16xi32>], vector<16xf32>,
      %gather3A_2283 = tpu.vector_load_idx %arg10[%broadcast_in_dim3A_888, %add3A_2281] : memref<2x8192xf32, #tpu.memory_space<vmem>>[vector<16xi32>, vector<16xi32>], vector<16xf32>,
      %masked_sort3A_2284 = arith.constant dense<true> : vector<16xi1>
      %masked_sort3A_2285, %masked_sort3A_2286, %masked_sort3A_2287 = tpu.sort %gather3A_2282, %add3A_2267 masked %masked_sort3A_2284 {descending = true} : (vector<16xf32>, vector<16xi32>, vector<16xi1>) -> (vector<16xi1>, vector<16xf32>, vector<16xi32>)
      %rev3A_2288 = arith.constant 15 : i32
      %rev3A_2289 = vector.broadcast %rev3A_2288 : i32 to vector<16xi32>
      %rev3A_2290 = tpu.iota {dimensions = array<i32: 0>} : vector<16xi32>
      %rev3A_2291 = arith.subi %rev3A_2289, %rev3A_2290 : vector<16xi32>
      %rev3A_2292 = tpu.dynamic_gather %masked_sort3A_2286[%rev3A_2291] in [0] : vector<16xf32>, vector<16xi32> -> vector<16xf32>
      %rev3A_2293 = arith.constant 15 : i32
      %rev3A_2294 = vector.broadcast %rev3A_2293 : i32 to vector<16xi32>
      %rev3A_2295 = tpu.iota {dimensions = array<i32: 0>} : vector<16xi32>
      %rev3A_2296 = arith.subi %rev3A_2294, %rev3A_2295 : vector<16xi32>
      %rev3A_2297 = tpu.dynamic_gather %masked_sort3A_2287[%rev3A_2296] in [0] : vector<16xi32>, vector<16xi32> -> vector<16xi32>
      %ge3A_2298 = arith.cmpf oge, %masked_sort3A_2207, %rev3A_2292 : vector<16xf32>
      %select_n3A_2299 = arith.select %ge3A_2298, %masked_sort3A_2207, %rev3A_2292 : vector<16xi1>, vector<16xf32>
      %select_n3A_2300 = arith.select %ge3A_2298, %masked_sort3A_2208, %rev3A_2297 : vector<16xi1>, vector<16xi32>
      %masked_sort3A_2301 = arith.constant dense<true> : vector<16xi1>
      %masked_sort3A_2302, %masked_sort3A_2303, %masked_sort3A_2304 = tpu.sort %select_n3A_2299, %select_n3A_2300 masked %masked_sort3A_2301 {descending = true} : (vector<16xf32>, vector<16xi32>, vector<16xi1>) -> (vector<16xi1>, vector<16xf32>, vector<16xi32>)
      %masked_sort3A_2305 = arith.constant dense<true> : vector<16xi1>
      %masked_sort3A_2306, %masked_sort3A_2307, %masked_sort3A_2308 = tpu.sort %gather3A_2283, %add3A_2281 masked %masked_sort3A_2305 {descending = true} : (vector<16xf32>, vector<16xi32>, vector<16xi1>) -> (vector<16xi1>, vector<16xf32>, vector<16xi32>)
      %rev3A_2309 = arith.constant 15 : i32
      %rev3A_2310 = vector.broadcast %rev3A_2309 : i32 to vector<16xi32>
      %rev3A_2311 = tpu.iota {dimensions = array<i32: 0>} : vector<16xi32>
      %rev3A_2312 = arith.subi %rev3A_2310, %rev3A_2311 : vector<16xi32>
      %rev3A_2313 = tpu.dynamic_gather %masked_sort3A_2307[%rev3A_2312] in [0] : vector<16xf32>, vector<16xi32> -> vector<16xf32>
      %rev3A_2314 = arith.constant 15 : i32
      %rev3A_2315 = vector.broadcast %rev3A_2314 : i32 to vector<16xi32>
      %rev3A_2316 = tpu.iota {dimensions = array<i32: 0>} : vector<16xi32>
      %rev3A_2317 = arith.subi %rev3A_2315, %rev3A_2316 : vector<16xi32>
      %rev3A_2318 = tpu.dynamic_gather %masked_sort3A_2308[%rev3A_2317] in [0] : vector<16xi32>, vector<16xi32> -> vector<16xi32>
      %ge3A_2319 = arith.cmpf oge, %masked_sort3A_2228, %rev3A_2313 : vector<16xf32>
      %select_n3A_2320 = arith.select %ge3A_2319, %masked_sort3A_2228, %rev3A_2313 : vector<16xi1>, vector<16xf32>
      %select_n3A_2321 = arith.select %ge3A_2319, %masked_sort3A_2229, %rev3A_2318 : vector<16xi1>, vector<16xi32>
      %masked_sort3A_2322 = arith.constant dense<true> : vector<16xi1>
      %masked_sort3A_2323, %masked_sort3A_2324, %masked_sort3A_2325 = tpu.sort %select_n3A_2320, %select_n3A_2321 masked %masked_sort3A_2322 {descending = true} : (vector<16xf32>, vector<16xi32>, vector<16xi1>) -> (vector<16xi1>, vector<16xf32>, vector<16xi32>)
      %broadcast_in_dim3A_2326 = arith.constant 15 : i32
      %broadcast_in_dim3A_2327 = vector.broadcast %broadcast_in_dim3A_2326 : i32 to vector<16xi32>
      %lt3A_2328 = arith.constant 0 : i32
      %lt3A_2329 = vector.broadcast %lt3A_2328 : i32 to vector<16xi32>
      %lt3A_2330 = arith.cmpi slt, %broadcast_in_dim3A_2327, %lt3A_2329 : vector<16xi32>
      %add3A_2331 = arith.constant 16 : i32
      %add3A_2332 = vector.broadcast %add3A_2331 : i32 to vector<16xi32>
      %add3A_2333 = arith.addi %broadcast_in_dim3A_2327, %add3A_2332 : vector<16xi32>
      %select_n3A_2334 = arith.select %lt3A_2330, %add3A_2333, %broadcast_in_dim3A_2327 : vector<16xi1>, vector<16xi32>
      %broadcast_in_dim3A_2335 = vector.shape_cast %select_n3A_2334 : vector<16xi32> to vector<16x1xi32>
      %gather3A_2336 = vector.shape_cast %broadcast_in_dim3A_2335 : vector<16x1xi32> to vector<16xi32>
      %gather3A_2337 = tpu.dynamic_gather %masked_sort3A_838[%gather3A_2336] in [0] : vector<16xi32>, vector<16xi32> -> vector<16xi32>
      %broadcast_in_dim3A_2338 = arith.constant 15 : i32
      %broadcast_in_dim3A_2339 = vector.broadcast %broadcast_in_dim3A_2338 : i32 to vector<16xi32>
      %lt3A_2340 = arith.constant 0 : i32
      %lt3A_2341 = vector.broadcast %lt3A_2340 : i32 to vector<16xi32>
      %lt3A_2342 = arith.cmpi slt, %broadcast_in_dim3A_2339, %lt3A_2341 : vector<16xi32>
      %add3A_2343 = arith.constant 16 : i32
      %add3A_2344 = vector.broadcast %add3A_2343 : i32 to vector<16xi32>
      %add3A_2345 = arith.addi %broadcast_in_dim3A_2339, %add3A_2344 : vector<16xi32>
      %select_n3A_2346 = arith.select %lt3A_2342, %add3A_2345, %broadcast_in_dim3A_2339 : vector<16xi1>, vector<16xi32>
      %broadcast_in_dim3A_2347 = vector.shape_cast %select_n3A_2346 : vector<16xi32> to vector<16x1xi32>
      %gather3A_2348 = vector.shape_cast %broadcast_in_dim3A_2347 : vector<16x1xi32> to vector<16xi32>
      %gather3A_2349 = tpu.dynamic_gather %masked_sort3A_859[%gather3A_2348] in [0] : vector<16xi32>, vector<16xi32> -> vector<16xi32>
      %shift_right_arithmetic3A_2350 = arith.constant 7 : i32
      %shift_right_arithmetic3A_2351 = vector.broadcast %shift_right_arithmetic3A_2350 : i32 to vector<16xi32>
      %shift_right_arithmetic3A_2352 = arith.shrsi %gather3A_2337, %shift_right_arithmetic3A_2351 : vector<16xi32>
      %mul3A_2353 = arith.constant 2048 : i32
      %mul3A_2354 = vector.broadcast %mul3A_2353 : i32 to vector<16xi32>
      %mul3A_2355 = arith.muli %shift_right_arithmetic3A_2352, %mul3A_2354 : vector<16xi32>
      %and3A_2356 = arith.constant 127 : i32
      %and3A_2357 = vector.broadcast %and3A_2356 : i32 to vector<16xi32>
      %and3A_2358 = arith.andi %gather3A_2337, %and3A_2357 : vector<16xi32>
      %add3A_2359 = arith.addi %mul3A_2355, %and3A_2358 : vector<16xi32>
      %mul3A_2360 = arith.constant 128 : i32
      %mul3A_2361 = vector.broadcast %mul3A_2360 : i32 to vector<16xi32>
      %mul3A_2362 = arith.muli %mul3A_2361, %iota3A : vector<16xi32>
      %add3A_2363 = arith.addi %add3A_2359, %mul3A_2362 : vector<16xi32>
      %shift_right_arithmetic3A_2364 = arith.constant 7 : i32
      %shift_right_arithmetic3A_2365 = vector.broadcast %shift_right_arithmetic3A_2364 : i32 to vector<16xi32>
      %shift_right_arithmetic3A_2366 = arith.shrsi %gather3A_2349, %shift_right_arithmetic3A_2365 : vector<16xi32>
      %mul3A_2367 = arith.constant 2048 : i32
      %mul3A_2368 = vector.broadcast %mul3A_2367 : i32 to vector<16xi32>
      %mul3A_2369 = arith.muli %shift_right_arithmetic3A_2366, %mul3A_2368 : vector<16xi32>
      %and3A_2370 = arith.constant 127 : i32
      %and3A_2371 = vector.broadcast %and3A_2370 : i32 to vector<16xi32>
      %and3A_2372 = arith.andi %gather3A_2349, %and3A_2371 : vector<16xi32>
      %add3A_2373 = arith.addi %mul3A_2369, %and3A_2372 : vector<16xi32>
      %mul3A_2374 = arith.constant 128 : i32
      %mul3A_2375 = vector.broadcast %mul3A_2374 : i32 to vector<16xi32>
      %mul3A_2376 = arith.muli %mul3A_2375, %iota3A : vector<16xi32>
      %add3A_2377 = arith.addi %add3A_2373, %mul3A_2376 : vector<16xi32>
      %gather3A_2378 = tpu.vector_load_idx %arg10[%broadcast_in_dim3A_886, %add3A_2363] : memref<2x8192xf32, #tpu.memory_space<vmem>>[vector<16xi32>, vector<16xi32>], vector<16xf32>,
      %gather3A_2379 = tpu.vector_load_idx %arg10[%broadcast_in_dim3A_888, %add3A_2377] : memref<2x8192xf32, #tpu.memory_space<vmem>>[vector<16xi32>, vector<16xi32>], vector<16xf32>,
      %masked_sort3A_2380 = arith.constant dense<true> : vector<16xi1>
      %masked_sort3A_2381, %masked_sort3A_2382, %masked_sort3A_2383 = tpu.sort %gather3A_2378, %add3A_2363 masked %masked_sort3A_2380 {descending = true} : (vector<16xf32>, vector<16xi32>, vector<16xi1>) -> (vector<16xi1>, vector<16xf32>, vector<16xi32>)
      %rev3A_2384 = arith.constant 15 : i32
      %rev3A_2385 = vector.broadcast %rev3A_2384 : i32 to vector<16xi32>
      %rev3A_2386 = tpu.iota {dimensions = array<i32: 0>} : vector<16xi32>
      %rev3A_2387 = arith.subi %rev3A_2385, %rev3A_2386 : vector<16xi32>
      %rev3A_2388 = tpu.dynamic_gather %masked_sort3A_2382[%rev3A_2387] in [0] : vector<16xf32>, vector<16xi32> -> vector<16xf32>
      %rev3A_2389 = arith.constant 15 : i32
      %rev3A_2390 = vector.broadcast %rev3A_2389 : i32 to vector<16xi32>
      %rev3A_2391 = tpu.iota {dimensions = array<i32: 0>} : vector<16xi32>
      %rev3A_2392 = arith.subi %rev3A_2390, %rev3A_2391 : vector<16xi32>
      %rev3A_2393 = tpu.dynamic_gather %masked_sort3A_2383[%rev3A_2392] in [0] : vector<16xi32>, vector<16xi32> -> vector<16xi32>
      %ge3A_2394 = arith.cmpf oge, %masked_sort3A_2303, %rev3A_2388 : vector<16xf32>
      %select_n3A_2395 = arith.select %ge3A_2394, %masked_sort3A_2303, %rev3A_2388 : vector<16xi1>, vector<16xf32>
      %select_n3A_2396 = arith.select %ge3A_2394, %masked_sort3A_2304, %rev3A_2393 : vector<16xi1>, vector<16xi32>
      %masked_sort3A_2397 = arith.constant dense<true> : vector<16xi1>
      %masked_sort3A_2398, %masked_sort3A_2399, %masked_sort3A_2400 = tpu.sort %select_n3A_2395, %select_n3A_2396 masked %masked_sort3A_2397 {descending = true} : (vector<16xf32>, vector<16xi32>, vector<16xi1>) -> (vector<16xi1>, vector<16xf32>, vector<16xi32>)
      %masked_sort3A_2401 = arith.constant dense<true> : vector<16xi1>
      %masked_sort3A_2402, %masked_sort3A_2403, %masked_sort3A_2404 = tpu.sort %gather3A_2379, %add3A_2377 masked %masked_sort3A_2401 {descending = true} : (vector<16xf32>, vector<16xi32>, vector<16xi1>) -> (vector<16xi1>, vector<16xf32>, vector<16xi32>)
      %rev3A_2405 = arith.constant 15 : i32
      %rev3A_2406 = vector.broadcast %rev3A_2405 : i32 to vector<16xi32>
      %rev3A_2407 = tpu.iota {dimensions = array<i32: 0>} : vector<16xi32>
      %rev3A_2408 = arith.subi %rev3A_2406, %rev3A_2407 : vector<16xi32>
      %rev3A_2409 = tpu.dynamic_gather %masked_sort3A_2403[%rev3A_2408] in [0] : vector<16xf32>, vector<16xi32> -> vector<16xf32>
      %rev3A_2410 = arith.constant 15 : i32
      %rev3A_2411 = vector.broadcast %rev3A_2410 : i32 to vector<16xi32>
      %rev3A_2412 = tpu.iota {dimensions = array<i32: 0>} : vector<16xi32>
      %rev3A_2413 = arith.subi %rev3A_2411, %rev3A_2412 : vector<16xi32>
      %rev3A_2414 = tpu.dynamic_gather %masked_sort3A_2404[%rev3A_2413] in [0] : vector<16xi32>, vector<16xi32> -> vector<16xi32>
      %ge3A_2415 = arith.cmpf oge, %masked_sort3A_2324, %rev3A_2409 : vector<16xf32>
      %select_n3A_2416 = arith.select %ge3A_2415, %masked_sort3A_2324, %rev3A_2409 : vector<16xi1>, vector<16xf32>
      %select_n3A_2417 = arith.select %ge3A_2415, %masked_sort3A_2325, %rev3A_2414 : vector<16xi1>, vector<16xi32>
      %masked_sort3A_2418 = arith.constant dense<true> : vector<16xi1>
      %masked_sort3A_2419, %masked_sort3A_2420, %masked_sort3A_2421 = tpu.sort %select_n3A_2416, %select_n3A_2417 masked %masked_sort3A_2418 {descending = true} : (vector<16xf32>, vector<16xi32>, vector<16xi1>) -> (vector<16xi1>, vector<16xf32>, vector<16xi32>)
      %broadcast_in_dim3A_2422 = arith.constant 0 : i32
      %broadcast_in_dim3A_2423 = vector.broadcast %broadcast_in_dim3A_2422 : i32 to vector<16xi32>
      %lt3A_2424 = arith.constant 0 : i32
      %lt3A_2425 = vector.broadcast %lt3A_2424 : i32 to vector<16xi32>
      %lt3A_2426 = arith.cmpi slt, %broadcast_in_dim3A_2423, %lt3A_2425 : vector<16xi32>
      %add3A_2427 = arith.constant 16 : i32
      %add3A_2428 = vector.broadcast %add3A_2427 : i32 to vector<16xi32>
      %add3A_2429 = arith.addi %broadcast_in_dim3A_2423, %add3A_2428 : vector<16xi32>
      %select_n3A_2430 = arith.select %lt3A_2426, %add3A_2429, %broadcast_in_dim3A_2423 : vector<16xi1>, vector<16xi32>
      %broadcast_in_dim3A_2431 = vector.shape_cast %select_n3A_2430 : vector<16xi32> to vector<16x1xi32>
      %gather3A_2432 = vector.shape_cast %broadcast_in_dim3A_2431 : vector<16x1xi32> to vector<16xi32>
      %gather3A_2433 = tpu.dynamic_gather %masked_sort3A_2400[%gather3A_2432] in [0] : vector<16xi32>, vector<16xi32> -> vector<16xi32>
      %broadcast_in_dim3A_2434 = arith.constant 0 : i32
      %broadcast_in_dim3A_2435 = vector.broadcast %broadcast_in_dim3A_2434 : i32 to vector<16xi32>
      %lt3A_2436 = arith.constant 0 : i32
      %lt3A_2437 = vector.broadcast %lt3A_2436 : i32 to vector<16xi32>
      %lt3A_2438 = arith.cmpi slt, %broadcast_in_dim3A_2435, %lt3A_2437 : vector<16xi32>
      %add3A_2439 = arith.constant 16 : i32
      %add3A_2440 = vector.broadcast %add3A_2439 : i32 to vector<16xi32>
      %add3A_2441 = arith.addi %broadcast_in_dim3A_2435, %add3A_2440 : vector<16xi32>
      %select_n3A_2442 = arith.select %lt3A_2438, %add3A_2441, %broadcast_in_dim3A_2435 : vector<16xi1>, vector<16xi32>
      %broadcast_in_dim3A_2443 = vector.shape_cast %select_n3A_2442 : vector<16xi32> to vector<16x1xi32>
      %gather3A_2444 = vector.shape_cast %broadcast_in_dim3A_2443 : vector<16x1xi32> to vector<16xi32>
      %gather3A_2445 = tpu.dynamic_gather %masked_sort3A_2421[%gather3A_2444] in [0] : vector<16xi32>, vector<16xi32> -> vector<16xi32>
      %shift_right_arithmetic3A_2446 = arith.constant 11 : i32
      %shift_right_arithmetic3A_2447 = vector.broadcast %shift_right_arithmetic3A_2446 : i32 to vector<16xi32>
      %shift_right_arithmetic3A_2448 = arith.shrsi %gather3A_2433, %shift_right_arithmetic3A_2447 : vector<16xi32>
      %mul3A_2449 = arith.constant 32768 : i32
      %mul3A_2450 = vector.broadcast %mul3A_2449 : i32 to vector<16xi32>
      %mul3A_2451 = arith.muli %shift_right_arithmetic3A_2448, %mul3A_2450 : vector<16xi32>
      %and3A_2452 = arith.constant 2047 : i32
      %and3A_2453 = vector.broadcast %and3A_2452 : i32 to vector<16xi32>
      %and3A_2454 = arith.andi %gather3A_2433, %and3A_2453 : vector<16xi32>
      %add3A_2455 = arith.addi %mul3A_2451, %and3A_2454 : vector<16xi32>
      %mul3A_2456 = arith.constant 2048 : i32
      %mul3A_2457 = vector.broadcast %mul3A_2456 : i32 to vector<16xi32>
      %mul3A_2458 = arith.muli %mul3A_2457, %iota3A : vector<16xi32>
      %add3A_2459 = arith.addi %add3A_2455, %mul3A_2458 : vector<16xi32>
      %shift_right_arithmetic3A_2460 = arith.constant 11 : i32
      %shift_right_arithmetic3A_2461 = vector.broadcast %shift_right_arithmetic3A_2460 : i32 to vector<16xi32>
      %shift_right_arithmetic3A_2462 = arith.shrsi %gather3A_2445, %shift_right_arithmetic3A_2461 : vector<16xi32>
      %mul3A_2463 = arith.constant 32768 : i32
      %mul3A_2464 = vector.broadcast %mul3A_2463 : i32 to vector<16xi32>
      %mul3A_2465 = arith.muli %shift_right_arithmetic3A_2462, %mul3A_2464 : vector<16xi32>
      %and3A_2466 = arith.constant 2047 : i32
      %and3A_2467 = vector.broadcast %and3A_2466 : i32 to vector<16xi32>
      %and3A_2468 = arith.andi %gather3A_2445, %and3A_2467 : vector<16xi32>
      %add3A_2469 = arith.addi %mul3A_2465, %and3A_2468 : vector<16xi32>
      %mul3A_2470 = arith.constant 2048 : i32
      %mul3A_2471 = vector.broadcast %mul3A_2470 : i32 to vector<16xi32>
      %mul3A_2472 = arith.muli %mul3A_2471, %iota3A : vector<16xi32>
      %add3A_2473 = arith.addi %add3A_2469, %mul3A_2472 : vector<16xi32>
      %swap3A = arith.constant 0 : i32
      %swap3A_2474 = arith.index_cast %swap3A : i32 to index
      %swap3A_2475 = arith.constant 0 : index
      %swap3A_2476 = tpu.vector_load %arg16[%swap3A_2474, %swap3A_2475] {strides = array<i32>} : memref<16x16xi32, #tpu.memory_space<vmem>>, vector<16xi32>,
      tpu.vector_store %arg16[%swap3A_2474, %swap3A_2475], %add3A_2459 {strides = array<i32>} : memref<16x16xi32, #tpu.memory_space<vmem>>, vector<16xi32>,
      %swap3A_2477 = arith.constant 0 : i32
      %swap3A_2478 = arith.index_cast %swap3A_2477 : i32 to index
      %swap3A_2479 = arith.constant 0 : index
      %swap3A_2480 = tpu.vector_load %arg17[%swap3A_2478, %swap3A_2479] {strides = array<i32>} : memref<16x16xi32, #tpu.memory_space<vmem>>, vector<16xi32>,
      tpu.vector_store %arg17[%swap3A_2478, %swap3A_2479], %add3A_2473 {strides = array<i32>} : memref<16x16xi32, #tpu.memory_space<vmem>>, vector<16xi32>,
      %min3A = arith.constant 99999 : i32
      %min3A_2481 = vector.broadcast %min3A : i32 to vector<16xi32>
      %min3A_2482 = arith.minsi %add3A_2459, %min3A_2481 : vector<16xi32>
      %min3A_2483 = arith.constant 99999 : i32
      %min3A_2484 = vector.broadcast %min3A_2483 : i32 to vector<16xi32>
      %min3A_2485 = arith.minsi %add3A_2473, %min3A_2484 : vector<16xi32>
      %swap3A_2486 = arith.constant 0 : index
      %swap3A_2487 = tpu.vector_load %arg18[%swap3A_2486] {strides = array<i32>} : memref<128xi32, #tpu.memory_space<vmem>>, vector<16xi32>,
      tpu.vector_store %arg18[%swap3A_2486], %min3A_2482 {strides = array<i32>} : memref<128xi32, #tpu.memory_space<vmem>>, vector<16xi32>,
      %swap3A_2488 = arith.constant 0 : index
      %swap3A_2489 = tpu.vector_load %arg20[%swap3A_2488] {strides = array<i32>} : memref<128xi32, #tpu.memory_space<vmem>>, vector<16xi32>,
      tpu.vector_store %arg20[%swap3A_2488], %min3A_2485 {strides = array<i32>} : memref<128xi32, #tpu.memory_space<vmem>>, vector<16xi32>,
      %broadcast_in_dim3A_2490 = arith.constant 1 : i32
      %broadcast_in_dim3A_2491 = vector.broadcast %broadcast_in_dim3A_2490 : i32 to vector<16xi32>
      %lt3A_2492 = arith.constant 0 : i32
      %lt3A_2493 = vector.broadcast %lt3A_2492 : i32 to vector<16xi32>
      %lt3A_2494 = arith.cmpi slt, %broadcast_in_dim3A_2491, %lt3A_2493 : vector<16xi32>
      %add3A_2495 = arith.constant 16 : i32
      %add3A_2496 = vector.broadcast %add3A_2495 : i32 to vector<16xi32>
      %add3A_2497 = arith.addi %broadcast_in_dim3A_2491, %add3A_2496 : vector<16xi32>
      %select_n3A_2498 = arith.select %lt3A_2494, %add3A_2497, %broadcast_in_dim3A_2491 : vector<16xi1>, vector<16xi32>
      %broadcast_in_dim3A_2499 = vector.shape_cast %select_n3A_2498 : vector<16xi32> to vector<16x1xi32>
      %gather3A_2500 = vector.shape_cast %broadcast_in_dim3A_2499 : vector<16x1xi32> to vector<16xi32>
      %gather3A_2501 = tpu.dynamic_gather %masked_sort3A_2400[%gather3A_2500] in [0] : vector<16xi32>, vector<16xi32> -> vector<16xi32>
      %broadcast_in_dim3A_2502 = arith.constant 1 : i32
      %broadcast_in_dim3A_2503 = vector.broadcast %broadcast_in_dim3A_2502 : i32 to vector<16xi32>
      %lt3A_2504 = arith.constant 0 : i32
      %lt3A_2505 = vector.broadcast %lt3A_2504 : i32 to vector<16xi32>
      %lt3A_2506 = arith.cmpi slt, %broadcast_in_dim3A_2503, %lt3A_2505 : vector<16xi32>
      %add3A_2507 = arith.constant 16 : i32
      %add3A_2508 = vector.broadcast %add3A_2507 : i32 to vector<16xi32>
      %add3A_2509 = arith.addi %broadcast_in_dim3A_2503, %add3A_2508 : vector<16xi32>
      %select_n3A_2510 = arith.select %lt3A_2506, %add3A_2509, %broadcast_in_dim3A_2503 : vector<16xi1>, vector<16xi32>
      %broadcast_in_dim3A_2511 = vector.shape_cast %select_n3A_2510 : vector<16xi32> to vector<16x1xi32>
      %gather3A_2512 = vector.shape_cast %broadcast_in_dim3A_2511 : vector<16x1xi32> to vector<16xi32>
      %gather3A_2513 = tpu.dynamic_gather %masked_sort3A_2421[%gather3A_2512] in [0] : vector<16xi32>, vector<16xi32> -> vector<16xi32>
      %shift_right_arithmetic3A_2514 = arith.constant 11 : i32
      %shift_right_arithmetic3A_2515 = vector.broadcast %shift_right_arithmetic3A_2514 : i32 to vector<16xi32>
      %shift_right_arithmetic3A_2516 = arith.shrsi %gather3A_2501, %shift_right_arithmetic3A_2515 : vector<16xi32>
      %mul3A_2517 = arith.constant 32768 : i32
      %mul3A_2518 = vector.broadcast %mul3A_2517 : i32 to vector<16xi32>
      %mul3A_2519 = arith.muli %shift_right_arithmetic3A_2516, %mul3A_2518 : vector<16xi32>
      %and3A_2520 = arith.constant 2047 : i32
      %and3A_2521 = vector.broadcast %and3A_2520 : i32 to vector<16xi32>
      %and3A_2522 = arith.andi %gather3A_2501, %and3A_2521 : vector<16xi32>
      %add3A_2523 = arith.addi %mul3A_2519, %and3A_2522 : vector<16xi32>
      %mul3A_2524 = arith.constant 2048 : i32
      %mul3A_2525 = vector.broadcast %mul3A_2524 : i32 to vector<16xi32>
      %mul3A_2526 = arith.muli %mul3A_2525, %iota3A : vector<16xi32>
      %add3A_2527 = arith.addi %add3A_2523, %mul3A_2526 : vector<16xi32>
      %shift_right_arithmetic3A_2528 = arith.constant 11 : i32
      %shift_right_arithmetic3A_2529 = vector.broadcast %shift_right_arithmetic3A_2528 : i32 to vector<16xi32>
      %shift_right_arithmetic3A_2530 = arith.shrsi %gather3A_2513, %shift_right_arithmetic3A_2529 : vector<16xi32>
      %mul3A_2531 = arith.constant 32768 : i32
      %mul3A_2532 = vector.broadcast %mul3A_2531 : i32 to vector<16xi32>
      %mul3A_2533 = arith.muli %shift_right_arithmetic3A_2530, %mul3A_2532 : vector<16xi32>
      %and3A_2534 = arith.constant 2047 : i32
      %and3A_2535 = vector.broadcast %and3A_2534 : i32 to vector<16xi32>
      %and3A_2536 = arith.andi %gather3A_2513, %and3A_2535 : vector<16xi32>
      %add3A_2537 = arith.addi %mul3A_2533, %and3A_2536 : vector<16xi32>
      %mul3A_2538 = arith.constant 2048 : i32
      %mul3A_2539 = vector.broadcast %mul3A_2538 : i32 to vector<16xi32>
      %mul3A_2540 = arith.muli %mul3A_2539, %iota3A : vector<16xi32>
      %add3A_2541 = arith.addi %add3A_2537, %mul3A_2540 : vector<16xi32>
      %swap3A_2542 = arith.constant 1 : i32
      %swap3A_2543 = arith.index_cast %swap3A_2542 : i32 to index
      %swap3A_2544 = arith.constant 0 : index
      %swap3A_2545 = tpu.vector_load %arg16[%swap3A_2543, %swap3A_2544] {strides = array<i32>} : memref<16x16xi32, #tpu.memory_space<vmem>>, vector<16xi32>,
      tpu.vector_store %arg16[%swap3A_2543, %swap3A_2544], %add3A_2527 {strides = array<i32>} : memref<16x16xi32, #tpu.memory_space<vmem>>, vector<16xi32>,
      %swap3A_2546 = arith.constant 1 : i32
      %swap3A_2547 = arith.index_cast %swap3A_2546 : i32 to index
      %swap3A_2548 = arith.constant 0 : index
      %swap3A_2549 = tpu.vector_load %arg17[%swap3A_2547, %swap3A_2548] {strides = array<i32>} : memref<16x16xi32, #tpu.memory_space<vmem>>, vector<16xi32>,
      tpu.vector_store %arg17[%swap3A_2547, %swap3A_2548], %add3A_2541 {strides = array<i32>} : memref<16x16xi32, #tpu.memory_space<vmem>>, vector<16xi32>,
      %min3A_2550 = arith.constant 99999 : i32
      %min3A_2551 = vector.broadcast %min3A_2550 : i32 to vector<16xi32>
      %min3A_2552 = arith.minsi %add3A_2527, %min3A_2551 : vector<16xi32>
      %min3A_2553 = arith.constant 99999 : i32
      %min3A_2554 = vector.broadcast %min3A_2553 : i32 to vector<16xi32>
      %min3A_2555 = arith.minsi %add3A_2541, %min3A_2554 : vector<16xi32>
      %swap3A_2556 = arith.constant 16 : index
      %swap3A_2557 = tpu.vector_load %arg18[%swap3A_2556] {strides = array<i32>} : memref<128xi32, #tpu.memory_space<vmem>>, vector<16xi32>,
      tpu.vector_store %arg18[%swap3A_2556], %min3A_2552 {strides = array<i32>} : memref<128xi32, #tpu.memory_space<vmem>>, vector<16xi32>,
      %swap3A_2558 = arith.constant 16 : index
      %swap3A_2559 = tpu.vector_load %arg20[%swap3A_2558] {strides = array<i32>} : memref<128xi32, #tpu.memory_space<vmem>>, vector<16xi32>,
      tpu.vector_store %arg20[%swap3A_2558], %min3A_2555 {strides = array<i32>} : memref<128xi32, #tpu.memory_space<vmem>>, vector<16xi32>,
      %broadcast_in_dim3A_2560 = arith.constant 2 : i32
      %broadcast_in_dim3A_2561 = vector.broadcast %broadcast_in_dim3A_2560 : i32 to vector<16xi32>
      %lt3A_2562 = arith.constant 0 : i32
      %lt3A_2563 = vector.broadcast %lt3A_2562 : i32 to vector<16xi32>
      %lt3A_2564 = arith.cmpi slt, %broadcast_in_dim3A_2561, %lt3A_2563 : vector<16xi32>
      %add3A_2565 = arith.constant 16 : i32
      %add3A_2566 = vector.broadcast %add3A_2565 : i32 to vector<16xi32>
      %add3A_2567 = arith.addi %broadcast_in_dim3A_2561, %add3A_2566 : vector<16xi32>
      %select_n3A_2568 = arith.select %lt3A_2564, %add3A_2567, %broadcast_in_dim3A_2561 : vector<16xi1>, vector<16xi32>
      %broadcast_in_dim3A_2569 = vector.shape_cast %select_n3A_2568 : vector<16xi32> to vector<16x1xi32>
      %gather3A_2570 = vector.shape_cast %broadcast_in_dim3A_2569 : vector<16x1xi32> to vector<16xi32>
      %gather3A_2571 = tpu.dynamic_gather %masked_sort3A_2400[%gather3A_2570] in [0] : vector<16xi32>, vector<16xi32> -> vector<16xi32>
      %broadcast_in_dim3A_2572 = arith.constant 2 : i32
      %broadcast_in_dim3A_2573 = vector.broadcast %broadcast_in_dim3A_2572 : i32 to vector<16xi32>
      %lt3A_2574 = arith.constant 0 : i32
      %lt3A_2575 = vector.broadcast %lt3A_2574 : i32 to vector<16xi32>
      %lt3A_2576 = arith.cmpi slt, %broadcast_in_dim3A_2573, %lt3A_2575 : vector<16xi32>
      %add3A_2577 = arith.constant 16 : i32
      %add3A_2578 = vector.broadcast %add3A_2577 : i32 to vector<16xi32>
      %add3A_2579 = arith.addi %broadcast_in_dim3A_2573, %add3A_2578 : vector<16xi32>
      %select_n3A_2580 = arith.select %lt3A_2576, %add3A_2579, %broadcast_in_dim3A_2573 : vector<16xi1>, vector<16xi32>
      %broadcast_in_dim3A_2581 = vector.shape_cast %select_n3A_2580 : vector<16xi32> to vector<16x1xi32>
      %gather3A_2582 = vector.shape_cast %broadcast_in_dim3A_2581 : vector<16x1xi32> to vector<16xi32>
      %gather3A_2583 = tpu.dynamic_gather %masked_sort3A_2421[%gather3A_2582] in [0] : vector<16xi32>, vector<16xi32> -> vector<16xi32>
      %shift_right_arithmetic3A_2584 = arith.constant 11 : i32
      %shift_right_arithmetic3A_2585 = vector.broadcast %shift_right_arithmetic3A_2584 : i32 to vector<16xi32>
      %shift_right_arithmetic3A_2586 = arith.shrsi %gather3A_2571, %shift_right_arithmetic3A_2585 : vector<16xi32>
      %mul3A_2587 = arith.constant 32768 : i32
      %mul3A_2588 = vector.broadcast %mul3A_2587 : i32 to vector<16xi32>
      %mul3A_2589 = arith.muli %shift_right_arithmetic3A_2586, %mul3A_2588 : vector<16xi32>
      %and3A_2590 = arith.constant 2047 : i32
      %and3A_2591 = vector.broadcast %and3A_2590 : i32 to vector<16xi32>
      %and3A_2592 = arith.andi %gather3A_2571, %and3A_2591 : vector<16xi32>
      %add3A_2593 = arith.addi %mul3A_2589, %and3A_2592 : vector<16xi32>
      %mul3A_2594 = arith.constant 2048 : i32
      %mul3A_2595 = vector.broadcast %mul3A_2594 : i32 to vector<16xi32>
      %mul3A_2596 = arith.muli %mul3A_2595, %iota3A : vector<16xi32>
      %add3A_2597 = arith.addi %add3A_2593, %mul3A_2596 : vector<16xi32>
      %shift_right_arithmetic3A_2598 = arith.constant 11 : i32
      %shift_right_arithmetic3A_2599 = vector.broadcast %shift_right_arithmetic3A_2598 : i32 to vector<16xi32>
      %shift_right_arithmetic3A_2600 = arith.shrsi %gather3A_2583, %shift_right_arithmetic3A_2599 : vector<16xi32>
      %mul3A_2601 = arith.constant 32768 : i32
      %mul3A_2602 = vector.broadcast %mul3A_2601 : i32 to vector<16xi32>
      %mul3A_2603 = arith.muli %shift_right_arithmetic3A_2600, %mul3A_2602 : vector<16xi32>
      %and3A_2604 = arith.constant 2047 : i32
      %and3A_2605 = vector.broadcast %and3A_2604 : i32 to vector<16xi32>
      %and3A_2606 = arith.andi %gather3A_2583, %and3A_2605 : vector<16xi32>
      %add3A_2607 = arith.addi %mul3A_2603, %and3A_2606 : vector<16xi32>
      %mul3A_2608 = arith.constant 2048 : i32
      %mul3A_2609 = vector.broadcast %mul3A_2608 : i32 to vector<16xi32>
      %mul3A_2610 = arith.muli %mul3A_2609, %iota3A : vector<16xi32>
      %add3A_2611 = arith.addi %add3A_2607, %mul3A_2610 : vector<16xi32>
      %swap3A_2612 = arith.constant 2 : i32
      %swap3A_2613 = arith.index_cast %swap3A_2612 : i32 to index
      %swap3A_2614 = arith.constant 0 : index
      %swap3A_2615 = tpu.vector_load %arg16[%swap3A_2613, %swap3A_2614] {strides = array<i32>} : memref<16x16xi32, #tpu.memory_space<vmem>>, vector<16xi32>,
      tpu.vector_store %arg16[%swap3A_2613, %swap3A_2614], %add3A_2597 {strides = array<i32>} : memref<16x16xi32, #tpu.memory_space<vmem>>, vector<16xi32>,
      %swap3A_2616 = arith.constant 2 : i32
      %swap3A_2617 = arith.index_cast %swap3A_2616 : i32 to index
      %swap3A_2618 = arith.constant 0 : index
      %swap3A_2619 = tpu.vector_load %arg17[%swap3A_2617, %swap3A_2618] {strides = array<i32>} : memref<16x16xi32, #tpu.memory_space<vmem>>, vector<16xi32>,
      tpu.vector_store %arg17[%swap3A_2617, %swap3A_2618], %add3A_2611 {strides = array<i32>} : memref<16x16xi32, #tpu.memory_space<vmem>>, vector<16xi32>,
      %min3A_2620 = arith.constant 99999 : i32
      %min3A_2621 = vector.broadcast %min3A_2620 : i32 to vector<16xi32>
      %min3A_2622 = arith.minsi %add3A_2597, %min3A_2621 : vector<16xi32>
      %min3A_2623 = arith.constant 99999 : i32
      %min3A_2624 = vector.broadcast %min3A_2623 : i32 to vector<16xi32>
      %min3A_2625 = arith.minsi %add3A_2611, %min3A_2624 : vector<16xi32>
      %swap3A_2626 = arith.constant 32 : index
      %swap3A_2627 = tpu.vector_load %arg18[%swap3A_2626] {strides = array<i32>} : memref<128xi32, #tpu.memory_space<vmem>>, vector<16xi32>,
      tpu.vector_store %arg18[%swap3A_2626], %min3A_2622 {strides = array<i32>} : memref<128xi32, #tpu.memory_space<vmem>>, vector<16xi32>,
      %swap3A_2628 = arith.constant 32 : index
      %swap3A_2629 = tpu.vector_load %arg20[%swap3A_2628] {strides = array<i32>} : memref<128xi32, #tpu.memory_space<vmem>>, vector<16xi32>,
      tpu.vector_store %arg20[%swap3A_2628], %min3A_2625 {strides = array<i32>} : memref<128xi32, #tpu.memory_space<vmem>>, vector<16xi32>,
      %broadcast_in_dim3A_2630 = arith.constant 3 : i32
      %broadcast_in_dim3A_2631 = vector.broadcast %broadcast_in_dim3A_2630 : i32 to vector<16xi32>
      %lt3A_2632 = arith.constant 0 : i32
      %lt3A_2633 = vector.broadcast %lt3A_2632 : i32 to vector<16xi32>
      %lt3A_2634 = arith.cmpi slt, %broadcast_in_dim3A_2631, %lt3A_2633 : vector<16xi32>
      %add3A_2635 = arith.constant 16 : i32
      %add3A_2636 = vector.broadcast %add3A_2635 : i32 to vector<16xi32>
      %add3A_2637 = arith.addi %broadcast_in_dim3A_2631, %add3A_2636 : vector<16xi32>
      %select_n3A_2638 = arith.select %lt3A_2634, %add3A_2637, %broadcast_in_dim3A_2631 : vector<16xi1>, vector<16xi32>
      %broadcast_in_dim3A_2639 = vector.shape_cast %select_n3A_2638 : vector<16xi32> to vector<16x1xi32>
      %gather3A_2640 = vector.shape_cast %broadcast_in_dim3A_2639 : vector<16x1xi32> to vector<16xi32>
      %gather3A_2641 = tpu.dynamic_gather %masked_sort3A_2400[%gather3A_2640] in [0] : vector<16xi32>, vector<16xi32> -> vector<16xi32>
      %broadcast_in_dim3A_2642 = arith.constant 3 : i32
      %broadcast_in_dim3A_2643 = vector.broadcast %broadcast_in_dim3A_2642 : i32 to vector<16xi32>
      %lt3A_2644 = arith.constant 0 : i32
      %lt3A_2645 = vector.broadcast %lt3A_2644 : i32 to vector<16xi32>
      %lt3A_2646 = arith.cmpi slt, %broadcast_in_dim3A_2643, %lt3A_2645 : vector<16xi32>
      %add3A_2647 = arith.constant 16 : i32
      %add3A_2648 = vector.broadcast %add3A_2647 : i32 to vector<16xi32>
      %add3A_2649 = arith.addi %broadcast_in_dim3A_2643, %add3A_2648 : vector<16xi32>
      %select_n3A_2650 = arith.select %lt3A_2646, %add3A_2649, %broadcast_in_dim3A_2643 : vector<16xi1>, vector<16xi32>
      %broadcast_in_dim3A_2651 = vector.shape_cast %select_n3A_2650 : vector<16xi32> to vector<16x1xi32>
      %gather3A_2652 = vector.shape_cast %broadcast_in_dim3A_2651 : vector<16x1xi32> to vector<16xi32>
      %gather3A_2653 = tpu.dynamic_gather %masked_sort3A_2421[%gather3A_2652] in [0] : vector<16xi32>, vector<16xi32> -> vector<16xi32>
      %shift_right_arithmetic3A_2654 = arith.constant 11 : i32
      %shift_right_arithmetic3A_2655 = vector.broadcast %shift_right_arithmetic3A_2654 : i32 to vector<16xi32>
      %shift_right_arithmetic3A_2656 = arith.shrsi %gather3A_2641, %shift_right_arithmetic3A_2655 : vector<16xi32>
      %mul3A_2657 = arith.constant 32768 : i32
      %mul3A_2658 = vector.broadcast %mul3A_2657 : i32 to vector<16xi32>
      %mul3A_2659 = arith.muli %shift_right_arithmetic3A_2656, %mul3A_2658 : vector<16xi32>
      %and3A_2660 = arith.constant 2047 : i32
      %and3A_2661 = vector.broadcast %and3A_2660 : i32 to vector<16xi32>
      %and3A_2662 = arith.andi %gather3A_2641, %and3A_2661 : vector<16xi32>
      %add3A_2663 = arith.addi %mul3A_2659, %and3A_2662 : vector<16xi32>
      %mul3A_2664 = arith.constant 2048 : i32
      %mul3A_2665 = vector.broadcast %mul3A_2664 : i32 to vector<16xi32>
      %mul3A_2666 = arith.muli %mul3A_2665, %iota3A : vector<16xi32>
      %add3A_2667 = arith.addi %add3A_2663, %mul3A_2666 : vector<16xi32>
      %shift_right_arithmetic3A_2668 = arith.constant 11 : i32
      %shift_right_arithmetic3A_2669 = vector.broadcast %shift_right_arithmetic3A_2668 : i32 to vector<16xi32>
      %shift_right_arithmetic3A_2670 = arith.shrsi %gather3A_2653, %shift_right_arithmetic3A_2669 : vector<16xi32>
      %mul3A_2671 = arith.constant 32768 : i32
      %mul3A_2672 = vector.broadcast %mul3A_2671 : i32 to vector<16xi32>
      %mul3A_2673 = arith.muli %shift_right_arithmetic3A_2670, %mul3A_2672 : vector<16xi32>
      %and3A_2674 = arith.constant 2047 : i32
      %and3A_2675 = vector.broadcast %and3A_2674 : i32 to vector<16xi32>
      %and3A_2676 = arith.andi %gather3A_2653, %and3A_2675 : vector<16xi32>
      %add3A_2677 = arith.addi %mul3A_2673, %and3A_2676 : vector<16xi32>
      %mul3A_2678 = arith.constant 2048 : i32
      %mul3A_2679 = vector.broadcast %mul3A_2678 : i32 to vector<16xi32>
      %mul3A_2680 = arith.muli %mul3A_2679, %iota3A : vector<16xi32>
      %add3A_2681 = arith.addi %add3A_2677, %mul3A_2680 : vector<16xi32>
      %swap3A_2682 = arith.constant 3 : i32
      %swap3A_2683 = arith.index_cast %swap3A_2682 : i32 to index
      %swap3A_2684 = arith.constant 0 : index
      %swap3A_2685 = tpu.vector_load %arg16[%swap3A_2683, %swap3A_2684] {strides = array<i32>} : memref<16x16xi32, #tpu.memory_space<vmem>>, vector<16xi32>,
      tpu.vector_store %arg16[%swap3A_2683, %swap3A_2684], %add3A_2667 {strides = array<i32>} : memref<16x16xi32, #tpu.memory_space<vmem>>, vector<16xi32>,
      %swap3A_2686 = arith.constant 3 : i32
      %swap3A_2687 = arith.index_cast %swap3A_2686 : i32 to index
      %swap3A_2688 = arith.constant 0 : index
      %swap3A_2689 = tpu.vector_load %arg17[%swap3A_2687, %swap3A_2688] {strides = array<i32>} : memref<16x16xi32, #tpu.memory_space<vmem>>, vector<16xi32>,
      tpu.vector_store %arg17[%swap3A_2687, %swap3A_2688], %add3A_2681 {strides = array<i32>} : memref<16x16xi32, #tpu.memory_space<vmem>>, vector<16xi32>,
      %min3A_2690 = arith.constant 99999 : i32
      %min3A_2691 = vector.broadcast %min3A_2690 : i32 to vector<16xi32>
      %min3A_2692 = arith.minsi %add3A_2667, %min3A_2691 : vector<16xi32>
      %min3A_2693 = arith.constant 99999 : i32
      %min3A_2694 = vector.broadcast %min3A_2693 : i32 to vector<16xi32>
      %min3A_2695 = arith.minsi %add3A_2681, %min3A_2694 : vector<16xi32>
      %swap3A_2696 = arith.constant 48 : index
      %swap3A_2697 = tpu.vector_load %arg18[%swap3A_2696] {strides = array<i32>} : memref<128xi32, #tpu.memory_space<vmem>>, vector<16xi32>,
      tpu.vector_store %arg18[%swap3A_2696], %min3A_2692 {strides = array<i32>} : memref<128xi32, #tpu.memory_space<vmem>>, vector<16xi32>,
      %swap3A_2698 = arith.constant 48 : index
      %swap3A_2699 = tpu.vector_load %arg20[%swap3A_2698] {strides = array<i32>} : memref<128xi32, #tpu.memory_space<vmem>>, vector<16xi32>,
      tpu.vector_store %arg20[%swap3A_2698], %min3A_2695 {strides = array<i32>} : memref<128xi32, #tpu.memory_space<vmem>>, vector<16xi32>,
      %broadcast_in_dim3A_2700 = arith.constant 4 : i32
      %broadcast_in_dim3A_2701 = vector.broadcast %broadcast_in_dim3A_2700 : i32 to vector<16xi32>
      %lt3A_2702 = arith.constant 0 : i32
      %lt3A_2703 = vector.broadcast %lt3A_2702 : i32 to vector<16xi32>
      %lt3A_2704 = arith.cmpi slt, %broadcast_in_dim3A_2701, %lt3A_2703 : vector<16xi32>
      %add3A_2705 = arith.constant 16 : i32
      %add3A_2706 = vector.broadcast %add3A_2705 : i32 to vector<16xi32>
      %add3A_2707 = arith.addi %broadcast_in_dim3A_2701, %add3A_2706 : vector<16xi32>
      %select_n3A_2708 = arith.select %lt3A_2704, %add3A_2707, %broadcast_in_dim3A_2701 : vector<16xi1>, vector<16xi32>
      %broadcast_in_dim3A_2709 = vector.shape_cast %select_n3A_2708 : vector<16xi32> to vector<16x1xi32>
      %gather3A_2710 = vector.shape_cast %broadcast_in_dim3A_2709 : vector<16x1xi32> to vector<16xi32>
      %gather3A_2711 = tpu.dynamic_gather %masked_sort3A_2400[%gather3A_2710] in [0] : vector<16xi32>, vector<16xi32> -> vector<16xi32>
      %broadcast_in_dim3A_2712 = arith.constant 4 : i32
      %broadcast_in_dim3A_2713 = vector.broadcast %broadcast_in_dim3A_2712 : i32 to vector<16xi32>
      %lt3A_2714 = arith.constant 0 : i32
      %lt3A_2715 = vector.broadcast %lt3A_2714 : i32 to vector<16xi32>
      %lt3A_2716 = arith.cmpi slt, %broadcast_in_dim3A_2713, %lt3A_2715 : vector<16xi32>
      %add3A_2717 = arith.constant 16 : i32
      %add3A_2718 = vector.broadcast %add3A_2717 : i32 to vector<16xi32>
      %add3A_2719 = arith.addi %broadcast_in_dim3A_2713, %add3A_2718 : vector<16xi32>
      %select_n3A_2720 = arith.select %lt3A_2716, %add3A_2719, %broadcast_in_dim3A_2713 : vector<16xi1>, vector<16xi32>
      %broadcast_in_dim3A_2721 = vector.shape_cast %select_n3A_2720 : vector<16xi32> to vector<16x1xi32>
      %gather3A_2722 = vector.shape_cast %broadcast_in_dim3A_2721 : vector<16x1xi32> to vector<16xi32>
      %gather3A_2723 = tpu.dynamic_gather %masked_sort3A_2421[%gather3A_2722] in [0] : vector<16xi32>, vector<16xi32> -> vector<16xi32>
      %shift_right_arithmetic3A_2724 = arith.constant 11 : i32
      %shift_right_arithmetic3A_2725 = vector.broadcast %shift_right_arithmetic3A_2724 : i32 to vector<16xi32>
      %shift_right_arithmetic3A_2726 = arith.shrsi %gather3A_2711, %shift_right_arithmetic3A_2725 : vector<16xi32>
      %mul3A_2727 = arith.constant 32768 : i32
      %mul3A_2728 = vector.broadcast %mul3A_2727 : i32 to vector<16xi32>
      %mul3A_2729 = arith.muli %shift_right_arithmetic3A_2726, %mul3A_2728 : vector<16xi32>
      %and3A_2730 = arith.constant 2047 : i32
      %and3A_2731 = vector.broadcast %and3A_2730 : i32 to vector<16xi32>
      %and3A_2732 = arith.andi %gather3A_2711, %and3A_2731 : vector<16xi32>
      %add3A_2733 = arith.addi %mul3A_2729, %and3A_2732 : vector<16xi32>
      %mul3A_2734 = arith.constant 2048 : i32
      %mul3A_2735 = vector.broadcast %mul3A_2734 : i32 to vector<16xi32>
      %mul3A_2736 = arith.muli %mul3A_2735, %iota3A : vector<16xi32>
      %add3A_2737 = arith.addi %add3A_2733, %mul3A_2736 : vector<16xi32>
      %shift_right_arithmetic3A_2738 = arith.constant 11 : i32
      %shift_right_arithmetic3A_2739 = vector.broadcast %shift_right_arithmetic3A_2738 : i32 to vector<16xi32>
      %shift_right_arithmetic3A_2740 = arith.shrsi %gather3A_2723, %shift_right_arithmetic3A_2739 : vector<16xi32>
      %mul3A_2741 = arith.constant 32768 : i32
      %mul3A_2742 = vector.broadcast %mul3A_2741 : i32 to vector<16xi32>
      %mul3A_2743 = arith.muli %shift_right_arithmetic3A_2740, %mul3A_2742 : vector<16xi32>
      %and3A_2744 = arith.constant 2047 : i32
      %and3A_2745 = vector.broadcast %and3A_2744 : i32 to vector<16xi32>
      %and3A_2746 = arith.andi %gather3A_2723, %and3A_2745 : vector<16xi32>
      %add3A_2747 = arith.addi %mul3A_2743, %and3A_2746 : vector<16xi32>
      %mul3A_2748 = arith.constant 2048 : i32
      %mul3A_2749 = vector.broadcast %mul3A_2748 : i32 to vector<16xi32>
      %mul3A_2750 = arith.muli %mul3A_2749, %iota3A : vector<16xi32>
      %add3A_2751 = arith.addi %add3A_2747, %mul3A_2750 : vector<16xi32>
      %swap3A_2752 = arith.constant 4 : i32
      %swap3A_2753 = arith.index_cast %swap3A_2752 : i32 to index
      %swap3A_2754 = arith.constant 0 : index
      %swap3A_2755 = tpu.vector_load %arg16[%swap3A_2753, %swap3A_2754] {strides = array<i32>} : memref<16x16xi32, #tpu.memory_space<vmem>>, vector<16xi32>,
      tpu.vector_store %arg16[%swap3A_2753, %swap3A_2754], %add3A_2737 {strides = array<i32>} : memref<16x16xi32, #tpu.memory_space<vmem>>, vector<16xi32>,
      %swap3A_2756 = arith.constant 4 : i32
      %swap3A_2757 = arith.index_cast %swap3A_2756 : i32 to index
      %swap3A_2758 = arith.constant 0 : index
      %swap3A_2759 = tpu.vector_load %arg17[%swap3A_2757, %swap3A_2758] {strides = array<i32>} : memref<16x16xi32, #tpu.memory_space<vmem>>, vector<16xi32>,
      tpu.vector_store %arg17[%swap3A_2757, %swap3A_2758], %add3A_2751 {strides = array<i32>} : memref<16x16xi32, #tpu.memory_space<vmem>>, vector<16xi32>,
      %min3A_2760 = arith.constant 99999 : i32
      %min3A_2761 = vector.broadcast %min3A_2760 : i32 to vector<16xi32>
      %min3A_2762 = arith.minsi %add3A_2737, %min3A_2761 : vector<16xi32>
      %min3A_2763 = arith.constant 99999 : i32
      %min3A_2764 = vector.broadcast %min3A_2763 : i32 to vector<16xi32>
      %min3A_2765 = arith.minsi %add3A_2751, %min3A_2764 : vector<16xi32>
      %swap3A_2766 = arith.constant 64 : index
      %swap3A_2767 = tpu.vector_load %arg18[%swap3A_2766] {strides = array<i32>} : memref<128xi32, #tpu.memory_space<vmem>>, vector<16xi32>,
      tpu.vector_store %arg18[%swap3A_2766], %min3A_2762 {strides = array<i32>} : memref<128xi32, #tpu.memory_space<vmem>>, vector<16xi32>,
      %swap3A_2768 = arith.constant 64 : index
      %swap3A_2769 = tpu.vector_load %arg20[%swap3A_2768] {strides = array<i32>} : memref<128xi32, #tpu.memory_space<vmem>>, vector<16xi32>,
      tpu.vector_store %arg20[%swap3A_2768], %min3A_2765 {strides = array<i32>} : memref<128xi32, #tpu.memory_space<vmem>>, vector<16xi32>,
      %broadcast_in_dim3A_2770 = arith.constant 5 : i32
      %broadcast_in_dim3A_2771 = vector.broadcast %broadcast_in_dim3A_2770 : i32 to vector<16xi32>
      %lt3A_2772 = arith.constant 0 : i32
      %lt3A_2773 = vector.broadcast %lt3A_2772 : i32 to vector<16xi32>
      %lt3A_2774 = arith.cmpi slt, %broadcast_in_dim3A_2771, %lt3A_2773 : vector<16xi32>
      %add3A_2775 = arith.constant 16 : i32
      %add3A_2776 = vector.broadcast %add3A_2775 : i32 to vector<16xi32>
      %add3A_2777 = arith.addi %broadcast_in_dim3A_2771, %add3A_2776 : vector<16xi32>
      %select_n3A_2778 = arith.select %lt3A_2774, %add3A_2777, %broadcast_in_dim3A_2771 : vector<16xi1>, vector<16xi32>
      %broadcast_in_dim3A_2779 = vector.shape_cast %select_n3A_2778 : vector<16xi32> to vector<16x1xi32>
      %gather3A_2780 = vector.shape_cast %broadcast_in_dim3A_2779 : vector<16x1xi32> to vector<16xi32>
      %gather3A_2781 = tpu.dynamic_gather %masked_sort3A_2400[%gather3A_2780] in [0] : vector<16xi32>, vector<16xi32> -> vector<16xi32>
      %broadcast_in_dim3A_2782 = arith.constant 5 : i32
      %broadcast_in_dim3A_2783 = vector.broadcast %broadcast_in_dim3A_2782 : i32 to vector<16xi32>
      %lt3A_2784 = arith.constant 0 : i32
      %lt3A_2785 = vector.broadcast %lt3A_2784 : i32 to vector<16xi32>
      %lt3A_2786 = arith.cmpi slt, %broadcast_in_dim3A_2783, %lt3A_2785 : vector<16xi32>
      %add3A_2787 = arith.constant 16 : i32
      %add3A_2788 = vector.broadcast %add3A_2787 : i32 to vector<16xi32>
      %add3A_2789 = arith.addi %broadcast_in_dim3A_2783, %add3A_2788 : vector<16xi32>
      %select_n3A_2790 = arith.select %lt3A_2786, %add3A_2789, %broadcast_in_dim3A_2783 : vector<16xi1>, vector<16xi32>
      %broadcast_in_dim3A_2791 = vector.shape_cast %select_n3A_2790 : vector<16xi32> to vector<16x1xi32>
      %gather3A_2792 = vector.shape_cast %broadcast_in_dim3A_2791 : vector<16x1xi32> to vector<16xi32>
      %gather3A_2793 = tpu.dynamic_gather %masked_sort3A_2421[%gather3A_2792] in [0] : vector<16xi32>, vector<16xi32> -> vector<16xi32>
      %shift_right_arithmetic3A_2794 = arith.constant 11 : i32
      %shift_right_arithmetic3A_2795 = vector.broadcast %shift_right_arithmetic3A_2794 : i32 to vector<16xi32>
      %shift_right_arithmetic3A_2796 = arith.shrsi %gather3A_2781, %shift_right_arithmetic3A_2795 : vector<16xi32>
      %mul3A_2797 = arith.constant 32768 : i32
      %mul3A_2798 = vector.broadcast %mul3A_2797 : i32 to vector<16xi32>
      %mul3A_2799 = arith.muli %shift_right_arithmetic3A_2796, %mul3A_2798 : vector<16xi32>
      %and3A_2800 = arith.constant 2047 : i32
      %and3A_2801 = vector.broadcast %and3A_2800 : i32 to vector<16xi32>
      %and3A_2802 = arith.andi %gather3A_2781, %and3A_2801 : vector<16xi32>
      %add3A_2803 = arith.addi %mul3A_2799, %and3A_2802 : vector<16xi32>
      %mul3A_2804 = arith.constant 2048 : i32
      %mul3A_2805 = vector.broadcast %mul3A_2804 : i32 to vector<16xi32>
      %mul3A_2806 = arith.muli %mul3A_2805, %iota3A : vector<16xi32>
      %add3A_2807 = arith.addi %add3A_2803, %mul3A_2806 : vector<16xi32>
      %shift_right_arithmetic3A_2808 = arith.constant 11 : i32
      %shift_right_arithmetic3A_2809 = vector.broadcast %shift_right_arithmetic3A_2808 : i32 to vector<16xi32>
      %shift_right_arithmetic3A_2810 = arith.shrsi %gather3A_2793, %shift_right_arithmetic3A_2809 : vector<16xi32>
      %mul3A_2811 = arith.constant 32768 : i32
      %mul3A_2812 = vector.broadcast %mul3A_2811 : i32 to vector<16xi32>
      %mul3A_2813 = arith.muli %shift_right_arithmetic3A_2810, %mul3A_2812 : vector<16xi32>
      %and3A_2814 = arith.constant 2047 : i32
      %and3A_2815 = vector.broadcast %and3A_2814 : i32 to vector<16xi32>
      %and3A_2816 = arith.andi %gather3A_2793, %and3A_2815 : vector<16xi32>
      %add3A_2817 = arith.addi %mul3A_2813, %and3A_2816 : vector<16xi32>
      %mul3A_2818 = arith.constant 2048 : i32
      %mul3A_2819 = vector.broadcast %mul3A_2818 : i32 to vector<16xi32>
      %mul3A_2820 = arith.muli %mul3A_2819, %iota3A : vector<16xi32>
      %add3A_2821 = arith.addi %add3A_2817, %mul3A_2820 : vector<16xi32>
      %swap3A_2822 = arith.constant 5 : i32
      %swap3A_2823 = arith.index_cast %swap3A_2822 : i32 to index
      %swap3A_2824 = arith.constant 0 : index
      %swap3A_2825 = tpu.vector_load %arg16[%swap3A_2823, %swap3A_2824] {strides = array<i32>} : memref<16x16xi32, #tpu.memory_space<vmem>>, vector<16xi32>,
      tpu.vector_store %arg16[%swap3A_2823, %swap3A_2824], %add3A_2807 {strides = array<i32>} : memref<16x16xi32, #tpu.memory_space<vmem>>, vector<16xi32>,
      %swap3A_2826 = arith.constant 5 : i32
      %swap3A_2827 = arith.index_cast %swap3A_2826 : i32 to index
      %swap3A_2828 = arith.constant 0 : index
      %swap3A_2829 = tpu.vector_load %arg17[%swap3A_2827, %swap3A_2828] {strides = array<i32>} : memref<16x16xi32, #tpu.memory_space<vmem>>, vector<16xi32>,
      tpu.vector_store %arg17[%swap3A_2827, %swap3A_2828], %add3A_2821 {strides = array<i32>} : memref<16x16xi32, #tpu.memory_space<vmem>>, vector<16xi32>,
      %min3A_2830 = arith.constant 99999 : i32
      %min3A_2831 = vector.broadcast %min3A_2830 : i32 to vector<16xi32>
      %min3A_2832 = arith.minsi %add3A_2807, %min3A_2831 : vector<16xi32>
      %min3A_2833 = arith.constant 99999 : i32
      %min3A_2834 = vector.broadcast %min3A_2833 : i32 to vector<16xi32>
      %min3A_2835 = arith.minsi %add3A_2821, %min3A_2834 : vector<16xi32>
      %swap3A_2836 = arith.constant 80 : index
      %swap3A_2837 = tpu.vector_load %arg18[%swap3A_2836] {strides = array<i32>} : memref<128xi32, #tpu.memory_space<vmem>>, vector<16xi32>,
      tpu.vector_store %arg18[%swap3A_2836], %min3A_2832 {strides = array<i32>} : memref<128xi32, #tpu.memory_space<vmem>>, vector<16xi32>,
      %swap3A_2838 = arith.constant 80 : index
      %swap3A_2839 = tpu.vector_load %arg20[%swap3A_2838] {strides = array<i32>} : memref<128xi32, #tpu.memory_space<vmem>>, vector<16xi32>,
      tpu.vector_store %arg20[%swap3A_2838], %min3A_2835 {strides = array<i32>} : memref<128xi32, #tpu.memory_space<vmem>>, vector<16xi32>,
      %broadcast_in_dim3A_2840 = arith.constant 6 : i32
      %broadcast_in_dim3A_2841 = vector.broadcast %broadcast_in_dim3A_2840 : i32 to vector<16xi32>
      %lt3A_2842 = arith.constant 0 : i32
      %lt3A_2843 = vector.broadcast %lt3A_2842 : i32 to vector<16xi32>
      %lt3A_2844 = arith.cmpi slt, %broadcast_in_dim3A_2841, %lt3A_2843 : vector<16xi32>
      %add3A_2845 = arith.constant 16 : i32
      %add3A_2846 = vector.broadcast %add3A_2845 : i32 to vector<16xi32>
      %add3A_2847 = arith.addi %broadcast_in_dim3A_2841, %add3A_2846 : vector<16xi32>
      %select_n3A_2848 = arith.select %lt3A_2844, %add3A_2847, %broadcast_in_dim3A_2841 : vector<16xi1>, vector<16xi32>
      %broadcast_in_dim3A_2849 = vector.shape_cast %select_n3A_2848 : vector<16xi32> to vector<16x1xi32>
      %gather3A_2850 = vector.shape_cast %broadcast_in_dim3A_2849 : vector<16x1xi32> to vector<16xi32>
      %gather3A_2851 = tpu.dynamic_gather %masked_sort3A_2400[%gather3A_2850] in [0] : vector<16xi32>, vector<16xi32> -> vector<16xi32>
      %broadcast_in_dim3A_2852 = arith.constant 6 : i32
      %broadcast_in_dim3A_2853 = vector.broadcast %broadcast_in_dim3A_2852 : i32 to vector<16xi32>
      %lt3A_2854 = arith.constant 0 : i32
      %lt3A_2855 = vector.broadcast %lt3A_2854 : i32 to vector<16xi32>
      %lt3A_2856 = arith.cmpi slt, %broadcast_in_dim3A_2853, %lt3A_2855 : vector<16xi32>
      %add3A_2857 = arith.constant 16 : i32
      %add3A_2858 = vector.broadcast %add3A_2857 : i32 to vector<16xi32>
      %add3A_2859 = arith.addi %broadcast_in_dim3A_2853, %add3A_2858 : vector<16xi32>
      %select_n3A_2860 = arith.select %lt3A_2856, %add3A_2859, %broadcast_in_dim3A_2853 : vector<16xi1>, vector<16xi32>
      %broadcast_in_dim3A_2861 = vector.shape_cast %select_n3A_2860 : vector<16xi32> to vector<16x1xi32>
      %gather3A_2862 = vector.shape_cast %broadcast_in_dim3A_2861 : vector<16x1xi32> to vector<16xi32>
      %gather3A_2863 = tpu.dynamic_gather %masked_sort3A_2421[%gather3A_2862] in [0] : vector<16xi32>, vector<16xi32> -> vector<16xi32>
      %shift_right_arithmetic3A_2864 = arith.constant 11 : i32
      %shift_right_arithmetic3A_2865 = vector.broadcast %shift_right_arithmetic3A_2864 : i32 to vector<16xi32>
      %shift_right_arithmetic3A_2866 = arith.shrsi %gather3A_2851, %shift_right_arithmetic3A_2865 : vector<16xi32>
      %mul3A_2867 = arith.constant 32768 : i32
      %mul3A_2868 = vector.broadcast %mul3A_2867 : i32 to vector<16xi32>
      %mul3A_2869 = arith.muli %shift_right_arithmetic3A_2866, %mul3A_2868 : vector<16xi32>
      %and3A_2870 = arith.constant 2047 : i32
      %and3A_2871 = vector.broadcast %and3A_2870 : i32 to vector<16xi32>
      %and3A_2872 = arith.andi %gather3A_2851, %and3A_2871 : vector<16xi32>
      %add3A_2873 = arith.addi %mul3A_2869, %and3A_2872 : vector<16xi32>
      %mul3A_2874 = arith.constant 2048 : i32
      %mul3A_2875 = vector.broadcast %mul3A_2874 : i32 to vector<16xi32>
      %mul3A_2876 = arith.muli %mul3A_2875, %iota3A : vector<16xi32>
      %add3A_2877 = arith.addi %add3A_2873, %mul3A_2876 : vector<16xi32>
      %shift_right_arithmetic3A_2878 = arith.constant 11 : i32
      %shift_right_arithmetic3A_2879 = vector.broadcast %shift_right_arithmetic3A_2878 : i32 to vector<16xi32>
      %shift_right_arithmetic3A_2880 = arith.shrsi %gather3A_2863, %shift_right_arithmetic3A_2879 : vector<16xi32>
      %mul3A_2881 = arith.constant 32768 : i32
      %mul3A_2882 = vector.broadcast %mul3A_2881 : i32 to vector<16xi32>
      %mul3A_2883 = arith.muli %shift_right_arithmetic3A_2880, %mul3A_2882 : vector<16xi32>
      %and3A_2884 = arith.constant 2047 : i32
      %and3A_2885 = vector.broadcast %and3A_2884 : i32 to vector<16xi32>
      %and3A_2886 = arith.andi %gather3A_2863, %and3A_2885 : vector<16xi32>
      %add3A_2887 = arith.addi %mul3A_2883, %and3A_2886 : vector<16xi32>
      %mul3A_2888 = arith.constant 2048 : i32
      %mul3A_2889 = vector.broadcast %mul3A_2888 : i32 to vector<16xi32>
      %mul3A_2890 = arith.muli %mul3A_2889, %iota3A : vector<16xi32>
      %add3A_2891 = arith.addi %add3A_2887, %mul3A_2890 : vector<16xi32>
      %swap3A_2892 = arith.constant 6 : i32
      %swap3A_2893 = arith.index_cast %swap3A_2892 : i32 to index
      %swap3A_2894 = arith.constant 0 : index
      %swap3A_2895 = tpu.vector_load %arg16[%swap3A_2893, %swap3A_2894] {strides = array<i32>} : memref<16x16xi32, #tpu.memory_space<vmem>>, vector<16xi32>,
      tpu.vector_store %arg16[%swap3A_2893, %swap3A_2894], %add3A_2877 {strides = array<i32>} : memref<16x16xi32, #tpu.memory_space<vmem>>, vector<16xi32>,
      %swap3A_2896 = arith.constant 6 : i32
      %swap3A_2897 = arith.index_cast %swap3A_2896 : i32 to index
      %swap3A_2898 = arith.constant 0 : index
      %swap3A_2899 = tpu.vector_load %arg17[%swap3A_2897, %swap3A_2898] {strides = array<i32>} : memref<16x16xi32, #tpu.memory_space<vmem>>, vector<16xi32>,
      tpu.vector_store %arg17[%swap3A_2897, %swap3A_2898], %add3A_2891 {strides = array<i32>} : memref<16x16xi32, #tpu.memory_space<vmem>>, vector<16xi32>,
      %min3A_2900 = arith.constant 99999 : i32
      %min3A_2901 = vector.broadcast %min3A_2900 : i32 to vector<16xi32>
      %min3A_2902 = arith.minsi %add3A_2877, %min3A_2901 : vector<16xi32>
      %min3A_2903 = arith.constant 99999 : i32
      %min3A_2904 = vector.broadcast %min3A_2903 : i32 to vector<16xi32>
      %min3A_2905 = arith.minsi %add3A_2891, %min3A_2904 : vector<16xi32>
      %swap3A_2906 = arith.constant 96 : index
      %swap3A_2907 = tpu.vector_load %arg18[%swap3A_2906] {strides = array<i32>} : memref<128xi32, #tpu.memory_space<vmem>>, vector<16xi32>,
      tpu.vector_store %arg18[%swap3A_2906], %min3A_2902 {strides = array<i32>} : memref<128xi32, #tpu.memory_space<vmem>>, vector<16xi32>,
      %swap3A_2908 = arith.constant 96 : index
      %swap3A_2909 = tpu.vector_load %arg20[%swap3A_2908] {strides = array<i32>} : memref<128xi32, #tpu.memory_space<vmem>>, vector<16xi32>,
      tpu.vector_store %arg20[%swap3A_2908], %min3A_2905 {strides = array<i32>} : memref<128xi32, #tpu.memory_space<vmem>>, vector<16xi32>,
      %broadcast_in_dim3A_2910 = arith.constant 7 : i32
      %broadcast_in_dim3A_2911 = vector.broadcast %broadcast_in_dim3A_2910 : i32 to vector<16xi32>
      %lt3A_2912 = arith.constant 0 : i32
      %lt3A_2913 = vector.broadcast %lt3A_2912 : i32 to vector<16xi32>
      %lt3A_2914 = arith.cmpi slt, %broadcast_in_dim3A_2911, %lt3A_2913 : vector<16xi32>
      %add3A_2915 = arith.constant 16 : i32
      %add3A_2916 = vector.broadcast %add3A_2915 : i32 to vector<16xi32>
      %add3A_2917 = arith.addi %broadcast_in_dim3A_2911, %add3A_2916 : vector<16xi32>
      %select_n3A_2918 = arith.select %lt3A_2914, %add3A_2917, %broadcast_in_dim3A_2911 : vector<16xi1>, vector<16xi32>
      %broadcast_in_dim3A_2919 = vector.shape_cast %select_n3A_2918 : vector<16xi32> to vector<16x1xi32>
      %gather3A_2920 = vector.shape_cast %broadcast_in_dim3A_2919 : vector<16x1xi32> to vector<16xi32>
      %gather3A_2921 = tpu.dynamic_gather %masked_sort3A_2400[%gather3A_2920] in [0] : vector<16xi32>, vector<16xi32> -> vector<16xi32>
      %broadcast_in_dim3A_2922 = arith.constant 7 : i32
      %broadcast_in_dim3A_2923 = vector.broadcast %broadcast_in_dim3A_2922 : i32 to vector<16xi32>
      %lt3A_2924 = arith.constant 0 : i32
      %lt3A_2925 = vector.broadcast %lt3A_2924 : i32 to vector<16xi32>
      %lt3A_2926 = arith.cmpi slt, %broadcast_in_dim3A_2923, %lt3A_2925 : vector<16xi32>
      %add3A_2927 = arith.constant 16 : i32
      %add3A_2928 = vector.broadcast %add3A_2927 : i32 to vector<16xi32>
      %add3A_2929 = arith.addi %broadcast_in_dim3A_2923, %add3A_2928 : vector<16xi32>
      %select_n3A_2930 = arith.select %lt3A_2926, %add3A_2929, %broadcast_in_dim3A_2923 : vector<16xi1>, vector<16xi32>
      %broadcast_in_dim3A_2931 = vector.shape_cast %select_n3A_2930 : vector<16xi32> to vector<16x1xi32>
      %gather3A_2932 = vector.shape_cast %broadcast_in_dim3A_2931 : vector<16x1xi32> to vector<16xi32>
      %gather3A_2933 = tpu.dynamic_gather %masked_sort3A_2421[%gather3A_2932] in [0] : vector<16xi32>, vector<16xi32> -> vector<16xi32>
      %shift_right_arithmetic3A_2934 = arith.constant 11 : i32
      %shift_right_arithmetic3A_2935 = vector.broadcast %shift_right_arithmetic3A_2934 : i32 to vector<16xi32>
      %shift_right_arithmetic3A_2936 = arith.shrsi %gather3A_2921, %shift_right_arithmetic3A_2935 : vector<16xi32>
      %mul3A_2937 = arith.constant 32768 : i32
      %mul3A_2938 = vector.broadcast %mul3A_2937 : i32 to vector<16xi32>
      %mul3A_2939 = arith.muli %shift_right_arithmetic3A_2936, %mul3A_2938 : vector<16xi32>
      %and3A_2940 = arith.constant 2047 : i32
      %and3A_2941 = vector.broadcast %and3A_2940 : i32 to vector<16xi32>
      %and3A_2942 = arith.andi %gather3A_2921, %and3A_2941 : vector<16xi32>
      %add3A_2943 = arith.addi %mul3A_2939, %and3A_2942 : vector<16xi32>
      %mul3A_2944 = arith.constant 2048 : i32
      %mul3A_2945 = vector.broadcast %mul3A_2944 : i32 to vector<16xi32>
      %mul3A_2946 = arith.muli %mul3A_2945, %iota3A : vector<16xi32>
      %add3A_2947 = arith.addi %add3A_2943, %mul3A_2946 : vector<16xi32>
      %shift_right_arithmetic3A_2948 = arith.constant 11 : i32
      %shift_right_arithmetic3A_2949 = vector.broadcast %shift_right_arithmetic3A_2948 : i32 to vector<16xi32>
      %shift_right_arithmetic3A_2950 = arith.shrsi %gather3A_2933, %shift_right_arithmetic3A_2949 : vector<16xi32>
      %mul3A_2951 = arith.constant 32768 : i32
      %mul3A_2952 = vector.broadcast %mul3A_2951 : i32 to vector<16xi32>
      %mul3A_2953 = arith.muli %shift_right_arithmetic3A_2950, %mul3A_2952 : vector<16xi32>
      %and3A_2954 = arith.constant 2047 : i32
      %and3A_2955 = vector.broadcast %and3A_2954 : i32 to vector<16xi32>
      %and3A_2956 = arith.andi %gather3A_2933, %and3A_2955 : vector<16xi32>
      %add3A_2957 = arith.addi %mul3A_2953, %and3A_2956 : vector<16xi32>
      %mul3A_2958 = arith.constant 2048 : i32
      %mul3A_2959 = vector.broadcast %mul3A_2958 : i32 to vector<16xi32>
      %mul3A_2960 = arith.muli %mul3A_2959, %iota3A : vector<16xi32>
      %add3A_2961 = arith.addi %add3A_2957, %mul3A_2960 : vector<16xi32>
      %swap3A_2962 = arith.constant 7 : i32
      %swap3A_2963 = arith.index_cast %swap3A_2962 : i32 to index
      %swap3A_2964 = arith.constant 0 : index
      %swap3A_2965 = tpu.vector_load %arg16[%swap3A_2963, %swap3A_2964] {strides = array<i32>} : memref<16x16xi32, #tpu.memory_space<vmem>>, vector<16xi32>,
      tpu.vector_store %arg16[%swap3A_2963, %swap3A_2964], %add3A_2947 {strides = array<i32>} : memref<16x16xi32, #tpu.memory_space<vmem>>, vector<16xi32>,
      %swap3A_2966 = arith.constant 7 : i32
      %swap3A_2967 = arith.index_cast %swap3A_2966 : i32 to index
      %swap3A_2968 = arith.constant 0 : index
      %swap3A_2969 = tpu.vector_load %arg17[%swap3A_2967, %swap3A_2968] {strides = array<i32>} : memref<16x16xi32, #tpu.memory_space<vmem>>, vector<16xi32>,
      tpu.vector_store %arg17[%swap3A_2967, %swap3A_2968], %add3A_2961 {strides = array<i32>} : memref<16x16xi32, #tpu.memory_space<vmem>>, vector<16xi32>,
      %min3A_2970 = arith.constant 99999 : i32
      %min3A_2971 = vector.broadcast %min3A_2970 : i32 to vector<16xi32>
      %min3A_2972 = arith.minsi %add3A_2947, %min3A_2971 : vector<16xi32>
      %min3A_2973 = arith.constant 99999 : i32
      %min3A_2974 = vector.broadcast %min3A_2973 : i32 to vector<16xi32>
      %min3A_2975 = arith.minsi %add3A_2961, %min3A_2974 : vector<16xi32>
      %swap3A_2976 = arith.constant 112 : index
      %swap3A_2977 = tpu.vector_load %arg18[%swap3A_2976] {strides = array<i32>} : memref<128xi32, #tpu.memory_space<vmem>>, vector<16xi32>,
      tpu.vector_store %arg18[%swap3A_2976], %min3A_2972 {strides = array<i32>} : memref<128xi32, #tpu.memory_space<vmem>>, vector<16xi32>,
      %swap3A_2978 = arith.constant 112 : index
      %swap3A_2979 = tpu.vector_load %arg20[%swap3A_2978] {strides = array<i32>} : memref<128xi32, #tpu.memory_space<vmem>>, vector<16xi32>,
      tpu.vector_store %arg20[%swap3A_2978], %min3A_2975 {strides = array<i32>} : memref<128xi32, #tpu.memory_space<vmem>>, vector<16xi32>,
      %broadcast_in_dim3A_2980 = arith.constant 8 : i32
      %broadcast_in_dim3A_2981 = vector.broadcast %broadcast_in_dim3A_2980 : i32 to vector<16xi32>
      %lt3A_2982 = arith.constant 0 : i32
      %lt3A_2983 = vector.broadcast %lt3A_2982 : i32 to vector<16xi32>
      %lt3A_2984 = arith.cmpi slt, %broadcast_in_dim3A_2981, %lt3A_2983 : vector<16xi32>
      %add3A_2985 = arith.constant 16 : i32
      %add3A_2986 = vector.broadcast %add3A_2985 : i32 to vector<16xi32>
      %add3A_2987 = arith.addi %broadcast_in_dim3A_2981, %add3A_2986 : vector<16xi32>
      %select_n3A_2988 = arith.select %lt3A_2984, %add3A_2987, %broadcast_in_dim3A_2981 : vector<16xi1>, vector<16xi32>
      %broadcast_in_dim3A_2989 = vector.shape_cast %select_n3A_2988 : vector<16xi32> to vector<16x1xi32>
      %gather3A_2990 = vector.shape_cast %broadcast_in_dim3A_2989 : vector<16x1xi32> to vector<16xi32>
      %gather3A_2991 = tpu.dynamic_gather %masked_sort3A_2400[%gather3A_2990] in [0] : vector<16xi32>, vector<16xi32> -> vector<16xi32>
      %broadcast_in_dim3A_2992 = arith.constant 8 : i32
      %broadcast_in_dim3A_2993 = vector.broadcast %broadcast_in_dim3A_2992 : i32 to vector<16xi32>
      %lt3A_2994 = arith.constant 0 : i32
      %lt3A_2995 = vector.broadcast %lt3A_2994 : i32 to vector<16xi32>
      %lt3A_2996 = arith.cmpi slt, %broadcast_in_dim3A_2993, %lt3A_2995 : vector<16xi32>
      %add3A_2997 = arith.constant 16 : i32
      %add3A_2998 = vector.broadcast %add3A_2997 : i32 to vector<16xi32>
      %add3A_2999 = arith.addi %broadcast_in_dim3A_2993, %add3A_2998 : vector<16xi32>
      %select_n3A_3000 = arith.select %lt3A_2996, %add3A_2999, %broadcast_in_dim3A_2993 : vector<16xi1>, vector<16xi32>
      %broadcast_in_dim3A_3001 = vector.shape_cast %select_n3A_3000 : vector<16xi32> to vector<16x1xi32>
      %gather3A_3002 = vector.shape_cast %broadcast_in_dim3A_3001 : vector<16x1xi32> to vector<16xi32>
      %gather3A_3003 = tpu.dynamic_gather %masked_sort3A_2421[%gather3A_3002] in [0] : vector<16xi32>, vector<16xi32> -> vector<16xi32>
      %shift_right_arithmetic3A_3004 = arith.constant 11 : i32
      %shift_right_arithmetic3A_3005 = vector.broadcast %shift_right_arithmetic3A_3004 : i32 to vector<16xi32>
      %shift_right_arithmetic3A_3006 = arith.shrsi %gather3A_2991, %shift_right_arithmetic3A_3005 : vector<16xi32>
      %mul3A_3007 = arith.constant 32768 : i32
      %mul3A_3008 = vector.broadcast %mul3A_3007 : i32 to vector<16xi32>
      %mul3A_3009 = arith.muli %shift_right_arithmetic3A_3006, %mul3A_3008 : vector<16xi32>
      %and3A_3010 = arith.constant 2047 : i32
      %and3A_3011 = vector.broadcast %and3A_3010 : i32 to vector<16xi32>
      %and3A_3012 = arith.andi %gather3A_2991, %and3A_3011 : vector<16xi32>
      %add3A_3013 = arith.addi %mul3A_3009, %and3A_3012 : vector<16xi32>
      %mul3A_3014 = arith.constant 2048 : i32
      %mul3A_3015 = vector.broadcast %mul3A_3014 : i32 to vector<16xi32>
      %mul3A_3016 = arith.muli %mul3A_3015, %iota3A : vector<16xi32>
      %add3A_3017 = arith.addi %add3A_3013, %mul3A_3016 : vector<16xi32>
      %shift_right_arithmetic3A_3018 = arith.constant 11 : i32
      %shift_right_arithmetic3A_3019 = vector.broadcast %shift_right_arithmetic3A_3018 : i32 to vector<16xi32>
      %shift_right_arithmetic3A_3020 = arith.shrsi %gather3A_3003, %shift_right_arithmetic3A_3019 : vector<16xi32>
      %mul3A_3021 = arith.constant 32768 : i32
      %mul3A_3022 = vector.broadcast %mul3A_3021 : i32 to vector<16xi32>
      %mul3A_3023 = arith.muli %shift_right_arithmetic3A_3020, %mul3A_3022 : vector<16xi32>
      %and3A_3024 = arith.constant 2047 : i32
      %and3A_3025 = vector.broadcast %and3A_3024 : i32 to vector<16xi32>
      %and3A_3026 = arith.andi %gather3A_3003, %and3A_3025 : vector<16xi32>
      %add3A_3027 = arith.addi %mul3A_3023, %and3A_3026 : vector<16xi32>
      %mul3A_3028 = arith.constant 2048 : i32
      %mul3A_3029 = vector.broadcast %mul3A_3028 : i32 to vector<16xi32>
      %mul3A_3030 = arith.muli %mul3A_3029, %iota3A : vector<16xi32>
      %add3A_3031 = arith.addi %add3A_3027, %mul3A_3030 : vector<16xi32>
      %swap3A_3032 = arith.constant 8 : i32
      %swap3A_3033 = arith.index_cast %swap3A_3032 : i32 to index
      %swap3A_3034 = arith.constant 0 : index
      %swap3A_3035 = tpu.vector_load %arg16[%swap3A_3033, %swap3A_3034] {strides = array<i32>} : memref<16x16xi32, #tpu.memory_space<vmem>>, vector<16xi32>,
      tpu.vector_store %arg16[%swap3A_3033, %swap3A_3034], %add3A_3017 {strides = array<i32>} : memref<16x16xi32, #tpu.memory_space<vmem>>, vector<16xi32>,
      %swap3A_3036 = arith.constant 8 : i32
      %swap3A_3037 = arith.index_cast %swap3A_3036 : i32 to index
      %swap3A_3038 = arith.constant 0 : index
      %swap3A_3039 = tpu.vector_load %arg17[%swap3A_3037, %swap3A_3038] {strides = array<i32>} : memref<16x16xi32, #tpu.memory_space<vmem>>, vector<16xi32>,
      tpu.vector_store %arg17[%swap3A_3037, %swap3A_3038], %add3A_3031 {strides = array<i32>} : memref<16x16xi32, #tpu.memory_space<vmem>>, vector<16xi32>,
      %min3A_3040 = arith.constant 99999 : i32
      %min3A_3041 = vector.broadcast %min3A_3040 : i32 to vector<16xi32>
      %min3A_3042 = arith.minsi %add3A_3017, %min3A_3041 : vector<16xi32>
      %min3A_3043 = arith.constant 99999 : i32
      %min3A_3044 = vector.broadcast %min3A_3043 : i32 to vector<16xi32>
      %min3A_3045 = arith.minsi %add3A_3031, %min3A_3044 : vector<16xi32>
      %swap3A_3046 = arith.constant 0 : index
      %swap3A_3047 = tpu.vector_load %arg19[%swap3A_3046] {strides = array<i32>} : memref<128xi32, #tpu.memory_space<vmem>>, vector<16xi32>,
      tpu.vector_store %arg19[%swap3A_3046], %min3A_3042 {strides = array<i32>} : memref<128xi32, #tpu.memory_space<vmem>>, vector<16xi32>,
      %swap3A_3048 = arith.constant 0 : index
      %swap3A_3049 = tpu.vector_load %arg21[%swap3A_3048] {strides = array<i32>} : memref<128xi32, #tpu.memory_space<vmem>>, vector<16xi32>,
      tpu.vector_store %arg21[%swap3A_3048], %min3A_3045 {strides = array<i32>} : memref<128xi32, #tpu.memory_space<vmem>>, vector<16xi32>,
      %broadcast_in_dim3A_3050 = arith.constant 9 : i32
      %broadcast_in_dim3A_3051 = vector.broadcast %broadcast_in_dim3A_3050 : i32 to vector<16xi32>
      %lt3A_3052 = arith.constant 0 : i32
      %lt3A_3053 = vector.broadcast %lt3A_3052 : i32 to vector<16xi32>
      %lt3A_3054 = arith.cmpi slt, %broadcast_in_dim3A_3051, %lt3A_3053 : vector<16xi32>
      %add3A_3055 = arith.constant 16 : i32
      %add3A_3056 = vector.broadcast %add3A_3055 : i32 to vector<16xi32>
      %add3A_3057 = arith.addi %broadcast_in_dim3A_3051, %add3A_3056 : vector<16xi32>
      %select_n3A_3058 = arith.select %lt3A_3054, %add3A_3057, %broadcast_in_dim3A_3051 : vector<16xi1>, vector<16xi32>
      %broadcast_in_dim3A_3059 = vector.shape_cast %select_n3A_3058 : vector<16xi32> to vector<16x1xi32>
      %gather3A_3060 = vector.shape_cast %broadcast_in_dim3A_3059 : vector<16x1xi32> to vector<16xi32>
      %gather3A_3061 = tpu.dynamic_gather %masked_sort3A_2400[%gather3A_3060] in [0] : vector<16xi32>, vector<16xi32> -> vector<16xi32>
      %broadcast_in_dim3A_3062 = arith.constant 9 : i32
      %broadcast_in_dim3A_3063 = vector.broadcast %broadcast_in_dim3A_3062 : i32 to vector<16xi32>
      %lt3A_3064 = arith.constant 0 : i32
      %lt3A_3065 = vector.broadcast %lt3A_3064 : i32 to vector<16xi32>
      %lt3A_3066 = arith.cmpi slt, %broadcast_in_dim3A_3063, %lt3A_3065 : vector<16xi32>
      %add3A_3067 = arith.constant 16 : i32
      %add3A_3068 = vector.broadcast %add3A_3067 : i32 to vector<16xi32>
      %add3A_3069 = arith.addi %broadcast_in_dim3A_3063, %add3A_3068 : vector<16xi32>
      %select_n3A_3070 = arith.select %lt3A_3066, %add3A_3069, %broadcast_in_dim3A_3063 : vector<16xi1>, vector<16xi32>
      %broadcast_in_dim3A_3071 = vector.shape_cast %select_n3A_3070 : vector<16xi32> to vector<16x1xi32>
      %gather3A_3072 = vector.shape_cast %broadcast_in_dim3A_3071 : vector<16x1xi32> to vector<16xi32>
      %gather3A_3073 = tpu.dynamic_gather %masked_sort3A_2421[%gather3A_3072] in [0] : vector<16xi32>, vector<16xi32> -> vector<16xi32>
      %shift_right_arithmetic3A_3074 = arith.constant 11 : i32
      %shift_right_arithmetic3A_3075 = vector.broadcast %shift_right_arithmetic3A_3074 : i32 to vector<16xi32>
      %shift_right_arithmetic3A_3076 = arith.shrsi %gather3A_3061, %shift_right_arithmetic3A_3075 : vector<16xi32>
      %mul3A_3077 = arith.constant 32768 : i32
      %mul3A_3078 = vector.broadcast %mul3A_3077 : i32 to vector<16xi32>
      %mul3A_3079 = arith.muli %shift_right_arithmetic3A_3076, %mul3A_3078 : vector<16xi32>
      %and3A_3080 = arith.constant 2047 : i32
      %and3A_3081 = vector.broadcast %and3A_3080 : i32 to vector<16xi32>
      %and3A_3082 = arith.andi %gather3A_3061, %and3A_3081 : vector<16xi32>
      %add3A_3083 = arith.addi %mul3A_3079, %and3A_3082 : vector<16xi32>
      %mul3A_3084 = arith.constant 2048 : i32
      %mul3A_3085 = vector.broadcast %mul3A_3084 : i32 to vector<16xi32>
      %mul3A_3086 = arith.muli %mul3A_3085, %iota3A : vector<16xi32>
      %add3A_3087 = arith.addi %add3A_3083, %mul3A_3086 : vector<16xi32>
      %shift_right_arithmetic3A_3088 = arith.constant 11 : i32
      %shift_right_arithmetic3A_3089 = vector.broadcast %shift_right_arithmetic3A_3088 : i32 to vector<16xi32>
      %shift_right_arithmetic3A_3090 = arith.shrsi %gather3A_3073, %shift_right_arithmetic3A_3089 : vector<16xi32>
      %mul3A_3091 = arith.constant 32768 : i32
      %mul3A_3092 = vector.broadcast %mul3A_3091 : i32 to vector<16xi32>
      %mul3A_3093 = arith.muli %shift_right_arithmetic3A_3090, %mul3A_3092 : vector<16xi32>
      %and3A_3094 = arith.constant 2047 : i32
      %and3A_3095 = vector.broadcast %and3A_3094 : i32 to vector<16xi32>
      %and3A_3096 = arith.andi %gather3A_3073, %and3A_3095 : vector<16xi32>
      %add3A_3097 = arith.addi %mul3A_3093, %and3A_3096 : vector<16xi32>
      %mul3A_3098 = arith.constant 2048 : i32
      %mul3A_3099 = vector.broadcast %mul3A_3098 : i32 to vector<16xi32>
      %mul3A_3100 = arith.muli %mul3A_3099, %iota3A : vector<16xi32>
      %add3A_3101 = arith.addi %add3A_3097, %mul3A_3100 : vector<16xi32>
      %swap3A_3102 = arith.constant 9 : i32
      %swap3A_3103 = arith.index_cast %swap3A_3102 : i32 to index
      %swap3A_3104 = arith.constant 0 : index
      %swap3A_3105 = tpu.vector_load %arg16[%swap3A_3103, %swap3A_3104] {strides = array<i32>} : memref<16x16xi32, #tpu.memory_space<vmem>>, vector<16xi32>,
      tpu.vector_store %arg16[%swap3A_3103, %swap3A_3104], %add3A_3087 {strides = array<i32>} : memref<16x16xi32, #tpu.memory_space<vmem>>, vector<16xi32>,
      %swap3A_3106 = arith.constant 9 : i32
      %swap3A_3107 = arith.index_cast %swap3A_3106 : i32 to index
      %swap3A_3108 = arith.constant 0 : index
      %swap3A_3109 = tpu.vector_load %arg17[%swap3A_3107, %swap3A_3108] {strides = array<i32>} : memref<16x16xi32, #tpu.memory_space<vmem>>, vector<16xi32>,
      tpu.vector_store %arg17[%swap3A_3107, %swap3A_3108], %add3A_3101 {strides = array<i32>} : memref<16x16xi32, #tpu.memory_space<vmem>>, vector<16xi32>,
      %min3A_3110 = arith.constant 99999 : i32
      %min3A_3111 = vector.broadcast %min3A_3110 : i32 to vector<16xi32>
      %min3A_3112 = arith.minsi %add3A_3087, %min3A_3111 : vector<16xi32>
      %min3A_3113 = arith.constant 99999 : i32
      %min3A_3114 = vector.broadcast %min3A_3113 : i32 to vector<16xi32>
      %min3A_3115 = arith.minsi %add3A_3101, %min3A_3114 : vector<16xi32>
      %swap3A_3116 = arith.constant 16 : index
      %swap3A_3117 = tpu.vector_load %arg19[%swap3A_3116] {strides = array<i32>} : memref<128xi32, #tpu.memory_space<vmem>>, vector<16xi32>,
      tpu.vector_store %arg19[%swap3A_3116], %min3A_3112 {strides = array<i32>} : memref<128xi32, #tpu.memory_space<vmem>>, vector<16xi32>,
      %swap3A_3118 = arith.constant 16 : index
      %swap3A_3119 = tpu.vector_load %arg21[%swap3A_3118] {strides = array<i32>} : memref<128xi32, #tpu.memory_space<vmem>>, vector<16xi32>,
      tpu.vector_store %arg21[%swap3A_3118], %min3A_3115 {strides = array<i32>} : memref<128xi32, #tpu.memory_space<vmem>>, vector<16xi32>,
      %broadcast_in_dim3A_3120 = arith.constant 10 : i32
      %broadcast_in_dim3A_3121 = vector.broadcast %broadcast_in_dim3A_3120 : i32 to vector<16xi32>
      %lt3A_3122 = arith.constant 0 : i32
      %lt3A_3123 = vector.broadcast %lt3A_3122 : i32 to vector<16xi32>
      %lt3A_3124 = arith.cmpi slt, %broadcast_in_dim3A_3121, %lt3A_3123 : vector<16xi32>
      %add3A_3125 = arith.constant 16 : i32
      %add3A_3126 = vector.broadcast %add3A_3125 : i32 to vector<16xi32>
      %add3A_3127 = arith.addi %broadcast_in_dim3A_3121, %add3A_3126 : vector<16xi32>
      %select_n3A_3128 = arith.select %lt3A_3124, %add3A_3127, %broadcast_in_dim3A_3121 : vector<16xi1>, vector<16xi32>
      %broadcast_in_dim3A_3129 = vector.shape_cast %select_n3A_3128 : vector<16xi32> to vector<16x1xi32>
      %gather3A_3130 = vector.shape_cast %broadcast_in_dim3A_3129 : vector<16x1xi32> to vector<16xi32>
      %gather3A_3131 = tpu.dynamic_gather %masked_sort3A_2400[%gather3A_3130] in [0] : vector<16xi32>, vector<16xi32> -> vector<16xi32>
      %broadcast_in_dim3A_3132 = arith.constant 10 : i32
      %broadcast_in_dim3A_3133 = vector.broadcast %broadcast_in_dim3A_3132 : i32 to vector<16xi32>
      %lt3A_3134 = arith.constant 0 : i32
      %lt3A_3135 = vector.broadcast %lt3A_3134 : i32 to vector<16xi32>
      %lt3A_3136 = arith.cmpi slt, %broadcast_in_dim3A_3133, %lt3A_3135 : vector<16xi32>
      %add3A_3137 = arith.constant 16 : i32
      %add3A_3138 = vector.broadcast %add3A_3137 : i32 to vector<16xi32>
      %add3A_3139 = arith.addi %broadcast_in_dim3A_3133, %add3A_3138 : vector<16xi32>
      %select_n3A_3140 = arith.select %lt3A_3136, %add3A_3139, %broadcast_in_dim3A_3133 : vector<16xi1>, vector<16xi32>
      %broadcast_in_dim3A_3141 = vector.shape_cast %select_n3A_3140 : vector<16xi32> to vector<16x1xi32>
      %gather3A_3142 = vector.shape_cast %broadcast_in_dim3A_3141 : vector<16x1xi32> to vector<16xi32>
      %gather3A_3143 = tpu.dynamic_gather %masked_sort3A_2421[%gather3A_3142] in [0] : vector<16xi32>, vector<16xi32> -> vector<16xi32>
      %shift_right_arithmetic3A_3144 = arith.constant 11 : i32
      %shift_right_arithmetic3A_3145 = vector.broadcast %shift_right_arithmetic3A_3144 : i32 to vector<16xi32>
      %shift_right_arithmetic3A_3146 = arith.shrsi %gather3A_3131, %shift_right_arithmetic3A_3145 : vector<16xi32>
      %mul3A_3147 = arith.constant 32768 : i32
      %mul3A_3148 = vector.broadcast %mul3A_3147 : i32 to vector<16xi32>
      %mul3A_3149 = arith.muli %shift_right_arithmetic3A_3146, %mul3A_3148 : vector<16xi32>
      %and3A_3150 = arith.constant 2047 : i32
      %and3A_3151 = vector.broadcast %and3A_3150 : i32 to vector<16xi32>
      %and3A_3152 = arith.andi %gather3A_3131, %and3A_3151 : vector<16xi32>
      %add3A_3153 = arith.addi %mul3A_3149, %and3A_3152 : vector<16xi32>
      %mul3A_3154 = arith.constant 2048 : i32
      %mul3A_3155 = vector.broadcast %mul3A_3154 : i32 to vector<16xi32>
      %mul3A_3156 = arith.muli %mul3A_3155, %iota3A : vector<16xi32>
      %add3A_3157 = arith.addi %add3A_3153, %mul3A_3156 : vector<16xi32>
      %shift_right_arithmetic3A_3158 = arith.constant 11 : i32
      %shift_right_arithmetic3A_3159 = vector.broadcast %shift_right_arithmetic3A_3158 : i32 to vector<16xi32>
      %shift_right_arithmetic3A_3160 = arith.shrsi %gather3A_3143, %shift_right_arithmetic3A_3159 : vector<16xi32>
      %mul3A_3161 = arith.constant 32768 : i32
      %mul3A_3162 = vector.broadcast %mul3A_3161 : i32 to vector<16xi32>
      %mul3A_3163 = arith.muli %shift_right_arithmetic3A_3160, %mul3A_3162 : vector<16xi32>
      %and3A_3164 = arith.constant 2047 : i32
      %and3A_3165 = vector.broadcast %and3A_3164 : i32 to vector<16xi32>
      %and3A_3166 = arith.andi %gather3A_3143, %and3A_3165 : vector<16xi32>
      %add3A_3167 = arith.addi %mul3A_3163, %and3A_3166 : vector<16xi32>
      %mul3A_3168 = arith.constant 2048 : i32
      %mul3A_3169 = vector.broadcast %mul3A_3168 : i32 to vector<16xi32>
      %mul3A_3170 = arith.muli %mul3A_3169, %iota3A : vector<16xi32>
      %add3A_3171 = arith.addi %add3A_3167, %mul3A_3170 : vector<16xi32>
      %swap3A_3172 = arith.constant 10 : i32
      %swap3A_3173 = arith.index_cast %swap3A_3172 : i32 to index
      %swap3A_3174 = arith.constant 0 : index
      %swap3A_3175 = tpu.vector_load %arg16[%swap3A_3173, %swap3A_3174] {strides = array<i32>} : memref<16x16xi32, #tpu.memory_space<vmem>>, vector<16xi32>,
      tpu.vector_store %arg16[%swap3A_3173, %swap3A_3174], %add3A_3157 {strides = array<i32>} : memref<16x16xi32, #tpu.memory_space<vmem>>, vector<16xi32>,
      %swap3A_3176 = arith.constant 10 : i32
      %swap3A_3177 = arith.index_cast %swap3A_3176 : i32 to index
      %swap3A_3178 = arith.constant 0 : index
      %swap3A_3179 = tpu.vector_load %arg17[%swap3A_3177, %swap3A_3178] {strides = array<i32>} : memref<16x16xi32, #tpu.memory_space<vmem>>, vector<16xi32>,
      tpu.vector_store %arg17[%swap3A_3177, %swap3A_3178], %add3A_3171 {strides = array<i32>} : memref<16x16xi32, #tpu.memory_space<vmem>>, vector<16xi32>,
      %min3A_3180 = arith.constant 99999 : i32
      %min3A_3181 = vector.broadcast %min3A_3180 : i32 to vector<16xi32>
      %min3A_3182 = arith.minsi %add3A_3157, %min3A_3181 : vector<16xi32>
      %min3A_3183 = arith.constant 99999 : i32
      %min3A_3184 = vector.broadcast %min3A_3183 : i32 to vector<16xi32>
      %min3A_3185 = arith.minsi %add3A_3171, %min3A_3184 : vector<16xi32>
      %swap3A_3186 = arith.constant 32 : index
      %swap3A_3187 = tpu.vector_load %arg19[%swap3A_3186] {strides = array<i32>} : memref<128xi32, #tpu.memory_space<vmem>>, vector<16xi32>,
      tpu.vector_store %arg19[%swap3A_3186], %min3A_3182 {strides = array<i32>} : memref<128xi32, #tpu.memory_space<vmem>>, vector<16xi32>,
      %swap3A_3188 = arith.constant 32 : index
      %swap3A_3189 = tpu.vector_load %arg21[%swap3A_3188] {strides = array<i32>} : memref<128xi32, #tpu.memory_space<vmem>>, vector<16xi32>,
      tpu.vector_store %arg21[%swap3A_3188], %min3A_3185 {strides = array<i32>} : memref<128xi32, #tpu.memory_space<vmem>>, vector<16xi32>,
      %broadcast_in_dim3A_3190 = arith.constant 11 : i32
      %broadcast_in_dim3A_3191 = vector.broadcast %broadcast_in_dim3A_3190 : i32 to vector<16xi32>
      %lt3A_3192 = arith.constant 0 : i32
      %lt3A_3193 = vector.broadcast %lt3A_3192 : i32 to vector<16xi32>
      %lt3A_3194 = arith.cmpi slt, %broadcast_in_dim3A_3191, %lt3A_3193 : vector<16xi32>
      %add3A_3195 = arith.constant 16 : i32
      %add3A_3196 = vector.broadcast %add3A_3195 : i32 to vector<16xi32>
      %add3A_3197 = arith.addi %broadcast_in_dim3A_3191, %add3A_3196 : vector<16xi32>
      %select_n3A_3198 = arith.select %lt3A_3194, %add3A_3197, %broadcast_in_dim3A_3191 : vector<16xi1>, vector<16xi32>
      %broadcast_in_dim3A_3199 = vector.shape_cast %select_n3A_3198 : vector<16xi32> to vector<16x1xi32>
      %gather3A_3200 = vector.shape_cast %broadcast_in_dim3A_3199 : vector<16x1xi32> to vector<16xi32>
      %gather3A_3201 = tpu.dynamic_gather %masked_sort3A_2400[%gather3A_3200] in [0] : vector<16xi32>, vector<16xi32> -> vector<16xi32>
      %broadcast_in_dim3A_3202 = arith.constant 11 : i32
      %broadcast_in_dim3A_3203 = vector.broadcast %broadcast_in_dim3A_3202 : i32 to vector<16xi32>
      %lt3A_3204 = arith.constant 0 : i32
      %lt3A_3205 = vector.broadcast %lt3A_3204 : i32 to vector<16xi32>
      %lt3A_3206 = arith.cmpi slt, %broadcast_in_dim3A_3203, %lt3A_3205 : vector<16xi32>
      %add3A_3207 = arith.constant 16 : i32
      %add3A_3208 = vector.broadcast %add3A_3207 : i32 to vector<16xi32>
      %add3A_3209 = arith.addi %broadcast_in_dim3A_3203, %add3A_3208 : vector<16xi32>
      %select_n3A_3210 = arith.select %lt3A_3206, %add3A_3209, %broadcast_in_dim3A_3203 : vector<16xi1>, vector<16xi32>
      %broadcast_in_dim3A_3211 = vector.shape_cast %select_n3A_3210 : vector<16xi32> to vector<16x1xi32>
      %gather3A_3212 = vector.shape_cast %broadcast_in_dim3A_3211 : vector<16x1xi32> to vector<16xi32>
      %gather3A_3213 = tpu.dynamic_gather %masked_sort3A_2421[%gather3A_3212] in [0] : vector<16xi32>, vector<16xi32> -> vector<16xi32>
      %shift_right_arithmetic3A_3214 = arith.constant 11 : i32
      %shift_right_arithmetic3A_3215 = vector.broadcast %shift_right_arithmetic3A_3214 : i32 to vector<16xi32>
      %shift_right_arithmetic3A_3216 = arith.shrsi %gather3A_3201, %shift_right_arithmetic3A_3215 : vector<16xi32>
      %mul3A_3217 = arith.constant 32768 : i32
      %mul3A_3218 = vector.broadcast %mul3A_3217 : i32 to vector<16xi32>
      %mul3A_3219 = arith.muli %shift_right_arithmetic3A_3216, %mul3A_3218 : vector<16xi32>
      %and3A_3220 = arith.constant 2047 : i32
      %and3A_3221 = vector.broadcast %and3A_3220 : i32 to vector<16xi32>
      %and3A_3222 = arith.andi %gather3A_3201, %and3A_3221 : vector<16xi32>
      %add3A_3223 = arith.addi %mul3A_3219, %and3A_3222 : vector<16xi32>
      %mul3A_3224 = arith.constant 2048 : i32
      %mul3A_3225 = vector.broadcast %mul3A_3224 : i32 to vector<16xi32>
      %mul3A_3226 = arith.muli %mul3A_3225, %iota3A : vector<16xi32>
      %add3A_3227 = arith.addi %add3A_3223, %mul3A_3226 : vector<16xi32>
      %shift_right_arithmetic3A_3228 = arith.constant 11 : i32
      %shift_right_arithmetic3A_3229 = vector.broadcast %shift_right_arithmetic3A_3228 : i32 to vector<16xi32>
      %shift_right_arithmetic3A_3230 = arith.shrsi %gather3A_3213, %shift_right_arithmetic3A_3229 : vector<16xi32>
      %mul3A_3231 = arith.constant 32768 : i32
      %mul3A_3232 = vector.broadcast %mul3A_3231 : i32 to vector<16xi32>
      %mul3A_3233 = arith.muli %shift_right_arithmetic3A_3230, %mul3A_3232 : vector<16xi32>
      %and3A_3234 = arith.constant 2047 : i32
      %and3A_3235 = vector.broadcast %and3A_3234 : i32 to vector<16xi32>
      %and3A_3236 = arith.andi %gather3A_3213, %and3A_3235 : vector<16xi32>
      %add3A_3237 = arith.addi %mul3A_3233, %and3A_3236 : vector<16xi32>
      %mul3A_3238 = arith.constant 2048 : i32
      %mul3A_3239 = vector.broadcast %mul3A_3238 : i32 to vector<16xi32>
      %mul3A_3240 = arith.muli %mul3A_3239, %iota3A : vector<16xi32>
      %add3A_3241 = arith.addi %add3A_3237, %mul3A_3240 : vector<16xi32>
      %swap3A_3242 = arith.constant 11 : i32
      %swap3A_3243 = arith.index_cast %swap3A_3242 : i32 to index
      %swap3A_3244 = arith.constant 0 : index
      %swap3A_3245 = tpu.vector_load %arg16[%swap3A_3243, %swap3A_3244] {strides = array<i32>} : memref<16x16xi32, #tpu.memory_space<vmem>>, vector<16xi32>,
      tpu.vector_store %arg16[%swap3A_3243, %swap3A_3244], %add3A_3227 {strides = array<i32>} : memref<16x16xi32, #tpu.memory_space<vmem>>, vector<16xi32>,
      %swap3A_3246 = arith.constant 11 : i32
      %swap3A_3247 = arith.index_cast %swap3A_3246 : i32 to index
      %swap3A_3248 = arith.constant 0 : index
      %swap3A_3249 = tpu.vector_load %arg17[%swap3A_3247, %swap3A_3248] {strides = array<i32>} : memref<16x16xi32, #tpu.memory_space<vmem>>, vector<16xi32>,
      tpu.vector_store %arg17[%swap3A_3247, %swap3A_3248], %add3A_3241 {strides = array<i32>} : memref<16x16xi32, #tpu.memory_space<vmem>>, vector<16xi32>,
      %min3A_3250 = arith.constant 99999 : i32
      %min3A_3251 = vector.broadcast %min3A_3250 : i32 to vector<16xi32>
      %min3A_3252 = arith.minsi %add3A_3227, %min3A_3251 : vector<16xi32>
      %min3A_3253 = arith.constant 99999 : i32
      %min3A_3254 = vector.broadcast %min3A_3253 : i32 to vector<16xi32>
      %min3A_3255 = arith.minsi %add3A_3241, %min3A_3254 : vector<16xi32>
      %swap3A_3256 = arith.constant 48 : index
      %swap3A_3257 = tpu.vector_load %arg19[%swap3A_3256] {strides = array<i32>} : memref<128xi32, #tpu.memory_space<vmem>>, vector<16xi32>,
      tpu.vector_store %arg19[%swap3A_3256], %min3A_3252 {strides = array<i32>} : memref<128xi32, #tpu.memory_space<vmem>>, vector<16xi32>,
      %swap3A_3258 = arith.constant 48 : index
      %swap3A_3259 = tpu.vector_load %arg21[%swap3A_3258] {strides = array<i32>} : memref<128xi32, #tpu.memory_space<vmem>>, vector<16xi32>,
      tpu.vector_store %arg21[%swap3A_3258], %min3A_3255 {strides = array<i32>} : memref<128xi32, #tpu.memory_space<vmem>>, vector<16xi32>,
      %broadcast_in_dim3A_3260 = arith.constant 12 : i32
      %broadcast_in_dim3A_3261 = vector.broadcast %broadcast_in_dim3A_3260 : i32 to vector<16xi32>
      %lt3A_3262 = arith.constant 0 : i32
      %lt3A_3263 = vector.broadcast %lt3A_3262 : i32 to vector<16xi32>
      %lt3A_3264 = arith.cmpi slt, %broadcast_in_dim3A_3261, %lt3A_3263 : vector<16xi32>
      %add3A_3265 = arith.constant 16 : i32
      %add3A_3266 = vector.broadcast %add3A_3265 : i32 to vector<16xi32>
      %add3A_3267 = arith.addi %broadcast_in_dim3A_3261, %add3A_3266 : vector<16xi32>
      %select_n3A_3268 = arith.select %lt3A_3264, %add3A_3267, %broadcast_in_dim3A_3261 : vector<16xi1>, vector<16xi32>
      %broadcast_in_dim3A_3269 = vector.shape_cast %select_n3A_3268 : vector<16xi32> to vector<16x1xi32>
      %gather3A_3270 = vector.shape_cast %broadcast_in_dim3A_3269 : vector<16x1xi32> to vector<16xi32>
      %gather3A_3271 = tpu.dynamic_gather %masked_sort3A_2400[%gather3A_3270] in [0] : vector<16xi32>, vector<16xi32> -> vector<16xi32>
      %broadcast_in_dim3A_3272 = arith.constant 12 : i32
      %broadcast_in_dim3A_3273 = vector.broadcast %broadcast_in_dim3A_3272 : i32 to vector<16xi32>
      %lt3A_3274 = arith.constant 0 : i32
      %lt3A_3275 = vector.broadcast %lt3A_3274 : i32 to vector<16xi32>
      %lt3A_3276 = arith.cmpi slt, %broadcast_in_dim3A_3273, %lt3A_3275 : vector<16xi32>
      %add3A_3277 = arith.constant 16 : i32
      %add3A_3278 = vector.broadcast %add3A_3277 : i32 to vector<16xi32>
      %add3A_3279 = arith.addi %broadcast_in_dim3A_3273, %add3A_3278 : vector<16xi32>
      %select_n3A_3280 = arith.select %lt3A_3276, %add3A_3279, %broadcast_in_dim3A_3273 : vector<16xi1>, vector<16xi32>
      %broadcast_in_dim3A_3281 = vector.shape_cast %select_n3A_3280 : vector<16xi32> to vector<16x1xi32>
      %gather3A_3282 = vector.shape_cast %broadcast_in_dim3A_3281 : vector<16x1xi32> to vector<16xi32>
      %gather3A_3283 = tpu.dynamic_gather %masked_sort3A_2421[%gather3A_3282] in [0] : vector<16xi32>, vector<16xi32> -> vector<16xi32>
      %shift_right_arithmetic3A_3284 = arith.constant 11 : i32
      %shift_right_arithmetic3A_3285 = vector.broadcast %shift_right_arithmetic3A_3284 : i32 to vector<16xi32>
      %shift_right_arithmetic3A_3286 = arith.shrsi %gather3A_3271, %shift_right_arithmetic3A_3285 : vector<16xi32>
      %mul3A_3287 = arith.constant 32768 : i32
      %mul3A_3288 = vector.broadcast %mul3A_3287 : i32 to vector<16xi32>
      %mul3A_3289 = arith.muli %shift_right_arithmetic3A_3286, %mul3A_3288 : vector<16xi32>
      %and3A_3290 = arith.constant 2047 : i32
      %and3A_3291 = vector.broadcast %and3A_3290 : i32 to vector<16xi32>
      %and3A_3292 = arith.andi %gather3A_3271, %and3A_3291 : vector<16xi32>
      %add3A_3293 = arith.addi %mul3A_3289, %and3A_3292 : vector<16xi32>
      %mul3A_3294 = arith.constant 2048 : i32
      %mul3A_3295 = vector.broadcast %mul3A_3294 : i32 to vector<16xi32>
      %mul3A_3296 = arith.muli %mul3A_3295, %iota3A : vector<16xi32>
      %add3A_3297 = arith.addi %add3A_3293, %mul3A_3296 : vector<16xi32>
      %shift_right_arithmetic3A_3298 = arith.constant 11 : i32
      %shift_right_arithmetic3A_3299 = vector.broadcast %shift_right_arithmetic3A_3298 : i32 to vector<16xi32>
      %shift_right_arithmetic3A_3300 = arith.shrsi %gather3A_3283, %shift_right_arithmetic3A_3299 : vector<16xi32>
      %mul3A_3301 = arith.constant 32768 : i32
      %mul3A_3302 = vector.broadcast %mul3A_3301 : i32 to vector<16xi32>
      %mul3A_3303 = arith.muli %shift_right_arithmetic3A_3300, %mul3A_3302 : vector<16xi32>
      %and3A_3304 = arith.constant 2047 : i32
      %and3A_3305 = vector.broadcast %and3A_3304 : i32 to vector<16xi32>
      %and3A_3306 = arith.andi %gather3A_3283, %and3A_3305 : vector<16xi32>
      %add3A_3307 = arith.addi %mul3A_3303, %and3A_3306 : vector<16xi32>
      %mul3A_3308 = arith.constant 2048 : i32
      %mul3A_3309 = vector.broadcast %mul3A_3308 : i32 to vector<16xi32>
      %mul3A_3310 = arith.muli %mul3A_3309, %iota3A : vector<16xi32>
      %add3A_3311 = arith.addi %add3A_3307, %mul3A_3310 : vector<16xi32>
      %swap3A_3312 = arith.constant 12 : i32
      %swap3A_3313 = arith.index_cast %swap3A_3312 : i32 to index
      %swap3A_3314 = arith.constant 0 : index
      %swap3A_3315 = tpu.vector_load %arg16[%swap3A_3313, %swap3A_3314] {strides = array<i32>} : memref<16x16xi32, #tpu.memory_space<vmem>>, vector<16xi32>,
      tpu.vector_store %arg16[%swap3A_3313, %swap3A_3314], %add3A_3297 {strides = array<i32>} : memref<16x16xi32, #tpu.memory_space<vmem>>, vector<16xi32>,
      %swap3A_3316 = arith.constant 12 : i32
      %swap3A_3317 = arith.index_cast %swap3A_3316 : i32 to index
      %swap3A_3318 = arith.constant 0 : index
      %swap3A_3319 = tpu.vector_load %arg17[%swap3A_3317, %swap3A_3318] {strides = array<i32>} : memref<16x16xi32, #tpu.memory_space<vmem>>, vector<16xi32>,
      tpu.vector_store %arg17[%swap3A_3317, %swap3A_3318], %add3A_3311 {strides = array<i32>} : memref<16x16xi32, #tpu.memory_space<vmem>>, vector<16xi32>,
      %min3A_3320 = arith.constant 99999 : i32
      %min3A_3321 = vector.broadcast %min3A_3320 : i32 to vector<16xi32>
      %min3A_3322 = arith.minsi %add3A_3297, %min3A_3321 : vector<16xi32>
      %min3A_3323 = arith.constant 99999 : i32
      %min3A_3324 = vector.broadcast %min3A_3323 : i32 to vector<16xi32>
      %min3A_3325 = arith.minsi %add3A_3311, %min3A_3324 : vector<16xi32>
      %swap3A_3326 = arith.constant 64 : index
      %swap3A_3327 = tpu.vector_load %arg19[%swap3A_3326] {strides = array<i32>} : memref<128xi32, #tpu.memory_space<vmem>>, vector<16xi32>,
      tpu.vector_store %arg19[%swap3A_3326], %min3A_3322 {strides = array<i32>} : memref<128xi32, #tpu.memory_space<vmem>>, vector<16xi32>,
      %swap3A_3328 = arith.constant 64 : index
      %swap3A_3329 = tpu.vector_load %arg21[%swap3A_3328] {strides = array<i32>} : memref<128xi32, #tpu.memory_space<vmem>>, vector<16xi32>,
      tpu.vector_store %arg21[%swap3A_3328], %min3A_3325 {strides = array<i32>} : memref<128xi32, #tpu.memory_space<vmem>>, vector<16xi32>,
      %broadcast_in_dim3A_3330 = arith.constant 13 : i32
      %broadcast_in_dim3A_3331 = vector.broadcast %broadcast_in_dim3A_3330 : i32 to vector<16xi32>
      %lt3A_3332 = arith.constant 0 : i32
      %lt3A_3333 = vector.broadcast %lt3A_3332 : i32 to vector<16xi32>
      %lt3A_3334 = arith.cmpi slt, %broadcast_in_dim3A_3331, %lt3A_3333 : vector<16xi32>
      %add3A_3335 = arith.constant 16 : i32
      %add3A_3336 = vector.broadcast %add3A_3335 : i32 to vector<16xi32>
      %add3A_3337 = arith.addi %broadcast_in_dim3A_3331, %add3A_3336 : vector<16xi32>
      %select_n3A_3338 = arith.select %lt3A_3334, %add3A_3337, %broadcast_in_dim3A_3331 : vector<16xi1>, vector<16xi32>
      %broadcast_in_dim3A_3339 = vector.shape_cast %select_n3A_3338 : vector<16xi32> to vector<16x1xi32>
      %gather3A_3340 = vector.shape_cast %broadcast_in_dim3A_3339 : vector<16x1xi32> to vector<16xi32>
      %gather3A_3341 = tpu.dynamic_gather %masked_sort3A_2400[%gather3A_3340] in [0] : vector<16xi32>, vector<16xi32> -> vector<16xi32>
      %broadcast_in_dim3A_3342 = arith.constant 13 : i32
      %broadcast_in_dim3A_3343 = vector.broadcast %broadcast_in_dim3A_3342 : i32 to vector<16xi32>
      %lt3A_3344 = arith.constant 0 : i32
      %lt3A_3345 = vector.broadcast %lt3A_3344 : i32 to vector<16xi32>
      %lt3A_3346 = arith.cmpi slt, %broadcast_in_dim3A_3343, %lt3A_3345 : vector<16xi32>
      %add3A_3347 = arith.constant 16 : i32
      %add3A_3348 = vector.broadcast %add3A_3347 : i32 to vector<16xi32>
      %add3A_3349 = arith.addi %broadcast_in_dim3A_3343, %add3A_3348 : vector<16xi32>
      %select_n3A_3350 = arith.select %lt3A_3346, %add3A_3349, %broadcast_in_dim3A_3343 : vector<16xi1>, vector<16xi32>
      %broadcast_in_dim3A_3351 = vector.shape_cast %select_n3A_3350 : vector<16xi32> to vector<16x1xi32>
      %gather3A_3352 = vector.shape_cast %broadcast_in_dim3A_3351 : vector<16x1xi32> to vector<16xi32>
      %gather3A_3353 = tpu.dynamic_gather %masked_sort3A_2421[%gather3A_3352] in [0] : vector<16xi32>, vector<16xi32> -> vector<16xi32>
      %shift_right_arithmetic3A_3354 = arith.constant 11 : i32
      %shift_right_arithmetic3A_3355 = vector.broadcast %shift_right_arithmetic3A_3354 : i32 to vector<16xi32>
      %shift_right_arithmetic3A_3356 = arith.shrsi %gather3A_3341, %shift_right_arithmetic3A_3355 : vector<16xi32>
      %mul3A_3357 = arith.constant 32768 : i32
      %mul3A_3358 = vector.broadcast %mul3A_3357 : i32 to vector<16xi32>
      %mul3A_3359 = arith.muli %shift_right_arithmetic3A_3356, %mul3A_3358 : vector<16xi32>
      %and3A_3360 = arith.constant 2047 : i32
      %and3A_3361 = vector.broadcast %and3A_3360 : i32 to vector<16xi32>
      %and3A_3362 = arith.andi %gather3A_3341, %and3A_3361 : vector<16xi32>
      %add3A_3363 = arith.addi %mul3A_3359, %and3A_3362 : vector<16xi32>
      %mul3A_3364 = arith.constant 2048 : i32
      %mul3A_3365 = vector.broadcast %mul3A_3364 : i32 to vector<16xi32>
      %mul3A_3366 = arith.muli %mul3A_3365, %iota3A : vector<16xi32>
      %add3A_3367 = arith.addi %add3A_3363, %mul3A_3366 : vector<16xi32>
      %shift_right_arithmetic3A_3368 = arith.constant 11 : i32
      %shift_right_arithmetic3A_3369 = vector.broadcast %shift_right_arithmetic3A_3368 : i32 to vector<16xi32>
      %shift_right_arithmetic3A_3370 = arith.shrsi %gather3A_3353, %shift_right_arithmetic3A_3369 : vector<16xi32>
      %mul3A_3371 = arith.constant 32768 : i32
      %mul3A_3372 = vector.broadcast %mul3A_3371 : i32 to vector<16xi32>
      %mul3A_3373 = arith.muli %shift_right_arithmetic3A_3370, %mul3A_3372 : vector<16xi32>
      %and3A_3374 = arith.constant 2047 : i32
      %and3A_3375 = vector.broadcast %and3A_3374 : i32 to vector<16xi32>
      %and3A_3376 = arith.andi %gather3A_3353, %and3A_3375 : vector<16xi32>
      %add3A_3377 = arith.addi %mul3A_3373, %and3A_3376 : vector<16xi32>
      %mul3A_3378 = arith.constant 2048 : i32
      %mul3A_3379 = vector.broadcast %mul3A_3378 : i32 to vector<16xi32>
      %mul3A_3380 = arith.muli %mul3A_3379, %iota3A : vector<16xi32>
      %add3A_3381 = arith.addi %add3A_3377, %mul3A_3380 : vector<16xi32>
      %swap3A_3382 = arith.constant 13 : i32
      %swap3A_3383 = arith.index_cast %swap3A_3382 : i32 to index
      %swap3A_3384 = arith.constant 0 : index
      %swap3A_3385 = tpu.vector_load %arg16[%swap3A_3383, %swap3A_3384] {strides = array<i32>} : memref<16x16xi32, #tpu.memory_space<vmem>>, vector<16xi32>,
      tpu.vector_store %arg16[%swap3A_3383, %swap3A_3384], %add3A_3367 {strides = array<i32>} : memref<16x16xi32, #tpu.memory_space<vmem>>, vector<16xi32>,
      %swap3A_3386 = arith.constant 13 : i32
      %swap3A_3387 = arith.index_cast %swap3A_3386 : i32 to index
      %swap3A_3388 = arith.constant 0 : index
      %swap3A_3389 = tpu.vector_load %arg17[%swap3A_3387, %swap3A_3388] {strides = array<i32>} : memref<16x16xi32, #tpu.memory_space<vmem>>, vector<16xi32>,
      tpu.vector_store %arg17[%swap3A_3387, %swap3A_3388], %add3A_3381 {strides = array<i32>} : memref<16x16xi32, #tpu.memory_space<vmem>>, vector<16xi32>,
      %min3A_3390 = arith.constant 99999 : i32
      %min3A_3391 = vector.broadcast %min3A_3390 : i32 to vector<16xi32>
      %min3A_3392 = arith.minsi %add3A_3367, %min3A_3391 : vector<16xi32>
      %min3A_3393 = arith.constant 99999 : i32
      %min3A_3394 = vector.broadcast %min3A_3393 : i32 to vector<16xi32>
      %min3A_3395 = arith.minsi %add3A_3381, %min3A_3394 : vector<16xi32>
      %swap3A_3396 = arith.constant 80 : index
      %swap3A_3397 = tpu.vector_load %arg19[%swap3A_3396] {strides = array<i32>} : memref<128xi32, #tpu.memory_space<vmem>>, vector<16xi32>,
      tpu.vector_store %arg19[%swap3A_3396], %min3A_3392 {strides = array<i32>} : memref<128xi32, #tpu.memory_space<vmem>>, vector<16xi32>,
      %swap3A_3398 = arith.constant 80 : index
      %swap3A_3399 = tpu.vector_load %arg21[%swap3A_3398] {strides = array<i32>} : memref<128xi32, #tpu.memory_space<vmem>>, vector<16xi32>,
      tpu.vector_store %arg21[%swap3A_3398], %min3A_3395 {strides = array<i32>} : memref<128xi32, #tpu.memory_space<vmem>>, vector<16xi32>,
      %broadcast_in_dim3A_3400 = arith.constant 14 : i32
      %broadcast_in_dim3A_3401 = vector.broadcast %broadcast_in_dim3A_3400 : i32 to vector<16xi32>
      %lt3A_3402 = arith.constant 0 : i32
      %lt3A_3403 = vector.broadcast %lt3A_3402 : i32 to vector<16xi32>
      %lt3A_3404 = arith.cmpi slt, %broadcast_in_dim3A_3401, %lt3A_3403 : vector<16xi32>
      %add3A_3405 = arith.constant 16 : i32
      %add3A_3406 = vector.broadcast %add3A_3405 : i32 to vector<16xi32>
      %add3A_3407 = arith.addi %broadcast_in_dim3A_3401, %add3A_3406 : vector<16xi32>
      %select_n3A_3408 = arith.select %lt3A_3404, %add3A_3407, %broadcast_in_dim3A_3401 : vector<16xi1>, vector<16xi32>
      %broadcast_in_dim3A_3409 = vector.shape_cast %select_n3A_3408 : vector<16xi32> to vector<16x1xi32>
      %gather3A_3410 = vector.shape_cast %broadcast_in_dim3A_3409 : vector<16x1xi32> to vector<16xi32>
      %gather3A_3411 = tpu.dynamic_gather %masked_sort3A_2400[%gather3A_3410] in [0] : vector<16xi32>, vector<16xi32> -> vector<16xi32>
      %broadcast_in_dim3A_3412 = arith.constant 14 : i32
      %broadcast_in_dim3A_3413 = vector.broadcast %broadcast_in_dim3A_3412 : i32 to vector<16xi32>
      %lt3A_3414 = arith.constant 0 : i32
      %lt3A_3415 = vector.broadcast %lt3A_3414 : i32 to vector<16xi32>
      %lt3A_3416 = arith.cmpi slt, %broadcast_in_dim3A_3413, %lt3A_3415 : vector<16xi32>
      %add3A_3417 = arith.constant 16 : i32
      %add3A_3418 = vector.broadcast %add3A_3417 : i32 to vector<16xi32>
      %add3A_3419 = arith.addi %broadcast_in_dim3A_3413, %add3A_3418 : vector<16xi32>
      %select_n3A_3420 = arith.select %lt3A_3416, %add3A_3419, %broadcast_in_dim3A_3413 : vector<16xi1>, vector<16xi32>
      %broadcast_in_dim3A_3421 = vector.shape_cast %select_n3A_3420 : vector<16xi32> to vector<16x1xi32>
      %gather3A_3422 = vector.shape_cast %broadcast_in_dim3A_3421 : vector<16x1xi32> to vector<16xi32>
      %gather3A_3423 = tpu.dynamic_gather %masked_sort3A_2421[%gather3A_3422] in [0] : vector<16xi32>, vector<16xi32> -> vector<16xi32>
      %shift_right_arithmetic3A_3424 = arith.constant 11 : i32
      %shift_right_arithmetic3A_3425 = vector.broadcast %shift_right_arithmetic3A_3424 : i32 to vector<16xi32>
      %shift_right_arithmetic3A_3426 = arith.shrsi %gather3A_3411, %shift_right_arithmetic3A_3425 : vector<16xi32>
      %mul3A_3427 = arith.constant 32768 : i32
      %mul3A_3428 = vector.broadcast %mul3A_3427 : i32 to vector<16xi32>
      %mul3A_3429 = arith.muli %shift_right_arithmetic3A_3426, %mul3A_3428 : vector<16xi32>
      %and3A_3430 = arith.constant 2047 : i32
      %and3A_3431 = vector.broadcast %and3A_3430 : i32 to vector<16xi32>
      %and3A_3432 = arith.andi %gather3A_3411, %and3A_3431 : vector<16xi32>
      %add3A_3433 = arith.addi %mul3A_3429, %and3A_3432 : vector<16xi32>
      %mul3A_3434 = arith.constant 2048 : i32
      %mul3A_3435 = vector.broadcast %mul3A_3434 : i32 to vector<16xi32>
      %mul3A_3436 = arith.muli %mul3A_3435, %iota3A : vector<16xi32>
      %add3A_3437 = arith.addi %add3A_3433, %mul3A_3436 : vector<16xi32>
      %shift_right_arithmetic3A_3438 = arith.constant 11 : i32
      %shift_right_arithmetic3A_3439 = vector.broadcast %shift_right_arithmetic3A_3438 : i32 to vector<16xi32>
      %shift_right_arithmetic3A_3440 = arith.shrsi %gather3A_3423, %shift_right_arithmetic3A_3439 : vector<16xi32>
      %mul3A_3441 = arith.constant 32768 : i32
      %mul3A_3442 = vector.broadcast %mul3A_3441 : i32 to vector<16xi32>
      %mul3A_3443 = arith.muli %shift_right_arithmetic3A_3440, %mul3A_3442 : vector<16xi32>
      %and3A_3444 = arith.constant 2047 : i32
      %and3A_3445 = vector.broadcast %and3A_3444 : i32 to vector<16xi32>
      %and3A_3446 = arith.andi %gather3A_3423, %and3A_3445 : vector<16xi32>
      %add3A_3447 = arith.addi %mul3A_3443, %and3A_3446 : vector<16xi32>
      %mul3A_3448 = arith.constant 2048 : i32
      %mul3A_3449 = vector.broadcast %mul3A_3448 : i32 to vector<16xi32>
      %mul3A_3450 = arith.muli %mul3A_3449, %iota3A : vector<16xi32>
      %add3A_3451 = arith.addi %add3A_3447, %mul3A_3450 : vector<16xi32>
      %swap3A_3452 = arith.constant 14 : i32
      %swap3A_3453 = arith.index_cast %swap3A_3452 : i32 to index
      %swap3A_3454 = arith.constant 0 : index
      %swap3A_3455 = tpu.vector_load %arg16[%swap3A_3453, %swap3A_3454] {strides = array<i32>} : memref<16x16xi32, #tpu.memory_space<vmem>>, vector<16xi32>,
      tpu.vector_store %arg16[%swap3A_3453, %swap3A_3454], %add3A_3437 {strides = array<i32>} : memref<16x16xi32, #tpu.memory_space<vmem>>, vector<16xi32>,
      %swap3A_3456 = arith.constant 14 : i32
      %swap3A_3457 = arith.index_cast %swap3A_3456 : i32 to index
      %swap3A_3458 = arith.constant 0 : index
      %swap3A_3459 = tpu.vector_load %arg17[%swap3A_3457, %swap3A_3458] {strides = array<i32>} : memref<16x16xi32, #tpu.memory_space<vmem>>, vector<16xi32>,
      tpu.vector_store %arg17[%swap3A_3457, %swap3A_3458], %add3A_3451 {strides = array<i32>} : memref<16x16xi32, #tpu.memory_space<vmem>>, vector<16xi32>,
      %min3A_3460 = arith.constant 99999 : i32
      %min3A_3461 = vector.broadcast %min3A_3460 : i32 to vector<16xi32>
      %min3A_3462 = arith.minsi %add3A_3437, %min3A_3461 : vector<16xi32>
      %min3A_3463 = arith.constant 99999 : i32
      %min3A_3464 = vector.broadcast %min3A_3463 : i32 to vector<16xi32>
      %min3A_3465 = arith.minsi %add3A_3451, %min3A_3464 : vector<16xi32>
      %swap3A_3466 = arith.constant 96 : index
      %swap3A_3467 = tpu.vector_load %arg19[%swap3A_3466] {strides = array<i32>} : memref<128xi32, #tpu.memory_space<vmem>>, vector<16xi32>,
      tpu.vector_store %arg19[%swap3A_3466], %min3A_3462 {strides = array<i32>} : memref<128xi32, #tpu.memory_space<vmem>>, vector<16xi32>,
      %swap3A_3468 = arith.constant 96 : index
      %swap3A_3469 = tpu.vector_load %arg21[%swap3A_3468] {strides = array<i32>} : memref<128xi32, #tpu.memory_space<vmem>>, vector<16xi32>,
      tpu.vector_store %arg21[%swap3A_3468], %min3A_3465 {strides = array<i32>} : memref<128xi32, #tpu.memory_space<vmem>>, vector<16xi32>,
      %broadcast_in_dim3A_3470 = arith.constant 15 : i32
      %broadcast_in_dim3A_3471 = vector.broadcast %broadcast_in_dim3A_3470 : i32 to vector<16xi32>
      %lt3A_3472 = arith.constant 0 : i32
      %lt3A_3473 = vector.broadcast %lt3A_3472 : i32 to vector<16xi32>
      %lt3A_3474 = arith.cmpi slt, %broadcast_in_dim3A_3471, %lt3A_3473 : vector<16xi32>
      %add3A_3475 = arith.constant 16 : i32
      %add3A_3476 = vector.broadcast %add3A_3475 : i32 to vector<16xi32>
      %add3A_3477 = arith.addi %broadcast_in_dim3A_3471, %add3A_3476 : vector<16xi32>
      %select_n3A_3478 = arith.select %lt3A_3474, %add3A_3477, %broadcast_in_dim3A_3471 : vector<16xi1>, vector<16xi32>
      %broadcast_in_dim3A_3479 = vector.shape_cast %select_n3A_3478 : vector<16xi32> to vector<16x1xi32>
      %gather3A_3480 = vector.shape_cast %broadcast_in_dim3A_3479 : vector<16x1xi32> to vector<16xi32>
      %gather3A_3481 = tpu.dynamic_gather %masked_sort3A_2400[%gather3A_3480] in [0] : vector<16xi32>, vector<16xi32> -> vector<16xi32>
      %broadcast_in_dim3A_3482 = arith.constant 15 : i32
      %broadcast_in_dim3A_3483 = vector.broadcast %broadcast_in_dim3A_3482 : i32 to vector<16xi32>
      %lt3A_3484 = arith.constant 0 : i32
      %lt3A_3485 = vector.broadcast %lt3A_3484 : i32 to vector<16xi32>
      %lt3A_3486 = arith.cmpi slt, %broadcast_in_dim3A_3483, %lt3A_3485 : vector<16xi32>
      %add3A_3487 = arith.constant 16 : i32
      %add3A_3488 = vector.broadcast %add3A_3487 : i32 to vector<16xi32>
      %add3A_3489 = arith.addi %broadcast_in_dim3A_3483, %add3A_3488 : vector<16xi32>
      %select_n3A_3490 = arith.select %lt3A_3486, %add3A_3489, %broadcast_in_dim3A_3483 : vector<16xi1>, vector<16xi32>
      %broadcast_in_dim3A_3491 = vector.shape_cast %select_n3A_3490 : vector<16xi32> to vector<16x1xi32>
      %gather3A_3492 = vector.shape_cast %broadcast_in_dim3A_3491 : vector<16x1xi32> to vector<16xi32>
      %gather3A_3493 = tpu.dynamic_gather %masked_sort3A_2421[%gather3A_3492] in [0] : vector<16xi32>, vector<16xi32> -> vector<16xi32>
      %shift_right_arithmetic3A_3494 = arith.constant 11 : i32
      %shift_right_arithmetic3A_3495 = vector.broadcast %shift_right_arithmetic3A_3494 : i32 to vector<16xi32>
      %shift_right_arithmetic3A_3496 = arith.shrsi %gather3A_3481, %shift_right_arithmetic3A_3495 : vector<16xi32>
      %mul3A_3497 = arith.constant 32768 : i32
      %mul3A_3498 = vector.broadcast %mul3A_3497 : i32 to vector<16xi32>
      %mul3A_3499 = arith.muli %shift_right_arithmetic3A_3496, %mul3A_3498 : vector<16xi32>
      %and3A_3500 = arith.constant 2047 : i32
      %and3A_3501 = vector.broadcast %and3A_3500 : i32 to vector<16xi32>
      %and3A_3502 = arith.andi %gather3A_3481, %and3A_3501 : vector<16xi32>
      %add3A_3503 = arith.addi %mul3A_3499, %and3A_3502 : vector<16xi32>
      %mul3A_3504 = arith.constant 2048 : i32
      %mul3A_3505 = vector.broadcast %mul3A_3504 : i32 to vector<16xi32>
      %mul3A_3506 = arith.muli %mul3A_3505, %iota3A : vector<16xi32>
      %add3A_3507 = arith.addi %add3A_3503, %mul3A_3506 : vector<16xi32>
      %shift_right_arithmetic3A_3508 = arith.constant 11 : i32
      %shift_right_arithmetic3A_3509 = vector.broadcast %shift_right_arithmetic3A_3508 : i32 to vector<16xi32>
      %shift_right_arithmetic3A_3510 = arith.shrsi %gather3A_3493, %shift_right_arithmetic3A_3509 : vector<16xi32>
      %mul3A_3511 = arith.constant 32768 : i32
      %mul3A_3512 = vector.broadcast %mul3A_3511 : i32 to vector<16xi32>
      %mul3A_3513 = arith.muli %shift_right_arithmetic3A_3510, %mul3A_3512 : vector<16xi32>
      %and3A_3514 = arith.constant 2047 : i32
      %and3A_3515 = vector.broadcast %and3A_3514 : i32 to vector<16xi32>
      %and3A_3516 = arith.andi %gather3A_3493, %and3A_3515 : vector<16xi32>
      %add3A_3517 = arith.addi %mul3A_3513, %and3A_3516 : vector<16xi32>
      %mul3A_3518 = arith.constant 2048 : i32
      %mul3A_3519 = vector.broadcast %mul3A_3518 : i32 to vector<16xi32>
      %mul3A_3520 = arith.muli %mul3A_3519, %iota3A : vector<16xi32>
      %add3A_3521 = arith.addi %add3A_3517, %mul3A_3520 : vector<16xi32>
      %swap3A_3522 = arith.constant 15 : i32
      %swap3A_3523 = arith.index_cast %swap3A_3522 : i32 to index
      %swap3A_3524 = arith.constant 0 : index
      %swap3A_3525 = tpu.vector_load %arg16[%swap3A_3523, %swap3A_3524] {strides = array<i32>} : memref<16x16xi32, #tpu.memory_space<vmem>>, vector<16xi32>,
      tpu.vector_store %arg16[%swap3A_3523, %swap3A_3524], %add3A_3507 {strides = array<i32>} : memref<16x16xi32, #tpu.memory_space<vmem>>, vector<16xi32>,
      %swap3A_3526 = arith.constant 15 : i32
      %swap3A_3527 = arith.index_cast %swap3A_3526 : i32 to index
      %swap3A_3528 = arith.constant 0 : index
      %swap3A_3529 = tpu.vector_load %arg17[%swap3A_3527, %swap3A_3528] {strides = array<i32>} : memref<16x16xi32, #tpu.memory_space<vmem>>, vector<16xi32>,
      tpu.vector_store %arg17[%swap3A_3527, %swap3A_3528], %add3A_3521 {strides = array<i32>} : memref<16x16xi32, #tpu.memory_space<vmem>>, vector<16xi32>,
      %min3A_3530 = arith.constant 99999 : i32
      %min3A_3531 = vector.broadcast %min3A_3530 : i32 to vector<16xi32>
      %min3A_3532 = arith.minsi %add3A_3507, %min3A_3531 : vector<16xi32>
      %min3A_3533 = arith.constant 99999 : i32
      %min3A_3534 = vector.broadcast %min3A_3533 : i32 to vector<16xi32>
      %min3A_3535 = arith.minsi %add3A_3521, %min3A_3534 : vector<16xi32>
      %swap3A_3536 = arith.constant 112 : index
      %swap3A_3537 = tpu.vector_load %arg19[%swap3A_3536] {strides = array<i32>} : memref<128xi32, #tpu.memory_space<vmem>>, vector<16xi32>,
      tpu.vector_store %arg19[%swap3A_3536], %min3A_3532 {strides = array<i32>} : memref<128xi32, #tpu.memory_space<vmem>>, vector<16xi32>,
      %swap3A_3538 = arith.constant 112 : index
      %swap3A_3539 = tpu.vector_load %arg21[%swap3A_3538] {strides = array<i32>} : memref<128xi32, #tpu.memory_space<vmem>>, vector<16xi32>,
      tpu.vector_store %arg21[%swap3A_3538], %min3A_3535 {strides = array<i32>} : memref<128xi32, #tpu.memory_space<vmem>>, vector<16xi32>,
      %dma_start3A_3540 = arith.constant 0 : i32
      %dma_start3A_3541 = arith.constant 0 : i32
      %dma_start3A_3542 = tpu.memref_slice %arg4[%dma_start3A_3540, %dma_start3A_3541] : memref<100000x64xf32, #tpu.memory_space<hbm>> -> memref<100000x64xf32, #tpu.memory_space<hbm>>
      tpu.enqueue_indirect_dma source(%dma_start3A_3542 : memref<100000x64xf32, #tpu.memory_space<hbm>>) target(%arg12 : memref<128x64xf32, #tpu.memory_space<vmem>>) offsets(%arg18 : memref<128xi32, #tpu.memory_space<vmem>>) semaphore(%arg24 : memref<!tpu.dma_semaphore, #tpu.memory_space<semaphore_mem>>)
      %dma_start3A_3543 = arith.constant 0 : i32
      %dma_start3A_3544 = arith.constant 0 : i32
      %dma_start3A_3545 = tpu.memref_slice %arg4[%dma_start3A_3543, %dma_start3A_3544] : memref<100000x64xf32, #tpu.memory_space<hbm>> -> memref<100000x64xf32, #tpu.memory_space<hbm>>
      tpu.enqueue_indirect_dma source(%dma_start3A_3545 : memref<100000x64xf32, #tpu.memory_space<hbm>>) target(%arg13 : memref<128x64xf32, #tpu.memory_space<vmem>>) offsets(%arg19 : memref<128xi32, #tpu.memory_space<vmem>>) semaphore(%arg24 : memref<!tpu.dma_semaphore, #tpu.memory_space<semaphore_mem>>)
      %dma_start3A_3546 = arith.constant 0 : i32
      %dma_start3A_3547 = arith.constant 0 : i32
      %dma_start3A_3548 = tpu.memref_slice %arg4[%dma_start3A_3546, %dma_start3A_3547] : memref<100000x64xf32, #tpu.memory_space<hbm>> -> memref<100000x64xf32, #tpu.memory_space<hbm>>
      tpu.enqueue_indirect_dma source(%dma_start3A_3548 : memref<100000x64xf32, #tpu.memory_space<hbm>>) target(%arg14 : memref<128x64xf32, #tpu.memory_space<vmem>>) offsets(%arg20 : memref<128xi32, #tpu.memory_space<vmem>>) semaphore(%arg25 : memref<!tpu.dma_semaphore, #tpu.memory_space<semaphore_mem>>)
      %dma_start3A_3549 = arith.constant 0 : i32
      %dma_start3A_3550 = arith.constant 0 : i32
      %dma_start3A_3551 = tpu.memref_slice %arg4[%dma_start3A_3549, %dma_start3A_3550] : memref<100000x64xf32, #tpu.memory_space<hbm>> -> memref<100000x64xf32, #tpu.memory_space<hbm>>
      tpu.enqueue_indirect_dma source(%dma_start3A_3551 : memref<100000x64xf32, #tpu.memory_space<hbm>>) target(%arg15 : memref<128x64xf32, #tpu.memory_space<vmem>>) offsets(%arg21 : memref<128xi32, #tpu.memory_space<vmem>>) semaphore(%arg25 : memref<!tpu.dma_semaphore, #tpu.memory_space<semaphore_mem>>)
      %scan3A_3552 = arith.constant 0 : i32
      %scan3A_3553 = arith.constant 0 : i32
      %scan3A_3554 = arith.constant 32 : i32
      %scan3A_3555 = arith.addi %scan3A_3553, %scan3A_3554 : i32
      %scan3A_3556 = arith.constant 1 : i32
      scf.for %scan3A_4205 = %scan3A_3553 to %scan3A_3555 step %scan3A_3556  : i32 {
        %mul3A_4206 = arith.constant 2 : i32
        %mul3A_4207 = arith.muli %mul3A_4206, %scan3A_4205 : i32
        %add3A_4208 = arith.constant 1 : i32
        %add3A_4209 = arith.addi %mul3A_4207, %add3A_4208 : i32
        %broadcast_in_dim3A_4210 = vector.broadcast %mul3A_4207 : i32 to vector<16xi32>
        %gather3A_4211 = tpu.vector_load_idx %arg8[%broadcast_in_dim3A_16, %broadcast_in_dim3A_4210] : memref<32x64xf32, #tpu.memory_space<vmem>>[vector<16xi32>, vector<16xi32>], vector<16xf32>,
        %swap3A_4212 = arith.constant 0 : i32
        %swap3A_4213 = arith.index_cast %swap3A_4212 : i32 to index
        %swap3A_4214 = arith.index_cast %mul3A_4207 : i32 to index
        %swap3A_4215 = arith.constant 0 : index
        %swap3A_4216 = tpu.vector_load %arg11[%swap3A_4213, %swap3A_4214, %swap3A_4215] {strides = array<i32>} : memref<2x64x16xf32, #tpu.memory_space<vmem>>, vector<16xf32>,
        tpu.vector_store %arg11[%swap3A_4213, %swap3A_4214, %swap3A_4215], %gather3A_4211 {strides = array<i32>} : memref<2x64x16xf32, #tpu.memory_space<vmem>>, vector<16xf32>,
        %gather3A_4217 = tpu.vector_load_idx %arg8[%broadcast_in_dim3A_17, %broadcast_in_dim3A_4210] : memref<32x64xf32, #tpu.memory_space<vmem>>[vector<16xi32>, vector<16xi32>], vector<16xf32>,
        %swap3A_4218 = arith.constant 1 : i32
        %swap3A_4219 = arith.index_cast %swap3A_4218 : i32 to index
        %swap3A_4220 = arith.index_cast %mul3A_4207 : i32 to index
        %swap3A_4221 = arith.constant 0 : index
        %swap3A_4222 = tpu.vector_load %arg11[%swap3A_4219, %swap3A_4220, %swap3A_4221] {strides = array<i32>} : memref<2x64x16xf32, #tpu.memory_space<vmem>>, vector<16xf32>,
        tpu.vector_store %arg11[%swap3A_4219, %swap3A_4220, %swap3A_4221], %gather3A_4217 {strides = array<i32>} : memref<2x64x16xf32, #tpu.memory_space<vmem>>, vector<16xf32>,
        %broadcast_in_dim3A_4223 = vector.broadcast %add3A_4209 : i32 to vector<16xi32>
        %gather3A_4224 = tpu.vector_load_idx %arg8[%broadcast_in_dim3A_16, %broadcast_in_dim3A_4223] : memref<32x64xf32, #tpu.memory_space<vmem>>[vector<16xi32>, vector<16xi32>], vector<16xf32>,
        %swap3A_4225 = arith.constant 0 : i32
        %swap3A_4226 = arith.index_cast %swap3A_4225 : i32 to index
        %swap3A_4227 = arith.index_cast %add3A_4209 : i32 to index
        %swap3A_4228 = arith.constant 0 : index
        %swap3A_4229 = tpu.vector_load %arg11[%swap3A_4226, %swap3A_4227, %swap3A_4228] {strides = array<i32>} : memref<2x64x16xf32, #tpu.memory_space<vmem>>, vector<16xf32>,
        tpu.vector_store %arg11[%swap3A_4226, %swap3A_4227, %swap3A_4228], %gather3A_4224 {strides = array<i32>} : memref<2x64x16xf32, #tpu.memory_space<vmem>>, vector<16xf32>,
        %gather3A_4230 = tpu.vector_load_idx %arg8[%broadcast_in_dim3A_17, %broadcast_in_dim3A_4223] : memref<32x64xf32, #tpu.memory_space<vmem>>[vector<16xi32>, vector<16xi32>], vector<16xf32>,
        %swap3A_4231 = arith.constant 1 : i32
        %swap3A_4232 = arith.index_cast %swap3A_4231 : i32 to index
        %swap3A_4233 = arith.index_cast %add3A_4209 : i32 to index
        %swap3A_4234 = arith.constant 0 : index
        %swap3A_4235 = tpu.vector_load %arg11[%swap3A_4232, %swap3A_4233, %swap3A_4234] {strides = array<i32>} : memref<2x64x16xf32, #tpu.memory_space<vmem>>, vector<16xf32>,
        tpu.vector_store %arg11[%swap3A_4232, %swap3A_4233, %swap3A_4234], %gather3A_4230 {strides = array<i32>} : memref<2x64x16xf32, #tpu.memory_space<vmem>>, vector<16xf32>,
      }
      %scan3A_3557 = arith.constant 32 : i32
      %dma_wait3A_3558 = arith.constant 0 : i32
      %dma_wait3A_3559 = arith.constant 0 : i32
      %dma_wait3A_3560 = tpu.memref_slice %arg4[%dma_wait3A_3558, %dma_wait3A_3559] : memref<100000x64xf32, #tpu.memory_space<hbm>> -> memref<100000x64xf32, #tpu.memory_space<hbm>>
      tpu.wait_indirect_dma semaphore(%arg24 : memref<!tpu.dma_semaphore, #tpu.memory_space<semaphore_mem>>) src(%dma_wait3A_3560 : memref<100000x64xf32, #tpu.memory_space<hbm>>) dst(%arg12 : memref<128x64xf32, #tpu.memory_space<vmem>>)
      %dma_wait3A_3561 = arith.constant 0 : i32
      %dma_wait3A_3562 = arith.constant 0 : i32
      %dma_wait3A_3563 = tpu.memref_slice %arg4[%dma_wait3A_3561, %dma_wait3A_3562] : memref<100000x64xf32, #tpu.memory_space<hbm>> -> memref<100000x64xf32, #tpu.memory_space<hbm>>
      tpu.wait_indirect_dma semaphore(%arg24 : memref<!tpu.dma_semaphore, #tpu.memory_space<semaphore_mem>>) src(%dma_wait3A_3563 : memref<100000x64xf32, #tpu.memory_space<hbm>>) dst(%arg13 : memref<128x64xf32, #tpu.memory_space<vmem>>)
      %dma_wait3A_3564 = arith.constant 0 : i32
      %dma_wait3A_3565 = arith.constant 0 : i32
      %dma_wait3A_3566 = tpu.memref_slice %arg4[%dma_wait3A_3564, %dma_wait3A_3565] : memref<100000x64xf32, #tpu.memory_space<hbm>> -> memref<100000x64xf32, #tpu.memory_space<hbm>>
      tpu.wait_indirect_dma semaphore(%arg25 : memref<!tpu.dma_semaphore, #tpu.memory_space<semaphore_mem>>) src(%dma_wait3A_3566 : memref<100000x64xf32, #tpu.memory_space<hbm>>) dst(%arg14 : memref<128x64xf32, #tpu.memory_space<vmem>>)
      %dma_wait3A_3567 = arith.constant 0 : i32
      %dma_wait3A_3568 = arith.constant 0 : i32
      %dma_wait3A_3569 = tpu.memref_slice %arg4[%dma_wait3A_3567, %dma_wait3A_3568] : memref<100000x64xf32, #tpu.memory_space<hbm>> -> memref<100000x64xf32, #tpu.memory_space<hbm>>
      tpu.wait_indirect_dma semaphore(%arg25 : memref<!tpu.dma_semaphore, #tpu.memory_space<semaphore_mem>>) src(%dma_wait3A_3569 : memref<100000x64xf32, #tpu.memory_space<hbm>>) dst(%arg15 : memref<128x64xf32, #tpu.memory_space<vmem>>)
      %broadcast_in_dim3A_3570 = arith.constant 0.000000e+00 : f32
      %broadcast_in_dim3A_3571 = vector.broadcast %broadcast_in_dim3A_3570 : f32 to vector<16xf32>
      %scan3A_3572 = arith.constant 0 : i32
      %scan3A_3573 = arith.constant 32 : i32
      %scan3A_3574 = arith.addi %scan3A_3572, %scan3A_3573 : i32
      %scan3A_3575 = arith.constant 1 : i32
      %scan3A_3576:20 = scf.for %scan3A_4205 = %scan3A_3572 to %scan3A_3574 step %scan3A_3575 iter_args(%scan3A_4206 = %broadcast_in_dim3A_3571, %scan3A_4207 = %broadcast_in_dim3A_3571, %scan3A_4208 = %broadcast_in_dim3A_3571, %scan3A_4209 = %broadcast_in_dim3A_3571, %scan3A_4210 = %broadcast_in_dim3A_3571, %scan3A_4211 = %broadcast_in_dim3A_3571, %scan3A_4212 = %broadcast_in_dim3A_3571, %scan3A_4213 = %broadcast_in_dim3A_3571, %scan3A_4214 = %broadcast_in_dim3A_3571, %scan3A_4215 = %broadcast_in_dim3A_3571, %scan3A_4216 = %broadcast_in_dim3A_3571, %scan3A_4217 = %broadcast_in_dim3A_3571, %scan3A_4218 = %broadcast_in_dim3A_3571, %scan3A_4219 = %broadcast_in_dim3A_3571, %scan3A_4220 = %broadcast_in_dim3A_3571, %scan3A_4221 = %broadcast_in_dim3A_3571, %scan3A_4222 = %broadcast_in_dim3A_3571, %scan3A_4223 = %broadcast_in_dim3A_3571, %scan3A_4224 = %broadcast_in_dim3A_3571, %scan3A_4225 = %broadcast_in_dim3A_3571) -> (vector<16xf32>, vector<16xf32>, vector<16xf32>, vector<16xf32>, vector<16xf32>, vector<16xf32>, vector<16xf32>, vector<16xf32>, vector<16xf32>, vector<16xf32>, vector<16xf32>, vector<16xf32>, vector<16xf32>, vector<16xf32>, vector<16xf32>, vector<16xf32>, vector<16xf32>, vector<16xf32>, vector<16xf32>, vector<16xf32>)  : i32 {
        %mul3A_4226 = arith.constant 2 : i32
        %mul3A_4227 = arith.muli %mul3A_4226, %scan3A_4205 : i32
        %mul3A_4228 = arith.constant 2 : i32
        %mul3A_4229 = arith.muli %mul3A_4228, %scan3A_4205 : i32
        %add3A_4230 = arith.constant 1 : i32
        %add3A_4231 = arith.addi %mul3A_4229, %add3A_4230 : i32
        %broadcast_in_dim3A_4232 = vector.broadcast %mul3A_4227 : i32 to vector<16xi32>
        %get3A_4233 = arith.constant 0 : i32
        %get3A_4234 = arith.index_cast %get3A_4233 : i32 to index
        %get3A_4235 = arith.index_cast %mul3A_4227 : i32 to index
        %get3A_4236 = arith.constant 0 : index
        %get3A_4237 = tpu.vector_load %arg11[%get3A_4234, %get3A_4235, %get3A_4236] {strides = array<i32>} : memref<2x64x16xf32, #tpu.memory_space<vmem>>, vector<16xf32>,
        %get3A_4238 = arith.constant 1 : i32
        %get3A_4239 = arith.index_cast %get3A_4238 : i32 to index
        %get3A_4240 = arith.index_cast %mul3A_4227 : i32 to index
        %get3A_4241 = arith.constant 0 : index
        %get3A_4242 = tpu.vector_load %arg11[%get3A_4239, %get3A_4240, %get3A_4241] {strides = array<i32>} : memref<2x64x16xf32, #tpu.memory_space<vmem>>, vector<16xf32>,
        %add3A_4243 = arith.constant 0 : i32
        %add3A_4244 = vector.broadcast %add3A_4243 : i32 to vector<16xi32>
        %add3A_4245 = arith.addi %add3A_4244, %iota3A : vector<16xi32>
        %gather3A_4246 = tpu.vector_load_idx %arg12[%add3A_4245, %broadcast_in_dim3A_4232] : memref<128x64xf32, #tpu.memory_space<vmem>>[vector<16xi32>, vector<16xi32>], vector<16xf32>,
        %gather3A_4247 = tpu.vector_load_idx %arg14[%add3A_4245, %broadcast_in_dim3A_4232] : memref<128x64xf32, #tpu.memory_space<vmem>>[vector<16xi32>, vector<16xi32>], vector<16xf32>,
        %mul3A_4248 = arith.mulf %gather3A_4246, %get3A_4237 : vector<16xf32>
        %add3A_4249 = arith.addf %scan3A_4206, %mul3A_4248 : vector<16xf32>
        %mul3A_4250 = arith.mulf %gather3A_4247, %get3A_4242 : vector<16xf32>
        %add3A_4251 = arith.addf %scan3A_4216, %mul3A_4250 : vector<16xf32>
        %add3A_4252 = arith.constant 16 : i32
        %add3A_4253 = vector.broadcast %add3A_4252 : i32 to vector<16xi32>
        %add3A_4254 = arith.addi %add3A_4253, %iota3A : vector<16xi32>
        %gather3A_4255 = tpu.vector_load_idx %arg12[%add3A_4254, %broadcast_in_dim3A_4232] : memref<128x64xf32, #tpu.memory_space<vmem>>[vector<16xi32>, vector<16xi32>], vector<16xf32>,
        %gather3A_4256 = tpu.vector_load_idx %arg14[%add3A_4254, %broadcast_in_dim3A_4232] : memref<128x64xf32, #tpu.memory_space<vmem>>[vector<16xi32>, vector<16xi32>], vector<16xf32>,
        %mul3A_4257 = arith.mulf %gather3A_4255, %get3A_4237 : vector<16xf32>
        %add3A_4258 = arith.addf %scan3A_4207, %mul3A_4257 : vector<16xf32>
        %mul3A_4259 = arith.mulf %gather3A_4256, %get3A_4242 : vector<16xf32>
        %add3A_4260 = arith.addf %scan3A_4217, %mul3A_4259 : vector<16xf32>
        %add3A_4261 = arith.constant 32 : i32
        %add3A_4262 = vector.broadcast %add3A_4261 : i32 to vector<16xi32>
        %add3A_4263 = arith.addi %add3A_4262, %iota3A : vector<16xi32>
        %gather3A_4264 = tpu.vector_load_idx %arg12[%add3A_4263, %broadcast_in_dim3A_4232] : memref<128x64xf32, #tpu.memory_space<vmem>>[vector<16xi32>, vector<16xi32>], vector<16xf32>,
        %gather3A_4265 = tpu.vector_load_idx %arg14[%add3A_4263, %broadcast_in_dim3A_4232] : memref<128x64xf32, #tpu.memory_space<vmem>>[vector<16xi32>, vector<16xi32>], vector<16xf32>,
        %mul3A_4266 = arith.mulf %gather3A_4264, %get3A_4237 : vector<16xf32>
        %add3A_4267 = arith.addf %scan3A_4208, %mul3A_4266 : vector<16xf32>
        %mul3A_4268 = arith.mulf %gather3A_4265, %get3A_4242 : vector<16xf32>
        %add3A_4269 = arith.addf %scan3A_4218, %mul3A_4268 : vector<16xf32>
        %add3A_4270 = arith.constant 48 : i32
        %add3A_4271 = vector.broadcast %add3A_4270 : i32 to vector<16xi32>
        %add3A_4272 = arith.addi %add3A_4271, %iota3A : vector<16xi32>
        %gather3A_4273 = tpu.vector_load_idx %arg12[%add3A_4272, %broadcast_in_dim3A_4232] : memref<128x64xf32, #tpu.memory_space<vmem>>[vector<16xi32>, vector<16xi32>], vector<16xf32>,
        %gather3A_4274 = tpu.vector_load_idx %arg14[%add3A_4272, %broadcast_in_dim3A_4232] : memref<128x64xf32, #tpu.memory_space<vmem>>[vector<16xi32>, vector<16xi32>], vector<16xf32>,
        %mul3A_4275 = arith.mulf %gather3A_4273, %get3A_4237 : vector<16xf32>
        %add3A_4276 = arith.addf %scan3A_4209, %mul3A_4275 : vector<16xf32>
        %mul3A_4277 = arith.mulf %gather3A_4274, %get3A_4242 : vector<16xf32>
        %add3A_4278 = arith.addf %scan3A_4219, %mul3A_4277 : vector<16xf32>
        %add3A_4279 = arith.constant 64 : i32
        %add3A_4280 = vector.broadcast %add3A_4279 : i32 to vector<16xi32>
        %add3A_4281 = arith.addi %add3A_4280, %iota3A : vector<16xi32>
        %gather3A_4282 = tpu.vector_load_idx %arg12[%add3A_4281, %broadcast_in_dim3A_4232] : memref<128x64xf32, #tpu.memory_space<vmem>>[vector<16xi32>, vector<16xi32>], vector<16xf32>,
        %gather3A_4283 = tpu.vector_load_idx %arg14[%add3A_4281, %broadcast_in_dim3A_4232] : memref<128x64xf32, #tpu.memory_space<vmem>>[vector<16xi32>, vector<16xi32>], vector<16xf32>,
        %mul3A_4284 = arith.mulf %gather3A_4282, %get3A_4237 : vector<16xf32>
        %add3A_4285 = arith.addf %scan3A_4210, %mul3A_4284 : vector<16xf32>
        %mul3A_4286 = arith.mulf %gather3A_4283, %get3A_4242 : vector<16xf32>
        %add3A_4287 = arith.addf %scan3A_4220, %mul3A_4286 : vector<16xf32>
        %add3A_4288 = arith.constant 80 : i32
        %add3A_4289 = vector.broadcast %add3A_4288 : i32 to vector<16xi32>
        %add3A_4290 = arith.addi %add3A_4289, %iota3A : vector<16xi32>
        %gather3A_4291 = tpu.vector_load_idx %arg12[%add3A_4290, %broadcast_in_dim3A_4232] : memref<128x64xf32, #tpu.memory_space<vmem>>[vector<16xi32>, vector<16xi32>], vector<16xf32>,
        %gather3A_4292 = tpu.vector_load_idx %arg14[%add3A_4290, %broadcast_in_dim3A_4232] : memref<128x64xf32, #tpu.memory_space<vmem>>[vector<16xi32>, vector<16xi32>], vector<16xf32>,
        %mul3A_4293 = arith.mulf %gather3A_4291, %get3A_4237 : vector<16xf32>
        %add3A_4294 = arith.addf %scan3A_4211, %mul3A_4293 : vector<16xf32>
        %mul3A_4295 = arith.mulf %gather3A_4292, %get3A_4242 : vector<16xf32>
        %add3A_4296 = arith.addf %scan3A_4221, %mul3A_4295 : vector<16xf32>
        %add3A_4297 = arith.constant 96 : i32
        %add3A_4298 = vector.broadcast %add3A_4297 : i32 to vector<16xi32>
        %add3A_4299 = arith.addi %add3A_4298, %iota3A : vector<16xi32>
        %gather3A_4300 = tpu.vector_load_idx %arg12[%add3A_4299, %broadcast_in_dim3A_4232] : memref<128x64xf32, #tpu.memory_space<vmem>>[vector<16xi32>, vector<16xi32>], vector<16xf32>,
        %gather3A_4301 = tpu.vector_load_idx %arg14[%add3A_4299, %broadcast_in_dim3A_4232] : memref<128x64xf32, #tpu.memory_space<vmem>>[vector<16xi32>, vector<16xi32>], vector<16xf32>,
        %mul3A_4302 = arith.mulf %gather3A_4300, %get3A_4237 : vector<16xf32>
        %add3A_4303 = arith.addf %scan3A_4212, %mul3A_4302 : vector<16xf32>
        %mul3A_4304 = arith.mulf %gather3A_4301, %get3A_4242 : vector<16xf32>
        %add3A_4305 = arith.addf %scan3A_4222, %mul3A_4304 : vector<16xf32>
        %add3A_4306 = arith.constant 112 : i32
        %add3A_4307 = vector.broadcast %add3A_4306 : i32 to vector<16xi32>
        %add3A_4308 = arith.addi %add3A_4307, %iota3A : vector<16xi32>
        %gather3A_4309 = tpu.vector_load_idx %arg12[%add3A_4308, %broadcast_in_dim3A_4232] : memref<128x64xf32, #tpu.memory_space<vmem>>[vector<16xi32>, vector<16xi32>], vector<16xf32>,
        %gather3A_4310 = tpu.vector_load_idx %arg14[%add3A_4308, %broadcast_in_dim3A_4232] : memref<128x64xf32, #tpu.memory_space<vmem>>[vector<16xi32>, vector<16xi32>], vector<16xf32>,
        %mul3A_4311 = arith.mulf %gather3A_4309, %get3A_4237 : vector<16xf32>
        %add3A_4312 = arith.addf %scan3A_4213, %mul3A_4311 : vector<16xf32>
        %mul3A_4313 = arith.mulf %gather3A_4310, %get3A_4242 : vector<16xf32>
        %add3A_4314 = arith.addf %scan3A_4223, %mul3A_4313 : vector<16xf32>
        %add3A_4315 = arith.constant 0 : i32
        %add3A_4316 = vector.broadcast %add3A_4315 : i32 to vector<16xi32>
        %add3A_4317 = arith.addi %add3A_4316, %iota3A : vector<16xi32>
        %gather3A_4318 = tpu.vector_load_idx %arg13[%add3A_4317, %broadcast_in_dim3A_4232] : memref<128x64xf32, #tpu.memory_space<vmem>>[vector<16xi32>, vector<16xi32>], vector<16xf32>,
        %gather3A_4319 = tpu.vector_load_idx %arg15[%add3A_4317, %broadcast_in_dim3A_4232] : memref<128x64xf32, #tpu.memory_space<vmem>>[vector<16xi32>, vector<16xi32>], vector<16xf32>,
        %mul3A_4320 = arith.mulf %gather3A_4318, %get3A_4237 : vector<16xf32>
        %add3A_4321 = arith.addf %scan3A_4214, %mul3A_4320 : vector<16xf32>
        %mul3A_4322 = arith.mulf %gather3A_4319, %get3A_4242 : vector<16xf32>
        %add3A_4323 = arith.addf %scan3A_4224, %mul3A_4322 : vector<16xf32>
        %add3A_4324 = arith.constant 16 : i32
        %add3A_4325 = vector.broadcast %add3A_4324 : i32 to vector<16xi32>
        %add3A_4326 = arith.addi %add3A_4325, %iota3A : vector<16xi32>
        %gather3A_4327 = tpu.vector_load_idx %arg13[%add3A_4326, %broadcast_in_dim3A_4232] : memref<128x64xf32, #tpu.memory_space<vmem>>[vector<16xi32>, vector<16xi32>], vector<16xf32>,
        %gather3A_4328 = tpu.vector_load_idx %arg15[%add3A_4326, %broadcast_in_dim3A_4232] : memref<128x64xf32, #tpu.memory_space<vmem>>[vector<16xi32>, vector<16xi32>], vector<16xf32>,
        %mul3A_4329 = arith.mulf %gather3A_4327, %get3A_4237 : vector<16xf32>
        %add3A_4330 = arith.addf %scan3A_4215, %mul3A_4329 : vector<16xf32>
        %mul3A_4331 = arith.mulf %gather3A_4328, %get3A_4242 : vector<16xf32>
        %add3A_4332 = arith.addf %scan3A_4225, %mul3A_4331 : vector<16xf32>
        %broadcast_in_dim3A_4333 = vector.broadcast %add3A_4231 : i32 to vector<16xi32>
        %get3A_4334 = arith.constant 0 : i32
        %get3A_4335 = arith.index_cast %get3A_4334 : i32 to index
        %get3A_4336 = arith.index_cast %add3A_4231 : i32 to index
        %get3A_4337 = arith.constant 0 : index
        %get3A_4338 = tpu.vector_load %arg11[%get3A_4335, %get3A_4336, %get3A_4337] {strides = array<i32>} : memref<2x64x16xf32, #tpu.memory_space<vmem>>, vector<16xf32>,
        %get3A_4339 = arith.constant 1 : i32
        %get3A_4340 = arith.index_cast %get3A_4339 : i32 to index
        %get3A_4341 = arith.index_cast %add3A_4231 : i32 to index
        %get3A_4342 = arith.constant 0 : index
        %get3A_4343 = tpu.vector_load %arg11[%get3A_4340, %get3A_4341, %get3A_4342] {strides = array<i32>} : memref<2x64x16xf32, #tpu.memory_space<vmem>>, vector<16xf32>,
        %add3A_4344 = arith.constant 0 : i32
        %add3A_4345 = vector.broadcast %add3A_4344 : i32 to vector<16xi32>
        %add3A_4346 = arith.addi %add3A_4345, %iota3A : vector<16xi32>
        %gather3A_4347 = tpu.vector_load_idx %arg12[%add3A_4346, %broadcast_in_dim3A_4333] : memref<128x64xf32, #tpu.memory_space<vmem>>[vector<16xi32>, vector<16xi32>], vector<16xf32>,
        %gather3A_4348 = tpu.vector_load_idx %arg14[%add3A_4346, %broadcast_in_dim3A_4333] : memref<128x64xf32, #tpu.memory_space<vmem>>[vector<16xi32>, vector<16xi32>], vector<16xf32>,
        %mul3A_4349 = arith.mulf %gather3A_4347, %get3A_4338 : vector<16xf32>
        %add3A_4350 = arith.addf %add3A_4249, %mul3A_4349 : vector<16xf32>
        %mul3A_4351 = arith.mulf %gather3A_4348, %get3A_4343 : vector<16xf32>
        %add3A_4352 = arith.addf %add3A_4251, %mul3A_4351 : vector<16xf32>
        %add3A_4353 = arith.constant 16 : i32
        %add3A_4354 = vector.broadcast %add3A_4353 : i32 to vector<16xi32>
        %add3A_4355 = arith.addi %add3A_4354, %iota3A : vector<16xi32>
        %gather3A_4356 = tpu.vector_load_idx %arg12[%add3A_4355, %broadcast_in_dim3A_4333] : memref<128x64xf32, #tpu.memory_space<vmem>>[vector<16xi32>, vector<16xi32>], vector<16xf32>,
        %gather3A_4357 = tpu.vector_load_idx %arg14[%add3A_4355, %broadcast_in_dim3A_4333] : memref<128x64xf32, #tpu.memory_space<vmem>>[vector<16xi32>, vector<16xi32>], vector<16xf32>,
        %mul3A_4358 = arith.mulf %gather3A_4356, %get3A_4338 : vector<16xf32>
        %add3A_4359 = arith.addf %add3A_4258, %mul3A_4358 : vector<16xf32>
        %mul3A_4360 = arith.mulf %gather3A_4357, %get3A_4343 : vector<16xf32>
        %add3A_4361 = arith.addf %add3A_4260, %mul3A_4360 : vector<16xf32>
        %add3A_4362 = arith.constant 32 : i32
        %add3A_4363 = vector.broadcast %add3A_4362 : i32 to vector<16xi32>
        %add3A_4364 = arith.addi %add3A_4363, %iota3A : vector<16xi32>
        %gather3A_4365 = tpu.vector_load_idx %arg12[%add3A_4364, %broadcast_in_dim3A_4333] : memref<128x64xf32, #tpu.memory_space<vmem>>[vector<16xi32>, vector<16xi32>], vector<16xf32>,
        %gather3A_4366 = tpu.vector_load_idx %arg14[%add3A_4364, %broadcast_in_dim3A_4333] : memref<128x64xf32, #tpu.memory_space<vmem>>[vector<16xi32>, vector<16xi32>], vector<16xf32>,
        %mul3A_4367 = arith.mulf %gather3A_4365, %get3A_4338 : vector<16xf32>
        %add3A_4368 = arith.addf %add3A_4267, %mul3A_4367 : vector<16xf32>
        %mul3A_4369 = arith.mulf %gather3A_4366, %get3A_4343 : vector<16xf32>
        %add3A_4370 = arith.addf %add3A_4269, %mul3A_4369 : vector<16xf32>
        %add3A_4371 = arith.constant 48 : i32
        %add3A_4372 = vector.broadcast %add3A_4371 : i32 to vector<16xi32>
        %add3A_4373 = arith.addi %add3A_4372, %iota3A : vector<16xi32>
        %gather3A_4374 = tpu.vector_load_idx %arg12[%add3A_4373, %broadcast_in_dim3A_4333] : memref<128x64xf32, #tpu.memory_space<vmem>>[vector<16xi32>, vector<16xi32>], vector<16xf32>,
        %gather3A_4375 = tpu.vector_load_idx %arg14[%add3A_4373, %broadcast_in_dim3A_4333] : memref<128x64xf32, #tpu.memory_space<vmem>>[vector<16xi32>, vector<16xi32>], vector<16xf32>,
        %mul3A_4376 = arith.mulf %gather3A_4374, %get3A_4338 : vector<16xf32>
        %add3A_4377 = arith.addf %add3A_4276, %mul3A_4376 : vector<16xf32>
        %mul3A_4378 = arith.mulf %gather3A_4375, %get3A_4343 : vector<16xf32>
        %add3A_4379 = arith.addf %add3A_4278, %mul3A_4378 : vector<16xf32>
        %add3A_4380 = arith.constant 64 : i32
        %add3A_4381 = vector.broadcast %add3A_4380 : i32 to vector<16xi32>
        %add3A_4382 = arith.addi %add3A_4381, %iota3A : vector<16xi32>
        %gather3A_4383 = tpu.vector_load_idx %arg12[%add3A_4382, %broadcast_in_dim3A_4333] : memref<128x64xf32, #tpu.memory_space<vmem>>[vector<16xi32>, vector<16xi32>], vector<16xf32>,
        %gather3A_4384 = tpu.vector_load_idx %arg14[%add3A_4382, %broadcast_in_dim3A_4333] : memref<128x64xf32, #tpu.memory_space<vmem>>[vector<16xi32>, vector<16xi32>], vector<16xf32>,
        %mul3A_4385 = arith.mulf %gather3A_4383, %get3A_4338 : vector<16xf32>
        %add3A_4386 = arith.addf %add3A_4285, %mul3A_4385 : vector<16xf32>
        %mul3A_4387 = arith.mulf %gather3A_4384, %get3A_4343 : vector<16xf32>
        %add3A_4388 = arith.addf %add3A_4287, %mul3A_4387 : vector<16xf32>
        %add3A_4389 = arith.constant 80 : i32
        %add3A_4390 = vector.broadcast %add3A_4389 : i32 to vector<16xi32>
        %add3A_4391 = arith.addi %add3A_4390, %iota3A : vector<16xi32>
        %gather3A_4392 = tpu.vector_load_idx %arg12[%add3A_4391, %broadcast_in_dim3A_4333] : memref<128x64xf32, #tpu.memory_space<vmem>>[vector<16xi32>, vector<16xi32>], vector<16xf32>,
        %gather3A_4393 = tpu.vector_load_idx %arg14[%add3A_4391, %broadcast_in_dim3A_4333] : memref<128x64xf32, #tpu.memory_space<vmem>>[vector<16xi32>, vector<16xi32>], vector<16xf32>,
        %mul3A_4394 = arith.mulf %gather3A_4392, %get3A_4338 : vector<16xf32>
        %add3A_4395 = arith.addf %add3A_4294, %mul3A_4394 : vector<16xf32>
        %mul3A_4396 = arith.mulf %gather3A_4393, %get3A_4343 : vector<16xf32>
        %add3A_4397 = arith.addf %add3A_4296, %mul3A_4396 : vector<16xf32>
        %add3A_4398 = arith.constant 96 : i32
        %add3A_4399 = vector.broadcast %add3A_4398 : i32 to vector<16xi32>
        %add3A_4400 = arith.addi %add3A_4399, %iota3A : vector<16xi32>
        %gather3A_4401 = tpu.vector_load_idx %arg12[%add3A_4400, %broadcast_in_dim3A_4333] : memref<128x64xf32, #tpu.memory_space<vmem>>[vector<16xi32>, vector<16xi32>], vector<16xf32>,
        %gather3A_4402 = tpu.vector_load_idx %arg14[%add3A_4400, %broadcast_in_dim3A_4333] : memref<128x64xf32, #tpu.memory_space<vmem>>[vector<16xi32>, vector<16xi32>], vector<16xf32>,
        %mul3A_4403 = arith.mulf %gather3A_4401, %get3A_4338 : vector<16xf32>
        %add3A_4404 = arith.addf %add3A_4303, %mul3A_4403 : vector<16xf32>
        %mul3A_4405 = arith.mulf %gather3A_4402, %get3A_4343 : vector<16xf32>
        %add3A_4406 = arith.addf %add3A_4305, %mul3A_4405 : vector<16xf32>
        %add3A_4407 = arith.constant 112 : i32
        %add3A_4408 = vector.broadcast %add3A_4407 : i32 to vector<16xi32>
        %add3A_4409 = arith.addi %add3A_4408, %iota3A : vector<16xi32>
        %gather3A_4410 = tpu.vector_load_idx %arg12[%add3A_4409, %broadcast_in_dim3A_4333] : memref<128x64xf32, #tpu.memory_space<vmem>>[vector<16xi32>, vector<16xi32>], vector<16xf32>,
        %gather3A_4411 = tpu.vector_load_idx %arg14[%add3A_4409, %broadcast_in_dim3A_4333] : memref<128x64xf32, #tpu.memory_space<vmem>>[vector<16xi32>, vector<16xi32>], vector<16xf32>,
        %mul3A_4412 = arith.mulf %gather3A_4410, %get3A_4338 : vector<16xf32>
        %add3A_4413 = arith.addf %add3A_4312, %mul3A_4412 : vector<16xf32>
        %mul3A_4414 = arith.mulf %gather3A_4411, %get3A_4343 : vector<16xf32>
        %add3A_4415 = arith.addf %add3A_4314, %mul3A_4414 : vector<16xf32>
        %add3A_4416 = arith.constant 0 : i32
        %add3A_4417 = vector.broadcast %add3A_4416 : i32 to vector<16xi32>
        %add3A_4418 = arith.addi %add3A_4417, %iota3A : vector<16xi32>
        %gather3A_4419 = tpu.vector_load_idx %arg13[%add3A_4418, %broadcast_in_dim3A_4333] : memref<128x64xf32, #tpu.memory_space<vmem>>[vector<16xi32>, vector<16xi32>], vector<16xf32>,
        %gather3A_4420 = tpu.vector_load_idx %arg15[%add3A_4418, %broadcast_in_dim3A_4333] : memref<128x64xf32, #tpu.memory_space<vmem>>[vector<16xi32>, vector<16xi32>], vector<16xf32>,
        %mul3A_4421 = arith.mulf %gather3A_4419, %get3A_4338 : vector<16xf32>
        %add3A_4422 = arith.addf %add3A_4321, %mul3A_4421 : vector<16xf32>
        %mul3A_4423 = arith.mulf %gather3A_4420, %get3A_4343 : vector<16xf32>
        %add3A_4424 = arith.addf %add3A_4323, %mul3A_4423 : vector<16xf32>
        %add3A_4425 = arith.constant 16 : i32
        %add3A_4426 = vector.broadcast %add3A_4425 : i32 to vector<16xi32>
        %add3A_4427 = arith.addi %add3A_4426, %iota3A : vector<16xi32>
        %gather3A_4428 = tpu.vector_load_idx %arg13[%add3A_4427, %broadcast_in_dim3A_4333] : memref<128x64xf32, #tpu.memory_space<vmem>>[vector<16xi32>, vector<16xi32>], vector<16xf32>,
        %gather3A_4429 = tpu.vector_load_idx %arg15[%add3A_4427, %broadcast_in_dim3A_4333] : memref<128x64xf32, #tpu.memory_space<vmem>>[vector<16xi32>, vector<16xi32>], vector<16xf32>,
        %mul3A_4430 = arith.mulf %gather3A_4428, %get3A_4338 : vector<16xf32>
        %add3A_4431 = arith.addf %add3A_4330, %mul3A_4430 : vector<16xf32>
        %mul3A_4432 = arith.mulf %gather3A_4429, %get3A_4343 : vector<16xf32>
        %add3A_4433 = arith.addf %add3A_4332, %mul3A_4432 : vector<16xf32>
        scf.yield %add3A_4350, %add3A_4359, %add3A_4368, %add3A_4377, %add3A_4386, %add3A_4395, %add3A_4404, %add3A_4413, %add3A_4422, %add3A_4431, %add3A_4352, %add3A_4361, %add3A_4370, %add3A_4379, %add3A_4388, %add3A_4397, %add3A_4406, %add3A_4415, %add3A_4424, %add3A_4433 : vector<16xf32>, vector<16xf32>, vector<16xf32>, vector<16xf32>, vector<16xf32>, vector<16xf32>, vector<16xf32>, vector<16xf32>, vector<16xf32>, vector<16xf32>, vector<16xf32>, vector<16xf32>, vector<16xf32>, vector<16xf32>, vector<16xf32>, vector<16xf32>, vector<16xf32>, vector<16xf32>, vector<16xf32>, vector<16xf32>
      }
      %scan3A_3577 = arith.constant 32 : i32
      %get3A_3578 = arith.constant 0 : i32
      %get3A_3579 = arith.index_cast %get3A_3578 : i32 to index
      %get3A_3580 = arith.constant 0 : index
      %get3A_3581 = tpu.vector_load %arg16[%get3A_3579, %get3A_3580] {strides = array<i32>} : memref<16x16xi32, #tpu.memory_space<vmem>>, vector<16xi32>,
      %get3A_3582 = arith.constant 0 : i32
      %get3A_3583 = arith.index_cast %get3A_3582 : i32 to index
      %get3A_3584 = arith.constant 0 : index
      %get3A_3585 = tpu.vector_load %arg17[%get3A_3583, %get3A_3584] {strides = array<i32>} : memref<16x16xi32, #tpu.memory_space<vmem>>, vector<16xi32>,
      %lt3A_3586 = arith.constant 100000 : i32
      %lt3A_3587 = vector.broadcast %lt3A_3586 : i32 to vector<16xi32>
      %lt3A_3588 = arith.cmpi slt, %get3A_3581, %lt3A_3587 : vector<16xi32>
      %jit3A = arith.constant -3.000000e+38 : f32
      %broadcast_in_dim3A_3589 = vector.broadcast %jit3A : f32 to vector<16xf32>
      %select_n3A_3590 = arith.select %lt3A_3588, %scan3A_3576#0, %broadcast_in_dim3A_3589 : vector<16xi1>, vector<16xf32>
      %lt3A_3591 = arith.constant 100000 : i32
      %lt3A_3592 = vector.broadcast %lt3A_3591 : i32 to vector<16xi32>
      %lt3A_3593 = arith.cmpi slt, %get3A_3585, %lt3A_3592 : vector<16xi32>
      %jit3A_3594 = arith.constant -3.000000e+38 : f32
      %broadcast_in_dim3A_3595 = vector.broadcast %jit3A_3594 : f32 to vector<16xf32>
      %select_n3A_3596 = arith.select %lt3A_3593, %scan3A_3576#10, %broadcast_in_dim3A_3595 : vector<16xi1>, vector<16xf32>
      %masked_sort3A_3597 = arith.constant dense<true> : vector<16xi1>
      %masked_sort3A_3598, %masked_sort3A_3599, %masked_sort3A_3600 = tpu.sort %select_n3A_3590, %get3A_3581 masked %masked_sort3A_3597 {descending = true} : (vector<16xf32>, vector<16xi32>, vector<16xi1>) -> (vector<16xi1>, vector<16xf32>, vector<16xi32>)
      %rev3A_3601 = arith.constant 15 : i32
      %rev3A_3602 = vector.broadcast %rev3A_3601 : i32 to vector<16xi32>
      %rev3A_3603 = tpu.iota {dimensions = array<i32: 0>} : vector<16xi32>
      %rev3A_3604 = arith.subi %rev3A_3602, %rev3A_3603 : vector<16xi32>
      %rev3A_3605 = tpu.dynamic_gather %masked_sort3A_3599[%rev3A_3604] in [0] : vector<16xf32>, vector<16xi32> -> vector<16xf32>
      %rev3A_3606 = arith.constant 15 : i32
      %rev3A_3607 = vector.broadcast %rev3A_3606 : i32 to vector<16xi32>
      %rev3A_3608 = tpu.iota {dimensions = array<i32: 0>} : vector<16xi32>
      %rev3A_3609 = arith.subi %rev3A_3607, %rev3A_3608 : vector<16xi32>
      %rev3A_3610 = tpu.dynamic_gather %masked_sort3A_3600[%rev3A_3609] in [0] : vector<16xi32>, vector<16xi32> -> vector<16xi32>
      %ge3A_3611 = arith.cmpf oge, %broadcast_in_dim3A_3, %rev3A_3605 : vector<16xf32>
      %select_n3A_3612 = arith.select %ge3A_3611, %broadcast_in_dim3A_3, %rev3A_3605 : vector<16xi1>, vector<16xf32>
      %select_n3A_3613 = arith.select %ge3A_3611, %broadcast_in_dim3A_5, %rev3A_3610 : vector<16xi1>, vector<16xi32>
      %masked_sort3A_3614 = arith.constant dense<true> : vector<16xi1>
      %masked_sort3A_3615, %masked_sort3A_3616, %masked_sort3A_3617 = tpu.sort %select_n3A_3612, %select_n3A_3613 masked %masked_sort3A_3614 {descending = true} : (vector<16xf32>, vector<16xi32>, vector<16xi1>) -> (vector<16xi1>, vector<16xf32>, vector<16xi32>)
      %masked_sort3A_3618 = arith.constant dense<true> : vector<16xi1>
      %masked_sort3A_3619, %masked_sort3A_3620, %masked_sort3A_3621 = tpu.sort %select_n3A_3596, %get3A_3585 masked %masked_sort3A_3618 {descending = true} : (vector<16xf32>, vector<16xi32>, vector<16xi1>) -> (vector<16xi1>, vector<16xf32>, vector<16xi32>)
      %rev3A_3622 = arith.constant 15 : i32
      %rev3A_3623 = vector.broadcast %rev3A_3622 : i32 to vector<16xi32>
      %rev3A_3624 = tpu.iota {dimensions = array<i32: 0>} : vector<16xi32>
      %rev3A_3625 = arith.subi %rev3A_3623, %rev3A_3624 : vector<16xi32>
      %rev3A_3626 = tpu.dynamic_gather %masked_sort3A_3620[%rev3A_3625] in [0] : vector<16xf32>, vector<16xi32> -> vector<16xf32>
      %rev3A_3627 = arith.constant 15 : i32
      %rev3A_3628 = vector.broadcast %rev3A_3627 : i32 to vector<16xi32>
      %rev3A_3629 = tpu.iota {dimensions = array<i32: 0>} : vector<16xi32>
      %rev3A_3630 = arith.subi %rev3A_3628, %rev3A_3629 : vector<16xi32>
      %rev3A_3631 = tpu.dynamic_gather %masked_sort3A_3621[%rev3A_3630] in [0] : vector<16xi32>, vector<16xi32> -> vector<16xi32>
      %ge3A_3632 = arith.cmpf oge, %broadcast_in_dim3A_3, %rev3A_3626 : vector<16xf32>
      %select_n3A_3633 = arith.select %ge3A_3632, %broadcast_in_dim3A_3, %rev3A_3626 : vector<16xi1>, vector<16xf32>
      %select_n3A_3634 = arith.select %ge3A_3632, %broadcast_in_dim3A_5, %rev3A_3631 : vector<16xi1>, vector<16xi32>
      %masked_sort3A_3635 = arith.constant dense<true> : vector<16xi1>
      %masked_sort3A_3636, %masked_sort3A_3637, %masked_sort3A_3638 = tpu.sort %select_n3A_3633, %select_n3A_3634 masked %masked_sort3A_3635 {descending = true} : (vector<16xf32>, vector<16xi32>, vector<16xi1>) -> (vector<16xi1>, vector<16xf32>, vector<16xi32>)
      %get3A_3639 = arith.constant 1 : i32
      %get3A_3640 = arith.index_cast %get3A_3639 : i32 to index
      %get3A_3641 = arith.constant 0 : index
      %get3A_3642 = tpu.vector_load %arg16[%get3A_3640, %get3A_3641] {strides = array<i32>} : memref<16x16xi32, #tpu.memory_space<vmem>>, vector<16xi32>,
      %get3A_3643 = arith.constant 1 : i32
      %get3A_3644 = arith.index_cast %get3A_3643 : i32 to index
      %get3A_3645 = arith.constant 0 : index
      %get3A_3646 = tpu.vector_load %arg17[%get3A_3644, %get3A_3645] {strides = array<i32>} : memref<16x16xi32, #tpu.memory_space<vmem>>, vector<16xi32>,
      %lt3A_3647 = arith.constant 100000 : i32
      %lt3A_3648 = vector.broadcast %lt3A_3647 : i32 to vector<16xi32>
      %lt3A_3649 = arith.cmpi slt, %get3A_3642, %lt3A_3648 : vector<16xi32>
      %jit3A_3650 = arith.constant -3.000000e+38 : f32
      %broadcast_in_dim3A_3651 = vector.broadcast %jit3A_3650 : f32 to vector<16xf32>
      %select_n3A_3652 = arith.select %lt3A_3649, %scan3A_3576#1, %broadcast_in_dim3A_3651 : vector<16xi1>, vector<16xf32>
      %lt3A_3653 = arith.constant 100000 : i32
      %lt3A_3654 = vector.broadcast %lt3A_3653 : i32 to vector<16xi32>
      %lt3A_3655 = arith.cmpi slt, %get3A_3646, %lt3A_3654 : vector<16xi32>
      %jit3A_3656 = arith.constant -3.000000e+38 : f32
      %broadcast_in_dim3A_3657 = vector.broadcast %jit3A_3656 : f32 to vector<16xf32>
      %select_n3A_3658 = arith.select %lt3A_3655, %scan3A_3576#11, %broadcast_in_dim3A_3657 : vector<16xi1>, vector<16xf32>
      %masked_sort3A_3659 = arith.constant dense<true> : vector<16xi1>
      %masked_sort3A_3660, %masked_sort3A_3661, %masked_sort3A_3662 = tpu.sort %select_n3A_3652, %get3A_3642 masked %masked_sort3A_3659 {descending = true} : (vector<16xf32>, vector<16xi32>, vector<16xi1>) -> (vector<16xi1>, vector<16xf32>, vector<16xi32>)
      %rev3A_3663 = arith.constant 15 : i32
      %rev3A_3664 = vector.broadcast %rev3A_3663 : i32 to vector<16xi32>
      %rev3A_3665 = tpu.iota {dimensions = array<i32: 0>} : vector<16xi32>
      %rev3A_3666 = arith.subi %rev3A_3664, %rev3A_3665 : vector<16xi32>
      %rev3A_3667 = tpu.dynamic_gather %masked_sort3A_3661[%rev3A_3666] in [0] : vector<16xf32>, vector<16xi32> -> vector<16xf32>
      %rev3A_3668 = arith.constant 15 : i32
      %rev3A_3669 = vector.broadcast %rev3A_3668 : i32 to vector<16xi32>
      %rev3A_3670 = tpu.iota {dimensions = array<i32: 0>} : vector<16xi32>
      %rev3A_3671 = arith.subi %rev3A_3669, %rev3A_3670 : vector<16xi32>
      %rev3A_3672 = tpu.dynamic_gather %masked_sort3A_3662[%rev3A_3671] in [0] : vector<16xi32>, vector<16xi32> -> vector<16xi32>
      %ge3A_3673 = arith.cmpf oge, %masked_sort3A_3616, %rev3A_3667 : vector<16xf32>
      %select_n3A_3674 = arith.select %ge3A_3673, %masked_sort3A_3616, %rev3A_3667 : vector<16xi1>, vector<16xf32>
      %select_n3A_3675 = arith.select %ge3A_3673, %masked_sort3A_3617, %rev3A_3672 : vector<16xi1>, vector<16xi32>
      %masked_sort3A_3676 = arith.constant dense<true> : vector<16xi1>
      %masked_sort3A_3677, %masked_sort3A_3678, %masked_sort3A_3679 = tpu.sort %select_n3A_3674, %select_n3A_3675 masked %masked_sort3A_3676 {descending = true} : (vector<16xf32>, vector<16xi32>, vector<16xi1>) -> (vector<16xi1>, vector<16xf32>, vector<16xi32>)
      %masked_sort3A_3680 = arith.constant dense<true> : vector<16xi1>
      %masked_sort3A_3681, %masked_sort3A_3682, %masked_sort3A_3683 = tpu.sort %select_n3A_3658, %get3A_3646 masked %masked_sort3A_3680 {descending = true} : (vector<16xf32>, vector<16xi32>, vector<16xi1>) -> (vector<16xi1>, vector<16xf32>, vector<16xi32>)
      %rev3A_3684 = arith.constant 15 : i32
      %rev3A_3685 = vector.broadcast %rev3A_3684 : i32 to vector<16xi32>
      %rev3A_3686 = tpu.iota {dimensions = array<i32: 0>} : vector<16xi32>
      %rev3A_3687 = arith.subi %rev3A_3685, %rev3A_3686 : vector<16xi32>
      %rev3A_3688 = tpu.dynamic_gather %masked_sort3A_3682[%rev3A_3687] in [0] : vector<16xf32>, vector<16xi32> -> vector<16xf32>
      %rev3A_3689 = arith.constant 15 : i32
      %rev3A_3690 = vector.broadcast %rev3A_3689 : i32 to vector<16xi32>
      %rev3A_3691 = tpu.iota {dimensions = array<i32: 0>} : vector<16xi32>
      %rev3A_3692 = arith.subi %rev3A_3690, %rev3A_3691 : vector<16xi32>
      %rev3A_3693 = tpu.dynamic_gather %masked_sort3A_3683[%rev3A_3692] in [0] : vector<16xi32>, vector<16xi32> -> vector<16xi32>
      %ge3A_3694 = arith.cmpf oge, %masked_sort3A_3637, %rev3A_3688 : vector<16xf32>
      %select_n3A_3695 = arith.select %ge3A_3694, %masked_sort3A_3637, %rev3A_3688 : vector<16xi1>, vector<16xf32>
      %select_n3A_3696 = arith.select %ge3A_3694, %masked_sort3A_3638, %rev3A_3693 : vector<16xi1>, vector<16xi32>
      %masked_sort3A_3697 = arith.constant dense<true> : vector<16xi1>
      %masked_sort3A_3698, %masked_sort3A_3699, %masked_sort3A_3700 = tpu.sort %select_n3A_3695, %select_n3A_3696 masked %masked_sort3A_3697 {descending = true} : (vector<16xf32>, vector<16xi32>, vector<16xi1>) -> (vector<16xi1>, vector<16xf32>, vector<16xi32>)
      %get3A_3701 = arith.constant 2 : i32
      %get3A_3702 = arith.index_cast %get3A_3701 : i32 to index
      %get3A_3703 = arith.constant 0 : index
      %get3A_3704 = tpu.vector_load %arg16[%get3A_3702, %get3A_3703] {strides = array<i32>} : memref<16x16xi32, #tpu.memory_space<vmem>>, vector<16xi32>,
      %get3A_3705 = arith.constant 2 : i32
      %get3A_3706 = arith.index_cast %get3A_3705 : i32 to index
      %get3A_3707 = arith.constant 0 : index
      %get3A_3708 = tpu.vector_load %arg17[%get3A_3706, %get3A_3707] {strides = array<i32>} : memref<16x16xi32, #tpu.memory_space<vmem>>, vector<16xi32>,
      %lt3A_3709 = arith.constant 100000 : i32
      %lt3A_3710 = vector.broadcast %lt3A_3709 : i32 to vector<16xi32>
      %lt3A_3711 = arith.cmpi slt, %get3A_3704, %lt3A_3710 : vector<16xi32>
      %jit3A_3712 = arith.constant -3.000000e+38 : f32
      %broadcast_in_dim3A_3713 = vector.broadcast %jit3A_3712 : f32 to vector<16xf32>
      %select_n3A_3714 = arith.select %lt3A_3711, %scan3A_3576#2, %broadcast_in_dim3A_3713 : vector<16xi1>, vector<16xf32>
      %lt3A_3715 = arith.constant 100000 : i32
      %lt3A_3716 = vector.broadcast %lt3A_3715 : i32 to vector<16xi32>
      %lt3A_3717 = arith.cmpi slt, %get3A_3708, %lt3A_3716 : vector<16xi32>
      %jit3A_3718 = arith.constant -3.000000e+38 : f32
      %broadcast_in_dim3A_3719 = vector.broadcast %jit3A_3718 : f32 to vector<16xf32>
      %select_n3A_3720 = arith.select %lt3A_3717, %scan3A_3576#12, %broadcast_in_dim3A_3719 : vector<16xi1>, vector<16xf32>
      %masked_sort3A_3721 = arith.constant dense<true> : vector<16xi1>
      %masked_sort3A_3722, %masked_sort3A_3723, %masked_sort3A_3724 = tpu.sort %select_n3A_3714, %get3A_3704 masked %masked_sort3A_3721 {descending = true} : (vector<16xf32>, vector<16xi32>, vector<16xi1>) -> (vector<16xi1>, vector<16xf32>, vector<16xi32>)
      %rev3A_3725 = arith.constant 15 : i32
      %rev3A_3726 = vector.broadcast %rev3A_3725 : i32 to vector<16xi32>
      %rev3A_3727 = tpu.iota {dimensions = array<i32: 0>} : vector<16xi32>
      %rev3A_3728 = arith.subi %rev3A_3726, %rev3A_3727 : vector<16xi32>
      %rev3A_3729 = tpu.dynamic_gather %masked_sort3A_3723[%rev3A_3728] in [0] : vector<16xf32>, vector<16xi32> -> vector<16xf32>
      %rev3A_3730 = arith.constant 15 : i32
      %rev3A_3731 = vector.broadcast %rev3A_3730 : i32 to vector<16xi32>
      %rev3A_3732 = tpu.iota {dimensions = array<i32: 0>} : vector<16xi32>
      %rev3A_3733 = arith.subi %rev3A_3731, %rev3A_3732 : vector<16xi32>
      %rev3A_3734 = tpu.dynamic_gather %masked_sort3A_3724[%rev3A_3733] in [0] : vector<16xi32>, vector<16xi32> -> vector<16xi32>
      %ge3A_3735 = arith.cmpf oge, %masked_sort3A_3678, %rev3A_3729 : vector<16xf32>
      %select_n3A_3736 = arith.select %ge3A_3735, %masked_sort3A_3678, %rev3A_3729 : vector<16xi1>, vector<16xf32>
      %select_n3A_3737 = arith.select %ge3A_3735, %masked_sort3A_3679, %rev3A_3734 : vector<16xi1>, vector<16xi32>
      %masked_sort3A_3738 = arith.constant dense<true> : vector<16xi1>
      %masked_sort3A_3739, %masked_sort3A_3740, %masked_sort3A_3741 = tpu.sort %select_n3A_3736, %select_n3A_3737 masked %masked_sort3A_3738 {descending = true} : (vector<16xf32>, vector<16xi32>, vector<16xi1>) -> (vector<16xi1>, vector<16xf32>, vector<16xi32>)
      %masked_sort3A_3742 = arith.constant dense<true> : vector<16xi1>
      %masked_sort3A_3743, %masked_sort3A_3744, %masked_sort3A_3745 = tpu.sort %select_n3A_3720, %get3A_3708 masked %masked_sort3A_3742 {descending = true} : (vector<16xf32>, vector<16xi32>, vector<16xi1>) -> (vector<16xi1>, vector<16xf32>, vector<16xi32>)
      %rev3A_3746 = arith.constant 15 : i32
      %rev3A_3747 = vector.broadcast %rev3A_3746 : i32 to vector<16xi32>
      %rev3A_3748 = tpu.iota {dimensions = array<i32: 0>} : vector<16xi32>
      %rev3A_3749 = arith.subi %rev3A_3747, %rev3A_3748 : vector<16xi32>
      %rev3A_3750 = tpu.dynamic_gather %masked_sort3A_3744[%rev3A_3749] in [0] : vector<16xf32>, vector<16xi32> -> vector<16xf32>
      %rev3A_3751 = arith.constant 15 : i32
      %rev3A_3752 = vector.broadcast %rev3A_3751 : i32 to vector<16xi32>
      %rev3A_3753 = tpu.iota {dimensions = array<i32: 0>} : vector<16xi32>
      %rev3A_3754 = arith.subi %rev3A_3752, %rev3A_3753 : vector<16xi32>
      %rev3A_3755 = tpu.dynamic_gather %masked_sort3A_3745[%rev3A_3754] in [0] : vector<16xi32>, vector<16xi32> -> vector<16xi32>
      %ge3A_3756 = arith.cmpf oge, %masked_sort3A_3699, %rev3A_3750 : vector<16xf32>
      %select_n3A_3757 = arith.select %ge3A_3756, %masked_sort3A_3699, %rev3A_3750 : vector<16xi1>, vector<16xf32>
      %select_n3A_3758 = arith.select %ge3A_3756, %masked_sort3A_3700, %rev3A_3755 : vector<16xi1>, vector<16xi32>
      %masked_sort3A_3759 = arith.constant dense<true> : vector<16xi1>
      %masked_sort3A_3760, %masked_sort3A_3761, %masked_sort3A_3762 = tpu.sort %select_n3A_3757, %select_n3A_3758 masked %masked_sort3A_3759 {descending = true} : (vector<16xf32>, vector<16xi32>, vector<16xi1>) -> (vector<16xi1>, vector<16xf32>, vector<16xi32>)
      %get3A_3763 = arith.constant 3 : i32
      %get3A_3764 = arith.index_cast %get3A_3763 : i32 to index
      %get3A_3765 = arith.constant 0 : index
      %get3A_3766 = tpu.vector_load %arg16[%get3A_3764, %get3A_3765] {strides = array<i32>} : memref<16x16xi32, #tpu.memory_space<vmem>>, vector<16xi32>,
      %get3A_3767 = arith.constant 3 : i32
      %get3A_3768 = arith.index_cast %get3A_3767 : i32 to index
      %get3A_3769 = arith.constant 0 : index
      %get3A_3770 = tpu.vector_load %arg17[%get3A_3768, %get3A_3769] {strides = array<i32>} : memref<16x16xi32, #tpu.memory_space<vmem>>, vector<16xi32>,
      %lt3A_3771 = arith.constant 100000 : i32
      %lt3A_3772 = vector.broadcast %lt3A_3771 : i32 to vector<16xi32>
      %lt3A_3773 = arith.cmpi slt, %get3A_3766, %lt3A_3772 : vector<16xi32>
      %jit3A_3774 = arith.constant -3.000000e+38 : f32
      %broadcast_in_dim3A_3775 = vector.broadcast %jit3A_3774 : f32 to vector<16xf32>
      %select_n3A_3776 = arith.select %lt3A_3773, %scan3A_3576#3, %broadcast_in_dim3A_3775 : vector<16xi1>, vector<16xf32>
      %lt3A_3777 = arith.constant 100000 : i32
      %lt3A_3778 = vector.broadcast %lt3A_3777 : i32 to vector<16xi32>
      %lt3A_3779 = arith.cmpi slt, %get3A_3770, %lt3A_3778 : vector<16xi32>
      %jit3A_3780 = arith.constant -3.000000e+38 : f32
      %broadcast_in_dim3A_3781 = vector.broadcast %jit3A_3780 : f32 to vector<16xf32>
      %select_n3A_3782 = arith.select %lt3A_3779, %scan3A_3576#13, %broadcast_in_dim3A_3781 : vector<16xi1>, vector<16xf32>
      %masked_sort3A_3783 = arith.constant dense<true> : vector<16xi1>
      %masked_sort3A_3784, %masked_sort3A_3785, %masked_sort3A_3786 = tpu.sort %select_n3A_3776, %get3A_3766 masked %masked_sort3A_3783 {descending = true} : (vector<16xf32>, vector<16xi32>, vector<16xi1>) -> (vector<16xi1>, vector<16xf32>, vector<16xi32>)
      %rev3A_3787 = arith.constant 15 : i32
      %rev3A_3788 = vector.broadcast %rev3A_3787 : i32 to vector<16xi32>
      %rev3A_3789 = tpu.iota {dimensions = array<i32: 0>} : vector<16xi32>
      %rev3A_3790 = arith.subi %rev3A_3788, %rev3A_3789 : vector<16xi32>
      %rev3A_3791 = tpu.dynamic_gather %masked_sort3A_3785[%rev3A_3790] in [0] : vector<16xf32>, vector<16xi32> -> vector<16xf32>
      %rev3A_3792 = arith.constant 15 : i32
      %rev3A_3793 = vector.broadcast %rev3A_3792 : i32 to vector<16xi32>
      %rev3A_3794 = tpu.iota {dimensions = array<i32: 0>} : vector<16xi32>
      %rev3A_3795 = arith.subi %rev3A_3793, %rev3A_3794 : vector<16xi32>
      %rev3A_3796 = tpu.dynamic_gather %masked_sort3A_3786[%rev3A_3795] in [0] : vector<16xi32>, vector<16xi32> -> vector<16xi32>
      %ge3A_3797 = arith.cmpf oge, %masked_sort3A_3740, %rev3A_3791 : vector<16xf32>
      %select_n3A_3798 = arith.select %ge3A_3797, %masked_sort3A_3740, %rev3A_3791 : vector<16xi1>, vector<16xf32>
      %select_n3A_3799 = arith.select %ge3A_3797, %masked_sort3A_3741, %rev3A_3796 : vector<16xi1>, vector<16xi32>
      %masked_sort3A_3800 = arith.constant dense<true> : vector<16xi1>
      %masked_sort3A_3801, %masked_sort3A_3802, %masked_sort3A_3803 = tpu.sort %select_n3A_3798, %select_n3A_3799 masked %masked_sort3A_3800 {descending = true} : (vector<16xf32>, vector<16xi32>, vector<16xi1>) -> (vector<16xi1>, vector<16xf32>, vector<16xi32>)
      %masked_sort3A_3804 = arith.constant dense<true> : vector<16xi1>
      %masked_sort3A_3805, %masked_sort3A_3806, %masked_sort3A_3807 = tpu.sort %select_n3A_3782, %get3A_3770 masked %masked_sort3A_3804 {descending = true} : (vector<16xf32>, vector<16xi32>, vector<16xi1>) -> (vector<16xi1>, vector<16xf32>, vector<16xi32>)
      %rev3A_3808 = arith.constant 15 : i32
      %rev3A_3809 = vector.broadcast %rev3A_3808 : i32 to vector<16xi32>
      %rev3A_3810 = tpu.iota {dimensions = array<i32: 0>} : vector<16xi32>
      %rev3A_3811 = arith.subi %rev3A_3809, %rev3A_3810 : vector<16xi32>
      %rev3A_3812 = tpu.dynamic_gather %masked_sort3A_3806[%rev3A_3811] in [0] : vector<16xf32>, vector<16xi32> -> vector<16xf32>
      %rev3A_3813 = arith.constant 15 : i32
      %rev3A_3814 = vector.broadcast %rev3A_3813 : i32 to vector<16xi32>
      %rev3A_3815 = tpu.iota {dimensions = array<i32: 0>} : vector<16xi32>
      %rev3A_3816 = arith.subi %rev3A_3814, %rev3A_3815 : vector<16xi32>
      %rev3A_3817 = tpu.dynamic_gather %masked_sort3A_3807[%rev3A_3816] in [0] : vector<16xi32>, vector<16xi32> -> vector<16xi32>
      %ge3A_3818 = arith.cmpf oge, %masked_sort3A_3761, %rev3A_3812 : vector<16xf32>
      %select_n3A_3819 = arith.select %ge3A_3818, %masked_sort3A_3761, %rev3A_3812 : vector<16xi1>, vector<16xf32>
      %select_n3A_3820 = arith.select %ge3A_3818, %masked_sort3A_3762, %rev3A_3817 : vector<16xi1>, vector<16xi32>
      %masked_sort3A_3821 = arith.constant dense<true> : vector<16xi1>
      %masked_sort3A_3822, %masked_sort3A_3823, %masked_sort3A_3824 = tpu.sort %select_n3A_3819, %select_n3A_3820 masked %masked_sort3A_3821 {descending = true} : (vector<16xf32>, vector<16xi32>, vector<16xi1>) -> (vector<16xi1>, vector<16xf32>, vector<16xi32>)
      %get3A_3825 = arith.constant 4 : i32
      %get3A_3826 = arith.index_cast %get3A_3825 : i32 to index
      %get3A_3827 = arith.constant 0 : index
      %get3A_3828 = tpu.vector_load %arg16[%get3A_3826, %get3A_3827] {strides = array<i32>} : memref<16x16xi32, #tpu.memory_space<vmem>>, vector<16xi32>,
      %get3A_3829 = arith.constant 4 : i32
      %get3A_3830 = arith.index_cast %get3A_3829 : i32 to index
      %get3A_3831 = arith.constant 0 : index
      %get3A_3832 = tpu.vector_load %arg17[%get3A_3830, %get3A_3831] {strides = array<i32>} : memref<16x16xi32, #tpu.memory_space<vmem>>, vector<16xi32>,
      %lt3A_3833 = arith.constant 100000 : i32
      %lt3A_3834 = vector.broadcast %lt3A_3833 : i32 to vector<16xi32>
      %lt3A_3835 = arith.cmpi slt, %get3A_3828, %lt3A_3834 : vector<16xi32>
      %jit3A_3836 = arith.constant -3.000000e+38 : f32
      %broadcast_in_dim3A_3837 = vector.broadcast %jit3A_3836 : f32 to vector<16xf32>
      %select_n3A_3838 = arith.select %lt3A_3835, %scan3A_3576#4, %broadcast_in_dim3A_3837 : vector<16xi1>, vector<16xf32>
      %lt3A_3839 = arith.constant 100000 : i32
      %lt3A_3840 = vector.broadcast %lt3A_3839 : i32 to vector<16xi32>
      %lt3A_3841 = arith.cmpi slt, %get3A_3832, %lt3A_3840 : vector<16xi32>
      %jit3A_3842 = arith.constant -3.000000e+38 : f32
      %broadcast_in_dim3A_3843 = vector.broadcast %jit3A_3842 : f32 to vector<16xf32>
      %select_n3A_3844 = arith.select %lt3A_3841, %scan3A_3576#14, %broadcast_in_dim3A_3843 : vector<16xi1>, vector<16xf32>
      %masked_sort3A_3845 = arith.constant dense<true> : vector<16xi1>
      %masked_sort3A_3846, %masked_sort3A_3847, %masked_sort3A_3848 = tpu.sort %select_n3A_3838, %get3A_3828 masked %masked_sort3A_3845 {descending = true} : (vector<16xf32>, vector<16xi32>, vector<16xi1>) -> (vector<16xi1>, vector<16xf32>, vector<16xi32>)
      %rev3A_3849 = arith.constant 15 : i32
      %rev3A_3850 = vector.broadcast %rev3A_3849 : i32 to vector<16xi32>
      %rev3A_3851 = tpu.iota {dimensions = array<i32: 0>} : vector<16xi32>
      %rev3A_3852 = arith.subi %rev3A_3850, %rev3A_3851 : vector<16xi32>
      %rev3A_3853 = tpu.dynamic_gather %masked_sort3A_3847[%rev3A_3852] in [0] : vector<16xf32>, vector<16xi32> -> vector<16xf32>
      %rev3A_3854 = arith.constant 15 : i32
      %rev3A_3855 = vector.broadcast %rev3A_3854 : i32 to vector<16xi32>
      %rev3A_3856 = tpu.iota {dimensions = array<i32: 0>} : vector<16xi32>
      %rev3A_3857 = arith.subi %rev3A_3855, %rev3A_3856 : vector<16xi32>
      %rev3A_3858 = tpu.dynamic_gather %masked_sort3A_3848[%rev3A_3857] in [0] : vector<16xi32>, vector<16xi32> -> vector<16xi32>
      %ge3A_3859 = arith.cmpf oge, %masked_sort3A_3802, %rev3A_3853 : vector<16xf32>
      %select_n3A_3860 = arith.select %ge3A_3859, %masked_sort3A_3802, %rev3A_3853 : vector<16xi1>, vector<16xf32>
      %select_n3A_3861 = arith.select %ge3A_3859, %masked_sort3A_3803, %rev3A_3858 : vector<16xi1>, vector<16xi32>
      %masked_sort3A_3862 = arith.constant dense<true> : vector<16xi1>
      %masked_sort3A_3863, %masked_sort3A_3864, %masked_sort3A_3865 = tpu.sort %select_n3A_3860, %select_n3A_3861 masked %masked_sort3A_3862 {descending = true} : (vector<16xf32>, vector<16xi32>, vector<16xi1>) -> (vector<16xi1>, vector<16xf32>, vector<16xi32>)
      %masked_sort3A_3866 = arith.constant dense<true> : vector<16xi1>
      %masked_sort3A_3867, %masked_sort3A_3868, %masked_sort3A_3869 = tpu.sort %select_n3A_3844, %get3A_3832 masked %masked_sort3A_3866 {descending = true} : (vector<16xf32>, vector<16xi32>, vector<16xi1>) -> (vector<16xi1>, vector<16xf32>, vector<16xi32>)
      %rev3A_3870 = arith.constant 15 : i32
      %rev3A_3871 = vector.broadcast %rev3A_3870 : i32 to vector<16xi32>
      %rev3A_3872 = tpu.iota {dimensions = array<i32: 0>} : vector<16xi32>
      %rev3A_3873 = arith.subi %rev3A_3871, %rev3A_3872 : vector<16xi32>
      %rev3A_3874 = tpu.dynamic_gather %masked_sort3A_3868[%rev3A_3873] in [0] : vector<16xf32>, vector<16xi32> -> vector<16xf32>
      %rev3A_3875 = arith.constant 15 : i32
      %rev3A_3876 = vector.broadcast %rev3A_3875 : i32 to vector<16xi32>
      %rev3A_3877 = tpu.iota {dimensions = array<i32: 0>} : vector<16xi32>
      %rev3A_3878 = arith.subi %rev3A_3876, %rev3A_3877 : vector<16xi32>
      %rev3A_3879 = tpu.dynamic_gather %masked_sort3A_3869[%rev3A_3878] in [0] : vector<16xi32>, vector<16xi32> -> vector<16xi32>
      %ge3A_3880 = arith.cmpf oge, %masked_sort3A_3823, %rev3A_3874 : vector<16xf32>
      %select_n3A_3881 = arith.select %ge3A_3880, %masked_sort3A_3823, %rev3A_3874 : vector<16xi1>, vector<16xf32>
      %select_n3A_3882 = arith.select %ge3A_3880, %masked_sort3A_3824, %rev3A_3879 : vector<16xi1>, vector<16xi32>
      %masked_sort3A_3883 = arith.constant dense<true> : vector<16xi1>
      %masked_sort3A_3884, %masked_sort3A_3885, %masked_sort3A_3886 = tpu.sort %select_n3A_3881, %select_n3A_3882 masked %masked_sort3A_3883 {descending = true} : (vector<16xf32>, vector<16xi32>, vector<16xi1>) -> (vector<16xi1>, vector<16xf32>, vector<16xi32>)
      %get3A_3887 = arith.constant 5 : i32
      %get3A_3888 = arith.index_cast %get3A_3887 : i32 to index
      %get3A_3889 = arith.constant 0 : index
      %get3A_3890 = tpu.vector_load %arg16[%get3A_3888, %get3A_3889] {strides = array<i32>} : memref<16x16xi32, #tpu.memory_space<vmem>>, vector<16xi32>,
      %get3A_3891 = arith.constant 5 : i32
      %get3A_3892 = arith.index_cast %get3A_3891 : i32 to index
      %get3A_3893 = arith.constant 0 : index
      %get3A_3894 = tpu.vector_load %arg17[%get3A_3892, %get3A_3893] {strides = array<i32>} : memref<16x16xi32, #tpu.memory_space<vmem>>, vector<16xi32>,
      %lt3A_3895 = arith.constant 100000 : i32
      %lt3A_3896 = vector.broadcast %lt3A_3895 : i32 to vector<16xi32>
      %lt3A_3897 = arith.cmpi slt, %get3A_3890, %lt3A_3896 : vector<16xi32>
      %jit3A_3898 = arith.constant -3.000000e+38 : f32
      %broadcast_in_dim3A_3899 = vector.broadcast %jit3A_3898 : f32 to vector<16xf32>
      %select_n3A_3900 = arith.select %lt3A_3897, %scan3A_3576#5, %broadcast_in_dim3A_3899 : vector<16xi1>, vector<16xf32>
      %lt3A_3901 = arith.constant 100000 : i32
      %lt3A_3902 = vector.broadcast %lt3A_3901 : i32 to vector<16xi32>
      %lt3A_3903 = arith.cmpi slt, %get3A_3894, %lt3A_3902 : vector<16xi32>
      %jit3A_3904 = arith.constant -3.000000e+38 : f32
      %broadcast_in_dim3A_3905 = vector.broadcast %jit3A_3904 : f32 to vector<16xf32>
      %select_n3A_3906 = arith.select %lt3A_3903, %scan3A_3576#15, %broadcast_in_dim3A_3905 : vector<16xi1>, vector<16xf32>
      %masked_sort3A_3907 = arith.constant dense<true> : vector<16xi1>
      %masked_sort3A_3908, %masked_sort3A_3909, %masked_sort3A_3910 = tpu.sort %select_n3A_3900, %get3A_3890 masked %masked_sort3A_3907 {descending = true} : (vector<16xf32>, vector<16xi32>, vector<16xi1>) -> (vector<16xi1>, vector<16xf32>, vector<16xi32>)
      %rev3A_3911 = arith.constant 15 : i32
      %rev3A_3912 = vector.broadcast %rev3A_3911 : i32 to vector<16xi32>
      %rev3A_3913 = tpu.iota {dimensions = array<i32: 0>} : vector<16xi32>
      %rev3A_3914 = arith.subi %rev3A_3912, %rev3A_3913 : vector<16xi32>
      %rev3A_3915 = tpu.dynamic_gather %masked_sort3A_3909[%rev3A_3914] in [0] : vector<16xf32>, vector<16xi32> -> vector<16xf32>
      %rev3A_3916 = arith.constant 15 : i32
      %rev3A_3917 = vector.broadcast %rev3A_3916 : i32 to vector<16xi32>
      %rev3A_3918 = tpu.iota {dimensions = array<i32: 0>} : vector<16xi32>
      %rev3A_3919 = arith.subi %rev3A_3917, %rev3A_3918 : vector<16xi32>
      %rev3A_3920 = tpu.dynamic_gather %masked_sort3A_3910[%rev3A_3919] in [0] : vector<16xi32>, vector<16xi32> -> vector<16xi32>
      %ge3A_3921 = arith.cmpf oge, %masked_sort3A_3864, %rev3A_3915 : vector<16xf32>
      %select_n3A_3922 = arith.select %ge3A_3921, %masked_sort3A_3864, %rev3A_3915 : vector<16xi1>, vector<16xf32>
      %select_n3A_3923 = arith.select %ge3A_3921, %masked_sort3A_3865, %rev3A_3920 : vector<16xi1>, vector<16xi32>
      %masked_sort3A_3924 = arith.constant dense<true> : vector<16xi1>
      %masked_sort3A_3925, %masked_sort3A_3926, %masked_sort3A_3927 = tpu.sort %select_n3A_3922, %select_n3A_3923 masked %masked_sort3A_3924 {descending = true} : (vector<16xf32>, vector<16xi32>, vector<16xi1>) -> (vector<16xi1>, vector<16xf32>, vector<16xi32>)
      %masked_sort3A_3928 = arith.constant dense<true> : vector<16xi1>
      %masked_sort3A_3929, %masked_sort3A_3930, %masked_sort3A_3931 = tpu.sort %select_n3A_3906, %get3A_3894 masked %masked_sort3A_3928 {descending = true} : (vector<16xf32>, vector<16xi32>, vector<16xi1>) -> (vector<16xi1>, vector<16xf32>, vector<16xi32>)
      %rev3A_3932 = arith.constant 15 : i32
      %rev3A_3933 = vector.broadcast %rev3A_3932 : i32 to vector<16xi32>
      %rev3A_3934 = tpu.iota {dimensions = array<i32: 0>} : vector<16xi32>
      %rev3A_3935 = arith.subi %rev3A_3933, %rev3A_3934 : vector<16xi32>
      %rev3A_3936 = tpu.dynamic_gather %masked_sort3A_3930[%rev3A_3935] in [0] : vector<16xf32>, vector<16xi32> -> vector<16xf32>
      %rev3A_3937 = arith.constant 15 : i32
      %rev3A_3938 = vector.broadcast %rev3A_3937 : i32 to vector<16xi32>
      %rev3A_3939 = tpu.iota {dimensions = array<i32: 0>} : vector<16xi32>
      %rev3A_3940 = arith.subi %rev3A_3938, %rev3A_3939 : vector<16xi32>
      %rev3A_3941 = tpu.dynamic_gather %masked_sort3A_3931[%rev3A_3940] in [0] : vector<16xi32>, vector<16xi32> -> vector<16xi32>
      %ge3A_3942 = arith.cmpf oge, %masked_sort3A_3885, %rev3A_3936 : vector<16xf32>
      %select_n3A_3943 = arith.select %ge3A_3942, %masked_sort3A_3885, %rev3A_3936 : vector<16xi1>, vector<16xf32>
      %select_n3A_3944 = arith.select %ge3A_3942, %masked_sort3A_3886, %rev3A_3941 : vector<16xi1>, vector<16xi32>
      %masked_sort3A_3945 = arith.constant dense<true> : vector<16xi1>
      %masked_sort3A_3946, %masked_sort3A_3947, %masked_sort3A_3948 = tpu.sort %select_n3A_3943, %select_n3A_3944 masked %masked_sort3A_3945 {descending = true} : (vector<16xf32>, vector<16xi32>, vector<16xi1>) -> (vector<16xi1>, vector<16xf32>, vector<16xi32>)
      %get3A_3949 = arith.constant 6 : i32
      %get3A_3950 = arith.index_cast %get3A_3949 : i32 to index
      %get3A_3951 = arith.constant 0 : index
      %get3A_3952 = tpu.vector_load %arg16[%get3A_3950, %get3A_3951] {strides = array<i32>} : memref<16x16xi32, #tpu.memory_space<vmem>>, vector<16xi32>,
      %get3A_3953 = arith.constant 6 : i32
      %get3A_3954 = arith.index_cast %get3A_3953 : i32 to index
      %get3A_3955 = arith.constant 0 : index
      %get3A_3956 = tpu.vector_load %arg17[%get3A_3954, %get3A_3955] {strides = array<i32>} : memref<16x16xi32, #tpu.memory_space<vmem>>, vector<16xi32>,
      %lt3A_3957 = arith.constant 100000 : i32
      %lt3A_3958 = vector.broadcast %lt3A_3957 : i32 to vector<16xi32>
      %lt3A_3959 = arith.cmpi slt, %get3A_3952, %lt3A_3958 : vector<16xi32>
      %jit3A_3960 = arith.constant -3.000000e+38 : f32
      %broadcast_in_dim3A_3961 = vector.broadcast %jit3A_3960 : f32 to vector<16xf32>
      %select_n3A_3962 = arith.select %lt3A_3959, %scan3A_3576#6, %broadcast_in_dim3A_3961 : vector<16xi1>, vector<16xf32>
      %lt3A_3963 = arith.constant 100000 : i32
      %lt3A_3964 = vector.broadcast %lt3A_3963 : i32 to vector<16xi32>
      %lt3A_3965 = arith.cmpi slt, %get3A_3956, %lt3A_3964 : vector<16xi32>
      %jit3A_3966 = arith.constant -3.000000e+38 : f32
      %broadcast_in_dim3A_3967 = vector.broadcast %jit3A_3966 : f32 to vector<16xf32>
      %select_n3A_3968 = arith.select %lt3A_3965, %scan3A_3576#16, %broadcast_in_dim3A_3967 : vector<16xi1>, vector<16xf32>
      %masked_sort3A_3969 = arith.constant dense<true> : vector<16xi1>
      %masked_sort3A_3970, %masked_sort3A_3971, %masked_sort3A_3972 = tpu.sort %select_n3A_3962, %get3A_3952 masked %masked_sort3A_3969 {descending = true} : (vector<16xf32>, vector<16xi32>, vector<16xi1>) -> (vector<16xi1>, vector<16xf32>, vector<16xi32>)
      %rev3A_3973 = arith.constant 15 : i32
      %rev3A_3974 = vector.broadcast %rev3A_3973 : i32 to vector<16xi32>
      %rev3A_3975 = tpu.iota {dimensions = array<i32: 0>} : vector<16xi32>
      %rev3A_3976 = arith.subi %rev3A_3974, %rev3A_3975 : vector<16xi32>
      %rev3A_3977 = tpu.dynamic_gather %masked_sort3A_3971[%rev3A_3976] in [0] : vector<16xf32>, vector<16xi32> -> vector<16xf32>
      %rev3A_3978 = arith.constant 15 : i32
      %rev3A_3979 = vector.broadcast %rev3A_3978 : i32 to vector<16xi32>
      %rev3A_3980 = tpu.iota {dimensions = array<i32: 0>} : vector<16xi32>
      %rev3A_3981 = arith.subi %rev3A_3979, %rev3A_3980 : vector<16xi32>
      %rev3A_3982 = tpu.dynamic_gather %masked_sort3A_3972[%rev3A_3981] in [0] : vector<16xi32>, vector<16xi32> -> vector<16xi32>
      %ge3A_3983 = arith.cmpf oge, %masked_sort3A_3926, %rev3A_3977 : vector<16xf32>
      %select_n3A_3984 = arith.select %ge3A_3983, %masked_sort3A_3926, %rev3A_3977 : vector<16xi1>, vector<16xf32>
      %select_n3A_3985 = arith.select %ge3A_3983, %masked_sort3A_3927, %rev3A_3982 : vector<16xi1>, vector<16xi32>
      %masked_sort3A_3986 = arith.constant dense<true> : vector<16xi1>
      %masked_sort3A_3987, %masked_sort3A_3988, %masked_sort3A_3989 = tpu.sort %select_n3A_3984, %select_n3A_3985 masked %masked_sort3A_3986 {descending = true} : (vector<16xf32>, vector<16xi32>, vector<16xi1>) -> (vector<16xi1>, vector<16xf32>, vector<16xi32>)
      %masked_sort3A_3990 = arith.constant dense<true> : vector<16xi1>
      %masked_sort3A_3991, %masked_sort3A_3992, %masked_sort3A_3993 = tpu.sort %select_n3A_3968, %get3A_3956 masked %masked_sort3A_3990 {descending = true} : (vector<16xf32>, vector<16xi32>, vector<16xi1>) -> (vector<16xi1>, vector<16xf32>, vector<16xi32>)
      %rev3A_3994 = arith.constant 15 : i32
      %rev3A_3995 = vector.broadcast %rev3A_3994 : i32 to vector<16xi32>
      %rev3A_3996 = tpu.iota {dimensions = array<i32: 0>} : vector<16xi32>
      %rev3A_3997 = arith.subi %rev3A_3995, %rev3A_3996 : vector<16xi32>
      %rev3A_3998 = tpu.dynamic_gather %masked_sort3A_3992[%rev3A_3997] in [0] : vector<16xf32>, vector<16xi32> -> vector<16xf32>
      %rev3A_3999 = arith.constant 15 : i32
      %rev3A_4000 = vector.broadcast %rev3A_3999 : i32 to vector<16xi32>
      %rev3A_4001 = tpu.iota {dimensions = array<i32: 0>} : vector<16xi32>
      %rev3A_4002 = arith.subi %rev3A_4000, %rev3A_4001 : vector<16xi32>
      %rev3A_4003 = tpu.dynamic_gather %masked_sort3A_3993[%rev3A_4002] in [0] : vector<16xi32>, vector<16xi32> -> vector<16xi32>
      %ge3A_4004 = arith.cmpf oge, %masked_sort3A_3947, %rev3A_3998 : vector<16xf32>
      %select_n3A_4005 = arith.select %ge3A_4004, %masked_sort3A_3947, %rev3A_3998 : vector<16xi1>, vector<16xf32>
      %select_n3A_4006 = arith.select %ge3A_4004, %masked_sort3A_3948, %rev3A_4003 : vector<16xi1>, vector<16xi32>
      %masked_sort3A_4007 = arith.constant dense<true> : vector<16xi1>
      %masked_sort3A_4008, %masked_sort3A_4009, %masked_sort3A_4010 = tpu.sort %select_n3A_4005, %select_n3A_4006 masked %masked_sort3A_4007 {descending = true} : (vector<16xf32>, vector<16xi32>, vector<16xi1>) -> (vector<16xi1>, vector<16xf32>, vector<16xi32>)
      %get3A_4011 = arith.constant 7 : i32
      %get3A_4012 = arith.index_cast %get3A_4011 : i32 to index
      %get3A_4013 = arith.constant 0 : index
      %get3A_4014 = tpu.vector_load %arg16[%get3A_4012, %get3A_4013] {strides = array<i32>} : memref<16x16xi32, #tpu.memory_space<vmem>>, vector<16xi32>,
      %get3A_4015 = arith.constant 7 : i32
      %get3A_4016 = arith.index_cast %get3A_4015 : i32 to index
      %get3A_4017 = arith.constant 0 : index
      %get3A_4018 = tpu.vector_load %arg17[%get3A_4016, %get3A_4017] {strides = array<i32>} : memref<16x16xi32, #tpu.memory_space<vmem>>, vector<16xi32>,
      %lt3A_4019 = arith.constant 100000 : i32
      %lt3A_4020 = vector.broadcast %lt3A_4019 : i32 to vector<16xi32>
      %lt3A_4021 = arith.cmpi slt, %get3A_4014, %lt3A_4020 : vector<16xi32>
      %jit3A_4022 = arith.constant -3.000000e+38 : f32
      %broadcast_in_dim3A_4023 = vector.broadcast %jit3A_4022 : f32 to vector<16xf32>
      %select_n3A_4024 = arith.select %lt3A_4021, %scan3A_3576#7, %broadcast_in_dim3A_4023 : vector<16xi1>, vector<16xf32>
      %lt3A_4025 = arith.constant 100000 : i32
      %lt3A_4026 = vector.broadcast %lt3A_4025 : i32 to vector<16xi32>
      %lt3A_4027 = arith.cmpi slt, %get3A_4018, %lt3A_4026 : vector<16xi32>
      %jit3A_4028 = arith.constant -3.000000e+38 : f32
      %broadcast_in_dim3A_4029 = vector.broadcast %jit3A_4028 : f32 to vector<16xf32>
      %select_n3A_4030 = arith.select %lt3A_4027, %scan3A_3576#17, %broadcast_in_dim3A_4029 : vector<16xi1>, vector<16xf32>
      %masked_sort3A_4031 = arith.constant dense<true> : vector<16xi1>
      %masked_sort3A_4032, %masked_sort3A_4033, %masked_sort3A_4034 = tpu.sort %select_n3A_4024, %get3A_4014 masked %masked_sort3A_4031 {descending = true} : (vector<16xf32>, vector<16xi32>, vector<16xi1>) -> (vector<16xi1>, vector<16xf32>, vector<16xi32>)
      %rev3A_4035 = arith.constant 15 : i32
      %rev3A_4036 = vector.broadcast %rev3A_4035 : i32 to vector<16xi32>
      %rev3A_4037 = tpu.iota {dimensions = array<i32: 0>} : vector<16xi32>
      %rev3A_4038 = arith.subi %rev3A_4036, %rev3A_4037 : vector<16xi32>
      %rev3A_4039 = tpu.dynamic_gather %masked_sort3A_4033[%rev3A_4038] in [0] : vector<16xf32>, vector<16xi32> -> vector<16xf32>
      %rev3A_4040 = arith.constant 15 : i32
      %rev3A_4041 = vector.broadcast %rev3A_4040 : i32 to vector<16xi32>
      %rev3A_4042 = tpu.iota {dimensions = array<i32: 0>} : vector<16xi32>
      %rev3A_4043 = arith.subi %rev3A_4041, %rev3A_4042 : vector<16xi32>
      %rev3A_4044 = tpu.dynamic_gather %masked_sort3A_4034[%rev3A_4043] in [0] : vector<16xi32>, vector<16xi32> -> vector<16xi32>
      %ge3A_4045 = arith.cmpf oge, %masked_sort3A_3988, %rev3A_4039 : vector<16xf32>
      %select_n3A_4046 = arith.select %ge3A_4045, %masked_sort3A_3988, %rev3A_4039 : vector<16xi1>, vector<16xf32>
      %select_n3A_4047 = arith.select %ge3A_4045, %masked_sort3A_3989, %rev3A_4044 : vector<16xi1>, vector<16xi32>
      %masked_sort3A_4048 = arith.constant dense<true> : vector<16xi1>
      %masked_sort3A_4049, %masked_sort3A_4050, %masked_sort3A_4051 = tpu.sort %select_n3A_4046, %select_n3A_4047 masked %masked_sort3A_4048 {descending = true} : (vector<16xf32>, vector<16xi32>, vector<16xi1>) -> (vector<16xi1>, vector<16xf32>, vector<16xi32>)
      %masked_sort3A_4052 = arith.constant dense<true> : vector<16xi1>
      %masked_sort3A_4053, %masked_sort3A_4054, %masked_sort3A_4055 = tpu.sort %select_n3A_4030, %get3A_4018 masked %masked_sort3A_4052 {descending = true} : (vector<16xf32>, vector<16xi32>, vector<16xi1>) -> (vector<16xi1>, vector<16xf32>, vector<16xi32>)
      %rev3A_4056 = arith.constant 15 : i32
      %rev3A_4057 = vector.broadcast %rev3A_4056 : i32 to vector<16xi32>
      %rev3A_4058 = tpu.iota {dimensions = array<i32: 0>} : vector<16xi32>
      %rev3A_4059 = arith.subi %rev3A_4057, %rev3A_4058 : vector<16xi32>
      %rev3A_4060 = tpu.dynamic_gather %masked_sort3A_4054[%rev3A_4059] in [0] : vector<16xf32>, vector<16xi32> -> vector<16xf32>
      %rev3A_4061 = arith.constant 15 : i32
      %rev3A_4062 = vector.broadcast %rev3A_4061 : i32 to vector<16xi32>
      %rev3A_4063 = tpu.iota {dimensions = array<i32: 0>} : vector<16xi32>
      %rev3A_4064 = arith.subi %rev3A_4062, %rev3A_4063 : vector<16xi32>
      %rev3A_4065 = tpu.dynamic_gather %masked_sort3A_4055[%rev3A_4064] in [0] : vector<16xi32>, vector<16xi32> -> vector<16xi32>
      %ge3A_4066 = arith.cmpf oge, %masked_sort3A_4009, %rev3A_4060 : vector<16xf32>
      %select_n3A_4067 = arith.select %ge3A_4066, %masked_sort3A_4009, %rev3A_4060 : vector<16xi1>, vector<16xf32>
      %select_n3A_4068 = arith.select %ge3A_4066, %masked_sort3A_4010, %rev3A_4065 : vector<16xi1>, vector<16xi32>
      %masked_sort3A_4069 = arith.constant dense<true> : vector<16xi1>
      %masked_sort3A_4070, %masked_sort3A_4071, %masked_sort3A_4072 = tpu.sort %select_n3A_4067, %select_n3A_4068 masked %masked_sort3A_4069 {descending = true} : (vector<16xf32>, vector<16xi32>, vector<16xi1>) -> (vector<16xi1>, vector<16xf32>, vector<16xi32>)
      %get3A_4073 = arith.constant 8 : i32
      %get3A_4074 = arith.index_cast %get3A_4073 : i32 to index
      %get3A_4075 = arith.constant 0 : index
      %get3A_4076 = tpu.vector_load %arg16[%get3A_4074, %get3A_4075] {strides = array<i32>} : memref<16x16xi32, #tpu.memory_space<vmem>>, vector<16xi32>,
      %get3A_4077 = arith.constant 8 : i32
      %get3A_4078 = arith.index_cast %get3A_4077 : i32 to index
      %get3A_4079 = arith.constant 0 : index
      %get3A_4080 = tpu.vector_load %arg17[%get3A_4078, %get3A_4079] {strides = array<i32>} : memref<16x16xi32, #tpu.memory_space<vmem>>, vector<16xi32>,
      %lt3A_4081 = arith.constant 100000 : i32
      %lt3A_4082 = vector.broadcast %lt3A_4081 : i32 to vector<16xi32>
      %lt3A_4083 = arith.cmpi slt, %get3A_4076, %lt3A_4082 : vector<16xi32>
      %jit3A_4084 = arith.constant -3.000000e+38 : f32
      %broadcast_in_dim3A_4085 = vector.broadcast %jit3A_4084 : f32 to vector<16xf32>
      %select_n3A_4086 = arith.select %lt3A_4083, %scan3A_3576#8, %broadcast_in_dim3A_4085 : vector<16xi1>, vector<16xf32>
      %lt3A_4087 = arith.constant 100000 : i32
      %lt3A_4088 = vector.broadcast %lt3A_4087 : i32 to vector<16xi32>
      %lt3A_4089 = arith.cmpi slt, %get3A_4080, %lt3A_4088 : vector<16xi32>
      %jit3A_4090 = arith.constant -3.000000e+38 : f32
      %broadcast_in_dim3A_4091 = vector.broadcast %jit3A_4090 : f32 to vector<16xf32>
      %select_n3A_4092 = arith.select %lt3A_4089, %scan3A_3576#18, %broadcast_in_dim3A_4091 : vector<16xi1>, vector<16xf32>
      %masked_sort3A_4093 = arith.constant dense<true> : vector<16xi1>
      %masked_sort3A_4094, %masked_sort3A_4095, %masked_sort3A_4096 = tpu.sort %select_n3A_4086, %get3A_4076 masked %masked_sort3A_4093 {descending = true} : (vector<16xf32>, vector<16xi32>, vector<16xi1>) -> (vector<16xi1>, vector<16xf32>, vector<16xi32>)
      %rev3A_4097 = arith.constant 15 : i32
      %rev3A_4098 = vector.broadcast %rev3A_4097 : i32 to vector<16xi32>
      %rev3A_4099 = tpu.iota {dimensions = array<i32: 0>} : vector<16xi32>
      %rev3A_4100 = arith.subi %rev3A_4098, %rev3A_4099 : vector<16xi32>
      %rev3A_4101 = tpu.dynamic_gather %masked_sort3A_4095[%rev3A_4100] in [0] : vector<16xf32>, vector<16xi32> -> vector<16xf32>
      %rev3A_4102 = arith.constant 15 : i32
      %rev3A_4103 = vector.broadcast %rev3A_4102 : i32 to vector<16xi32>
      %rev3A_4104 = tpu.iota {dimensions = array<i32: 0>} : vector<16xi32>
      %rev3A_4105 = arith.subi %rev3A_4103, %rev3A_4104 : vector<16xi32>
      %rev3A_4106 = tpu.dynamic_gather %masked_sort3A_4096[%rev3A_4105] in [0] : vector<16xi32>, vector<16xi32> -> vector<16xi32>
      %ge3A_4107 = arith.cmpf oge, %masked_sort3A_4050, %rev3A_4101 : vector<16xf32>
      %select_n3A_4108 = arith.select %ge3A_4107, %masked_sort3A_4050, %rev3A_4101 : vector<16xi1>, vector<16xf32>
      %select_n3A_4109 = arith.select %ge3A_4107, %masked_sort3A_4051, %rev3A_4106 : vector<16xi1>, vector<16xi32>
      %masked_sort3A_4110 = arith.constant dense<true> : vector<16xi1>
      %masked_sort3A_4111, %masked_sort3A_4112, %masked_sort3A_4113 = tpu.sort %select_n3A_4108, %select_n3A_4109 masked %masked_sort3A_4110 {descending = true} : (vector<16xf32>, vector<16xi32>, vector<16xi1>) -> (vector<16xi1>, vector<16xf32>, vector<16xi32>)
      %masked_sort3A_4114 = arith.constant dense<true> : vector<16xi1>
      %masked_sort3A_4115, %masked_sort3A_4116, %masked_sort3A_4117 = tpu.sort %select_n3A_4092, %get3A_4080 masked %masked_sort3A_4114 {descending = true} : (vector<16xf32>, vector<16xi32>, vector<16xi1>) -> (vector<16xi1>, vector<16xf32>, vector<16xi32>)
      %rev3A_4118 = arith.constant 15 : i32
      %rev3A_4119 = vector.broadcast %rev3A_4118 : i32 to vector<16xi32>
      %rev3A_4120 = tpu.iota {dimensions = array<i32: 0>} : vector<16xi32>
      %rev3A_4121 = arith.subi %rev3A_4119, %rev3A_4120 : vector<16xi32>
      %rev3A_4122 = tpu.dynamic_gather %masked_sort3A_4116[%rev3A_4121] in [0] : vector<16xf32>, vector<16xi32> -> vector<16xf32>
      %rev3A_4123 = arith.constant 15 : i32
      %rev3A_4124 = vector.broadcast %rev3A_4123 : i32 to vector<16xi32>
      %rev3A_4125 = tpu.iota {dimensions = array<i32: 0>} : vector<16xi32>
      %rev3A_4126 = arith.subi %rev3A_4124, %rev3A_4125 : vector<16xi32>
      %rev3A_4127 = tpu.dynamic_gather %masked_sort3A_4117[%rev3A_4126] in [0] : vector<16xi32>, vector<16xi32> -> vector<16xi32>
      %ge3A_4128 = arith.cmpf oge, %masked_sort3A_4071, %rev3A_4122 : vector<16xf32>
      %select_n3A_4129 = arith.select %ge3A_4128, %masked_sort3A_4071, %rev3A_4122 : vector<16xi1>, vector<16xf32>
      %select_n3A_4130 = arith.select %ge3A_4128, %masked_sort3A_4072, %rev3A_4127 : vector<16xi1>, vector<16xi32>
      %masked_sort3A_4131 = arith.constant dense<true> : vector<16xi1>
      %masked_sort3A_4132, %masked_sort3A_4133, %masked_sort3A_4134 = tpu.sort %select_n3A_4129, %select_n3A_4130 masked %masked_sort3A_4131 {descending = true} : (vector<16xf32>, vector<16xi32>, vector<16xi1>) -> (vector<16xi1>, vector<16xf32>, vector<16xi32>)
      %get3A_4135 = arith.constant 9 : i32
      %get3A_4136 = arith.index_cast %get3A_4135 : i32 to index
      %get3A_4137 = arith.constant 0 : index
      %get3A_4138 = tpu.vector_load %arg16[%get3A_4136, %get3A_4137] {strides = array<i32>} : memref<16x16xi32, #tpu.memory_space<vmem>>, vector<16xi32>,
      %get3A_4139 = arith.constant 9 : i32
      %get3A_4140 = arith.index_cast %get3A_4139 : i32 to index
      %get3A_4141 = arith.constant 0 : index
      %get3A_4142 = tpu.vector_load %arg17[%get3A_4140, %get3A_4141] {strides = array<i32>} : memref<16x16xi32, #tpu.memory_space<vmem>>, vector<16xi32>,
      %lt3A_4143 = arith.constant 100000 : i32
      %lt3A_4144 = vector.broadcast %lt3A_4143 : i32 to vector<16xi32>
      %lt3A_4145 = arith.cmpi slt, %get3A_4138, %lt3A_4144 : vector<16xi32>
      %jit3A_4146 = arith.constant -3.000000e+38 : f32
      %broadcast_in_dim3A_4147 = vector.broadcast %jit3A_4146 : f32 to vector<16xf32>
      %select_n3A_4148 = arith.select %lt3A_4145, %scan3A_3576#9, %broadcast_in_dim3A_4147 : vector<16xi1>, vector<16xf32>
      %lt3A_4149 = arith.constant 100000 : i32
      %lt3A_4150 = vector.broadcast %lt3A_4149 : i32 to vector<16xi32>
      %lt3A_4151 = arith.cmpi slt, %get3A_4142, %lt3A_4150 : vector<16xi32>
      %jit3A_4152 = arith.constant -3.000000e+38 : f32
      %broadcast_in_dim3A_4153 = vector.broadcast %jit3A_4152 : f32 to vector<16xf32>
      %select_n3A_4154 = arith.select %lt3A_4151, %scan3A_3576#19, %broadcast_in_dim3A_4153 : vector<16xi1>, vector<16xf32>
      %masked_sort3A_4155 = arith.constant dense<true> : vector<16xi1>
      %masked_sort3A_4156, %masked_sort3A_4157, %masked_sort3A_4158 = tpu.sort %select_n3A_4148, %get3A_4138 masked %masked_sort3A_4155 {descending = true} : (vector<16xf32>, vector<16xi32>, vector<16xi1>) -> (vector<16xi1>, vector<16xf32>, vector<16xi32>)
      %rev3A_4159 = arith.constant 15 : i32
      %rev3A_4160 = vector.broadcast %rev3A_4159 : i32 to vector<16xi32>
      %rev3A_4161 = tpu.iota {dimensions = array<i32: 0>} : vector<16xi32>
      %rev3A_4162 = arith.subi %rev3A_4160, %rev3A_4161 : vector<16xi32>
      %rev3A_4163 = tpu.dynamic_gather %masked_sort3A_4157[%rev3A_4162] in [0] : vector<16xf32>, vector<16xi32> -> vector<16xf32>
      %rev3A_4164 = arith.constant 15 : i32
      %rev3A_4165 = vector.broadcast %rev3A_4164 : i32 to vector<16xi32>
      %rev3A_4166 = tpu.iota {dimensions = array<i32: 0>} : vector<16xi32>
      %rev3A_4167 = arith.subi %rev3A_4165, %rev3A_4166 : vector<16xi32>
      %rev3A_4168 = tpu.dynamic_gather %masked_sort3A_4158[%rev3A_4167] in [0] : vector<16xi32>, vector<16xi32> -> vector<16xi32>
      %ge3A_4169 = arith.cmpf oge, %masked_sort3A_4112, %rev3A_4163 : vector<16xf32>
      %select_n3A_4170 = arith.select %ge3A_4169, %masked_sort3A_4112, %rev3A_4163 : vector<16xi1>, vector<16xf32>
      %select_n3A_4171 = arith.select %ge3A_4169, %masked_sort3A_4113, %rev3A_4168 : vector<16xi1>, vector<16xi32>
      %masked_sort3A_4172 = arith.constant dense<true> : vector<16xi1>
      %masked_sort3A_4173, %masked_sort3A_4174, %masked_sort3A_4175 = tpu.sort %select_n3A_4170, %select_n3A_4171 masked %masked_sort3A_4172 {descending = true} : (vector<16xf32>, vector<16xi32>, vector<16xi1>) -> (vector<16xi1>, vector<16xf32>, vector<16xi32>)
      %masked_sort3A_4176 = arith.constant dense<true> : vector<16xi1>
      %masked_sort3A_4177, %masked_sort3A_4178, %masked_sort3A_4179 = tpu.sort %select_n3A_4154, %get3A_4142 masked %masked_sort3A_4176 {descending = true} : (vector<16xf32>, vector<16xi32>, vector<16xi1>) -> (vector<16xi1>, vector<16xf32>, vector<16xi32>)
      %rev3A_4180 = arith.constant 15 : i32
      %rev3A_4181 = vector.broadcast %rev3A_4180 : i32 to vector<16xi32>
      %rev3A_4182 = tpu.iota {dimensions = array<i32: 0>} : vector<16xi32>
      %rev3A_4183 = arith.subi %rev3A_4181, %rev3A_4182 : vector<16xi32>
      %rev3A_4184 = tpu.dynamic_gather %masked_sort3A_4178[%rev3A_4183] in [0] : vector<16xf32>, vector<16xi32> -> vector<16xf32>
      %rev3A_4185 = arith.constant 15 : i32
      %rev3A_4186 = vector.broadcast %rev3A_4185 : i32 to vector<16xi32>
      %rev3A_4187 = tpu.iota {dimensions = array<i32: 0>} : vector<16xi32>
      %rev3A_4188 = arith.subi %rev3A_4186, %rev3A_4187 : vector<16xi32>
      %rev3A_4189 = tpu.dynamic_gather %masked_sort3A_4179[%rev3A_4188] in [0] : vector<16xi32>, vector<16xi32> -> vector<16xi32>
      %ge3A_4190 = arith.cmpf oge, %masked_sort3A_4133, %rev3A_4184 : vector<16xf32>
      %select_n3A_4191 = arith.select %ge3A_4190, %masked_sort3A_4133, %rev3A_4184 : vector<16xi1>, vector<16xf32>
      %select_n3A_4192 = arith.select %ge3A_4190, %masked_sort3A_4134, %rev3A_4189 : vector<16xi1>, vector<16xi32>
      %masked_sort3A_4193 = arith.constant dense<true> : vector<16xi1>
      %masked_sort3A_4194, %masked_sort3A_4195, %masked_sort3A_4196 = tpu.sort %select_n3A_4191, %select_n3A_4192 masked %masked_sort3A_4193 {descending = true} : (vector<16xf32>, vector<16xi32>, vector<16xi1>) -> (vector<16xi1>, vector<16xf32>, vector<16xi32>)
      %swap3A_4197 = arith.constant 0 : index
      %swap3A_4198 = tpu.vector_load %arg22[%swap3A_4197] {strides = array<i32>} : memref<16xf32, #tpu.memory_space<vmem>>, vector<16xf32>,
      tpu.vector_store %arg22[%swap3A_4197], %masked_sort3A_4174 {strides = array<i32>} : memref<16xf32, #tpu.memory_space<vmem>>, vector<16xf32>,
      %swap3A_4199 = arith.constant 0 : index
      %swap3A_4200 = tpu.vector_load %arg23[%swap3A_4199] {strides = array<i32>} : memref<16xi32, #tpu.memory_space<vmem>>, vector<16xi32>,
      tpu.vector_store %arg23[%swap3A_4199], %masked_sort3A_4175 {strides = array<i32>} : memref<16xi32, #tpu.memory_space<vmem>>, vector<16xi32>,
      "tpu.region"() ({
        %run_scoped3A = tpu.sem_alloc : memref<!tpu.dma_semaphore, #tpu.memory_space<semaphore_mem>>
        %dma_start3A_4205 = arith.constant 0 : i32
        %dma_start3A_4206 = tpu.memref_slice %arg6[%add3A_14, %dma_start3A_4205] : memref<1024x16xf32, #tpu.memory_space<hbm>> -> memref<1x16xf32, #tpu.memory_space<hbm>>
        %dma_start3A_4207 = tpu.memref_squeeze %dma_start3A_4206 : memref<1x16xf32, #tpu.memory_space<hbm>> -> memref<16xf32, #tpu.memory_space<hbm>>
        %dma_start3A_4208 = arith.constant 0 : i32
        %dma_start3A_4209 = tpu.memref_slice %arg6[%add3A_14, %dma_start3A_4208] : memref<1024x16xf32, #tpu.memory_space<hbm>> -> memref<1x16xf32, #tpu.memory_space<hbm>>
        %dma_start3A_4210 = tpu.memref_squeeze %dma_start3A_4209 : memref<1x16xf32, #tpu.memory_space<hbm>> -> memref<16xf32, #tpu.memory_space<hbm>>
        tpu.enqueue_dma source(%arg22 : memref<16xf32, #tpu.memory_space<vmem>>) target(%dma_start3A_4210 : memref<16xf32, #tpu.memory_space<hbm>>) target_semaphore(%run_scoped3A : memref<!tpu.dma_semaphore, #tpu.memory_space<semaphore_mem>>)
        %dma_wait3A_4211 = arith.constant 0 : i32
        %dma_wait3A_4212 = tpu.memref_slice %arg6[%add3A_14, %dma_wait3A_4211] : memref<1024x16xf32, #tpu.memory_space<hbm>> -> memref<1x16xf32, #tpu.memory_space<hbm>>
        %dma_wait3A_4213 = tpu.memref_squeeze %dma_wait3A_4212 : memref<1x16xf32, #tpu.memory_space<hbm>> -> memref<16xf32, #tpu.memory_space<hbm>>
        %dma_wait3A_4214 = arith.constant 0 : i32
        %dma_wait3A_4215 = tpu.memref_slice %arg6[%add3A_14, %dma_wait3A_4214] : memref<1024x16xf32, #tpu.memory_space<hbm>> -> memref<1x16xf32, #tpu.memory_space<hbm>>
        %dma_wait3A_4216 = tpu.memref_squeeze %dma_wait3A_4215 : memref<1x16xf32, #tpu.memory_space<hbm>> -> memref<16xf32, #tpu.memory_space<hbm>>
        tpu.wait_dma2 semaphore(%run_scoped3A : memref<!tpu.dma_semaphore, #tpu.memory_space<semaphore_mem>>) src(%arg22 : memref<16xf32, #tpu.memory_space<vmem>>) dst(%dma_wait3A_4216 : memref<16xf32, #tpu.memory_space<hbm>>)
        tpu.yield
      }) : () -> ()
      "tpu.region"() ({
        %run_scoped3A = tpu.sem_alloc : memref<!tpu.dma_semaphore, #tpu.memory_space<semaphore_mem>>
        %dma_start3A_4205 = arith.constant 0 : i32
        %dma_start3A_4206 = tpu.memref_slice %arg7[%add3A_14, %dma_start3A_4205] : memref<1024x16xi32, #tpu.memory_space<hbm>> -> memref<1x16xi32, #tpu.memory_space<hbm>>
        %dma_start3A_4207 = tpu.memref_squeeze %dma_start3A_4206 : memref<1x16xi32, #tpu.memory_space<hbm>> -> memref<16xi32, #tpu.memory_space<hbm>>
        %dma_start3A_4208 = arith.constant 0 : i32
        %dma_start3A_4209 = tpu.memref_slice %arg7[%add3A_14, %dma_start3A_4208] : memref<1024x16xi32, #tpu.memory_space<hbm>> -> memref<1x16xi32, #tpu.memory_space<hbm>>
        %dma_start3A_4210 = tpu.memref_squeeze %dma_start3A_4209 : memref<1x16xi32, #tpu.memory_space<hbm>> -> memref<16xi32, #tpu.memory_space<hbm>>
        tpu.enqueue_dma source(%arg23 : memref<16xi32, #tpu.memory_space<vmem>>) target(%dma_start3A_4210 : memref<16xi32, #tpu.memory_space<hbm>>) target_semaphore(%run_scoped3A : memref<!tpu.dma_semaphore, #tpu.memory_space<semaphore_mem>>)
        %dma_wait3A_4211 = arith.constant 0 : i32
        %dma_wait3A_4212 = tpu.memref_slice %arg7[%add3A_14, %dma_wait3A_4211] : memref<1024x16xi32, #tpu.memory_space<hbm>> -> memref<1x16xi32, #tpu.memory_space<hbm>>
        %dma_wait3A_4213 = tpu.memref_squeeze %dma_wait3A_4212 : memref<1x16xi32, #tpu.memory_space<hbm>> -> memref<16xi32, #tpu.memory_space<hbm>>
        %dma_wait3A_4214 = arith.constant 0 : i32
        %dma_wait3A_4215 = tpu.memref_slice %arg7[%add3A_14, %dma_wait3A_4214] : memref<1024x16xi32, #tpu.memory_space<hbm>> -> memref<1x16xi32, #tpu.memory_space<hbm>>
        %dma_wait3A_4216 = tpu.memref_squeeze %dma_wait3A_4215 : memref<1x16xi32, #tpu.memory_space<hbm>> -> memref<16xi32, #tpu.memory_space<hbm>>
        tpu.wait_dma2 semaphore(%run_scoped3A : memref<!tpu.dma_semaphore, #tpu.memory_space<semaphore_mem>>) src(%arg23 : memref<16xi32, #tpu.memory_space<vmem>>) dst(%dma_wait3A_4216 : memref<16xi32, #tpu.memory_space<hbm>>)
        tpu.yield
      }) : () -> ()
      %swap3A_4201 = arith.constant 0 : index
      %swap3A_4202 = tpu.vector_load %arg22[%swap3A_4201] {strides = array<i32>} : memref<16xf32, #tpu.memory_space<vmem>>, vector<16xf32>,
      tpu.vector_store %arg22[%swap3A_4201], %masked_sort3A_4195 {strides = array<i32>} : memref<16xf32, #tpu.memory_space<vmem>>, vector<16xf32>,
      %swap3A_4203 = arith.constant 0 : index
      %swap3A_4204 = tpu.vector_load %arg23[%swap3A_4203] {strides = array<i32>} : memref<16xi32, #tpu.memory_space<vmem>>, vector<16xi32>,
      tpu.vector_store %arg23[%swap3A_4203], %masked_sort3A_4196 {strides = array<i32>} : memref<16xi32, #tpu.memory_space<vmem>>, vector<16xi32>,
      "tpu.region"() ({
        %run_scoped3A = tpu.sem_alloc : memref<!tpu.dma_semaphore, #tpu.memory_space<semaphore_mem>>
        %dma_start3A_4205 = arith.constant 0 : i32
        %dma_start3A_4206 = tpu.memref_slice %arg6[%add3A_15, %dma_start3A_4205] : memref<1024x16xf32, #tpu.memory_space<hbm>> -> memref<1x16xf32, #tpu.memory_space<hbm>>
        %dma_start3A_4207 = tpu.memref_squeeze %dma_start3A_4206 : memref<1x16xf32, #tpu.memory_space<hbm>> -> memref<16xf32, #tpu.memory_space<hbm>>
        %dma_start3A_4208 = arith.constant 0 : i32
        %dma_start3A_4209 = tpu.memref_slice %arg6[%add3A_15, %dma_start3A_4208] : memref<1024x16xf32, #tpu.memory_space<hbm>> -> memref<1x16xf32, #tpu.memory_space<hbm>>
        %dma_start3A_4210 = tpu.memref_squeeze %dma_start3A_4209 : memref<1x16xf32, #tpu.memory_space<hbm>> -> memref<16xf32, #tpu.memory_space<hbm>>
        tpu.enqueue_dma source(%arg22 : memref<16xf32, #tpu.memory_space<vmem>>) target(%dma_start3A_4210 : memref<16xf32, #tpu.memory_space<hbm>>) target_semaphore(%run_scoped3A : memref<!tpu.dma_semaphore, #tpu.memory_space<semaphore_mem>>)
        %dma_wait3A_4211 = arith.constant 0 : i32
        %dma_wait3A_4212 = tpu.memref_slice %arg6[%add3A_15, %dma_wait3A_4211] : memref<1024x16xf32, #tpu.memory_space<hbm>> -> memref<1x16xf32, #tpu.memory_space<hbm>>
        %dma_wait3A_4213 = tpu.memref_squeeze %dma_wait3A_4212 : memref<1x16xf32, #tpu.memory_space<hbm>> -> memref<16xf32, #tpu.memory_space<hbm>>
        %dma_wait3A_4214 = arith.constant 0 : i32
        %dma_wait3A_4215 = tpu.memref_slice %arg6[%add3A_15, %dma_wait3A_4214] : memref<1024x16xf32, #tpu.memory_space<hbm>> -> memref<1x16xf32, #tpu.memory_space<hbm>>
        %dma_wait3A_4216 = tpu.memref_squeeze %dma_wait3A_4215 : memref<1x16xf32, #tpu.memory_space<hbm>> -> memref<16xf32, #tpu.memory_space<hbm>>
        tpu.wait_dma2 semaphore(%run_scoped3A : memref<!tpu.dma_semaphore, #tpu.memory_space<semaphore_mem>>) src(%arg22 : memref<16xf32, #tpu.memory_space<vmem>>) dst(%dma_wait3A_4216 : memref<16xf32, #tpu.memory_space<hbm>>)
        tpu.yield
      }) : () -> ()
      "tpu.region"() ({
        %run_scoped3A = tpu.sem_alloc : memref<!tpu.dma_semaphore, #tpu.memory_space<semaphore_mem>>
        %dma_start3A_4205 = arith.constant 0 : i32
        %dma_start3A_4206 = tpu.memref_slice %arg7[%add3A_15, %dma_start3A_4205] : memref<1024x16xi32, #tpu.memory_space<hbm>> -> memref<1x16xi32, #tpu.memory_space<hbm>>
        %dma_start3A_4207 = tpu.memref_squeeze %dma_start3A_4206 : memref<1x16xi32, #tpu.memory_space<hbm>> -> memref<16xi32, #tpu.memory_space<hbm>>
        %dma_start3A_4208 = arith.constant 0 : i32
        %dma_start3A_4209 = tpu.memref_slice %arg7[%add3A_15, %dma_start3A_4208] : memref<1024x16xi32, #tpu.memory_space<hbm>> -> memref<1x16xi32, #tpu.memory_space<hbm>>
        %dma_start3A_4210 = tpu.memref_squeeze %dma_start3A_4209 : memref<1x16xi32, #tpu.memory_space<hbm>> -> memref<16xi32, #tpu.memory_space<hbm>>
        tpu.enqueue_dma source(%arg23 : memref<16xi32, #tpu.memory_space<vmem>>) target(%dma_start3A_4210 : memref<16xi32, #tpu.memory_space<hbm>>) target_semaphore(%run_scoped3A : memref<!tpu.dma_semaphore, #tpu.memory_space<semaphore_mem>>)
        %dma_wait3A_4211 = arith.constant 0 : i32
        %dma_wait3A_4212 = tpu.memref_slice %arg7[%add3A_15, %dma_wait3A_4211] : memref<1024x16xi32, #tpu.memory_space<hbm>> -> memref<1x16xi32, #tpu.memory_space<hbm>>
        %dma_wait3A_4213 = tpu.memref_squeeze %dma_wait3A_4212 : memref<1x16xi32, #tpu.memory_space<hbm>> -> memref<16xi32, #tpu.memory_space<hbm>>
        %dma_wait3A_4214 = arith.constant 0 : i32
        %dma_wait3A_4215 = tpu.memref_slice %arg7[%add3A_15, %dma_wait3A_4214] : memref<1024x16xi32, #tpu.memory_space<hbm>> -> memref<1x16xi32, #tpu.memory_space<hbm>>
        %dma_wait3A_4216 = tpu.memref_squeeze %dma_wait3A_4215 : memref<1x16xi32, #tpu.memory_space<hbm>> -> memref<16xi32, #tpu.memory_space<hbm>>
        tpu.wait_dma2 semaphore(%run_scoped3A : memref<!tpu.dma_semaphore, #tpu.memory_space<semaphore_mem>>) src(%arg23 : memref<16xi32, #tpu.memory_space<vmem>>) dst(%dma_wait3A_4216 : memref<16xi32, #tpu.memory_space<hbm>>)
        tpu.yield
      }) : () -> ()
    }
    %scan3A_10 = arith.constant 16 : i32
    return
  }
}

module attributes {stable_mosaic.version = 14 : i64} {
  func.func @_tc_body(%arg0: i32, %arg1: i32, %arg2: memref<256x64xbf16, #tpu.memory_space<vmem>>, %arg3: memref<32768x64xbf16, #tpu.memory_space<vmem>>, %arg4: memref<256x2048xf32, #tpu.memory_space<vmem>>, %arg5: memref<256x128xf32, #tpu.memory_space<vmem>>) attributes {dimension_semantics = [#tpu.dimension_semantics<arbitrary>, #tpu.dimension_semantics<arbitrary>], iteration_bounds = array<i64: 4, 4>, scalar_prefetch = 0 : i64, scratch_operands = 0 : i64, tpu.core_type = #tpu.core_type<tc>, window_params = [{transform_indices = @transform_0, window_bounds = array<i64: 256, 64>}, {transform_indices = @transform_1, window_bounds = array<i64: 32768, 64>}, {transform_indices = @transform_2, window_bounds = array<i64: 256, 2048>}, {transform_indices = @transform_3, window_bounds = array<i64: 256, 128>}]} {
    %get3A = arith.constant 0 : index
    %get3A_0 = arith.constant 0 : index
    %get3A_1 = vector.load %arg2[%get3A, %get3A_0] : memref<256x64xbf16, #tpu.memory_space<vmem>>, vector<256x64xbf16>
    %get3A_2 = arith.constant 0 : index
    %get3A_3 = arith.constant 0 : index
    %get3A_4 = vector.load %arg3[%get3A_2, %get3A_3] : memref<32768x64xbf16, #tpu.memory_space<vmem>>, vector<32768x64xbf16>
    %transpose3A = tpu.transpose %get3A_4, [1, 0] : vector<32768x64xbf16> -> vector<64x32768xbf16>
    %dot_general3A = arith.constant dense<0.000000e+00> : vector<256x32768xf32>
    %dot_general3A_5 = tpu.matmul %get3A_1, %transpose3A, %dot_general3A {dimension_numbers = #tpu.dot_dimension_numbers<[1], [0], [0], [1], [0, 0, 1, 1], [], []>, transpose_lhs_hint = false} : vector<256x64xbf16>, vector<64x32768xbf16>, vector<256x32768xf32> -> vector<256x32768xf32>
    %slice3A = vector.extract_strided_slice %dot_general3A_5 {offsets = [0, 0], sizes = [256, 2048], strides = [1, 1]} : vector<256x32768xf32> to vector<256x2048xf32>
    %slice3A_6 = vector.extract_strided_slice %dot_general3A_5 {offsets = [0, 2048], sizes = [256, 2048], strides = [1, 1]} : vector<256x32768xf32> to vector<256x2048xf32>
    %max3A = arith.maximumf %slice3A, %slice3A_6 : vector<256x2048xf32>
    %slice3A_7 = vector.extract_strided_slice %dot_general3A_5 {offsets = [0, 4096], sizes = [256, 2048], strides = [1, 1]} : vector<256x32768xf32> to vector<256x2048xf32>
    %max3A_8 = arith.maximumf %max3A, %slice3A_7 : vector<256x2048xf32>
    %slice3A_9 = vector.extract_strided_slice %dot_general3A_5 {offsets = [0, 6144], sizes = [256, 2048], strides = [1, 1]} : vector<256x32768xf32> to vector<256x2048xf32>
    %max3A_10 = arith.maximumf %max3A_8, %slice3A_9 : vector<256x2048xf32>
    %slice3A_11 = vector.extract_strided_slice %dot_general3A_5 {offsets = [0, 8192], sizes = [256, 2048], strides = [1, 1]} : vector<256x32768xf32> to vector<256x2048xf32>
    %max3A_12 = arith.maximumf %max3A_10, %slice3A_11 : vector<256x2048xf32>
    %slice3A_13 = vector.extract_strided_slice %dot_general3A_5 {offsets = [0, 10240], sizes = [256, 2048], strides = [1, 1]} : vector<256x32768xf32> to vector<256x2048xf32>
    %max3A_14 = arith.maximumf %max3A_12, %slice3A_13 : vector<256x2048xf32>
    %slice3A_15 = vector.extract_strided_slice %dot_general3A_5 {offsets = [0, 12288], sizes = [256, 2048], strides = [1, 1]} : vector<256x32768xf32> to vector<256x2048xf32>
    %max3A_16 = arith.maximumf %max3A_14, %slice3A_15 : vector<256x2048xf32>
    %slice3A_17 = vector.extract_strided_slice %dot_general3A_5 {offsets = [0, 14336], sizes = [256, 2048], strides = [1, 1]} : vector<256x32768xf32> to vector<256x2048xf32>
    %max3A_18 = arith.maximumf %max3A_16, %slice3A_17 : vector<256x2048xf32>
    %slice3A_19 = vector.extract_strided_slice %dot_general3A_5 {offsets = [0, 16384], sizes = [256, 2048], strides = [1, 1]} : vector<256x32768xf32> to vector<256x2048xf32>
    %max3A_20 = arith.maximumf %max3A_18, %slice3A_19 : vector<256x2048xf32>
    %slice3A_21 = vector.extract_strided_slice %dot_general3A_5 {offsets = [0, 18432], sizes = [256, 2048], strides = [1, 1]} : vector<256x32768xf32> to vector<256x2048xf32>
    %max3A_22 = arith.maximumf %max3A_20, %slice3A_21 : vector<256x2048xf32>
    %slice3A_23 = vector.extract_strided_slice %dot_general3A_5 {offsets = [0, 20480], sizes = [256, 2048], strides = [1, 1]} : vector<256x32768xf32> to vector<256x2048xf32>
    %max3A_24 = arith.maximumf %max3A_22, %slice3A_23 : vector<256x2048xf32>
    %slice3A_25 = vector.extract_strided_slice %dot_general3A_5 {offsets = [0, 22528], sizes = [256, 2048], strides = [1, 1]} : vector<256x32768xf32> to vector<256x2048xf32>
    %max3A_26 = arith.maximumf %max3A_24, %slice3A_25 : vector<256x2048xf32>
    %slice3A_27 = vector.extract_strided_slice %dot_general3A_5 {offsets = [0, 24576], sizes = [256, 2048], strides = [1, 1]} : vector<256x32768xf32> to vector<256x2048xf32>
    %max3A_28 = arith.maximumf %max3A_26, %slice3A_27 : vector<256x2048xf32>
    %slice3A_29 = vector.extract_strided_slice %dot_general3A_5 {offsets = [0, 26624], sizes = [256, 2048], strides = [1, 1]} : vector<256x32768xf32> to vector<256x2048xf32>
    %max3A_30 = arith.maximumf %max3A_28, %slice3A_29 : vector<256x2048xf32>
    %slice3A_31 = vector.extract_strided_slice %dot_general3A_5 {offsets = [0, 28672], sizes = [256, 2048], strides = [1, 1]} : vector<256x32768xf32> to vector<256x2048xf32>
    %max3A_32 = arith.maximumf %max3A_30, %slice3A_31 : vector<256x2048xf32>
    %slice3A_33 = vector.extract_strided_slice %dot_general3A_5 {offsets = [0, 30720], sizes = [256, 2048], strides = [1, 1]} : vector<256x32768xf32> to vector<256x2048xf32>
    %max3A_34 = arith.maximumf %max3A_32, %slice3A_33 : vector<256x2048xf32>
    %swap3A = arith.constant 0 : index
    %swap3A_35 = arith.constant 0 : index
    %swap3A_36 = vector.load %arg4[%swap3A, %swap3A_35] : memref<256x2048xf32, #tpu.memory_space<vmem>>, vector<256x2048xf32>
    tpu.vector_store %arg4[%swap3A, %swap3A_35], %max3A_34 {strides = array<i32>} : memref<256x2048xf32, #tpu.memory_space<vmem>>, vector<256x2048xf32>,
    %slice3A_37 = vector.extract_strided_slice %max3A_34 {offsets = [0, 0], sizes = [256, 128], strides = [1, 1]} : vector<256x2048xf32> to vector<256x128xf32>
    %slice3A_38 = vector.extract_strided_slice %max3A_34 {offsets = [0, 128], sizes = [256, 128], strides = [1, 1]} : vector<256x2048xf32> to vector<256x128xf32>
    %max3A_39 = arith.maximumf %slice3A_37, %slice3A_38 : vector<256x128xf32>
    %slice3A_40 = vector.extract_strided_slice %max3A_34 {offsets = [0, 256], sizes = [256, 128], strides = [1, 1]} : vector<256x2048xf32> to vector<256x128xf32>
    %max3A_41 = arith.maximumf %max3A_39, %slice3A_40 : vector<256x128xf32>
    %slice3A_42 = vector.extract_strided_slice %max3A_34 {offsets = [0, 384], sizes = [256, 128], strides = [1, 1]} : vector<256x2048xf32> to vector<256x128xf32>
    %max3A_43 = arith.maximumf %max3A_41, %slice3A_42 : vector<256x128xf32>
    %slice3A_44 = vector.extract_strided_slice %max3A_34 {offsets = [0, 512], sizes = [256, 128], strides = [1, 1]} : vector<256x2048xf32> to vector<256x128xf32>
    %max3A_45 = arith.maximumf %max3A_43, %slice3A_44 : vector<256x128xf32>
    %slice3A_46 = vector.extract_strided_slice %max3A_34 {offsets = [0, 640], sizes = [256, 128], strides = [1, 1]} : vector<256x2048xf32> to vector<256x128xf32>
    %max3A_47 = arith.maximumf %max3A_45, %slice3A_46 : vector<256x128xf32>
    %slice3A_48 = vector.extract_strided_slice %max3A_34 {offsets = [0, 768], sizes = [256, 128], strides = [1, 1]} : vector<256x2048xf32> to vector<256x128xf32>
    %max3A_49 = arith.maximumf %max3A_47, %slice3A_48 : vector<256x128xf32>
    %slice3A_50 = vector.extract_strided_slice %max3A_34 {offsets = [0, 896], sizes = [256, 128], strides = [1, 1]} : vector<256x2048xf32> to vector<256x128xf32>
    %max3A_51 = arith.maximumf %max3A_49, %slice3A_50 : vector<256x128xf32>
    %slice3A_52 = vector.extract_strided_slice %max3A_34 {offsets = [0, 1024], sizes = [256, 128], strides = [1, 1]} : vector<256x2048xf32> to vector<256x128xf32>
    %max3A_53 = arith.maximumf %max3A_51, %slice3A_52 : vector<256x128xf32>
    %slice3A_54 = vector.extract_strided_slice %max3A_34 {offsets = [0, 1152], sizes = [256, 128], strides = [1, 1]} : vector<256x2048xf32> to vector<256x128xf32>
    %max3A_55 = arith.maximumf %max3A_53, %slice3A_54 : vector<256x128xf32>
    %slice3A_56 = vector.extract_strided_slice %max3A_34 {offsets = [0, 1280], sizes = [256, 128], strides = [1, 1]} : vector<256x2048xf32> to vector<256x128xf32>
    %max3A_57 = arith.maximumf %max3A_55, %slice3A_56 : vector<256x128xf32>
    %slice3A_58 = vector.extract_strided_slice %max3A_34 {offsets = [0, 1408], sizes = [256, 128], strides = [1, 1]} : vector<256x2048xf32> to vector<256x128xf32>
    %max3A_59 = arith.maximumf %max3A_57, %slice3A_58 : vector<256x128xf32>
    %slice3A_60 = vector.extract_strided_slice %max3A_34 {offsets = [0, 1536], sizes = [256, 128], strides = [1, 1]} : vector<256x2048xf32> to vector<256x128xf32>
    %max3A_61 = arith.maximumf %max3A_59, %slice3A_60 : vector<256x128xf32>
    %slice3A_62 = vector.extract_strided_slice %max3A_34 {offsets = [0, 1664], sizes = [256, 128], strides = [1, 1]} : vector<256x2048xf32> to vector<256x128xf32>
    %max3A_63 = arith.maximumf %max3A_61, %slice3A_62 : vector<256x128xf32>
    %slice3A_64 = vector.extract_strided_slice %max3A_34 {offsets = [0, 1792], sizes = [256, 128], strides = [1, 1]} : vector<256x2048xf32> to vector<256x128xf32>
    %max3A_65 = arith.maximumf %max3A_63, %slice3A_64 : vector<256x128xf32>
    %slice3A_66 = vector.extract_strided_slice %max3A_34 {offsets = [0, 1920], sizes = [256, 128], strides = [1, 1]} : vector<256x2048xf32> to vector<256x128xf32>
    %max3A_67 = arith.maximumf %max3A_65, %slice3A_66 : vector<256x128xf32>
    %swap3A_68 = arith.constant 0 : index
    %swap3A_69 = arith.constant 0 : index
    %swap3A_70 = vector.load %arg5[%swap3A_68, %swap3A_69] : memref<256x128xf32, #tpu.memory_space<vmem>>, vector<256x128xf32>
    tpu.vector_store %arg5[%swap3A_68, %swap3A_69], %max3A_67 {strides = array<i32>} : memref<256x128xf32, #tpu.memory_space<vmem>>, vector<256x128xf32>,
    return
  }
  func.func @transform_0(%arg0: i32, %arg1: i32) -> (i32, i32) {
    %c0_i32 = arith.constant 0 : i32
    %c0_i32_0 = arith.constant 0 : i32
    return %arg0, %c0_i32 : i32, i32
  }
  func.func @transform_1(%arg0: i32, %arg1: i32) -> (i32, i32) {
    %c0_i32 = arith.constant 0 : i32
    %c0_i32_0 = arith.constant 0 : i32
    return %arg1, %c0_i32 : i32, i32
  }
  func.func @transform_2(%arg0: i32, %arg1: i32) -> (i32, i32) {
    %c0_i32 = arith.constant 0 : i32
    return %arg0, %arg1 : i32, i32
  }
  func.func @transform_3(%arg0: i32, %arg1: i32) -> (i32, i32) {
    %c0_i32 = arith.constant 0 : i32
    return %arg0, %arg1 : i32, i32
  }
}

</mosaic_0001>

<sc_bundles>
// kernel: kernel.4.cloned.1.call-start
scs
__scs_entry_jumppad:
0x0: {  	(pc) =	sbr.rel $0x88, $3  }
0x1: {  	(tag) =	ssettag $0x0;
	lr =	simm.s32 $0x1  }
0x2: {  	[smem:$0x3F9F] =	sst lr;
	_ =	strace $0xD0000000  }
0x3: {  	_ = 	snop  }
0x4: {  	_ = 	snop  }
0x5: {  	_ = 	snop  }
0x6: {  	_ = 	snop  }
0x7: {  	_ = 	snop  }
__scs_overlays_trampoline_lowered:
0x8: {  	[smem:$0x3FAE] =	sst s0  }
0x9: {  	[smem:$0x3FAF] =	sst s1  }
0xa: {  	[smem:$0x3FB0] =	sst s2  }
0xb: {  	[smem:$0x3FB1] =	sst s3  }
0xc: {  	[smem:$0x3FB2] =	sst s4  }
0xd: {  	[smem:$0x3FB3] =	sst s5  }
0xe: {  	[smem:$0x3FB4] =	sst s6  }
0xf: {  	[smem:$0x3FB5] =	sst s7  }
0x10: {  	[smem:$0x3FB6] =	sst s8  }
0x11: {  	[smem:$0x3FB7] =	sst s9;
	s0 =	simm.s32 @!p0 $0x0  }
0x12: {  	s1 =	sld [smem:$0x3F9D];
	s0 =	simm.s32 @p0 $0x1  }
0x13: {  	[smem:$0x3FB8] =	sst s0;
	s0 =	simm.s32 @!p1 $0x0  }
0x14: {  	s2 =	sld [smem:$0x3F9C];
	s0 =	simm.s32 @p1 $0x1  }
0x15: {  	[smem:$0x3FB9] =	sst s0;
	s0 =	simm.s32 @!p2 $0x0  }
0x16: {  	s3 =	sld [smem:$0x3FDB];
	s0 =	simm.s32 @p2 $0x1  }
0x17: {  	s4 =	simm.s32 $0x1BF5;
	[smem:$0x3FBB] =	sst s0  }
0x18: {  	s0 =	sld [smem:$0x3F9E];
	_ =	swait.ge [sflag:s4], $0x0  }
0x19: {  	s7 =	sld [smem:$0x3F9F]  }
0x1a: {  	s8 =	sadd.s32 $0xFFFFE003, lr  }
0x1b: {  	s9 =	sadd.s32 $0xFFFFFEF7, lr;
	s5 =	simm.s32 $0xFFFFFFFF;
	p2 =	slt.u32 s8, $0xFFFFF086  }
0x1c: {  	p1 =	slt.u32 s9, $0xF7A;
	s5 =	simm.s32 @!p2 $0x0  }
0x1d: {  	s5 =	simm.s32 @p1 $0x1;
	p0 =	seq.s32 s7, s2  }
0x1e: {  	s7 =	smul.u32 @!p0 $0xF7A, s2;
	p2 =	seq.s32 @!p0 s5, $0x0  }
0x1f: {  	s9 =	smul.u32 $0xF7A, s1;
	s8 =	simm.s32 @!p0 $0x1BF5;
	p2 =	por !p2, p0  }
0x20: {  	[sflag:s8] =	ssyncset.s32 @!p0 $0xFFFFF086;
	s6 =	sadd.s32 @!p0 s3, s7;
	s7 =	simm.s32 @!p0 $0x108  }
0x21: {  	s3 =	sadd.s32 s3, s9;
	s6 =	sadd.s32 @!p0 $0x88, s6;
	s7 =	simm.s32 @p2 $0x1082  }
0x22: {  	[simem:s7], [sflag:s8] =	dma.local @!p0 [hbm:s6], $0xF7A  }
0x23: {  	s9 =	sor.u32 $0xD0000000, s2;
	s6 =	simm.s32 $0x108;
	_ =	swait.ge @!p0 [sflag:s8], $0x0  }
0x24: {  	s3 =	sadd.s32 $0x88, s3;
	s6 =	simm.s32 @!p1 $0x1082;
	[sflag:s4] =	ssyncset.s32 $0xFFFFF086  }
0x25: {  	[simem:s6], [sflag:s4] =	dma.local [hbm:s3], $0xF7A  }
0x26: {  	[smem:$0x3F9F] =	sst s1;
	(tag) =	ssettag s2;
	_ =	strace s9  }
0x27: {  	s1 =	sld [smem:$0x3FAF]  }
0x28: {  	s2 =	sld [smem:$0x3FB0]  }
0x29: {  	s4 =	sld [smem:$0x3FB2]  }
0x2a: {  	p0 =	seq.s32 s5, $0x0;
	s5 =	sld [smem:$0x3FB3]  }
0x2b: {  	s6 =	sld [smem:$0x3FB4]  }
0x2c: {  	s7 =	sld [smem:$0x3FB5]  }
0x2d: {  	s3 =	simm.s32 $0x108;
	s8 =	sld [smem:$0x3FB6]  }
0x2e: {  	s3 =	simm.s32 @!p0 $0x1082;
	s9 =	sld [smem:$0x3FB7]  }
0x2f: {  	lr =	sadd.s32 s0, s3;
	s0 =	sld [smem:$0x3FAE]  }
0x30: {  	s3 =	sld [smem:$0x3FB1]  }
0x31: {  	[smem:$0x3FBA] =	sst s10  }
0x32: {  	s10 =	sld [smem:$0x3FB8];
	_ =	sdelay $0x3  }
0x33: {  	p0 =	seq.s32 s10, $0x1;
	s10 =	sld [smem:$0x3FBA];
	_ =	sdelay $0x3  }
0x34: {  	[smem:$0x3FBA] =	sst s10  }
0x35: {  	s10 =	sld [smem:$0x3FB9];
	_ =	sdelay $0x3  }
0x36: {  	p1 =	seq.s32 s10, $0x1;
	s10 =	sld [smem:$0x3FBA];
	_ =	sdelay $0x3  }
0x37: {  	[smem:$0x3FBA] =	sst s10  }
0x38: {  	s10 =	sld [smem:$0x3FBB]  }
0x39: {  	_ = 	snop;
	(pc) =	sbr.ind lr, $3  }
0x3a: {  	_ = 	snop  }
0x3b: {  	_ = 	snop  }
0x3c: {  	p2 =	seq.s32 s10, $0x1;
	s10 =	sld [smem:$0x3FBA]  }
0x3d: {  	_ =	shalt  }
0x3e: {  	_ =	shalt  }
0x3f: {  	_ =	shalt  }
0x40: {  	_ =	shalt  }
0x41: {  	_ =	shalt  }
0x42: {  	_ =	shalt  }
0x43: {  	_ =	shalt  }
0x44: {  	_ =	shalt  }
0x45: {  	_ =	shalt  }
0x46: {  	_ =	shalt  }
0x47: {  	_ =	shalt  }
0x48: {  	_ =	shalt  }
0x49: {  	_ =	shalt  }
0x4a: {  	_ =	shalt  }
0x4b: {  	_ =	shalt  }
0x4c: {  	_ =	shalt  }
0x4d: {  	_ =	shalt  }
0x4e: {  	_ =	shalt  }
0x4f: {  	_ =	shalt  }
0x50: {  	_ =	shalt  }
0x51: {  	_ =	shalt  }
0x52: {  	_ =	shalt  }
0x53: {  	_ =	shalt  }
0x54: {  	_ =	shalt  }
0x55: {  	_ =	shalt  }
0x56: {  	_ =	shalt  }
0x57: {  	_ =	shalt  }
0x58: {  	_ =	shalt  }
0x59: {  	_ =	shalt  }
0x5a: {  	_ =	shalt  }
0x5b: {  	_ =	shalt  }
0x5c: {  	_ =	shalt  }
0x5d: {  	_ =	shalt  }
0x5e: {  	_ =	shalt  }
0x5f: {  	_ =	shalt  }
0x60: {  	_ =	shalt  }
0x61: {  	_ =	shalt  }
0x62: {  	_ =	shalt  }
0x63: {  	_ =	shalt  }
0x64: {  	_ =	shalt  }
0x65: {  	_ =	shalt  }
0x66: {  	_ =	shalt  }
0x67: {  	_ =	shalt  }
0x68: {  	_ =	shalt  }
0x69: {  	_ =	shalt  }
0x6a: {  	_ =	shalt  }
0x6b: {  	_ =	shalt  }
0x6c: {  	_ =	shalt  }
0x6d: {  	_ =	shalt  }
0x6e: {  	_ =	shalt  }
0x6f: {  	_ =	shalt  }
0x70: {  	_ =	shalt  }
0x71: {  	_ =	shalt  }
0x72: {  	_ =	shalt  }
0x73: {  	_ =	shalt  }
0x74: {  	_ =	shalt  }
0x75: {  	_ =	shalt  }
0x76: {  	_ =	shalt  }
0x77: {  	_ =	shalt  }
0x78: {  	_ =	shalt  }
0x79: {  	_ =	shalt  }
0x7a: {  	_ =	shalt  }
0x7b: {  	_ =	shalt  }
0x7c: {  	_ =	shalt  }
0x7d: {  	_ =	shalt  }
0x7e: {  	_ =	shalt  }
0x7f: {  	_ =	shalt  }
0x80: {  	_ =	shalt  }
0x81: {  	_ =	shalt  }
0x82: {  	_ =	shalt  }
0x83: {  	_ =	shalt  }
0x84: {  	_ =	shalt  }
0x85: {  	_ =	shalt  }
0x86: {  	_ =	shalt  }
0x87: {  	_ =	shalt  }
.Lfunc_end0:
.L_simem_size_0:
called_computation.1_lowered:
.L_overlay_start_0:
0x88: {  	s2 =	sld [smem:$0x3FD9]  }
0x89: {  	s3 =	sld [smem:$0x3FFE];
	_ =	sdelay $0x1  }
0x8a: {  	s1 =	srdreg.scid  }
0x8b: {  	s0 =	sand.u32 $0x1, s1  }
0x8c: {  	s14 =	sshll.u32 s0, $0xA;
	s2 =	sadd.s32 s3, s2  }
0x8d: {  	s2 =	sadd.s32 s2, s14  }
0x8e: {  	[smem:$0x3FC6] =	sst s2  }
0x8f: {  	_ = 	snop  }
0x90: {  	s2 =	sld [smem:$0x3FD0];
	_ =	sdelay $0x2  }
0x91: {  	s15 =	simm.s32 $0xA;
	s4 =	simm.s32 $0x10  }
0x92: {  	[smem:s4], [sflag:s15] =	dma.local [hbm:s2], $0x1  }
0x93: {  	_ =	swait.eq [sflag:s15], $0x1  }
0x94: {  	[sflag:s15] =	ssyncset.done $0x0  }
0x95: {  	s16 =	sld [smem:$0x10];
	[sflag:s15] =	ssyncadd.s32 $0xFFFFFFFF  }
0x96: {  	s17 =	sld [smem:$0x11];
	(tm) =	ssettm $0x1  }
0x97: {  	s18 =	sld [smem:$0x3FFB];
	_ =	sdelay $0x3  }
0x98: {  	_ =	strace s18  }
0x99: {  	s4 =	sld [smem:$0x3FFC];
	_ =	sdelay $0x3  }
0x9a: {  	_ =	strace s4  }
0x9b: {  	s4 =	sld [smem:$0x3FFD];
	_ =	sdelay $0x3  }
0x9c: {  	_ =	strace s4  }
0x9d: {  	_ =	strace $0x8FFFFFFF  }
0x9e: {  	s19 =	sld [smem:$0x3FDB];
	_ =	sdelay $0x1  }
0x9f: {  	s5 =	simm.s32 $_scs_section_size  }
0xa0: {  	s6 =	simm.s32 $_size__tile_overlayer_lowered;
	s7 =	simm.s32 $_tile_overlayer_lowered  }
0xa1: {  	s22 =	simm.s32 $0x1BFF;
	s21 =	sshll.u32 s7, $0x1;
	s4 =	sadd.s32 s5, s19  }
0xa2: {  	s8 =	simm.s32 $0x0;
	s20 =	sshll.u32 s6, $0x1;
	s6 =	sadd.s32 s21, s4  }
0xa3: {  	[timem:s8], [sflag:s22] =	dma.local [hbm:s6], s20  }
0xa4: {  	_ =	swait.ge [sflag:s22], s20  }
0xa5: {  	s5 =	ssub.s32 $0x0, s20;
	[sflag:s22] =	ssyncset.done $0x0  }
0xa6: {  	[sflag:s22] =	ssyncadd.s32 s5;
	_ =	sdelay $0x1  }
0xa7: {  	s23 =	simm.s32 $0x1B8B  }
0xa8: {  	_ =	swait.ge [sflag:s23], $0x1  }
0xa9: {  	[sflag:s23] =	ssyncset.done $0x0  }
0xaa: {  	s25 =	simm.s32 $0x1B8E;
	s24 =	sld [smem:$0x3FFE];
	[sflag:s23] =	ssyncadd.s32 $0xFFFFFFFF  }
0xab: {  	s26 =	simm.s32 $execute0_lowered;
	[smem:$0x3FD2] =	sst s25  }
0xac: {  	s6 =	sshll.u32 s26, $0x1;
	_ =	strace $0x80000049;
	[dreg:$0x1] =	wrdreg $0xFFFFFFFF  }
0xad: {  	s28 =	simm.s32 $_size_execute0_lowered;
	s4 =	sadd.s32 s4, s6;
	[dreg:$0x0] =	wrdreg $0x0  }
0xae: {  	s6 =	sshll.u32 s28, $0x1;
	[dreg:$0x2] =	wrdreg s4  }
0xaf: {  	[dreg:$0x3] =	wrdreg s6  }
0xb0: {  	[dreg:$0x4] =	wrdreg $0xC0  }
0xb1: {  	_ =	task [dreg:s8], $0x5FFFF  }
0xb2: {  	[dreg:$0x1] =	wrdreg $0xFFFFFFFF  }
0xb3: {  	[dreg:$0x0] =	wrdreg $0x60  }
0xb4: {  	[dreg:$0x2] =	wrdreg s24  }
0xb5: {  	[dreg:$0x3] =	wrdreg s17  }
0xb6: {  	[dreg:$0x4] =	wrdreg s16  }
0xb7: {  	[dreg:$0x5] =	wrdreg $0x9  }
0xb8: {  	_ =	task.clear_ibuf [dreg:s8], $0x6FFFF;
	_ =	strace $0x90000049  }
0xb9: {  	s29 =	simm.s32 $0x9;
	_ =	strace $0x8000004B  }
0xba: {  	_ =	swait.ge [sflag:s29], $0x1  }
0xbb: {  	[sflag:s29] =	ssyncadd.s32 $0xFFFFFFFF  }
0xbc: {  	_ =	strace $0x9000004B  }
0xbd: {  	_ =	sfence  }
0xbe: {  	s30 =	sld [smem:$0x0];
	_ =	sdelay $0x2  }
0xbf: {  	s31 =	sshll.u32 s1, $0xD;
	s1 =	sshrl.u32 s1, $0x2  }
0xc0: {  	s3 =	sand.u32 $0x4000, s31;
	s1 =	sadd.s32 s1, s30  }
0xc1: {  	s0 =	sor.u32 s3, s0;
	s1 =	sshll.u32 s1, $0x11  }
0xc2: {  	s0 =	sor.u32 s1, s0  }
0xc3: {  	s0 =	sadd.s32 $0x8F2B, s0  }
0xc4: {  	[sflag:s0] =	ssyncadd.remote.s32 $0x1  }
0xc5: {  	_ =	sfence.sel $0xFFFF  }
0xc6: {  	[dreg:$0x0] =	wrdreg $0xFFFFFFFF;
	(pc) =	sbr.abs _section_cstart, $3  }
0xc7: {  	[dreg:$0x1] =	wrdreg $0xFFFFFFFF  }
0xc8: {  	_ =	task.clear_ibuf [dreg:s8], $0x2FFFF;
	_ =	strace $0x9FFFFFFF  }
0xc9: {  	(tm) =	ssettm $0x7FFFFFFF  }
tec
execute0_lowered:
.L_overlay_start_1:
0x0: {  	(tag) =	ssettag $0x1  }
0x1: {  	s0 =	rddreg [dreg:$0x0]  }
0x2: {  	s2 =	rddreg [dreg:$0x1]  }
0x3: {  	s3 =	rddreg [dreg:$0x2];
	s1 =	srdreg.scid;
	v1 =	vlaneseq.u32  }
0x4: {  	s5 =	stileid.u32;
	s4 =	simm.s32 $0x0;
	s11 =	simm.s32 $0x5;
	v0 =	vmul.u32 $0xFFFFFFFF, v1  }
0x5: {  	s12 =	simm.s32 $0x800;
	s13 =	simm.s32 $0x4800;
	s15 =	simm.s32 $0x3  }
0x6: {  	s16 =	simm.s32 $0x4;
	s17 =	simm.s32 $0x80;
	[smem:$0x7FF] =	sst s4;
	v16 =	vadd.s32 $0xF, v0;
	v0 =	vor.u32 $0x10, v1  }
0x7: {  	s18 =	simm.s32 $0x11200;
	s19 =	simm.s32 $0x9000;
	_ =	strace $0x8000004A;
	[tilespmem:$0x1FF60] =	vst v0;
	v0 =	vor.u32 $0x20, v1  }
0x8: {  	s20 =	simm.s32 $0x11280;
	s21 =	simm.s32 $0xB000;
	s22 =	simm.s32 $0x11300;
	[tilespmem:$0x1FF70] =	vst v0;
	v0 =	vor.u32 $0x30, v1  }
0x9: {  	s23 =	simm.s32 $0xD000;
	s24 =	simm.s32 $0x11380;
	s1 =	sand.u32 $0x1, s1;
	[tilespmem:$0x1FF80] =	vst v0;
	v0 =	vor.u32 $0x40, v1  }
0xa: {  	s25 =	simm.s32 $0xF000;
	s5 =	sshll.u32 s5, $0x6;
	s6 =	sshll.u32 s1, $0x5;
	[tilespmem:$0x1FF90] =	vst v0;
	v0 =	vor.u32 $0x50, v1  }
0xb: {  	s28 =	simm.s32 $0x2;
	s1 =	ssub.s32 $0x2, s1;
	s5 =	sor.u32 s6, s5;
	[tilespmem:$0x1FFA0] =	vst v0;
	v0 =	vor.u32 $0x60, v1  }
0xc: {  	s6 =	sadd.s32 $0x1000, s0;
	s10 =	sshrl.u32 s1, $0x1;
	s7 =	sshll.u32 s5, $0x3;
	[tilespmem:$0x1FFB0] =	vst v0;
	v0 =	vor.u32 $0x70, v1  }
0xd: {  	s8 =	sshll.u32 s5, $0x6;
	s26 =	ssub.s32 s1, s10;
	s7 =	sadd.s32 s7, s0;
	[tilespmem:$0x1FFC0] =	vst v0;
	v0 =	vmul.u32 $0x80, v1  }
0xe: {  	s9 =	sadd.s32 s8, s0;
	s8 =	sadd.s32 $0x201000, s0;
	s0 =	smax.u32 s26, $0x1  }
0xf: {  	s29 =	simm.s32 $0x11400;
	s7 =	sadd.s32 $0x2C4600, s7;
	[dreg:$0x6] =	wrdreg s0;
	[tilespmem:$0x1FFD0] =	vst v0;
	v0 =	vmul.u32 $0x800, v1  }
0x10: {  	s30 =	simm.s32 $0x11410;
	[tilespmem:$0x1FFF0] =	vst v16;
	s31 =	sadd.s32 $0x2C6600, s9;
	[dreg:$0x4] =	wrdreg s7  }
0x11: {  	s1 =	simm.s32 $0x0;
	s26 =	simm.s32 $0x1;
	[dreg:$0x5] =	wrdreg s31;
	[tilespmem:$0x1FFE0] =	vst v0  }
.LBB2_1:
0x12: {  	[dreg:$0x7] =	wrdreg s1  }
0x13: {  	s0 =	rddreg [dreg:$0x4]  }
0x14: {  	[tilespmem:s4], [sflag:$0x5] =	stream.linear.gather [hbm4b:s0+s4], $0x800, $0x38;
	[tilespmem:$0x11420] =	vst v63  }
0x15: {  	_ =	swait.ge [sflag:s11], $0x800  }
0x16: {  	[sflag:s11] =	ssyncset.done $0x0  }
0x17: {  	s31 =	rddreg [dreg:$0x5];
	[sflag:s11] =	ssyncadd.s32 $0xFFFFF800  }
0x18: {  	[tilespmem:s12], [sflag:$0x5] =	stream.linear.gather [hbm4b:s31+s4], $0x4000, $0x38;
	[tilespmem:$0x11420] =	vst v63  }
0x19: {  	_ =	swait.ge [sflag:s11], $0x4000  }
0x1a: {  	[sflag:s11] =	ssyncset.done $0x0  }
0x1b: {  	s0 =	simm.s32 $0x0;
	[sflag:s11] =	ssyncadd.s32 $0xFFFFC000  }
.LBB2_2:
0x1c: {  	s7 =	sor.u32 s5, s0;
	s10 =	sor.u32 $0x10, s0  }
0x1d: {  	s9 =	sshll.u32 s7, $0xA;
	s1 =	sor.u32 s5, s10  }
0x1e: {  	s14 =	sadd.s32 s6, s9;
	s9 =	simm.s32 $0x0;
	s31 =	sshll.u32 s1, $0xA  }
0x1f: {  	[tilespmem:s13], [sflag:$0x3] =	stream.linear.gather [hbm4b:s14+s9], $0x2000, $0x38;
	[tilespmem:$0x11420] =	vst v63  }
0x20: {  	s14 =	sadd.s32 s6, s31;
	s31 =	simm.s32 $0x6800  }
0x21: {  	[tilespmem:s31], [sflag:$0x4] =	stream.linear.gather [hbm4b:s14+s9], $0x2000, $0x38;
	[tilespmem:$0x11420] =	vst v63  }
0x22: {  	s31 =	sshll.u32 s0, $0x9  }
0x23: {  	s14 =	sand.u32 $0x3FFFFE00, s31  }
0x24: {  	v0 =	vld [tilespmem:s14+$0x800]  }
0x25: {  	v2 =	vld [tilespmem:s14+$0x880]  }
0x26: {  	v3 =	vld [tilespmem:s14+$0x900]  }
0x27: {  	v4 =	vld [tilespmem:s14+$0x980];
	_ =	sdelay $0x2  }
0x28: {  	v0 =	vmax.f32 v0, v2  }
0x29: {  	v0 =	vmax.f32 v0, v3  }
0x2a: {  	v0 =	vmax.f32 v0, v4  }
0x2b: {  	(xrf1) =	vsort.dscd.msk.f32 $0xffff, v0, v1;
	_ =	sdelay $0x8  }
0x2c: {  	s31 =	sshll.u32 s10, $0x9  }
0x2d: {  	s31 =	sand.u32 $0x3FFFFE00, s31  }
0x2e: {  	v2 =	vld [tilespmem:s31+$0x880]  }
0x2f: {  	v0 =	vld [tilespmem:s31+$0x800]  }
0x30: {  	v3 =	vld [tilespmem:s31+$0x900]  }
0x31: {  	v4 =	vld [tilespmem:s31+$0x980];
	v5, v6, _ =	vpop (xrf1)  }
0x32: {  	v5 =	vperm.xlane v5, v16  }
0x33: {  	v6 =	vperm.xlane v6, v16  }
0x34: {  	v0 =	vmax.f32 v0, v2;
	vm0 =	vle.f32 v5, $-3.000000010e+38  }
0x35: {  	v0 =	vmax.f32 v0, v3;
	v2 =	vsel vm0, $0xFF61B1E6, v5;
	v3 =	vsel vm0, $0x0, v6  }
0x36: {  	v0 =	vmax.f32 v0, v4;
	(xrf1) =	vsort.dscd.msk.f32 $0xffff, v2, v3  }
0x37: {  	(xrf1) =	vsort.dscd.msk.f32 $0xffff, v0, v1;
	_ =	sdelay $0xa  }
0x38: {  	v2 =	vld [tilespmem:s14+$0x890]  }
0x39: {  	v0 =	vld [tilespmem:s14+$0x810]  }
0x3a: {  	v5 =	vld [tilespmem:s14+$0x910];
	v3, v4, _ =	vpop (xrf1)  }
0x3b: {  	v8 =	vld [tilespmem:s14+$0x990];
	v6, v7, _ =	vpop (xrf1)  }
0x3c: {  	v11 =	vld [tilespmem:$0x1FF60];
	v6 =	vperm.xlane v6, v16  }
0x3d: {  	v7 =	vperm.xlane v7, v16  }
0x3e: {  	v0 =	vmax.f32 v0, v2;
	vm14 =	vle.f32 v6, $-3.000000010e+38  }
0x3f: {  	v0 =	vmax.f32 v0, v5;
	v2 =	vsel vm14, $0xFF61B1E6, v6;
	v6 =	vsel vm14, $0x0, v7  }
0x40: {  	v0 =	vmax.f32 v0, v8;
	(xrf1) =	vsort.dscd.msk.f32 $0xffff, v2, v6  }
0x41: {  	(xrf1) =	vsort.dscd.msk.f32 $0xffff, v0, v11;
	_ =	sdelay $0xa  }
0x42: {  	v2 =	vld [tilespmem:s31+$0x890]  }
0x43: {  	v0 =	vld [tilespmem:s31+$0x810]  }
0x44: {  	v7 =	vld [tilespmem:s31+$0x910];
	v5, v6, _ =	vpop (xrf1)  }
0x45: {  	v56 =	vld [tilespmem:s31+$0x990];
	v9, v10, _ =	vpop (xrf1)  }
0x46: {  	v9 =	vperm.xlane v9, v16  }
0x47: {  	v10 =	vperm.xlane v10, v16  }
0x48: {  	v0 =	vmax.f32 v0, v2;
	vm15 =	vge.f32 v3, v9  }
0x49: {  	v0 =	vmax.f32 v0, v7;
	v2 =	vsel vm15, v3, v9;
	v3 =	vsel vm15, v4, v10  }
0x4a: {  	v0 =	vmax.f32 v0, v56;
	(xrf1) =	vsort.dscd.msk.f32 $0xffff, v2, v3  }
0x4b: {  	(xrf1) =	vsort.dscd.msk.f32 $0xffff, v0, v11;
	_ =	sdelay $0xa  }
0x4c: {  	v2 =	vld [tilespmem:s14+$0x8A0]  }
0x4d: {  	v0 =	vld [tilespmem:s14+$0x820]  }
0x4e: {  	v7 =	vld [tilespmem:s14+$0x920];
	v3, v4, _ =	vpop (xrf1)  }
0x4f: {  	v59 =	vld [tilespmem:s14+$0x9A0];
	v58, v57, _ =	vpop (xrf1)  }
0x50: {  	v60 =	vld [tilespmem:$0x1FF70];
	v8 =	vperm.xlane v58, v16  }
0x51: {  	v9 =	vperm.xlane v57, v16  }
0x52: {  	v0 =	vmax.f32 v0, v2;
	vm4 =	vge.f32 v5, v8  }
0x53: {  	v0 =	vmax.f32 v0, v7;
	v2 =	vsel vm4, v5, v8;
	v5 =	vsel vm4, v6, v9  }
0x54: {  	v0 =	vmax.f32 v0, v59;
	(xrf1) =	vsort.dscd.msk.f32 $0xffff, v2, v5  }
0x55: {  	(xrf1) =	vsort.dscd.msk.f32 $0xffff, v0, v60;
	_ =	sdelay $0xa  }
0x56: {  	v2 =	vld [tilespmem:s31+$0x8A0]  }
0x57: {  	v0 =	vld [tilespmem:s31+$0x820]  }
0x58: {  	v7 =	vld [tilespmem:s31+$0x920];
	v5, v6, _ =	vpop (xrf1)  }
0x59: {  	v61 =	vld [tilespmem:s31+$0x9A0];
	v62, v63, _ =	vpop (xrf1)  }
0x5a: {  	v9 =	vperm.xlane v62, v16  }
0x5b: {  	v10 =	vperm.xlane v63, v16  }
0x5c: {  	v0 =	vmax.f32 v0, v2;
	vm5 =	vge.f32 v3, v9  }
0x5d: {  	v0 =	vmax.f32 v0, v7;
	v2 =	vsel vm5, v3, v9;
	v3 =	vsel vm5, v4, v10  }
0x5e: {  	v0 =	vmax.f32 v0, v61;
	(xrf1) =	vsort.dscd.msk.f32 $0xffff, v2, v3  }
0x5f: {  	(xrf1) =	vsort.dscd.msk.f32 $0xffff, v0, v60;
	_ =	sdelay $0xa  }
0x60: {  	v2 =	vld [tilespmem:s14+$0x8B0]  }
0x61: {  	v0 =	vld [tilespmem:s14+$0x830]  }
0x62: {  	v7 =	vld [tilespmem:s14+$0x930];
	v3, v4, _ =	vpop (xrf1)  }
0x63: {  	v14 =	vld [tilespmem:s14+$0x9B0];
	v13, v12, _ =	vpop (xrf1)  }
0x64: {  	v15 =	vld [tilespmem:$0x1FF80];
	v8 =	vperm.xlane v13, v16  }
0x65: {  	v9 =	vperm.xlane v12, v16  }
0x66: {  	v0 =	vmax.f32 v0, v2;
	vm6 =	vge.f32 v5, v8  }
0x67: {  	v0 =	vmax.f32 v0, v7;
	v2 =	vsel vm6, v5, v8;
	v5 =	vsel vm6, v6, v9  }
0x68: {  	v0 =	vmax.f32 v0, v14;
	(xrf1) =	vsort.dscd.msk.f32 $0xffff, v2, v5  }
0x69: {  	(xrf1) =	vsort.dscd.msk.f32 $0xffff, v0, v15;
	_ =	sdelay $0xa  }
0x6a: {  	v2 =	vld [tilespmem:s31+$0x8B0]  }
0x6b: {  	v0 =	vld [tilespmem:s31+$0x830]  }
0x6c: {  	v7 =	vld [tilespmem:s31+$0x930];
	v5, v6, _ =	vpop (xrf1)  }
0x6d: {  	v17 =	vld [tilespmem:s31+$0x9B0];
	v18, v19, _ =	vpop (xrf1)  }
0x6e: {  	v9 =	vperm.xlane v18, v16  }
0x6f: {  	v10 =	vperm.xlane v19, v16  }
0x70: {  	v0 =	vmax.f32 v0, v2;
	vm7 =	vge.f32 v3, v9  }
0x71: {  	v0 =	vmax.f32 v0, v7;
	v2 =	vsel vm7, v3, v9;
	v3 =	vsel vm7, v4, v10  }
0x72: {  	v0 =	vmax.f32 v0, v17;
	(xrf1) =	vsort.dscd.msk.f32 $0xffff, v2, v3  }
0x73: {  	(xrf1) =	vsort.dscd.msk.f32 $0xffff, v0, v15;
	_ =	sdelay $0xa  }
0x74: {  	v2 =	vld [tilespmem:s14+$0x8C0]  }
0x75: {  	v0 =	vld [tilespmem:s14+$0x840]  }
0x76: {  	v7 =	vld [tilespmem:s14+$0x940];
	v3, v4, _ =	vpop (xrf1)  }
0x77: {  	v22 =	vld [tilespmem:s14+$0x9C0];
	v21, v20, _ =	vpop (xrf1)  }
0x78: {  	v23 =	vld [tilespmem:$0x1FF90];
	v8 =	vperm.xlane v21, v16  }
0x79: {  	v9 =	vperm.xlane v20, v16  }
0x7a: {  	v0 =	vmax.f32 v0, v2;
	vm8 =	vge.f32 v5, v8  }
0x7b: {  	v0 =	vmax.f32 v0, v7;
	v2 =	vsel vm8, v5, v8;
	v5 =	vsel vm8, v6, v9  }
0x7c: {  	v0 =	vmax.f32 v0, v22;
	(xrf1) =	vsort.dscd.msk.f32 $0xffff, v2, v5  }
0x7d: {  	(xrf1) =	vsort.dscd.msk.f32 $0xffff, v0, v23;
	_ =	sdelay $0xa  }
0x7e: {  	v2 =	vld [tilespmem:s31+$0x8C0]  }
0x7f: {  	v0 =	vld [tilespmem:s31+$0x840]  }
0x80: {  	v7 =	vld [tilespmem:s31+$0x940];
	v5, v6, _ =	vpop (xrf1)  }
0x81: {  	v24 =	vld [tilespmem:s31+$0x9C0];
	v25, v26, _ =	vpop (xrf1)  }
0x82: {  	v9 =	vperm.xlane v25, v16  }
0x83: {  	v10 =	vperm.xlane v26, v16  }
0x84: {  	v0 =	vmax.f32 v0, v2;
	vm9 =	vge.f32 v3, v9  }
0x85: {  	v0 =	vmax.f32 v0, v7;
	v2 =	vsel vm9, v3, v9;
	v3 =	vsel vm9, v4, v10  }
0x86: {  	v0 =	vmax.f32 v0, v24;
	(xrf1) =	vsort.dscd.msk.f32 $0xffff, v2, v3  }
0x87: {  	(xrf1) =	vsort.dscd.msk.f32 $0xffff, v0, v23;
	_ =	sdelay $0xa  }
0x88: {  	v2 =	vld [tilespmem:s14+$0x8D0]  }
0x89: {  	v0 =	vld [tilespmem:s14+$0x850]  }
0x8a: {  	v7 =	vld [tilespmem:s14+$0x950];
	v3, v4, _ =	vpop (xrf1)  }
0x8b: {  	v29 =	vld [tilespmem:s14+$0x9D0];
	v28, v27, _ =	vpop (xrf1)  }
0x8c: {  	v30 =	vld [tilespmem:$0x1FFA0];
	v8 =	vperm.xlane v28, v16  }
0x8d: {  	v9 =	vperm.xlane v27, v16  }
0x8e: {  	v0 =	vmax.f32 v0, v2;
	vm10 =	vge.f32 v5, v8  }
0x8f: {  	v0 =	vmax.f32 v0, v7;
	v2 =	vsel vm10, v5, v8;
	v5 =	vsel vm10, v6, v9  }
0x90: {  	v0 =	vmax.f32 v0, v29;
	(xrf1) =	vsort.dscd.msk.f32 $0xffff, v2, v5  }
0x91: {  	(xrf1) =	vsort.dscd.msk.f32 $0xffff, v0, v30;
	_ =	sdelay $0xa  }
0x92: {  	v2 =	vld [tilespmem:s31+$0x8D0]  }
0x93: {  	v0 =	vld [tilespmem:s31+$0x850]  }
0x94: {  	v7 =	vld [tilespmem:s31+$0x950];
	v5, v6, _ =	vpop (xrf1)  }
0x95: {  	v31 =	vld [tilespmem:s31+$0x9D0];
	v32, v33, _ =	vpop (xrf1)  }
0x96: {  	v9 =	vperm.xlane v32, v16  }
0x97: {  	v10 =	vperm.xlane v33, v16  }
0x98: {  	v0 =	vmax.f32 v0, v2;
	vm11 =	vge.f32 v3, v9  }
0x99: {  	v0 =	vmax.f32 v0, v7;
	v2 =	vsel vm11, v3, v9;
	v3 =	vsel vm11, v4, v10  }
0x9a: {  	v0 =	vmax.f32 v0, v31;
	(xrf1) =	vsort.dscd.msk.f32 $0xffff, v2, v3  }
0x9b: {  	(xrf1) =	vsort.dscd.msk.f32 $0xffff, v0, v30;
	_ =	sdelay $0xa  }
0x9c: {  	v2 =	vld [tilespmem:s14+$0x8E0]  }
0x9d: {  	v0 =	vld [tilespmem:s14+$0x860]  }
0x9e: {  	v7 =	vld [tilespmem:s14+$0x960];
	v3, v4, _ =	vpop (xrf1)  }
0x9f: {  	v36 =	vld [tilespmem:s14+$0x9E0];
	v35, v34, _ =	vpop (xrf1)  }
0xa0: {  	v37 =	vld [tilespmem:$0x1FFB0];
	v8 =	vperm.xlane v35, v16  }
0xa1: {  	v9 =	vperm.xlane v34, v16  }
0xa2: {  	v0 =	vmax.f32 v0, v2;
	vm12 =	vge.f32 v5, v8  }
0xa3: {  	v0 =	vmax.f32 v0, v7;
	v2 =	vsel vm12, v5, v8;
	v5 =	vsel vm12, v6, v9  }
0xa4: {  	v0 =	vmax.f32 v0, v36;
	(xrf1) =	vsort.dscd.msk.f32 $0xffff, v2, v5  }
0xa5: {  	(xrf1) =	vsort.dscd.msk.f32 $0xffff, v0, v37;
	_ =	sdelay $0xa  }
0xa6: {  	v2 =	vld [tilespmem:s31+$0x8E0]  }
0xa7: {  	v0 =	vld [tilespmem:s31+$0x860]  }
0xa8: {  	v7 =	vld [tilespmem:s31+$0x960];
	v5, v6, _ =	vpop (xrf1)  }
0xa9: {  	v38 =	vld [tilespmem:s31+$0x9E0];
	v39, v40, _ =	vpop (xrf1)  }
0xaa: {  	v9 =	vperm.xlane v39, v16  }
0xab: {  	v10 =	vperm.xlane v40, v16  }
0xac: {  	v0 =	vmax.f32 v0, v2;
	vm13 =	vge.f32 v3, v9  }
0xad: {  	v0 =	vmax.f32 v0, v7;
	v2 =	vsel vm13, v3, v9;
	v3 =	vsel vm13, v4, v10  }
0xae: {  	v0 =	vmax.f32 v0, v38;
	(xrf1) =	vsort.dscd.msk.f32 $0xffff, v2, v3  }
0xaf: {  	(xrf1) =	vsort.dscd.msk.f32 $0xffff, v0, v37;
	_ =	sdelay $0xa  }
0xb0: {  	v2 =	vld [tilespmem:s14+$0x8F0]  }
0xb1: {  	v0 =	vld [tilespmem:s14+$0x870]  }
0xb2: {  	v7 =	vld [tilespmem:s14+$0x970];
	v3, v4, _ =	vpop (xrf1)  }
0xb3: {  	v41 =	vld [tilespmem:s14+$0x9F0];
	v42, v43, _ =	vpop (xrf1)  }
0xb4: {  	v44 =	vld [tilespmem:$0x1FFC0];
	v9 =	vperm.xlane v42, v16  }
0xb5: {  	v10 =	vperm.xlane v43, v16  }
0xb6: {  	v0 =	vmax.f32 v0, v2;
	vm14 =	vge.f32 v5, v9  }
0xb7: {  	v0 =	vmax.f32 v0, v7;
	v2 =	vsel vm14, v5, v9;
	v5 =	vsel vm14, v6, v10  }
0xb8: {  	v0 =	vmax.f32 v0, v41;
	(xrf1) =	vsort.dscd.msk.f32 $0xffff, v2, v5  }
0xb9: {  	(xrf1) =	vsort.dscd.msk.f32 $0xffff, v0, v44;
	_ =	sdelay $0xa  }
0xba: {  	v2 =	vld [tilespmem:s31+$0x8F0]  }
0xbb: {  	v0 =	vld [tilespmem:s31+$0x870]  }
0xbc: {  	v7 =	vld [tilespmem:s31+$0x970];
	v5, v6, _ =	vpop (xrf1)  }
0xbd: {  	v45 =	vld [tilespmem:s31+$0x9F0];
	v46, v47, _ =	vpop (xrf1)  }
0xbe: {  	v9 =	vperm.xlane v46, v16  }
0xbf: {  	v10 =	vperm.xlane v47, v16  }
0xc0: {  	v0 =	vmax.f32 v0, v2;
	vm15 =	vge.f32 v3, v9  }
0xc1: {  	v0 =	vmax.f32 v0, v7;
	v2 =	vsel vm15, v3, v9;
	v3 =	vsel vm15, v4, v10  }
0xc2: {  	v0 =	vmax.f32 v0, v45;
	(xrf1) =	vsort.dscd.msk.f32 $0xffff, v2, v3  }
0xc3: {  	(xrf1) =	vsort.dscd.msk.f32 $0xffff, v0, v44;
	_ =	sdelay $0xc  }
0xc4: {  	v27 =	vmov s0;
	_, v0, _ =	vpop (xrf1)  }
0xc5: {  	v7 =	vshll.u32 v27, $0x9;
	v2, v3, _ =	vpop (xrf1);
	v4 =	vand.u32 $0xFFFFFFF8, v0  }
0xc6: {  	v48 =	vand.u32 $0x7, v0;
	v2 =	vperm.xlane v2, v16;
	v4 =	vadd.s32 v7, v4  }
0xc7: {  	v3 =	vperm.xlane v3, v16;
	v4 =	vor.u32 v48, v4  }
0xc8: {  	vm4 =	vge.f32 v5, v2  }
0xc9: {  	v2 =	vsel vm4, v5, v2;
	v3 =	vsel vm4, v6, v3  }
0xca: {  	(xrf1) =	vsort.dscd.msk.f32 $0xffff, v2, v3;
	_ =	sdelay $0x1  }
0xcb: {  	v2 =	vld.idx.msk [tilespmem:v4+s12+$0x0], $0xffff;
	_ =	sdelay $0x4  }
0xcc: {  	(xrf1) =	vsort.dscd.msk.f32 $0xffff, v2, v0;
	_ =	sdelay $0x6  }
0xcd: {  	v28 =	vmov s10;
	_, v2, _ =	vpop (xrf1)  }
0xce: {  	v4 =	vshll.u32 v28, $0x9;
	v3 =	vand.u32 $0xFFFFFFF8, v2  }
0xcf: {  	v5 =	vand.u32 $0x7, v2;
	v3 =	vadd.s32 v4, v3  }
0xd0: {  	v3 =	vor.u32 v5, v3;
	_ =	sdelay $0x3  }
0xd1: {  	v6, v49, _ =	vpop (xrf1)  }
0xd2: {  	v3 =	vld.idx.msk [tilespmem:v3+s12+$0x0], $0xffff;
	v6 =	vperm.xlane v6, v16  }
0xd3: {  	v9 =	vperm.xlane v49, v16  }
0xd4: {  	vm5 =	vle.f32 v6, $-3.000000010e+38  }
0xd5: {  	v6 =	vsel vm5, $0xFF61B1E6, v6;
	v9 =	vsel vm5, $0x0, v9  }
0xd6: {  	(xrf1) =	vsort.dscd.msk.f32 $0xffff, v6, v9  }
0xd7: {  	(xrf1) =	vsort.dscd.msk.f32 $0xffff, v3, v2;
	_ =	sdelay $0x6  }
0xd8: {  	v3 =	vadd.s32 $0x80, v0  }
0xd9: {  	v6 =	vand.u32 $0xFFFFFFF8, v3  }
0xda: {  	v6 =	vadd.s32 v7, v6  }
0xdb: {  	v6 =	vor.u32 v48, v6;
	_ =	sdelay $0x2  }
0xdc: {  	v9, v50, _ =	vpop (xrf1)  }
0xdd: {  	v51, v29, _ =	vpop (xrf1)  }
0xde: {  	v6 =	vld.idx.msk [tilespmem:v6+s12+$0x0], $0xffff;
	v11 =	vperm.xlane v51, v16  }
0xdf: {  	v29 =	vperm.xlane v29, v16  }
0xe0: {  	vm6 =	vle.f32 v11, $-3.000000010e+38  }
0xe1: {  	v11 =	vsel vm6, $0xFF61B1E6, v11;
	v29 =	vsel vm6, $0x0, v29  }
0xe2: {  	(xrf1) =	vsort.dscd.msk.f32 $0xffff, v11, v29  }
0xe3: {  	(xrf1) =	vsort.dscd.msk.f32 $0xffff, v6, v3;
	_ =	sdelay $0x6  }
0xe4: {  	v3 =	vadd.s32 $0x80, v2  }
0xe5: {  	v6 =	vand.u32 $0xFFFFFFF8, v3  }
0xe6: {  	v6 =	vadd.s32 v4, v6  }
0xe7: {  	v6 =	vor.u32 v5, v6;
	_ =	sdelay $0x2  }
0xe8: {  	v11, v29, _ =	vpop (xrf1)  }
0xe9: {  	v30, v31, _ =	vpop (xrf1)  }
0xea: {  	v6 =	vld.idx.msk [tilespmem:v6+s12+$0x0], $0xffff;
	v30 =	vperm.xlane v30, v16  }
0xeb: {  	v31 =	vperm.xlane v31, v16  }
0xec: {  	vm7 =	vge.f32 v9, v30  }
0xed: {  	v9 =	vsel vm7, v9, v30;
	v10 =	vsel vm7, v50, v31  }
0xee: {  	(xrf1) =	vsort.dscd.msk.f32 $0xffff, v9, v10  }
0xef: {  	(xrf1) =	vsort.dscd.msk.f32 $0xffff, v6, v3;
	_ =	sdelay $0x6  }
0xf0: {  	v3 =	vadd.s32 $0x100, v0  }
0xf1: {  	v6 =	vand.u32 $0xFFFFFFF8, v3  }
0xf2: {  	v6 =	vadd.s32 v7, v6  }
0xf3: {  	v6 =	vor.u32 v48, v6;
	_ =	sdelay $0x2  }
0xf4: {  	v9, v10, _ =	vpop (xrf1)  }
0xf5: {  	v52, v53, _ =	vpop (xrf1)  }
0xf6: {  	v6 =	vld.idx.msk [tilespmem:v6+s12+$0x0], $0xffff;
	v30 =	vperm.xlane v52, v16  }
0xf7: {  	v31 =	vperm.xlane v53, v16  }
0xf8: {  	vm8 =	vge.f32 v11, v30  }
0xf9: {  	v11 =	vsel vm8, v11, v30;
	v29 =	vsel vm8, v29, v31  }
0xfa: {  	(xrf1) =	vsort.dscd.msk.f32 $0xffff, v11, v29  }
0xfb: {  	(xrf1) =	vsort.dscd.msk.f32 $0xffff, v6, v3;
	_ =	sdelay $0x6  }
0xfc: {  	v3 =	vadd.s32 $0x100, v2  }
0xfd: {  	v6 =	vand.u32 $0xFFFFFFF8, v3  }
0xfe: {  	v6 =	vadd.s32 v4, v6  }
0xff: {  	v6 =	vor.u32 v5, v6;
	_ =	sdelay $0x2  }
0x100: {  	v11, v29, _ =	vpop (xrf1)  }
0x101: {  	v54, v55, _ =	vpop (xrf1)  }
0x102: {  	v6 =	vld.idx.msk [tilespmem:v6+s12+$0x0], $0xffff;
	v30 =	vperm.xlane v54, v16  }
0x103: {  	v31 =	vperm.xlane v55, v16  }
0x104: {  	vm9 =	vge.f32 v9, v30  }
0x105: {  	v9 =	vsel vm9, v9, v30;
	v10 =	vsel vm9, v10, v31  }
0x106: {  	(xrf1) =	vsort.dscd.msk.f32 $0xffff, v9, v10  }
0x107: {  	(xrf1) =	vsort.dscd.msk.f32 $0xffff, v6, v3;
	_ =	sdelay $0x6  }
0x108: {  	v0 =	vadd.s32 $0x180, v0  }
0x109: {  	v3 =	vand.u32 $0xFFFFFFF8, v0  }
0x10a: {  	v3 =	vadd.s32 v7, v3  }
0x10b: {  	v3 =	vor.u32 v48, v3;
	_ =	sdelay $0x2  }
0x10c: {  	v6, v7, _ =	vpop (xrf1)  }
0x10d: {  	v57, v56, _ =	vpop (xrf1)  }
0x10e: {  	v3 =	vld.idx.msk [tilespmem:v3+s12+$0x0], $0xffff;
	v8 =	vperm.xlane v57, v16  }
0x10f: {  	v9 =	vperm.xlane v56, v16  }
0x110: {  	vm10 =	vge.f32 v11, v8  }
0x111: {  	v8 =	vsel vm10, v11, v8;
	v9 =	vsel vm10, v29, v9  }
0x112: {  	(xrf1) =	vsort.dscd.msk.f32 $0xffff, v8, v9  }
0x113: {  	(xrf1) =	vsort.dscd.msk.f32 $0xffff, v3, v0;
	_ =	sdelay $0x6  }
0x114: {  	v0 =	vadd.s32 $0x180, v2  }
0x115: {  	v2 =	vand.u32 $0xFFFFFFF8, v0  }
0x116: {  	v2 =	vadd.s32 v4, v2  }
0x117: {  	v2 =	vor.u32 v5, v2;
	_ =	sdelay $0x2  }
0x118: {  	v3, v4, _ =	vpop (xrf1)  }
0x119: {  	v5, v58, _ =	vpop (xrf1)  }
0x11a: {  	v2 =	vld.idx.msk [tilespmem:v2+s12+$0x0], $0xffff;
	v5 =	vperm.xlane v5, v16  }
0x11b: {  	v8 =	vperm.xlane v58, v16  }
0x11c: {  	vm11 =	vge.f32 v6, v5  }
0x11d: {  	v5 =	vsel vm11, v6, v5;
	v6 =	vsel vm11, v7, v8  }
0x11e: {  	(xrf1) =	vsort.dscd.msk.f32 $0xffff, v5, v6  }
0x11f: {  	(xrf1) =	vsort.dscd.msk.f32 $0xffff, v2, v0;
	_ =	sdelay $0xc  }
0x120: {  	_, v59, _ =	vpop (xrf1)  }
0x121: {  	v0, v2, _ =	vpop (xrf1)  }
0x122: {  	v0 =	vperm.xlane v0, v16  }
0x123: {  	v2 =	vperm.xlane v2, v16  }
0x124: {  	vm12 =	vge.f32 v3, v0  }
0x125: {  	v0 =	vsel vm12, v3, v0;
	v2 =	vsel vm12, v4, v2  }
0x126: {  	(xrf1) =	vsort.dscd.msk.f32 $0xffff, v0, v2;
	_ =	sdelay $0x7  }
0x127: {  	v60 =	vimm.s32 $0x0  }
0x128: {  	v62 =	vld [tilespmem:$0x1FFD0];
	v0 =	vperm.xlane v59, v60;
	_ =	sdelay $0x1  }
0x129: {  	v2 =	vshll.u32 v0, $0x4  }
0x12a: {  	v3 =	vand.u32 $0x7F, v0;
	v2 =	vand.u32 $0xFFFFF800, v2  }
0x12b: {  	v2 =	vor.u32 v2, v3  }
0x12c: {  	v2 =	vor.u32 v62, v2;
	_, v61, _ =	vpop (xrf1)  }
0x12d: {  	v0 =	vand.u32 $0x7, v0;
	v3 =	vand.u32 $0xFFFFFFF8, v2;
	_ =	swait.ge [sflag:s15], $0x2000  }
0x12e: {  	v0 =	vor.u32 v0, v3;
	[sflag:s15] =	ssyncset.done $0x0  }
0x12f: {  	[sflag:s15] =	ssyncadd.s32 $0xFFFFE000  }
0x130: {  	_ =	swait.ge [sflag:s16], $0x2000  }
0x131: {  	[sflag:s16] =	ssyncset.done $0x0  }
0x132: {  	[sflag:s16] =	ssyncadd.s32 $0xFFFFE000  }
0x133: {  	v0 =	vld.idx.msk [tilespmem:v0+s13+$0x0], $0xffff;
	_ =	sdelay $0x4  }
0x134: {  	(xrf1) =	vsort.dscd.msk.f32 $0xffff, v0, v2;
	_ =	sdelay $0x1  }
0x135: {  	v0 =	vperm.xlane v61, v60;
	_ =	sdelay $0x1  }
0x136: {  	v2 =	vshll.u32 v0, $0x4  }
0x137: {  	v3 =	vand.u32 $0x7F, v0;
	v2 =	vand.u32 $0xFFFFF800, v2  }
0x138: {  	v2 =	vor.u32 v2, v3  }
0x139: {  	v2 =	vor.u32 v62, v2  }
0x13a: {  	v0 =	vand.u32 $0x7, v0;
	v3 =	vand.u32 $0xFFFFFFF8, v2  }
0x13b: {  	v0 =	vor.u32 v0, v3  }
0x13c: {  	v0 =	vadd.s32 $0x2000, v0;
	_ =	sdelay $0x3  }
0x13d: {  	v3, v4, _ =	vpop (xrf1)  }
0x13e: {  	v0 =	vld.idx.msk [tilespmem:v0+s13+$0x0], $0xffff;
	v3 =	vperm.xlane v3, v16  }
0x13f: {  	v4 =	vperm.xlane v4, v16  }
0x140: {  	vm13 =	vle.f32 v3, $-3.000000010e+38  }
0x141: {  	v3 =	vsel vm13, $0xFF61B1E6, v3;
	v4 =	vsel vm13, $0x0, v4  }
0x142: {  	(xrf1) =	vsort.dscd.msk.f32 $0xffff, v3, v4  }
0x143: {  	(xrf1) =	vsort.dscd.msk.f32 $0xffff, v0, v2;
	_ =	sdelay $0x1  }
0x144: {  	v63 =	vimm.s32 $0x1  }
0x145: {  	v0 =	vperm.xlane v59, v63;
	_ =	sdelay $0x1  }
0x146: {  	v2 =	vshll.u32 v0, $0x4  }
0x147: {  	v3 =	vand.u32 $0x7F, v0;
	v2 =	vand.u32 $0xFFFFF800, v2  }
0x148: {  	v2 =	vor.u32 v2, v3  }
0x149: {  	v2 =	vor.u32 v62, v2  }
0x14a: {  	v0 =	vand.u32 $0x7, v0;
	v3 =	vand.u32 $0xFFFFFFF8, v2  }
0x14b: {  	v0 =	vor.u32 v0, v3;
	_ =	sdelay $0x2  }
0x14c: {  	v3, v4, _ =	vpop (xrf1)  }
0x14d: {  	v5, v6, _ =	vpop (xrf1)  }
0x14e: {  	v0 =	vld.idx.msk [tilespmem:v0+s13+$0x0], $0xffff;
	v5 =	vperm.xlane v5, v16  }
0x14f: {  	v6 =	vperm.xlane v6, v16  }
0x150: {  	vm14 =	vle.f32 v5, $-3.000000010e+38  }
0x151: {  	v5 =	vsel vm14, $0xFF61B1E6, v5;
	v6 =	vsel vm14, $0x0, v6  }
0x152: {  	(xrf1) =	vsort.dscd.msk.f32 $0xffff, v5, v6  }
0x153: {  	(xrf1) =	vsort.dscd.msk.f32 $0xffff, v0, v2;
	_ =	sdelay $0x1  }
0x154: {  	v0 =	vperm.xlane v61, v63;
	_ =	sdelay $0x1  }
0x155: {  	v2 =	vshll.u32 v0, $0x4  }
0x156: {  	v5 =	vand.u32 $0x7F, v0;
	v2 =	vand.u32 $0xFFFFF800, v2  }
0x157: {  	v2 =	vor.u32 v2, v5  }
0x158: {  	v2 =	vor.u32 v62, v2  }
0x159: {  	v0 =	vand.u32 $0x7, v0;
	v5 =	vand.u32 $0xFFFFFFF8, v2  }
0x15a: {  	v0 =	vor.u32 v0, v5  }
0x15b: {  	v0 =	vadd.s32 $0x2000, v0;
	_ =	sdelay $0x2  }
0x15c: {  	v5, v6, _ =	vpop (xrf1)  }
0x15d: {  	v7, v8, _ =	vpop (xrf1)  }
0x15e: {  	v0 =	vld.idx.msk [tilespmem:v0+s13+$0x0], $0xffff;
	v7 =	vperm.xlane v7, v16  }
0x15f: {  	v8 =	vperm.xlane v8, v16  }
0x160: {  	vm15 =	vge.f32 v3, v7  }
0x161: {  	v3 =	vsel vm15, v3, v7;
	v4 =	vsel vm15, v4, v8  }
0x162: {  	(xrf1) =	vsort.dscd.msk.f32 $0xffff, v3, v4  }
0x163: {  	(xrf1) =	vsort.dscd.msk.f32 $0xffff, v0, v2;
	_ =	sdelay $0x1  }
0x164: {  	v15 =	vimm.s32 $0x2  }
0x165: {  	v0 =	vperm.xlane v59, v15;
	_ =	sdelay $0x1  }
0x166: {  	v2 =	vshll.u32 v0, $0x4  }
0x167: {  	v3 =	vand.u32 $0x7F, v0;
	v2 =	vand.u32 $0xFFFFF800, v2  }
0x168: {  	v2 =	vor.u32 v2, v3  }
0x169: {  	v2 =	vor.u32 v62, v2  }
0x16a: {  	v0 =	vand.u32 $0x7, v0;
	v3 =	vand.u32 $0xFFFFFFF8, v2  }
0x16b: {  	v0 =	vor.u32 v0, v3;
	_ =	sdelay $0x2  }
0x16c: {  	v3, v4, _ =	vpop (xrf1)  }
0x16d: {  	v7, v22, _ =	vpop (xrf1)  }
0x16e: {  	v0 =	vld.idx.msk [tilespmem:v0+s13+$0x0], $0xffff;
	v7 =	vperm.xlane v7, v16  }
0x16f: {  	v8 =	vperm.xlane v22, v16  }
0x170: {  	vm4 =	vge.f32 v5, v7  }
0x171: {  	v5 =	vsel vm4, v5, v7;
	v6 =	vsel vm4, v6, v8  }
0x172: {  	(xrf1) =	vsort.dscd.msk.f32 $0xffff, v5, v6  }
0x173: {  	(xrf1) =	vsort.dscd.msk.f32 $0xffff, v0, v2;
	_ =	sdelay $0x1  }
0x174: {  	v0 =	vperm.xlane v61, v15;
	_ =	sdelay $0x1  }
0x175: {  	v2 =	vshll.u32 v0, $0x4  }
0x176: {  	v5 =	vand.u32 $0x7F, v0;
	v2 =	vand.u32 $0xFFFFF800, v2  }
0x177: {  	v2 =	vor.u32 v2, v5  }
0x178: {  	v2 =	vor.u32 v62, v2  }
0x179: {  	v0 =	vand.u32 $0x7, v0;
	v5 =	vand.u32 $0xFFFFFFF8, v2  }
0x17a: {  	v0 =	vor.u32 v0, v5  }
0x17b: {  	v0 =	vadd.s32 $0x2000, v0;
	_ =	sdelay $0x2  }
0x17c: {  	v5, v6, _ =	vpop (xrf1)  }
0x17d: {  	v7, v23, _ =	vpop (xrf1)  }
0x17e: {  	v0 =	vld.idx.msk [tilespmem:v0+s13+$0x0], $0xffff;
	v7 =	vperm.xlane v7, v16  }
0x17f: {  	v8 =	vperm.xlane v23, v16  }
0x180: {  	vm5 =	vge.f32 v3, v7  }
0x181: {  	v3 =	vsel vm5, v3, v7;
	v4 =	vsel vm5, v4, v8  }
0x182: {  	(xrf1) =	vsort.dscd.msk.f32 $0xffff, v3, v4  }
0x183: {  	(xrf1) =	vsort.dscd.msk.f32 $0xffff, v0, v2;
	_ =	sdelay $0x1  }
0x184: {  	v17 =	vimm.s32 $0x3  }
0x185: {  	v0 =	vperm.xlane v59, v17;
	_ =	sdelay $0x1  }
0x186: {  	v2 =	vshll.u32 v0, $0x4  }
0x187: {  	v3 =	vand.u32 $0x7F, v0;
	v2 =	vand.u32 $0xFFFFF800, v2  }
0x188: {  	v2 =	vor.u32 v2, v3  }
0x189: {  	v2 =	vor.u32 v62, v2  }
0x18a: {  	v0 =	vand.u32 $0x7, v0;
	v3 =	vand.u32 $0xFFFFFFF8, v2  }
0x18b: {  	v0 =	vor.u32 v0, v3;
	_ =	sdelay $0x2  }
0x18c: {  	v3, v4, _ =	vpop (xrf1)  }
0x18d: {  	v7, v24, _ =	vpop (xrf1)  }
0x18e: {  	v0 =	vld.idx.msk [tilespmem:v0+s13+$0x0], $0xffff;
	v7 =	vperm.xlane v7, v16  }
0x18f: {  	v8 =	vperm.xlane v24, v16  }
0x190: {  	vm6 =	vge.f32 v5, v7  }
0x191: {  	v5 =	vsel vm6, v5, v7;
	v6 =	vsel vm6, v6, v8  }
0x192: {  	(xrf1) =	vsort.dscd.msk.f32 $0xffff, v5, v6  }
0x193: {  	(xrf1) =	vsort.dscd.msk.f32 $0xffff, v0, v2;
	_ =	sdelay $0x1  }
0x194: {  	v0 =	vperm.xlane v61, v17;
	_ =	sdelay $0x1  }
0x195: {  	v2 =	vshll.u32 v0, $0x4  }
0x196: {  	v5 =	vand.u32 $0x7F, v0;
	v2 =	vand.u32 $0xFFFFF800, v2  }
0x197: {  	v2 =	vor.u32 v2, v5  }
0x198: {  	v2 =	vor.u32 v62, v2  }
0x199: {  	v0 =	vand.u32 $0x7, v0;
	v5 =	vand.u32 $0xFFFFFFF8, v2  }
0x19a: {  	v0 =	vor.u32 v0, v5  }
0x19b: {  	v0 =	vadd.s32 $0x2000, v0;
	_ =	sdelay $0x2  }
0x19c: {  	v5, v6, _ =	vpop (xrf1)  }
0x19d: {  	v7, v25, _ =	vpop (xrf1)  }
0x19e: {  	v0 =	vld.idx.msk [tilespmem:v0+s13+$0x0], $0xffff;
	v7 =	vperm.xlane v7, v16  }
0x19f: {  	v8 =	vperm.xlane v25, v16  }
0x1a0: {  	vm7 =	vge.f32 v3, v7  }
0x1a1: {  	v3 =	vsel vm7, v3, v7;
	v4 =	vsel vm7, v4, v8  }
0x1a2: {  	(xrf1) =	vsort.dscd.msk.f32 $0xffff, v3, v4  }
0x1a3: {  	(xrf1) =	vsort.dscd.msk.f32 $0xffff, v0, v2;
	_ =	sdelay $0x1  }
0x1a4: {  	v14 =	vimm.s32 $0x4  }
0x1a5: {  	v0 =	vperm.xlane v59, v14;
	_ =	sdelay $0x1  }
0x1a6: {  	v2 =	vshll.u32 v0, $0x4  }
0x1a7: {  	v3 =	vand.u32 $0x7F, v0;
	v2 =	vand.u32 $0xFFFFF800, v2  }
0x1a8: {  	v2 =	vor.u32 v2, v3  }
0x1a9: {  	v2 =	vor.u32 v62, v2  }
0x1aa: {  	v0 =	vand.u32 $0x7, v0;
	v3 =	vand.u32 $0xFFFFFFF8, v2  }
0x1ab: {  	v0 =	vor.u32 v0, v3;
	_ =	sdelay $0x2  }
0x1ac: {  	v3, v4, _ =	vpop (xrf1)  }
0x1ad: {  	v7, v26, _ =	vpop (xrf1)  }
0x1ae: {  	v0 =	vld.idx.msk [tilespmem:v0+s13+$0x0], $0xffff;
	v7 =	vperm.xlane v7, v16  }
0x1af: {  	v8 =	vperm.xlane v26, v16  }
0x1b0: {  	vm8 =	vge.f32 v5, v7  }
0x1b1: {  	v5 =	vsel vm8, v5, v7;
	v6 =	vsel vm8, v6, v8  }
0x1b2: {  	(xrf1) =	vsort.dscd.msk.f32 $0xffff, v5, v6  }
0x1b3: {  	(xrf1) =	vsort.dscd.msk.f32 $0xffff, v0, v2;
	_ =	sdelay $0x1  }
0x1b4: {  	v0 =	vperm.xlane v61, v14;
	_ =	sdelay $0x1  }
0x1b5: {  	v2 =	vshll.u32 v0, $0x4  }
0x1b6: {  	v5 =	vand.u32 $0x7F, v0;
	v2 =	vand.u32 $0xFFFFF800, v2  }
0x1b7: {  	v2 =	vor.u32 v2, v5  }
0x1b8: {  	v2 =	vor.u32 v62, v2  }
0x1b9: {  	v0 =	vand.u32 $0x7, v0;
	v5 =	vand.u32 $0xFFFFFFF8, v2  }
0x1ba: {  	v0 =	vor.u32 v0, v5  }
0x1bb: {  	v0 =	vadd.s32 $0x2000, v0;
	_ =	sdelay $0x2  }
0x1bc: {  	v5, v6, _ =	vpop (xrf1)  }
0x1bd: {  	v7, v31, _ =	vpop (xrf1)  }
0x1be: {  	v0 =	vld.idx.msk [tilespmem:v0+s13+$0x0], $0xffff;
	v7 =	vperm.xlane v7, v16  }
0x1bf: {  	v8 =	vperm.xlane v31, v16  }
0x1c0: {  	vm9 =	vge.f32 v3, v7  }
0x1c1: {  	v3 =	vsel vm9, v3, v7;
	v4 =	vsel vm9, v4, v8  }
0x1c2: {  	(xrf1) =	vsort.dscd.msk.f32 $0xffff, v3, v4  }
0x1c3: {  	(xrf1) =	vsort.dscd.msk.f32 $0xffff, v0, v2;
	_ =	sdelay $0x1  }
0x1c4: {  	v18 =	vimm.s32 $0x5  }
0x1c5: {  	v0 =	vperm.xlane v59, v18;
	_ =	sdelay $0x1  }
0x1c6: {  	v2 =	vshll.u32 v0, $0x4  }
0x1c7: {  	v3 =	vand.u32 $0x7F, v0;
	v2 =	vand.u32 $0xFFFFF800, v2  }
0x1c8: {  	v2 =	vor.u32 v2, v3  }
0x1c9: {  	v2 =	vor.u32 v62, v2  }
0x1ca: {  	v0 =	vand.u32 $0x7, v0;
	v3 =	vand.u32 $0xFFFFFFF8, v2  }
0x1cb: {  	v0 =	vor.u32 v0, v3;
	_ =	sdelay $0x2  }
0x1cc: {  	v3, v4, _ =	vpop (xrf1)  }
0x1cd: {  	v7, v32, _ =	vpop (xrf1)  }
0x1ce: {  	v0 =	vld.idx.msk [tilespmem:v0+s13+$0x0], $0xffff;
	v7 =	vperm.xlane v7, v16  }
0x1cf: {  	v8 =	vperm.xlane v32, v16  }
0x1d0: {  	vm10 =	vge.f32 v5, v7  }
0x1d1: {  	v5 =	vsel vm10, v5, v7;
	v6 =	vsel vm10, v6, v8  }
0x1d2: {  	(xrf1) =	vsort.dscd.msk.f32 $0xffff, v5, v6  }
0x1d3: {  	(xrf1) =	vsort.dscd.msk.f32 $0xffff, v0, v2;
	_ =	sdelay $0x1  }
0x1d4: {  	v0 =	vperm.xlane v61, v18;
	_ =	sdelay $0x1  }
0x1d5: {  	v2 =	vshll.u32 v0, $0x4  }
0x1d6: {  	v5 =	vand.u32 $0x7F, v0;
	v2 =	vand.u32 $0xFFFFF800, v2  }
0x1d7: {  	v2 =	vor.u32 v2, v5  }
0x1d8: {  	v2 =	vor.u32 v62, v2  }
0x1d9: {  	v0 =	vand.u32 $0x7, v0;
	v5 =	vand.u32 $0xFFFFFFF8, v2  }
0x1da: {  	v0 =	vor.u32 v0, v5  }
0x1db: {  	v0 =	vadd.s32 $0x2000, v0;
	_ =	sdelay $0x2  }
0x1dc: {  	v5, v6, _ =	vpop (xrf1)  }
0x1dd: {  	v7, v33, _ =	vpop (xrf1)  }
0x1de: {  	v0 =	vld.idx.msk [tilespmem:v0+s13+$0x0], $0xffff;
	v7 =	vperm.xlane v7, v16  }
0x1df: {  	v8 =	vperm.xlane v33, v16  }
0x1e0: {  	vm11 =	vge.f32 v3, v7  }
0x1e1: {  	v3 =	vsel vm11, v3, v7;
	v4 =	vsel vm11, v4, v8  }
0x1e2: {  	(xrf1) =	vsort.dscd.msk.f32 $0xffff, v3, v4  }
0x1e3: {  	(xrf1) =	vsort.dscd.msk.f32 $0xffff, v0, v2;
	_ =	sdelay $0x1  }
0x1e4: {  	v19 =	vimm.s32 $0x6  }
0x1e5: {  	v0 =	vperm.xlane v59, v19;
	_ =	sdelay $0x1  }
0x1e6: {  	v2 =	vshll.u32 v0, $0x4  }
0x1e7: {  	v3 =	vand.u32 $0x7F, v0;
	v2 =	vand.u32 $0xFFFFF800, v2  }
0x1e8: {  	v2 =	vor.u32 v2, v3  }
0x1e9: {  	v2 =	vor.u32 v62, v2  }
0x1ea: {  	v0 =	vand.u32 $0x7, v0;
	v3 =	vand.u32 $0xFFFFFFF8, v2  }
0x1eb: {  	v0 =	vor.u32 v0, v3;
	_ =	sdelay $0x2  }
0x1ec: {  	v3, v4, _ =	vpop (xrf1)  }
0x1ed: {  	v7, v34, _ =	vpop (xrf1)  }
0x1ee: {  	v0 =	vld.idx.msk [tilespmem:v0+s13+$0x0], $0xffff;
	v7 =	vperm.xlane v7, v16  }
0x1ef: {  	v8 =	vperm.xlane v34, v16  }
0x1f0: {  	vm12 =	vge.f32 v5, v7  }
0x1f1: {  	v5 =	vsel vm12, v5, v7;
	v6 =	vsel vm12, v6, v8  }
0x1f2: {  	(xrf1) =	vsort.dscd.msk.f32 $0xffff, v5, v6  }
0x1f3: {  	(xrf1) =	vsort.dscd.msk.f32 $0xffff, v0, v2;
	_ =	sdelay $0x1  }
0x1f4: {  	v0 =	vperm.xlane v61, v19;
	_ =	sdelay $0x1  }
0x1f5: {  	v2 =	vshll.u32 v0, $0x4  }
0x1f6: {  	v5 =	vand.u32 $0x7F, v0;
	v2 =	vand.u32 $0xFFFFF800, v2  }
0x1f7: {  	v2 =	vor.u32 v2, v5  }
0x1f8: {  	v2 =	vor.u32 v62, v2  }
0x1f9: {  	v0 =	vand.u32 $0x7, v0;
	v5 =	vand.u32 $0xFFFFFFF8, v2  }
0x1fa: {  	v0 =	vor.u32 v0, v5  }
0x1fb: {  	v0 =	vadd.s32 $0x2000, v0;
	_ =	sdelay $0x2  }
0x1fc: {  	v5, v6, _ =	vpop (xrf1)  }
0x1fd: {  	v7, v35, _ =	vpop (xrf1)  }
0x1fe: {  	v0 =	vld.idx.msk [tilespmem:v0+s13+$0x0], $0xffff;
	v7 =	vperm.xlane v7, v16  }
0x1ff: {  	v8 =	vperm.xlane v35, v16  }
0x200: {  	vm13 =	vge.f32 v3, v7  }
0x201: {  	v3 =	vsel vm13, v3, v7;
	v4 =	vsel vm13, v4, v8  }
0x202: {  	(xrf1) =	vsort.dscd.msk.f32 $0xffff, v3, v4  }
0x203: {  	(xrf1) =	vsort.dscd.msk.f32 $0xffff, v0, v2;
	_ =	sdelay $0x1  }
0x204: {  	v12 =	vimm.s32 $0x7  }
0x205: {  	v0 =	vperm.xlane v59, v12;
	_ =	sdelay $0x1  }
0x206: {  	v2 =	vshll.u32 v0, $0x4  }
0x207: {  	v3 =	vand.u32 $0x7F, v0;
	v2 =	vand.u32 $0xFFFFF800, v2  }
0x208: {  	v2 =	vor.u32 v2, v3  }
0x209: {  	v2 =	vor.u32 v62, v2  }
0x20a: {  	v0 =	vand.u32 $0x7, v0;
	v3 =	vand.u32 $0xFFFFFFF8, v2  }
0x20b: {  	v0 =	vor.u32 v0, v3;
	_ =	sdelay $0x2  }
0x20c: {  	v3, v4, _ =	vpop (xrf1)  }
0x20d: {  	v7, v36, _ =	vpop (xrf1)  }
0x20e: {  	v0 =	vld.idx.msk [tilespmem:v0+s13+$0x0], $0xffff;
	v7 =	vperm.xlane v7, v16  }
0x20f: {  	v8 =	vperm.xlane v36, v16  }
0x210: {  	vm14 =	vge.f32 v5, v7  }
0x211: {  	v5 =	vsel vm14, v5, v7;
	v6 =	vsel vm14, v6, v8  }
0x212: {  	(xrf1) =	vsort.dscd.msk.f32 $0xffff, v5, v6  }
0x213: {  	(xrf1) =	vsort.dscd.msk.f32 $0xffff, v0, v2;
	_ =	sdelay $0x1  }
0x214: {  	v0 =	vperm.xlane v61, v12;
	_ =	sdelay $0x1  }
0x215: {  	v2 =	vshll.u32 v0, $0x4  }
0x216: {  	v5 =	vand.u32 $0x7F, v0;
	v2 =	vand.u32 $0xFFFFF800, v2  }
0x217: {  	v2 =	vor.u32 v2, v5  }
0x218: {  	v2 =	vor.u32 v62, v2  }
0x219: {  	v0 =	vand.u32 $0x7, v0;
	v5 =	vand.u32 $0xFFFFFFF8, v2  }
0x21a: {  	v0 =	vor.u32 v0, v5  }
0x21b: {  	v0 =	vadd.s32 $0x2000, v0;
	_ =	sdelay $0x2  }
0x21c: {  	v5, v6, _ =	vpop (xrf1)  }
0x21d: {  	v7, v37, _ =	vpop (xrf1)  }
0x21e: {  	v0 =	vld.idx.msk [tilespmem:v0+s13+$0x0], $0xffff;
	v7 =	vperm.xlane v7, v16  }
0x21f: {  	v8 =	vperm.xlane v37, v16  }
0x220: {  	vm15 =	vge.f32 v3, v7  }
0x221: {  	v3 =	vsel vm15, v3, v7;
	v4 =	vsel vm15, v4, v8  }
0x222: {  	(xrf1) =	vsort.dscd.msk.f32 $0xffff, v3, v4  }
0x223: {  	(xrf1) =	vsort.dscd.msk.f32 $0xffff, v0, v2;
	_ =	sdelay $0x1  }
0x224: {  	v20 =	vimm.s32 $0x8  }
0x225: {  	v0 =	vperm.xlane v59, v20;
	_ =	sdelay $0x1  }
0x226: {  	v2 =	vshll.u32 v0, $0x4  }
0x227: {  	v3 =	vand.u32 $0x7F, v0;
	v2 =	vand.u32 $0xFFFFF800, v2  }
0x228: {  	v2 =	vor.u32 v2, v3  }
0x229: {  	v2 =	vor.u32 v62, v2  }
0x22a: {  	v0 =	vand.u32 $0x7, v0;
	v3 =	vand.u32 $0xFFFFFFF8, v2  }
0x22b: {  	v0 =	vor.u32 v0, v3;
	_ =	sdelay $0x2  }
0x22c: {  	v3, v4, _ =	vpop (xrf1)  }
0x22d: {  	v7, v38, _ =	vpop (xrf1)  }
0x22e: {  	v0 =	vld.idx.msk [tilespmem:v0+s13+$0x0], $0xffff;
	v7 =	vperm.xlane v7, v16  }
0x22f: {  	v8 =	vperm.xlane v38, v16  }
0x230: {  	vm4 =	vge.f32 v5, v7  }
0x231: {  	v5 =	vsel vm4, v5, v7;
	v6 =	vsel vm4, v6, v8  }
0x232: {  	(xrf1) =	vsort.dscd.msk.f32 $0xffff, v5, v6  }
0x233: {  	(xrf1) =	vsort.dscd.msk.f32 $0xffff, v0, v2;
	_ =	sdelay $0x1  }
0x234: {  	v0 =	vperm.xlane v61, v20;
	_ =	sdelay $0x1  }
0x235: {  	v2 =	vshll.u32 v0, $0x4  }
0x236: {  	v5 =	vand.u32 $0x7F, v0;
	v2 =	vand.u32 $0xFFFFF800, v2  }
0x237: {  	v2 =	vor.u32 v2, v5  }
0x238: {  	v2 =	vor.u32 v62, v2  }
0x239: {  	v0 =	vand.u32 $0x7, v0;
	v5 =	vand.u32 $0xFFFFFFF8, v2  }
0x23a: {  	v0 =	vor.u32 v0, v5  }
0x23b: {  	v0 =	vadd.s32 $0x2000, v0;
	_ =	sdelay $0x2  }
0x23c: {  	v5, v6, _ =	vpop (xrf1)  }
0x23d: {  	v7, v39, _ =	vpop (xrf1)  }
0x23e: {  	v0 =	vld.idx.msk [tilespmem:v0+s13+$0x0], $0xffff;
	v7 =	vperm.xlane v7, v16  }
0x23f: {  	v8 =	vperm.xlane v39, v16  }
0x240: {  	vm5 =	vge.f32 v3, v7  }
0x241: {  	v3 =	vsel vm5, v3, v7;
	v4 =	vsel vm5, v4, v8  }
0x242: {  	(xrf1) =	vsort.dscd.msk.f32 $0xffff, v3, v4  }
0x243: {  	(xrf1) =	vsort.dscd.msk.f32 $0xffff, v0, v2;
	_ =	sdelay $0x1  }
0x244: {  	v13 =	vimm.s32 $0x9  }
0x245: {  	v0 =	vperm.xlane v59, v13;
	_ =	sdelay $0x1  }
0x246: {  	v2 =	vshll.u32 v0, $0x4  }
0x247: {  	v3 =	vand.u32 $0x7F, v0;
	v2 =	vand.u32 $0xFFFFF800, v2  }
0x248: {  	v2 =	vor.u32 v2, v3  }
0x249: {  	v2 =	vor.u32 v62, v2  }
0x24a: {  	v0 =	vand.u32 $0x7, v0;
	v3 =	vand.u32 $0xFFFFFFF8, v2  }
0x24b: {  	v0 =	vor.u32 v0, v3;
	_ =	sdelay $0x2  }
0x24c: {  	v3, v4, _ =	vpop (xrf1)  }
0x24d: {  	v7, v40, _ =	vpop (xrf1)  }
0x24e: {  	v0 =	vld.idx.msk [tilespmem:v0+s13+$0x0], $0xffff;
	v7 =	vperm.xlane v7, v16  }
0x24f: {  	v8 =	vperm.xlane v40, v16  }
0x250: {  	vm6 =	vge.f32 v5, v7  }
0x251: {  	v5 =	vsel vm6, v5, v7;
	v6 =	vsel vm6, v6, v8  }
0x252: {  	(xrf1) =	vsort.dscd.msk.f32 $0xffff, v5, v6  }
0x253: {  	(xrf1) =	vsort.dscd.msk.f32 $0xffff, v0, v2;
	_ =	sdelay $0x1  }
0x254: {  	v0 =	vperm.xlane v61, v13;
	_ =	sdelay $0x1  }
0x255: {  	v2 =	vshll.u32 v0, $0x4  }
0x256: {  	v5 =	vand.u32 $0x7F, v0;
	v2 =	vand.u32 $0xFFFFF800, v2  }
0x257: {  	v2 =	vor.u32 v2, v5  }
0x258: {  	v2 =	vor.u32 v62, v2  }
0x259: {  	v0 =	vand.u32 $0x7, v0;
	v5 =	vand.u32 $0xFFFFFFF8, v2  }
0x25a: {  	v0 =	vor.u32 v0, v5  }
0x25b: {  	v0 =	vadd.s32 $0x2000, v0;
	_ =	sdelay $0x2  }
0x25c: {  	v5, v6, _ =	vpop (xrf1)  }
0x25d: {  	v7, v41, _ =	vpop (xrf1)  }
0x25e: {  	v0 =	vld.idx.msk [tilespmem:v0+s13+$0x0], $0xffff;
	v7 =	vperm.xlane v7, v16  }
0x25f: {  	v8 =	vperm.xlane v41, v16  }
0x260: {  	vm7 =	vge.f32 v3, v7  }
0x261: {  	v3 =	vsel vm7, v3, v7;
	v4 =	vsel vm7, v4, v8  }
0x262: {  	(xrf1) =	vsort.dscd.msk.f32 $0xffff, v3, v4  }
0x263: {  	(xrf1) =	vsort.dscd.msk.f32 $0xffff, v0, v2;
	_ =	sdelay $0x1  }
0x264: {  	v21 =	vimm.s32 $0xA  }
0x265: {  	v0 =	vperm.xlane v59, v21;
	_ =	sdelay $0x1  }
0x266: {  	v2 =	vshll.u32 v0, $0x4  }
0x267: {  	v3 =	vand.u32 $0x7F, v0;
	v2 =	vand.u32 $0xFFFFF800, v2  }
0x268: {  	v2 =	vor.u32 v2, v3  }
0x269: {  	v2 =	vor.u32 v62, v2  }
0x26a: {  	v0 =	vand.u32 $0x7, v0;
	v3 =	vand.u32 $0xFFFFFFF8, v2  }
0x26b: {  	v0 =	vor.u32 v0, v3;
	_ =	sdelay $0x2  }
0x26c: {  	v3, v4, _ =	vpop (xrf1)  }
0x26d: {  	v7, v42, _ =	vpop (xrf1)  }
0x26e: {  	v0 =	vld.idx.msk [tilespmem:v0+s13+$0x0], $0xffff;
	v7 =	vperm.xlane v7, v16  }
0x26f: {  	v8 =	vperm.xlane v42, v16  }
0x270: {  	vm8 =	vge.f32 v5, v7  }
0x271: {  	v5 =	vsel vm8, v5, v7;
	v6 =	vsel vm8, v6, v8  }
0x272: {  	(xrf1) =	vsort.dscd.msk.f32 $0xffff, v5, v6  }
0x273: {  	(xrf1) =	vsort.dscd.msk.f32 $0xffff, v0, v2;
	_ =	sdelay $0x1  }
0x274: {  	v0 =	vperm.xlane v61, v21;
	_ =	sdelay $0x1  }
0x275: {  	v2 =	vshll.u32 v0, $0x4  }
0x276: {  	v5 =	vand.u32 $0x7F, v0;
	v2 =	vand.u32 $0xFFFFF800, v2  }
0x277: {  	v2 =	vor.u32 v2, v5  }
0x278: {  	v2 =	vor.u32 v62, v2  }
0x279: {  	v0 =	vand.u32 $0x7, v0;
	v5 =	vand.u32 $0xFFFFFFF8, v2  }
0x27a: {  	v0 =	vor.u32 v0, v5  }
0x27b: {  	v0 =	vadd.s32 $0x2000, v0;
	_ =	sdelay $0x2  }
0x27c: {  	v5, v6, _ =	vpop (xrf1)  }
0x27d: {  	v7, v43, _ =	vpop (xrf1)  }
0x27e: {  	v0 =	vld.idx.msk [tilespmem:v0+s13+$0x0], $0xffff;
	v7 =	vperm.xlane v7, v16  }
0x27f: {  	v8 =	vperm.xlane v43, v16  }
0x280: {  	vm9 =	vge.f32 v3, v7  }
0x281: {  	v3 =	vsel vm9, v3, v7;
	v4 =	vsel vm9, v4, v8  }
0x282: {  	(xrf1) =	vsort.dscd.msk.f32 $0xffff, v3, v4  }
0x283: {  	(xrf1) =	vsort.dscd.msk.f32 $0xffff, v0, v2;
	_ =	sdelay $0x1  }
0x284: {  	v22 =	vimm.s32 $0xB  }
0x285: {  	v0 =	vperm.xlane v59, v22;
	_ =	sdelay $0x1  }
0x286: {  	v2 =	vshll.u32 v0, $0x4  }
0x287: {  	v3 =	vand.u32 $0x7F, v0;
	v2 =	vand.u32 $0xFFFFF800, v2  }
0x288: {  	v2 =	vor.u32 v2, v3  }
0x289: {  	v2 =	vor.u32 v62, v2  }
0x28a: {  	v0 =	vand.u32 $0x7, v0;
	v3 =	vand.u32 $0xFFFFFFF8, v2  }
0x28b: {  	v0 =	vor.u32 v0, v3;
	_ =	sdelay $0x2  }
0x28c: {  	v3, v4, _ =	vpop (xrf1)  }
0x28d: {  	v7, v44, _ =	vpop (xrf1)  }
0x28e: {  	v0 =	vld.idx.msk [tilespmem:v0+s13+$0x0], $0xffff;
	v7 =	vperm.xlane v7, v16  }
0x28f: {  	v8 =	vperm.xlane v44, v16  }
0x290: {  	vm10 =	vge.f32 v5, v7  }
0x291: {  	v5 =	vsel vm10, v5, v7;
	v6 =	vsel vm10, v6, v8  }
0x292: {  	(xrf1) =	vsort.dscd.msk.f32 $0xffff, v5, v6  }
0x293: {  	(xrf1) =	vsort.dscd.msk.f32 $0xffff, v0, v2;
	_ =	sdelay $0x1  }
0x294: {  	v0 =	vperm.xlane v61, v22;
	_ =	sdelay $0x1  }
0x295: {  	v2 =	vshll.u32 v0, $0x4  }
0x296: {  	v5 =	vand.u32 $0x7F, v0;
	v2 =	vand.u32 $0xFFFFF800, v2  }
0x297: {  	v2 =	vor.u32 v2, v5  }
0x298: {  	v2 =	vor.u32 v62, v2  }
0x299: {  	v0 =	vand.u32 $0x7, v0;
	v5 =	vand.u32 $0xFFFFFFF8, v2  }
0x29a: {  	v0 =	vor.u32 v0, v5  }
0x29b: {  	v0 =	vadd.s32 $0x2000, v0;
	_ =	sdelay $0x2  }
0x29c: {  	v5, v6, _ =	vpop (xrf1)  }
0x29d: {  	v7, v45, _ =	vpop (xrf1)  }
0x29e: {  	v0 =	vld.idx.msk [tilespmem:v0+s13+$0x0], $0xffff;
	v7 =	vperm.xlane v7, v16  }
0x29f: {  	v8 =	vperm.xlane v45, v16  }
0x2a0: {  	vm11 =	vge.f32 v3, v7  }
0x2a1: {  	v3 =	vsel vm11, v3, v7;
	v4 =	vsel vm11, v4, v8  }
0x2a2: {  	(xrf1) =	vsort.dscd.msk.f32 $0xffff, v3, v4  }
0x2a3: {  	(xrf1) =	vsort.dscd.msk.f32 $0xffff, v0, v2;
	_ =	sdelay $0x1  }
0x2a4: {  	v23 =	vimm.s32 $0xC  }
0x2a5: {  	v0 =	vperm.xlane v59, v23;
	_ =	sdelay $0x1  }
0x2a6: {  	v2 =	vshll.u32 v0, $0x4  }
0x2a7: {  	v3 =	vand.u32 $0x7F, v0;
	v2 =	vand.u32 $0xFFFFF800, v2  }
0x2a8: {  	v2 =	vor.u32 v2, v3  }
0x2a9: {  	v2 =	vor.u32 v62, v2  }
0x2aa: {  	v0 =	vand.u32 $0x7, v0;
	v3 =	vand.u32 $0xFFFFFFF8, v2  }
0x2ab: {  	v0 =	vor.u32 v0, v3;
	_ =	sdelay $0x2  }
0x2ac: {  	v3, v4, _ =	vpop (xrf1)  }
0x2ad: {  	v7, v46, _ =	vpop (xrf1)  }
0x2ae: {  	v0 =	vld.idx.msk [tilespmem:v0+s13+$0x0], $0xffff;
	v7 =	vperm.xlane v7, v16  }
0x2af: {  	v8 =	vperm.xlane v46, v16  }
0x2b0: {  	vm12 =	vge.f32 v5, v7  }
0x2b1: {  	v5 =	vsel vm12, v5, v7;
	v6 =	vsel vm12, v6, v8  }
0x2b2: {  	(xrf1) =	vsort.dscd.msk.f32 $0xffff, v5, v6  }
0x2b3: {  	(xrf1) =	vsort.dscd.msk.f32 $0xffff, v0, v2;
	_ =	sdelay $0x1  }
0x2b4: {  	v0 =	vperm.xlane v61, v23;
	_ =	sdelay $0x1  }
0x2b5: {  	v2 =	vshll.u32 v0, $0x4  }
0x2b6: {  	v5 =	vand.u32 $0x7F, v0;
	v2 =	vand.u32 $0xFFFFF800, v2  }
0x2b7: {  	v2 =	vor.u32 v2, v5  }
0x2b8: {  	v2 =	vor.u32 v62, v2  }
0x2b9: {  	v0 =	vand.u32 $0x7, v0;
	v5 =	vand.u32 $0xFFFFFFF8, v2  }
0x2ba: {  	v0 =	vor.u32 v0, v5  }
0x2bb: {  	v0 =	vadd.s32 $0x2000, v0;
	_ =	sdelay $0x2  }
0x2bc: {  	v5, v6, _ =	vpop (xrf1)  }
0x2bd: {  	v7, v47, _ =	vpop (xrf1)  }
0x2be: {  	v0 =	vld.idx.msk [tilespmem:v0+s13+$0x0], $0xffff;
	v7 =	vperm.xlane v7, v16  }
0x2bf: {  	v8 =	vperm.xlane v47, v16  }
0x2c0: {  	vm13 =	vge.f32 v3, v7  }
0x2c1: {  	v3 =	vsel vm13, v3, v7;
	v4 =	vsel vm13, v4, v8  }
0x2c2: {  	(xrf1) =	vsort.dscd.msk.f32 $0xffff, v3, v4  }
0x2c3: {  	(xrf1) =	vsort.dscd.msk.f32 $0xffff, v0, v2;
	_ =	sdelay $0x1  }
0x2c4: {  	v24 =	vimm.s32 $0xD  }
0x2c5: {  	v0 =	vperm.xlane v59, v24;
	_ =	sdelay $0x1  }
0x2c6: {  	v2 =	vshll.u32 v0, $0x4  }
0x2c7: {  	v3 =	vand.u32 $0x7F, v0;
	v2 =	vand.u32 $0xFFFFF800, v2  }
0x2c8: {  	v2 =	vor.u32 v2, v3  }
0x2c9: {  	v2 =	vor.u32 v62, v2  }
0x2ca: {  	v0 =	vand.u32 $0x7, v0;
	v3 =	vand.u32 $0xFFFFFFF8, v2  }
0x2cb: {  	v0 =	vor.u32 v0, v3;
	_ =	sdelay $0x2  }
0x2cc: {  	v3, v4, _ =	vpop (xrf1)  }
0x2cd: {  	v7, v48, _ =	vpop (xrf1)  }
0x2ce: {  	v0 =	vld.idx.msk [tilespmem:v0+s13+$0x0], $0xffff;
	v7 =	vperm.xlane v7, v16  }
0x2cf: {  	v8 =	vperm.xlane v48, v16  }
0x2d0: {  	vm14 =	vge.f32 v5, v7  }
0x2d1: {  	v5 =	vsel vm14, v5, v7;
	v6 =	vsel vm14, v6, v8  }
0x2d2: {  	(xrf1) =	vsort.dscd.msk.f32 $0xffff, v5, v6  }
0x2d3: {  	(xrf1) =	vsort.dscd.msk.f32 $0xffff, v0, v2;
	_ =	sdelay $0x1  }
0x2d4: {  	v0 =	vperm.xlane v61, v24;
	_ =	sdelay $0x1  }
0x2d5: {  	v2 =	vshll.u32 v0, $0x4  }
0x2d6: {  	v5 =	vand.u32 $0x7F, v0;
	v2 =	vand.u32 $0xFFFFF800, v2  }
0x2d7: {  	v2 =	vor.u32 v2, v5  }
0x2d8: {  	v2 =	vor.u32 v62, v2  }
0x2d9: {  	v0 =	vand.u32 $0x7, v0;
	v5 =	vand.u32 $0xFFFFFFF8, v2  }
0x2da: {  	v0 =	vor.u32 v0, v5  }
0x2db: {  	v0 =	vadd.s32 $0x2000, v0;
	_ =	sdelay $0x2  }
0x2dc: {  	v5, v6, _ =	vpop (xrf1)  }
0x2dd: {  	v7, v49, _ =	vpop (xrf1)  }
0x2de: {  	v0 =	vld.idx.msk [tilespmem:v0+s13+$0x0], $0xffff;
	v7 =	vperm.xlane v7, v16  }
0x2df: {  	v8 =	vperm.xlane v49, v16  }
0x2e0: {  	vm15 =	vge.f32 v3, v7  }
0x2e1: {  	v3 =	vsel vm15, v3, v7;
	v4 =	vsel vm15, v4, v8  }
0x2e2: {  	(xrf1) =	vsort.dscd.msk.f32 $0xffff, v3, v4  }
0x2e3: {  	(xrf1) =	vsort.dscd.msk.f32 $0xffff, v0, v2;
	_ =	sdelay $0x1  }
0x2e4: {  	v25 =	vimm.s32 $0xE  }
0x2e5: {  	v0 =	vperm.xlane v59, v25;
	_ =	sdelay $0x1  }
0x2e6: {  	v2 =	vshll.u32 v0, $0x4  }
0x2e7: {  	v3 =	vand.u32 $0x7F, v0;
	v2 =	vand.u32 $0xFFFFF800, v2  }
0x2e8: {  	v2 =	vor.u32 v2, v3  }
0x2e9: {  	v2 =	vor.u32 v62, v2  }
0x2ea: {  	v0 =	vand.u32 $0x7, v0;
	v3 =	vand.u32 $0xFFFFFFF8, v2  }
0x2eb: {  	v0 =	vor.u32 v0, v3;
	_ =	sdelay $0x2  }
0x2ec: {  	v3, v4, _ =	vpop (xrf1)  }
0x2ed: {  	v7, v50, _ =	vpop (xrf1)  }
0x2ee: {  	v0 =	vld.idx.msk [tilespmem:v0+s13+$0x0], $0xffff;
	v7 =	vperm.xlane v7, v16  }
0x2ef: {  	v8 =	vperm.xlane v50, v16  }
0x2f0: {  	vm4 =	vge.f32 v5, v7  }
0x2f1: {  	v5 =	vsel vm4, v5, v7;
	v6 =	vsel vm4, v6, v8  }
0x2f2: {  	(xrf1) =	vsort.dscd.msk.f32 $0xffff, v5, v6  }
0x2f3: {  	(xrf1) =	vsort.dscd.msk.f32 $0xffff, v0, v2;
	_ =	sdelay $0x1  }
0x2f4: {  	v0 =	vperm.xlane v61, v25;
	_ =	sdelay $0x1  }
0x2f5: {  	v2 =	vshll.u32 v0, $0x4  }
0x2f6: {  	v5 =	vand.u32 $0x7F, v0;
	v2 =	vand.u32 $0xFFFFF800, v2  }
0x2f7: {  	v2 =	vor.u32 v2, v5  }
0x2f8: {  	v2 =	vor.u32 v62, v2  }
0x2f9: {  	v0 =	vand.u32 $0x7, v0;
	v5 =	vand.u32 $0xFFFFFFF8, v2  }
0x2fa: {  	v0 =	vor.u32 v0, v5  }
0x2fb: {  	v0 =	vadd.s32 $0x2000, v0;
	_ =	sdelay $0x2  }
0x2fc: {  	v5, v6, _ =	vpop (xrf1)  }
0x2fd: {  	v7, v51, _ =	vpop (xrf1)  }
0x2fe: {  	v0 =	vld.idx.msk [tilespmem:v0+s13+$0x0], $0xffff;
	v7 =	vperm.xlane v7, v16  }
0x2ff: {  	v8 =	vperm.xlane v51, v16  }
0x300: {  	vm5 =	vge.f32 v3, v7  }
0x301: {  	v3 =	vsel vm5, v3, v7;
	v4 =	vsel vm5, v4, v8  }
0x302: {  	(xrf1) =	vsort.dscd.msk.f32 $0xffff, v3, v4  }
0x303: {  	(xrf1) =	vsort.dscd.msk.f32 $0xffff, v0, v2;
	_ =	sdelay $0x1  }
0x304: {  	v26 =	vimm.s32 $0xF  }
0x305: {  	v0 =	vperm.xlane v59, v26;
	_ =	sdelay $0x1  }
0x306: {  	v2 =	vshll.u32 v0, $0x4  }
0x307: {  	v3 =	vand.u32 $0x7F, v0;
	v2 =	vand.u32 $0xFFFFF800, v2  }
0x308: {  	v2 =	vor.u32 v2, v3  }
0x309: {  	v2 =	vor.u32 v62, v2  }
0x30a: {  	v0 =	vand.u32 $0x7, v0;
	v3 =	vand.u32 $0xFFFFFFF8, v2  }
0x30b: {  	v0 =	vor.u32 v0, v3;
	_ =	sdelay $0x2  }
0x30c: {  	v3, v4, _ =	vpop (xrf1)  }
0x30d: {  	v7, v52, _ =	vpop (xrf1)  }
0x30e: {  	v0 =	vld.idx.msk [tilespmem:v0+s13+$0x0], $0xffff;
	v7 =	vperm.xlane v7, v16  }
0x30f: {  	v8 =	vperm.xlane v52, v16  }
0x310: {  	vm6 =	vge.f32 v5, v7  }
0x311: {  	v5 =	vsel vm6, v5, v7;
	v6 =	vsel vm6, v6, v8  }
0x312: {  	(xrf1) =	vsort.dscd.msk.f32 $0xffff, v5, v6  }
0x313: {  	(xrf1) =	vsort.dscd.msk.f32 $0xffff, v0, v2;
	_ =	sdelay $0x1  }
0x314: {  	v0 =	vperm.xlane v61, v26;
	_ =	sdelay $0x1  }
0x315: {  	v2 =	vshll.u32 v0, $0x4  }
0x316: {  	v5 =	vand.u32 $0x7F, v0;
	v2 =	vand.u32 $0xFFFFF800, v2  }
0x317: {  	v2 =	vor.u32 v2, v5  }
0x318: {  	v2 =	vor.u32 v62, v2  }
0x319: {  	v0 =	vand.u32 $0x7, v0;
	v5 =	vand.u32 $0xFFFFFFF8, v2  }
0x31a: {  	v0 =	vor.u32 v0, v5  }
0x31b: {  	v0 =	vadd.s32 $0x2000, v0;
	_ =	sdelay $0x2  }
0x31c: {  	v5, v6, _ =	vpop (xrf1)  }
0x31d: {  	v7, v53, _ =	vpop (xrf1)  }
0x31e: {  	v0 =	vld.idx.msk [tilespmem:v0+s13+$0x0], $0xffff;
	v7 =	vperm.xlane v7, v16  }
0x31f: {  	v8 =	vperm.xlane v53, v16  }
0x320: {  	vm7 =	vge.f32 v3, v7  }
0x321: {  	v3 =	vsel vm7, v3, v7;
	v4 =	vsel vm7, v4, v8  }
0x322: {  	(xrf1) =	vsort.dscd.msk.f32 $0xffff, v3, v4  }
0x323: {  	(xrf1) =	vsort.dscd.msk.f32 $0xffff, v0, v2;
	_ =	sdelay $0xc  }
0x324: {  	_, v29, _ =	vpop (xrf1)  }
0x325: {  	v0, v2, _ =	vpop (xrf1)  }
0x326: {  	v0 =	vperm.xlane v0, v16  }
0x327: {  	v2 =	vperm.xlane v2, v16  }
0x328: {  	vm8 =	vge.f32 v5, v0  }
0x329: {  	v0 =	vsel vm8, v5, v0;
	v2 =	vsel vm8, v6, v2  }
0x32a: {  	(xrf1) =	vsort.dscd.msk.f32 $0xffff, v0, v2;
	_ =	sdelay $0x4  }
0x32b: {  	v4 =	vperm.xlane v29, v63;
	v54 =	vperm.xlane v29, v15  }
0x32c: {  	v58 =	vperm.xlane v29, v17;
	v34 =	vperm.xlane v29, v14  }
0x32d: {  	v46 =	vperm.xlane v29, v20;
	v53 =	vperm.xlane v29, v21;
	v16 =	vld [tilespmem:$0x1FFE0]  }
0x32e: {  	v56 =	vshll.u32 v54, $0x4;
	v8 =	vand.u32 $0x7FF, v54;
	v32 =	vshll.u32 v58, $0x4  }
0x32f: {  	v62 =	vshll.u32 v34, $0x4;
	v34 =	vand.u32 $0x7FF, v34;
	v10 =	vand.u32 $0xFFFF8000, v56  }
0x330: {  	v32 =	vand.u32 $0xFFFF8000, v32;
	v8 =	vor.u32 v10, v8;
	v10 =	vand.u32 $0x7FF, v58  }
0x331: {  	v48 =	vshll.u32 v46, $0x4;
	v0 =	vperm.xlane v29, v60;
	v10 =	vor.u32 v32, v10  }
0x332: {  	v56 =	vand.u32 $0x7FF, v53;
	v8 =	vor.u32 v16, v8;
	v10 =	vor.u32 v16, v10  }
0x333: {  	v3 =	vshll.u32 v0, $0x4;
	v0 =	vand.u32 $0x7FF, v0;
	vm13 =	vlt.s32 v8, $0x1869F  }
0x334: {  	vm15 =	vlt.s32 v10, $0x1869F;
	v3 =	vand.u32 $0xFFFF8000, v3;
	v33 =	vnsel vm13, $0x1869F, v8;
	_, v30, _ =	vpop (xrf1)  }
0x335: {  	v37 =	vnsel vm15, $0x1869F, v10;
	v0 =	vor.u32 v3, v0;
	v2 =	vperm.xlane v30, v60  }
0x336: {  	v0 =	vor.u32 v16, v0;
	v5 =	vperm.xlane v30, v63;
	v60 =	vperm.xlane v30, v17  }
0x337: {  	vm9 =	vlt.s32 v0, $0x1869F;
	v36 =	vperm.xlane v30, v14;
	v14 =	vperm.xlane v29, v18  }
0x338: {  	v6 =	vnsel vm9, $0x1869F, v0;
	v41 =	vperm.xlane v30, v12;
	v47 =	vperm.xlane v30, v20  }
0x339: {  	v51 =	vperm.xlane v30, v13;
	v3 =	vshll.u32 v2, $0x4;
	v2 =	vand.u32 $0x7FF, v2  }
0x33a: {  	v7 =	vshll.u32 v5, $0x4;
	v5 =	vand.u32 $0x7FF, v5;
	v61 =	vshll.u32 v60, $0x4  }
0x33b: {  	v31 =	vand.u32 $0x7FF, v60;
	v38 =	vshll.u32 v36, $0x4;
	v36 =	vand.u32 $0x7FF, v36  }
0x33c: {  	v44 =	vshll.u32 v41, $0x4;
	v49 =	vshll.u32 v47, $0x4;
	v3 =	vand.u32 $0xFFFF8000, v3  }
0x33d: {  	[tilespmem:$0x11000] =	vst v0;
	v7 =	vand.u32 $0xFFFF8000, v7;
	v32 =	vand.u32 $0xFFFF8000, v61;
	v0 =	vand.u32 $0xFFFF8000, v38  }
0x33e: {  	v38 =	vperm.xlane v29, v12;
	v45 =	vand.u32 $0xFFFF8000, v44;
	v2 =	vor.u32 v3, v2  }
0x33f: {  	v3 =	vshll.u32 v4, $0x4;
	v4 =	vand.u32 $0x7FF, v4;
	v5 =	vor.u32 v7, v5  }
0x340: {  	v7 =	vperm.xlane v30, v15;
	v31 =	vor.u32 v32, v31;
	v32 =	vand.u32 $0xFFFF8000, v62  }
0x341: {  	v0 =	vor.u32 v0, v36;
	v15 =	vshll.u32 v14, $0x4;
	v2 =	vor.u32 v16, v2  }
0x342: {  	v3 =	vand.u32 $0xFFFF8000, v3;
	v5 =	vor.u32 v16, v5;
	v31 =	vor.u32 v16, v31  }
0x343: {  	v32 =	vor.u32 v32, v34;
	v0 =	vor.u32 v16, v0;
	v40 =	vshll.u32 v38, $0x4  }
0x344: {  	[tilespmem:$0x11030] =	vst v10;
	vm10 =	vlt.s32 v2, $0x1869F;
	v3 =	vor.u32 v3, v4;
	vm12 =	vlt.s32 v5, $0x1869F  }
0x345: {  	[tilespmem:$0x11200] =	vst v6;
	v57 =	vshll.u32 v7, $0x4;
	v7 =	vand.u32 $0x7FF, v7;
	vm4 =	vlt.s32 v31, $0x1869F  }
0x346: {  	v32 =	vor.u32 v16, v32;
	[tilespmem:$0x11100] =	vst v2;
	vm6 =	vlt.s32 v0, $0x1869F;
	v10 =	vand.u32 $0xFFFF8000, v40  }
0x347: {  	[tilespmem:$0x11110] =	vst v5;
	v4 =	vnsel vm10, $0x1869F, v2;
	v3 =	vor.u32 v16, v3;
	v11 =	vand.u32 $0xFFFF8000, v57  }
0x348: {  	[tilespmem:$0x11130] =	vst v31;
	v59 =	vnsel vm12, $0x1869F, v5;
	v63 =	vnsel vm4, $0x1869F, v31;
	vm5 =	vlt.s32 v32, $0x1869F  }
0x349: {  	[tilespmem:$0x11140] =	vst v0;
	v2 =	vperm.xlane v30, v18;
	v5 =	vnsel vm6, $0x1869F, v0;
	v18 =	vperm.xlane v30, v19  }
0x34a: {  	[tilespmem:$0x11040] =	vst v32;
	v31 =	vand.u32 $0x7FF, v41;
	vm11 =	vlt.s32 v3, $0x1869F;
	v7 =	vor.u32 v11, v7  }
0x34b: {  	v6 =	vnsel vm5, $0x1869F, v32;
	[tilespmem:$0x11300] =	vst v4;
	v4 =	vand.u32 $0xFFFF8000, v15;
	v0 =	vor.u32 v45, v31  }
0x34c: {  	[tilespmem:$0x11340] =	vst v5;
	v5 =	vand.u32 $0xFFFF8000, v48;
	v32 =	vand.u32 $0xFFFF8000, v49;
	v31 =	vand.u32 $0x7FF, v47  }
0x34d: {  	[tilespmem:$0x11310] =	vst v59;
	v59 =	vperm.xlane v29, v22;
	v55 =	vnsel vm11, $0x1869F, v3;
	v7 =	vor.u32 v16, v7  }
0x34e: {  	[tilespmem:$0x11010] =	vst v3;
	v17 =	vshll.u32 v2, $0x4;
	v3 =	vand.u32 $0x7FF, v14;
	v2 =	vand.u32 $0x7FF, v2  }
0x34f: {  	v9 =	vand.u32 $0x7FF, v18;
	v0 =	vor.u32 v16, v0;
	vm14 =	vlt.s32 v7, $0x1869F  }
0x350: {  	[tilespmem:$0x11020] =	vst v8;
	v36 =	vand.u32 $0xFFFF8000, v17;
	v3 =	vor.u32 v4, v3;
	v4 =	vperm.xlane v29, v19  }
0x351: {  	[tilespmem:$0x11210] =	vst v55;
	vm12 =	vlt.s32 v0, $0x1869F;
	v55 =	vshll.u32 v53, $0x4;
	v35 =	vnsel vm14, $0x1869F, v7  }
0x352: {  	[tilespmem:$0x11120] =	vst v7;
	v2 =	vor.u32 v36, v2;
	v3 =	vor.u32 v16, v3;
	v7 =	vshll.u32 v18, $0x4  }
0x353: {  	[tilespmem:$0x11170] =	vst v0;
	v50 =	vnsel vm12, $0x1869F, v0;
	v0 =	vperm.xlane v30, v21;
	v2 =	vor.u32 v16, v2  }
0x354: {  	[tilespmem:$0x11220] =	vst v33;
	vm7 =	vlt.s32 v3, $0x1869F;
	v19 =	vshll.u32 v4, $0x4;
	v4 =	vand.u32 $0x7FF, v4  }
0x355: {  	[tilespmem:$0x11230] =	vst v37;
	v7 =	vand.u32 $0xFFFF8000, v7;
	v36 =	vnsel vm7, $0x1869F, v3;
	v11 =	vand.u32 $0xFFFF8000, v19  }
0x356: {  	[tilespmem:$0x11050] =	vst v3;
	vm8 =	vlt.s32 v2, $0x1869F;
	v7 =	vor.u32 v7, v9;
	v3 =	vand.u32 $0x7FF, v46  }
0x357: {  	[tilespmem:$0x11330] =	vst v63;
	v9 =	vand.u32 $0x7FF, v51;
	v58 =	vshll.u32 v0, $0x4;
	v0 =	vand.u32 $0x7FF, v0  }
0x358: {  	[tilespmem:$0x11240] =	vst v6;
	v4 =	vor.u32 v11, v4;
	v39 =	vnsel vm8, $0x1869F, v2;
	v7 =	vor.u32 v16, v7  }
0x359: {  	[tilespmem:$0x11150] =	vst v2;
	v11 =	vand.u32 $0x7FF, v38;
	v2 =	vor.u32 v5, v3;
	v3 =	vor.u32 v32, v31  }
0x35a: {  	[tilespmem:$0x11320] =	vst v35;
	v5 =	vperm.xlane v29, v13;
	v4 =	vor.u32 v16, v4;
	vm10 =	vlt.s32 v7, $0x1869F  }
0x35b: {  	[tilespmem:$0x11370] =	vst v50;
	v10 =	vor.u32 v10, v11;
	v2 =	vor.u32 v16, v2;
	v3 =	vor.u32 v16, v3  }
0x35c: {  	[tilespmem:$0x11250] =	vst v36;
	vm9 =	vlt.s32 v4, $0x1869F;
	v43 =	vnsel vm10, $0x1869F, v7;
	v10 =	vor.u32 v16, v10  }
0x35d: {  	[tilespmem:$0x11350] =	vst v39;
	vm13 =	vlt.s32 v2, $0x1869F;
	v52 =	vshll.u32 v5, $0x4;
	v5 =	vand.u32 $0x7FF, v5  }
0x35e: {  	[tilespmem:$0x11160] =	vst v7;
	vm14 =	vlt.s32 v3, $0x1869F;
	v7 =	vshll.u32 v51, $0x4;
	v42 =	vnsel vm9, $0x1869F, v4  }
0x35f: {  	[tilespmem:$0x11060] =	vst v4;
	vm11 =	vlt.s32 v10, $0x1869F;
	v4 =	vnsel vm13, $0x1869F, v2;
	v31 =	vand.u32 $0xFFFF8000, v52  }
0x360: {  	[tilespmem:$0x11080] =	vst v2;
	v7 =	vand.u32 $0xFFFF8000, v7;
	v54 =	vnsel vm14, $0x1869F, v3;
	v2 =	vand.u32 $0xFFFF8000, v58  }
0x361: {  	[tilespmem:$0x11180] =	vst v3;
	v6 =	vnsel vm11, $0x1869F, v10;
	v5 =	vor.u32 v31, v5;
	v7 =	vor.u32 v7, v9  }
0x362: {  	[tilespmem:$0x11360] =	vst v43;
	v9 =	vand.u32 $0xFFFF8000, v55;
	v0 =	vor.u32 v2, v0;
	v2 =	vperm.xlane v30, v22  }
0x363: {  	[tilespmem:$0x11280] =	vst v4;
	v4 =	vshll.u32 v59, $0x4;
	v5 =	vor.u32 v16, v5;
	v7 =	vor.u32 v16, v7  }
0x364: {  	[tilespmem:$0x11070] =	vst v10;
	v9 =	vor.u32 v9, v56;
	v0 =	vor.u32 v16, v0;
	v4 =	vand.u32 $0xFFFF8000, v4  }
0x365: {  	[tilespmem:$0x11260] =	vst v42;
	vm15 =	vlt.s32 v5, $0x1869F;
	vm4 =	vlt.s32 v7, $0x1869F;
	v9 =	vor.u32 v16, v9  }
0x366: {  	[tilespmem:$0x11270] =	vst v6;
	vm6 =	vlt.s32 v0, $0x1869F;
	v60 =	vshll.u32 v2, $0x4;
	v2 =	vand.u32 $0x7FF, v2  }
0x367: {  	[tilespmem:$0x11090] =	vst v5;
	v6 =	vnsel vm15, $0x1869F, v5;
	v57 =	vnsel vm4, $0x1869F, v7;
	vm5 =	vlt.s32 v9, $0x1869F  }
0x368: {  	[tilespmem:$0x11190] =	vst v7;
	v5 =	vand.u32 $0x7FF, v59;
	v61 =	vand.u32 $0xFFFF8000, v60;
	v7 =	vperm.xlane v30, v23  }
0x369: {  	[tilespmem:$0x11380] =	vst v54;
	v3 =	vnsel vm5, $0x1869F, v9;
	v4 =	vor.u32 v4, v5;
	v5 =	vperm.xlane v29, v23  }
0x36a: {  	v2 =	vor.u32 v61, v2;
	[tilespmem:$0x11290] =	vst v6;
	v6 =	vnsel vm6, $0x1869F, v0;
	v4 =	vor.u32 v16, v4  }
0x36b: {  	[tilespmem:$0x111A0] =	vst v0;
	v2 =	vor.u32 v16, v2;
	vm7 =	vlt.s32 v4, $0x1869F;
	v62 =	vshll.u32 v5, $0x4  }
0x36c: {  	[tilespmem:$0x112A0] =	vst v3;
	v5 =	vand.u32 $0x7FF, v5;
	vm8 =	vlt.s32 v2, $0x1869F;
	v8 =	vand.u32 $0xFFFF8000, v62  }
0x36d: {  	[tilespmem:$0x113A0] =	vst v6;
	v63 =	vnsel vm7, $0x1869F, v4;
	v0 =	vor.u32 v8, v5;
	v5 =	vshll.u32 v7, $0x4  }
0x36e: {  	[tilespmem:$0x111B0] =	vst v2;
	v6 =	vnsel vm8, $0x1869F, v2;
	v2 =	vperm.xlane v30, v24;
	v3 =	vand.u32 $0xFFFF8000, v5  }
0x36f: {  	[tilespmem:$0x110A0] =	vst v9;
	v5 =	vand.u32 $0x7FF, v7;
	v7 =	vperm.xlane v29, v24;
	v0 =	vor.u32 v16, v0  }
0x370: {  	[tilespmem:$0x113B0] =	vst v6;
	v6 =	vshll.u32 v2, $0x4;
	v2 =	vand.u32 $0x7FF, v2;
	v3 =	vor.u32 v3, v5  }
0x371: {  	[tilespmem:$0x110B0] =	vst v4;
	vm9 =	vlt.s32 v0, $0x1869F;
	v3 =	vor.u32 v16, v3;
	v4 =	vshll.u32 v7, $0x4  }
0x372: {  	[tilespmem:$0x110C0] =	vst v0;
	v5 =	vand.u32 $0x7FF, v7;
	v7 =	vnsel vm9, $0x1869F, v0;
	v0 =	vand.u32 $0xFFFF8000, v6  }
0x373: {  	[tilespmem:$0x11390] =	vst v57;
	v6 =	vperm.xlane v29, v25;
	v4 =	vand.u32 $0xFFFF8000, v4;
	vm10 =	vlt.s32 v3, $0x1869F  }
0x374: {  	[tilespmem:$0x112B0] =	vst v63;
	v0 =	vor.u32 v0, v2;
	v2 =	vperm.xlane v30, v25;
	v4 =	vor.u32 v4, v5  }
0x375: {  	[tilespmem:$0x112C0] =	vst v7;
	v5 =	vnsel vm10, $0x1869F, v3;
	v0 =	vor.u32 v16, v0;
	v7 =	vshll.u32 v6, $0x4  }
0x376: {  	v4 =	vor.u32 v16, v4;
	[tilespmem:$0x113C0] =	vst v5;
	vm12 =	vlt.s32 v0, $0x1869F;
	v5 =	vand.u32 $0xFFFF8000, v7  }
0x377: {  	[tilespmem:$0x111C0] =	vst v3;
	v7 =	vshll.u32 v2, $0x4;
	v2 =	vand.u32 $0x7FF, v2;
	vm11 =	vlt.s32 v4, $0x1869F  }
0x378: {  	[tilespmem:$0x110D0] =	vst v4;
	v3 =	vnsel vm11, $0x1869F, v4;
	v4 =	vand.u32 $0x7FF, v6;
	v6 =	vand.u32 $0xFFFF8000, v7  }
0x379: {  	[tilespmem:$0x111D0] =	vst v0;
	v0 =	vnsel vm12, $0x1869F, v0;
	v4 =	vor.u32 v5, v4;
	v2 =	vor.u32 v6, v2  }
0x37a: {  	[tilespmem:$0x112D0] =	vst v3;
	v3 =	vor.u32 v16, v4;
	v2 =	vor.u32 v16, v2;
	v4 =	vperm.xlane v29, v26  }
0x37b: {  	[tilespmem:$0x113D0] =	vst v0;
	v0 =	vperm.xlane v30, v26;
	vm13 =	vlt.s32 v3, $0x1869F;
	vm1 =	vlt.s32 v2, $0x1869F  }
0x37c: {  	[tilespmem:$0x110E0] =	vst v3;
	v5 =	vnsel vm13, $0x1869F, v3;
	v3 =	vnsel vm1, $0x1869F, v2;
	v6 =	vshll.u32 v4, $0x4  }
0x37d: {  	[tilespmem:$0x111E0] =	vst v2;
	v4 =	vand.u32 $0x7FF, v4;
	v2 =	vand.u32 $0xFFFF8000, v6;
	v6 =	vshll.u32 v0, $0x4  }
0x37e: {  	[tilespmem:$0x112E0] =	vst v5;
	v0 =	vand.u32 $0x7FF, v0;
	v2 =	vor.u32 v2, v4;
	v4 =	vand.u32 $0xFFFF8000, v6  }
0x37f: {  	[tilespmem:$0x113E0] =	vst v3;
	v2 =	vor.u32 v16, v2;
	v0 =	vor.u32 v4, v0  }
0x380: {  	v0 =	vor.u32 v16, v0;
	[tilespmem:$0x110F0] =	vst v2;
	vm14 =	vlt.s32 v2, $0x1869F  }
0x381: {  	[tilespmem:$0x111F0] =	vst v0;
	v2 =	vnsel vm14, $0x1869F, v2;
	vm15 =	vlt.s32 v0, $0x1869F  }
0x382: {  	v0 =	vnsel vm15, $0x1869F, v0;
	[tilespmem:$0x112F0] =	vst v2;
	v2 =	vmov s9  }
0x383: {  	[tilespmem:$0x113F0] =	vst v0;
	v0 =	vand.u32 $0x3E, v2  }
0x384: {  	[tilespmem:s19], [sflag:$0x1] =	stream.indirect.gather [hbm4b:s8+s17], $0x40, s18, s17, $0xb8;
	v3 =	vbroadcast v0, $0x0;
	[tilespmem:$0x11420] =	vst v63  }
0x385: {  	v0 =	vshll.u32 v27, $0x6  }
0x386: {  	[tilespmem:s21], [sflag:$0x1] =	stream.indirect.gather [hbm4b:s8+s17], $0x40, s20, s17, $0xb8;
	v4 =	vor.u32 v0, v3;
	[tilespmem:$0x11420] =	vst v63  }
0x387: {  	_ = 	snop  }
0x388: {  	[tilespmem:s23], [sflag:$0x2] =	stream.indirect.gather [hbm4b:s8+s17], $0x40, s22, s17, $0xb8;
	[tilespmem:$0x11420] =	vst v63  }
0x389: {  	_ = 	snop  }
0x38a: {  	[tilespmem:s25], [sflag:$0x2] =	stream.indirect.gather [hbm4b:s8+s17], $0x40, s24, s17, $0xb8;
	[tilespmem:$0x11420] =	vst v63  }
0x38b: {  	v2 =	vshll.u32 v28, $0x6;
	v4 =	vld.idx.msk [tilespmem:v4+s4+$0x0], $0xffff  }
0x38c: {  	v3 =	vor.u32 v2, v3  }
0x38d: {  	s31 =	simm.s32 $0x1  }
0x38e: {  	v5 =	vmov s31  }
0x38f: {  	v5 =	vand.u32 $0x3F, v5;
	s9 =	simm.s32 $0x8C10  }
0x390: {  	v5 =	vbroadcast v5, $0x0;
	[tilespmem:s9+$0xFFFFFBF0] =	vst v4  }
0x391: {  	v3 =	vld.idx.msk [tilespmem:v3+s4+$0x0], $0xffff  }
0x392: {  	v4 =	vor.u32 v0, v5;
	_ =	sdelay $0x3  }
0x393: {  	[tilespmem:s9+$0xFFFFFFF0] =	vst v3  }
0x394: {  	v4 =	vld.idx.msk [tilespmem:v4+s4+$0x0], $0xffff  }
0x395: {  	v3 =	vor.u32 v2, v5;
	_ =	sdelay $0x1  }
0x396: {  	s10 =	simm.s32 $0x2  }
0x397: {  	s14 =	simm.s32 $0x4;
	v5 =	vmov s10  }
.LBB2_3:
0x398: {  	p0 =	sne.s32 s14, $0x3E;
	v5 =	vand.u32 $0x3E, v5;
	[tilespmem:s9+$0xFFFFFC00] =	vst v4  }
0x399: {  	v4 =	vbroadcast v5, $0x0;
	v3 =	vld.idx.msk [tilespmem:v3+s4+$0x0], $0xffff;
	_ =	sdelay $0x1  }
0x39a: {  	v5 =	vor.u32 v0, v4;
	_ =	sdelay $0x3  }
0x39b: {  	[tilespmem:s9+$0x0] =	vst v3  }
0x39c: {  	v3 =	vld.idx.msk [tilespmem:v5+s4+$0x0], $0xffff;
	_ =	sdelay $0x1  }
0x39d: {  	v4 =	vor.u32 v2, v4;
	_ =	sdelay $0x1  }
0x39e: {  	s31 =	sadd.s32 $0x1, s10;
	s10 =	smov.u32 s14  }
0x39f: {  	s9 =	sadd.s32 $0x20, s9;
	v5 =	vmov s31  }
0x3a0: {  	[tilespmem:s9+$0xFFFFFBF0] =	vst v3;
	v3 =	vand.u32 $0x3F, v5  }
0x3a1: {  	v4 =	vld.idx.msk [tilespmem:v4+s4+$0x0], $0xffff;
	v3 =	vbroadcast v3, $0x0;
	_ =	sdelay $0x1  }
0x3a2: {  	v5 =	vor.u32 v0, v3;
	_ =	sdelay $0x3  }
0x3a3: {  	[tilespmem:s9+$0xFFFFFFF0] =	vst v4  }
0x3a4: {  	v4 =	vld.idx.msk [tilespmem:v5+s4+$0x0], $0xffff  }
.Ltmp0:
0x3a5: {  	(pc) =	sbr.rel @p0 .LBB2_3-.Ltmp0, $2  }
0x3a6: {  	v3 =	vor.u32 v2, v3;
	_ =	sdelay $0x2  }
0x3a7: {  	s14 =	sadd.s32 $0x2, s14;
	v5 =	vmov s10  }
0x3a8: {  	_ =	sdelay $0x1  }
0x3a9: {  	v5 =	vand.u32 $0x3E, v5  }
0x3aa: {  	[tilespmem:s9+$0xFFFFFC00] =	vst v4;
	v4 =	vbroadcast v5, $0x0  }
0x3ab: {  	v3 =	vld.idx.msk [tilespmem:v3+s4+$0x0], $0xffff  }
0x3ac: {  	v5 =	vor.u32 v0, v4;
	_ =	sdelay $0x3  }
0x3ad: {  	[tilespmem:s9+$0x0] =	vst v3  }
0x3ae: {  	v3 =	vld.idx.msk [tilespmem:v5+s4+$0x0], $0xffff  }
0x3af: {  	v4 =	vor.u32 v2, v4  }
0x3b0: {  	s10 =	sadd.s32 $0x1, s10  }
0x3b1: {  	v5 =	vmov s10  }
0x3b2: {  	s10 =	sadd.s32 $0x20, s9;
	v5 =	vand.u32 $0x3F, v5  }
0x3b3: {  	[tilespmem:s10+$0xFFFFFBF0] =	vst v3;
	v3 =	vbroadcast v5, $0x0  }
0x3b4: {  	v4 =	vld.idx.msk [tilespmem:v4+s4+$0x0], $0xffff  }
0x3b5: {  	v0 =	vor.u32 v0, v3;
	_ =	sdelay $0x3  }
0x3b6: {  	[tilespmem:s10+$0xFFFFFFF0] =	vst v4  }
0x3b7: {  	v0 =	vld.idx.msk [tilespmem:v0+s4+$0x0], $0xffff  }
0x3b8: {  	v2 =	vor.u32 v2, v3;
	_ =	sdelay $0x3  }
0x3b9: {  	[tilespmem:s10+$0xFFFFFC00] =	vst v0  }
0x3ba: {  	v0 =	vld.idx.msk [tilespmem:v2+s4+$0x0], $0xffff;
	_ =	sdelay $0x4  }
0x3bb: {  	[tilespmem:s10+$0x0] =	vst v0  }
0x3bc: {  	_ =	swait.ge [sflag:s26], $0x2000  }
0x3bd: {  	[sflag:s26] =	ssyncset.done $0x0  }
0x3be: {  	[sflag:s26] =	ssyncadd.s32 $0xFFFFE000  }
0x3bf: {  	_ =	swait.ge [sflag:s26], $0x2000  }
0x3c0: {  	[sflag:s26] =	ssyncset.done $0x0  }
0x3c1: {  	[sflag:s26] =	ssyncadd.s32 $0xFFFFE000  }
0x3c2: {  	s14 =	simm.s32 $0x0;
	_ =	swait.ge [sflag:s28], $0x2000  }
0x3c3: {  	v0 =	vmov s14;
	[sflag:s28] =	ssyncset.done $0x0  }
0x3c4: {  	v0 =	vand.u32 $0x3E, v0;
	[sflag:s28] =	ssyncadd.s32 $0xFFFFE000  }
0x3c5: {  	v1 =	vmul.u32 $0x40, v1;
	v0 =	vbroadcast v0, $0x0;
	_ =	swait.ge [sflag:s28], $0x2000  }
0x3c6: {  	[sflag:s28] =	ssyncset.done $0x0  }
0x3c7: {  	s9 =	simm.s32 $0x8C10;
	v2 =	vor.u32 v1, v0;
	[sflag:s28] =	ssyncadd.s32 $0xFFFFE000  }
0x3c8: {  	v44 =	vor.u32 $0x1C00, v1;
	v27 =	vld [tilespmem:s9+$0x0]  }
0x3c9: {  	v45 =	vor.u32 $0x400, v1;
	v3 =	vor.u32 v44, v0;
	v38 =	vld [tilespmem:s9+$0xFFFFFFF0]  }
0x3ca: {  	v4 =	vor.u32 v45, v0;
	v28 =	vld [tilespmem:s9+$0xFFFFFC00]  }
0x3cb: {  	v46 =	vor.u32 $0x1800, v1;
	v37 =	vld [tilespmem:s9+$0xFFFFFBF0]  }
0x3cc: {  	s31 =	simm.s32 $0x1;
	v6 =	vor.u32 v46, v0;
	v5 =	vld.idx.msk [tilespmem:v2+s25+$0x0], $0xffff  }
0x3cd: {  	v8 =	vmov s31;
	v7 =	vld.idx.msk [tilespmem:v2+s21+$0x0], $0xffff  }
0x3ce: {  	v8 =	vand.u32 $0x3F, v8;
	v9 =	vld.idx.msk [tilespmem:v3+s23+$0x0], $0xffff  }
0x3cf: {  	v47 =	vor.u32 $0xC00, v1;
	v8 =	vbroadcast v8, $0x0;
	v10 =	vld.idx.msk [tilespmem:v4+s23+$0x0], $0xffff  }
0x3d0: {  	v29 =	vor.u32 v47, v0;
	v11 =	vld.idx.msk [tilespmem:v4+s25+$0x0], $0xffff  }
0x3d1: {  	v49 =	vor.u32 $0x1400, v1;
	v48 =	vor.u32 v1, v8;
	v32 =	vld.idx.msk [tilespmem:v6+s19+$0x0], $0xffff  }
0x3d2: {  	v50 =	vor.u32 $0x1000, v1;
	v34 =	vor.u32 v49, v8;
	v6 =	vld.idx.msk [tilespmem:v6+s23+$0x0], $0xffff  }
0x3d3: {  	v51 =	vor.u32 $0x800, v1;
	v55 =	vor.u32 v50, v8;
	v3 =	vld.idx.msk [tilespmem:v3+s19+$0x0], $0xffff  }
0x3d4: {  	v41 =	vor.u32 v51, v0;
	v31 =	vld.idx.msk [tilespmem:v2+s19+$0x0], $0xffff  }
0x3d5: {  	v61 =	vor.u32 v45, v8;
	v33 =	vld.idx.msk [tilespmem:v29+s23+$0x0], $0xffff  }
0x3d6: {  	v35 =	vld.idx.msk [tilespmem:v48+s19+$0x0], $0xffff  }
0x3d7: {  	v62 =	vor.u32 v50, v0;
	v0 =	vor.u32 v49, v0;
	v36 =	vld.idx.msk [tilespmem:v34+s19+$0x0], $0xffff  }
0x3d8: {  	v40 =	vld.idx.msk [tilespmem:v55+s23+$0x0], $0xffff  }
0x3d9: {  	v56 =	vld.idx.msk [tilespmem:v41+s19+$0x0], $0xffff  }
0x3da: {  	v58 =	vld.idx.msk [tilespmem:v61+s21+$0x0], $0xffff  }
0x3db: {  	v2 =	vld.idx.msk [tilespmem:v2+s23+$0x0], $0xffff  }
0x3dc: {  	v14 =	vld.idx.msk [tilespmem:v0+s23+$0x0], $0xffff;
	v31 =	vmul.f32 v31, v37;
	v9 =	vmul.f32 v9, v38  }
0x3dd: {  	v0 =	vld.idx.msk [tilespmem:v0+s19+$0x0], $0xffff;
	v10 =	vmul.f32 v10, v38;
	v63 =	vmul.f32 v33, v38  }
0x3de: {  	v53 =	vor.u32 v46, v8;
	v15 =	vld.idx.msk [tilespmem:v29+s19+$0x0], $0xffff;
	v43 =	vmul.f32 v36, v28;
	v6 =	vmul.f32 v6, v38  }
0x3df: {  	v59 =	vor.u32 v51, v8;
	v30 =	vld.idx.msk [tilespmem:v4+s21+$0x0], $0xffff;
	v52 =	vmul.f32 v40, v27;
	v3 =	vmul.f32 v3, v37  }
0x3e0: {  	v54 =	vld.idx.msk [tilespmem:v48+s25+$0x0], $0xffff;
	v23 =	vmul.f32 v35, v28;
	v40 =	vor.u32 v44, v8;
	v56 =	vmul.f32 v56, v37  }
0x3e1: {  	v12 =	vld.idx.msk [tilespmem:v61+s25+$0x0], $0xffff;
	v8 =	vor.u32 v47, v8;
	v5 =	vmul.f32 v5, v38;
	v58 =	vmul.f32 v58, v28  }
0x3e2: {  	v39 =	vimm.f32 $0.0e+00;
	v4 =	vld.idx.msk [tilespmem:v4+s19+$0x0], $0xffff;
	v2 =	vmul.f32 v2, v38;
	v14 =	vmul.f32 v14, v38  }
0x3e3: {  	v16 =	vld.idx.msk [tilespmem:v61+s19+$0x0], $0xffff;
	v19 =	vmul.f32 v0, v37;
	v0 =	vmul.f32 v15, v37;
	v22 =	vadd.f32 v31, v39  }
0x3e4: {  	v31 =	vadd.f32 v9, v39;
	v9 =	vld.idx.msk [tilespmem:v53+s23+$0x0], $0xffff;
	v35 =	vadd.f32 v3, v39;
	v3 =	vmul.f32 v7, v37  }
0x3e5: {  	v42 =	vld.idx.msk [tilespmem:v53+s19+$0x0], $0xffff;
	v6 =	vadd.f32 v6, v39;
	v60 =	vadd.f32 v10, v39;
	v10 =	vmul.f32 v11, v38  }
0x3e6: {  	v56 =	vadd.f32 v56, v39;
	v33 =	vadd.f32 v3, v39;
	v3 =	vmul.f32 v30, v37;
	v17 =	vld.idx.msk [tilespmem:v8+s19+$0x0], $0xffff  }
0x3e7: {  	v5 =	vadd.f32 v5, v39;
	v10 =	vadd.f32 v10, v39;
	v18 =	vld.idx.msk [tilespmem:v8+s23+$0x0], $0xffff;
	v8 =	vmul.f32 v12, v27  }
0x3e8: {  	v7 =	vld.idx.msk [tilespmem:v62+s23+$0x0], $0xffff;
	v11 =	vmul.f32 v54, v27;
	v54 =	vadd.f32 v14, v39;
	v3 =	vadd.f32 v3, v39  }
0x3e9: {  	v57 =	vadd.f32 v23, v22;
	v9 =	vmul.f32 v9, v27;
	v29 =	vadd.f32 v8, v10  }
0x3ea: {  	v8 =	vld.idx.msk [tilespmem:v61+s23+$0x0], $0xffff;
	v10 =	vmul.f32 v16, v28;
	v61 =	vmul.f32 v42, v28;
	v30 =	vadd.f32 v58, v3  }
0x3eb: {  	[tilespmem:$0x1FF50] =	vst v1;
	v3 =	vmul.f32 v4, v37;
	v4 =	vld.idx.msk [tilespmem:v55+s19+$0x0], $0xffff;
	v55 =	vimm.f32 $0.0e+00;
	v36 =	vadd.f32 v9, v6  }
0x3ec: {  	v53 =	vld.idx.msk [tilespmem:v40+s19+$0x0], $0xffff;
	v6 =	vmul.f32 v32, v37;
	v32 =	vadd.f32 v11, v5;
	v9 =	vadd.f32 v2, v39  }
0x3ed: {  	v11 =	vld.idx.msk [tilespmem:v48+s23+$0x0], $0xffff;
	v2 =	vmul.f32 v7, v38;
	v5 =	vadd.f32 v63, v39;
	v63 =	vadd.f32 v3, v39  }
0x3ee: {  	v7 =	vmul.f32 v18, v27;
	v3 =	vadd.f32 v0, v39;
	v0 =	vld.idx.msk [tilespmem:v62+s19+$0x0], $0xffff;
	v62 =	vadd.f32 v19, v39  }
0x3ef: {  	s14 =	simm.s32 $0x2;
	v48 =	vld.idx.msk [tilespmem:v48+s21+$0x0], $0xffff;
	v58 =	vadd.f32 v6, v39;
	v6 =	vmul.f32 v17, v28;
	v2 =	vadd.f32 v2, v39  }
.LBB2_5:
0x3f0: {  	v14 =	vld.idx.msk [tilespmem:v59+s19+$0x0], $0xffff  }
0x3f1: {  	v12 =	vmov s14;
	v16 =	vld.idx.msk [tilespmem:v34+s23+$0x0], $0xffff  }
0x3f2: {  	v17 =	vld.idx.msk [tilespmem:v40+s23+$0x0], $0xffff;
	v12 =	vand.u32 $0x3E, v12  }
0x3f3: {  	v1 =	vld [tilespmem:$0x1FF50];
	v12 =	vbroadcast v12, $0x0  }
0x3f4: {  	v19 =	vld.idx.msk [tilespmem:v41+s23+$0x0], $0xffff;
	v63 =	vadd.f32 v10, v63;
	v58 =	vadd.f32 v61, v58  }
0x3f5: {  	s9 =	sadd.s32 $0x20, s9;
	v10 =	vld.idx.msk [tilespmem:v59+s23+$0x0], $0xffff;
	v61 =	vadd.f32 v52, v2;
	v2 =	vadd.f32 v7, v5;
	v5 =	vor.u32 v44, v12  }
0x3f6: {  	s31 =	sadd.s32 $0x1, s14;
	v7 =	vld [tilespmem:s9+$0x0];
	v52 =	vor.u32 v45, v12  }
0x3f7: {  	v15 =	vmov s31;
	v34 =	vld [tilespmem:s9+$0xFFFFFFF0];
	v62 =	vadd.f32 v43, v62  }
0x3f8: {  	v43 =	vld [tilespmem:s9+$0xFFFFFC00];
	v3 =	vadd.f32 v6, v3;
	v15 =	vand.u32 $0x3F, v15;
	v11 =	vmul.f32 v11, v27  }
0x3f9: {  	v6 =	vld [tilespmem:s9+$0xFFFFFBF0];
	v40 =	vmul.f32 v4, v28;
	v41 =	vor.u32 v51, v12;
	v8 =	vmul.f32 v8, v27  }
0x3fa: {  	v20 =	vor.u32 v47, v12;
	v37 =	vmul.f32 v0, v37;
	v0 =	vor.u32 v50, v12;
	v59 =	vld.idx.msk [tilespmem:v5+s23+$0x0], $0xffff  }
0x3fb: {  	v18 =	vor.u32 v1, v12;
	v14 =	vmul.f32 v14, v28;
	v17 =	vmul.f32 v17, v27;
	v42 =	vld.idx.msk [tilespmem:v52+s23+$0x0], $0xffff  }
0x3fc: {  	v16 =	vmul.f32 v16, v27;
	v4 =	vadd.f32 v11, v9;
	v9 =	vor.u32 v46, v12;
	v22 =	vld.idx.msk [tilespmem:v52+s25+$0x0], $0xffff  }
0x3fd: {  	v15 =	vbroadcast v15, $0x0;
	v10 =	vmul.f32 v10, v27;
	v27 =	vmovc v7;
	v7 =	vor.u32 v49, v12;
	v12 =	vld.idx.msk [tilespmem:v52+s21+$0x0], $0xffff  }
0x3fe: {  	v5 =	vld.idx.msk [tilespmem:v5+s19+$0x0], $0xffff  }
0x3ff: {  	v23 =	vor.u32 v1, v15;
	v37 =	vadd.f32 v37, v39;
	v14 =	vadd.f32 v14, v56;
	v56 =	vld.idx.msk [tilespmem:v41+s19+$0x0], $0xffff  }
0x400: {  	v19 =	vmul.f32 v19, v38;
	v25 =	vor.u32 v50, v15;
	v11 =	vld.idx.msk [tilespmem:v18+s25+$0x0], $0xffff  }
0x401: {  	v21 =	vld.idx.msk [tilespmem:v18+s21+$0x0], $0xffff  }
0x402: {  	v19 =	vadd.f32 v19, v55;
	v17 =	vadd.f32 v17, v31;
	v31 =	vld.idx.msk [tilespmem:v18+s19+$0x0], $0xffff  }
0x403: {  	v38 =	vmovc v34;
	v34 =	vor.u32 v49, v15;
	v39 =	vadd.f32 v40, v37;
	v37 =	vmov v6;
	v6 =	vld.idx.msk [tilespmem:v20+s23+$0x0], $0xffff  }
0x404: {  	v55 =	vadd.f32 v10, v19;
	v10 =	vld.idx.msk [tilespmem:v23+s19+$0x0], $0xffff  }
0x405: {  	v53 =	vmul.f32 v53, v28;
	v40 =	vld.idx.msk [tilespmem:v25+s23+$0x0], $0xffff  }
0x406: {  	v24 =	vor.u32 v45, v15;
	v18 =	vld.idx.msk [tilespmem:v18+s23+$0x0], $0xffff  }
0x407: {  	v28 =	vmul.f32 v48, v28;
	v35 =	vadd.f32 v53, v35;
	v53 =	vld.idx.msk [tilespmem:v9+s19+$0x0], $0xffff  }
0x408: {  	v19 =	vld.idx.msk [tilespmem:v34+s19+$0x0], $0xffff  }
0x409: {  	v8 =	vadd.f32 v8, v60;
	v16 =	vadd.f32 v16, v54;
	v9 =	vld.idx.msk [tilespmem:v9+s23+$0x0], $0xffff;
	v54 =	vmul.f32 v59, v38  }
0x40a: {  	v33 =	vadd.f32 v28, v33;
	v26 =	vld.idx.msk [tilespmem:v23+s25+$0x0], $0xffff;
	v48 =	vmul.f32 v42, v38;
	v5 =	vmul.f32 v5, v37  }
0x40b: {  	v28 =	vmov v43;
	v60 =	vld.idx.msk [tilespmem:v24+s21+$0x0], $0xffff;
	v31 =	vmul.f32 v31, v37;
	v6 =	vmul.f32 v6, v38  }
0x40c: {  	v13 =	vor.u32 v46, v15;
	v1 =	vld.idx.msk [tilespmem:v24+s25+$0x0], $0xffff;
	v10 =	vmul.f32 v10, v28;
	v11 =	vmul.f32 v11, v38  }
0x40d: {  	v20 =	vld.idx.msk [tilespmem:v20+s19+$0x0], $0xffff;
	v59 =	vor.u32 v51, v15;
	v18 =	vmul.f32 v18, v38;
	v43 =	vmul.f32 v19, v28  }
0x40e: {  	v19 =	vld.idx.msk [tilespmem:v52+s19+$0x0], $0xffff;
	v9 =	vmul.f32 v9, v38;
	v52 =	vmul.f32 v40, v27;
	v40 =	vor.u32 v44, v15  }
0x40f: {  	v42 =	vld.idx.msk [tilespmem:v7+s23+$0x0], $0xffff;
	v15 =	vor.u32 v47, v15;
	v35 =	vadd.f32 v5, v35;
	v5 =	vmul.f32 v21, v37  }
0x410: {  	v7 =	vld.idx.msk [tilespmem:v7+s19+$0x0], $0xffff;
	v57 =	vadd.f32 v31, v57;
	v31 =	vadd.f32 v54, v17;
	v54 =	vmul.f32 v56, v37  }
0x411: {  	v17 =	vld.idx.msk [tilespmem:v13+s23+$0x0], $0xffff;
	v9 =	vadd.f32 v9, v36;
	v33 =	vadd.f32 v5, v33;
	v5 =	vmul.f32 v12, v37  }
0x412: {  	v13 =	vld.idx.msk [tilespmem:v13+s19+$0x0], $0xffff;
	v56 =	vadd.f32 v54, v14;
	v14 =	vmul.f32 v60, v28;
	v60 =	vadd.f32 v48, v8  }
0x413: {  	v12 =	vld.idx.msk [tilespmem:v24+s19+$0x0], $0xffff;
	v8 =	vadd.f32 v11, v32;
	v11 =	vmul.f32 v22, v38;
	v54 =	vmul.f32 v26, v27  }
0x414: {  	v57 =	vadd.f32 v10, v57;
	v10 =	vld.idx.msk [tilespmem:v0+s23+$0x0], $0xffff;
	v26 =	vmul.f32 v42, v38;
	v48 =	vmul.f32 v53, v37  }
0x415: {  	v42 =	vmul.f32 v20, v37;
	v0 =	vld.idx.msk [tilespmem:v0+s19+$0x0], $0xffff;
	v5 =	vadd.f32 v5, v30;
	v29 =	vadd.f32 v11, v29  }
0x416: {  	v21 =	vmul.f32 v7, v37;
	v22 =	vld.idx.msk [tilespmem:v15+s19+$0x0], $0xffff;
	v32 =	vadd.f32 v54, v8;
	v54 =	vadd.f32 v26, v16  }
0x417: {  	p0 =	sne.s32 s14, $0x3E;
	v1 =	vmul.f32 v1, v27;
	v15 =	vld.idx.msk [tilespmem:v15+s23+$0x0], $0xffff;
	v58 =	vadd.f32 v48, v58;
	v3 =	vadd.f32 v42, v3  }
.Ltmp1:
0x418: {  	v11 =	vld.idx.msk [tilespmem:v23+s23+$0x0], $0xffff;
	v62 =	vadd.f32 v21, v62;
	v17 =	vmul.f32 v17, v27;
	v30 =	vadd.f32 v14, v5;
	(pc) =	sbr.rel @p0 .LBB2_5-.Ltmp1, $4  }
0x419: {  	v53 =	vld.idx.msk [tilespmem:v40+s19+$0x0], $0xffff;
	v14 =	vmul.f32 v19, v37;
	v5 =	vadd.f32 v6, v2;
	v29 =	vadd.f32 v1, v29  }
0x41a: {  	s10 =	smov.u32 s14;
	v8 =	vld.idx.msk [tilespmem:v24+s23+$0x0], $0xffff;
	v36 =	vadd.f32 v17, v9;
	v9 =	vadd.f32 v18, v4;
	v1 =	vmul.f32 v10, v38  }
0x41b: {  	s10 =	sadd.s32 $0x2, s14;
	v48 =	vld.idx.msk [tilespmem:v23+s21+$0x0], $0xffff;
	v10 =	vmul.f32 v12, v28;
	v63 =	vadd.f32 v14, v63;
	v6 =	vmul.f32 v22, v28  }
0x41c: {  	s14 =	smov.u32 s10;
	v4 =	vld.idx.msk [tilespmem:v25+s19+$0x0], $0xffff;
	v2 =	vadd.f32 v1, v61;
	v7 =	vmul.f32 v15, v27;
	v61 =	vmul.f32 v13, v28  }
0x41d: {  	v1 =	vld [tilespmem:$0x11000];
	_ =	sdelay $0x4  }
0x41e: {  	vm0 =	vlt.s32 v1, $0x186A0  }
0x41f: {  	v12 =	vnsel vm0, $0xFF61B1E6, v57  }
0x420: {  	(xrf1) =	vsort.dscd.msk.f32 $0xffff, v12, v1;
	_ =	sdelay $0x9  }
0x421: {  	v16 =	vld [tilespmem:$0x1FFF0];
	_ =	sdelay $0x2  }
0x422: {  	v1 =	vld [tilespmem:$0x11100]  }
0x423: {  	v12, v13, _ =	vpop (xrf1)  }
0x424: {  	v11 =	vmul.f32 v11, v27;
	v12 =	vperm.xlane v12, v16  }
0x425: {  	v13 =	vperm.xlane v13, v16  }
0x426: {  	v9 =	vadd.f32 v11, v9;
	vm13 =	vle.f32 v12, $-3.000000010e+38  }
0x427: {  	vm14 =	vlt.s32 v1, $0x186A0;
	v50 =	vsel vm13, $0xFF61B1E6, v12;
	v51 =	vsel vm13, $0x0, v13  }
0x428: {  	v9 =	vnsel vm14, $0xFF61B1E6, v9;
	(xrf1) =	vsort.dscd.msk.f32 $0xffff, v50, v51  }
0x429: {  	(xrf1) =	vsort.dscd.msk.f32 $0xffff, v9, v1;
	_ =	sdelay $0xc  }
0x42a: {  	v57 =	vld [tilespmem:$0x11010];
	v1, v9, _ =	vpop (xrf1)  }
0x42b: {  	v20, v13, _ =	vpop (xrf1)  }
0x42c: {  	v12 =	vperm.xlane v20, v16  }
0x42d: {  	v13 =	vperm.xlane v13, v16  }
0x42e: {  	v10 =	vadd.f32 v10, v63;
	vm15 =	vle.f32 v12, $-3.000000010e+38  }
0x42f: {  	vm4 =	vlt.s32 v57, $0x186A0;
	v12 =	vsel vm15, $0xFF61B1E6, v12;
	v13 =	vsel vm15, $0x0, v13  }
0x430: {  	v10 =	vnsel vm4, $0xFF61B1E6, v10;
	(xrf1) =	vsort.dscd.msk.f32 $0xffff, v12, v13  }
0x431: {  	(xrf1) =	vsort.dscd.msk.f32 $0xffff, v10, v57;
	_ =	sdelay $0xc  }
0x432: {  	v21 =	vld [tilespmem:$0x11110];
	v10, v11, _ =	vpop (xrf1)  }
0x433: {  	v22, v14, _ =	vpop (xrf1)  }
0x434: {  	v8 =	vmul.f32 v8, v27;
	v13 =	vperm.xlane v22, v16  }
0x435: {  	v14 =	vperm.xlane v14, v16  }
0x436: {  	v8 =	vadd.f32 v8, v60;
	vm5 =	vge.f32 v1, v13  }
0x437: {  	vm6 =	vlt.s32 v21, $0x186A0;
	v1 =	vsel vm5, v1, v13;
	v9 =	vsel vm5, v9, v14  }
0x438: {  	v8 =	vnsel vm6, $0xFF61B1E6, v8;
	(xrf1) =	vsort.dscd.msk.f32 $0xffff, v1, v9  }
0x439: {  	(xrf1) =	vsort.dscd.msk.f32 $0xffff, v8, v21;
	_ =	sdelay $0x9  }
0x43a: {  	v1 =	vld.idx.msk [tilespmem:v59+s19+$0x0], $0xffff;
	_ =	sdelay $0x2  }
0x43b: {  	v24 =	vld [tilespmem:$0x11020];
	v23, v9, _ =	vpop (xrf1)  }
0x43c: {  	v25, v26, _ =	vpop (xrf1)  }
0x43d: {  	v1 =	vmul.f32 v1, v28;
	v13 =	vperm.xlane v25, v16  }
0x43e: {  	v14 =	vperm.xlane v26, v16  }
0x43f: {  	v1 =	vadd.f32 v1, v56;
	vm7 =	vge.f32 v10, v13  }
0x440: {  	vm8 =	vlt.s32 v24, $0x186A0;
	v10 =	vsel vm7, v10, v13;
	v11 =	vsel vm7, v11, v14  }
0x441: {  	v1 =	vnsel vm8, $0xFF61B1E6, v1;
	(xrf1) =	vsort.dscd.msk.f32 $0xffff, v10, v11  }
0x442: {  	(xrf1) =	vsort.dscd.msk.f32 $0xffff, v1, v24;
	_ =	sdelay $0x7  }
0x443: {  	v1 =	vld.idx.msk [tilespmem:v41+s23+$0x0], $0xffff;
	_ =	sdelay $0x1  }
0x444: {  	v41 =	vld.idx.msk [tilespmem:v59+s23+$0x0], $0xffff;
	_ =	sdelay $0x2  }
0x445: {  	v44 =	vld [tilespmem:$0x11120];
	v1 =	vmul.f32 v1, v38;
	v11, v42, _ =	vpop (xrf1)  }
0x446: {  	v45, v15, _ =	vpop (xrf1)  }
0x447: {  	v10 =	vmul.f32 v41, v27;
	v1 =	vadd.f32 v1, v55;
	v14 =	vperm.xlane v45, v16  }
0x448: {  	v15 =	vperm.xlane v15, v16  }
0x449: {  	v1 =	vadd.f32 v10, v1;
	vm9 =	vge.f32 v23, v14  }
0x44a: {  	vm10 =	vlt.s32 v44, $0x186A0;
	v8 =	vsel vm9, v23, v14;
	v9 =	vsel vm9, v9, v15  }
0x44b: {  	v1 =	vnsel vm10, $0xFF61B1E6, v1;
	(xrf1) =	vsort.dscd.msk.f32 $0xffff, v8, v9  }
0x44c: {  	(xrf1) =	vsort.dscd.msk.f32 $0xffff, v1, v44;
	_ =	sdelay $0xc  }
0x44d: {  	v46 =	vld [tilespmem:$0x11030];
	v1, v8, _ =	vpop (xrf1)  }
0x44e: {  	v47, v13, _ =	vpop (xrf1)  }
0x44f: {  	v10 =	vperm.xlane v47, v16  }
0x450: {  	v13 =	vperm.xlane v13, v16  }
0x451: {  	v3 =	vadd.f32 v6, v3;
	vm11 =	vge.f32 v11, v10  }
0x452: {  	vm12 =	vlt.s32 v46, $0x186A0;
	v49 =	vsel vm11, v11, v10;
	v50 =	vsel vm11, v42, v13  }
0x453: {  	v3 =	vnsel vm12, $0xFF61B1E6, v3;
	(xrf1) =	vsort.dscd.msk.f32 $0xffff, v49, v50  }
0x454: {  	(xrf1) =	vsort.dscd.msk.f32 $0xffff, v3, v46;
	_ =	sdelay $0xc  }
0x455: {  	v51 =	vld [tilespmem:$0x11130];
	v3, v6, _ =	vpop (xrf1)  }
0x456: {  	v56, v55, _ =	vpop (xrf1)  }
0x457: {  	v10 =	vperm.xlane v56, v16  }
0x458: {  	v11 =	vperm.xlane v55, v16  }
0x459: {  	v5 =	vadd.f32 v7, v5;
	vm13 =	vge.f32 v1, v10  }
0x45a: {  	vm14 =	vlt.s32 v51, $0x186A0;
	v1 =	vsel vm13, v1, v10;
	v57 =	vsel vm13, v8, v11  }
0x45b: {  	v5 =	vnsel vm14, $0xFF61B1E6, v5;
	(xrf1) =	vsort.dscd.msk.f32 $0xffff, v1, v57  }
0x45c: {  	(xrf1) =	vsort.dscd.msk.f32 $0xffff, v5, v51;
	_ =	sdelay $0xc  }
0x45d: {  	v0 =	vmul.f32 v0, v37;
	v60 =	vld [tilespmem:$0x11040];
	v1, v59, _ =	vpop (xrf1)  }
0x45e: {  	v63, v9, _ =	vpop (xrf1)  }
0x45f: {  	v0 =	vadd.f32 v0, v39;
	v4 =	vmul.f32 v4, v28;
	v8 =	vperm.xlane v63, v16  }
0x460: {  	v9 =	vperm.xlane v9, v16  }
0x461: {  	v0 =	vadd.f32 v4, v0;
	vm15 =	vge.f32 v3, v8  }
0x462: {  	vm4 =	vlt.s32 v60, $0x186A0;
	v3 =	vsel vm15, v3, v8;
	v12 =	vsel vm15, v6, v9  }
0x463: {  	v0 =	vnsel vm4, $0xFF61B1E6, v0;
	(xrf1) =	vsort.dscd.msk.f32 $0xffff, v3, v12  }
0x464: {  	(xrf1) =	vsort.dscd.msk.f32 $0xffff, v0, v60;
	_ =	sdelay $0xc  }
0x465: {  	v13 =	vld [tilespmem:$0x11140];
	v0, v3, _ =	vpop (xrf1)  }
0x466: {  	v14, v7, _ =	vpop (xrf1)  }
0x467: {  	v6 =	vperm.xlane v14, v16  }
0x468: {  	v7 =	vperm.xlane v7, v16  }
0x469: {  	v2 =	vadd.f32 v52, v2;
	vm5 =	vge.f32 v1, v6  }
0x46a: {  	vm6 =	vlt.s32 v13, $0x186A0;
	v1 =	vsel vm5, v1, v6;
	v5 =	vsel vm5, v59, v7  }
0x46b: {  	v2 =	vnsel vm6, $0xFF61B1E6, v2;
	(xrf1) =	vsort.dscd.msk.f32 $0xffff, v1, v5  }
0x46c: {  	(xrf1) =	vsort.dscd.msk.f32 $0xffff, v2, v13;
	_ =	sdelay $0xc  }
0x46d: {  	v20 =	vld [tilespmem:$0x11050];
	v1, v2, _ =	vpop (xrf1)  }
0x46e: {  	v22, v21, _ =	vpop (xrf1)  }
0x46f: {  	v5 =	vperm.xlane v22, v16  }
0x470: {  	v6 =	vperm.xlane v21, v16  }
0x471: {  	v23 =	vadd.f32 v43, v62;
	vm7 =	vge.f32 v0, v5  }
0x472: {  	vm8 =	vlt.s32 v20, $0x186A0;
	v0 =	vsel vm7, v0, v5;
	v3 =	vsel vm7, v3, v6  }
0x473: {  	(xrf1) =	vsort.dscd.msk.f32 $0xffff, v0, v3;
	v0 =	vnsel vm8, $0xFF61B1E6, v23  }
0x474: {  	(xrf1) =	vsort.dscd.msk.f32 $0xffff, v0, v20;
	_ =	sdelay $0x9  }
0x475: {  	v0 =	vld.idx.msk [tilespmem:v34+s23+$0x0], $0xffff;
	_ =	sdelay $0x2  }
0x476: {  	v25 =	vld [tilespmem:$0x11150];
	v3, v24, _ =	vpop (xrf1)  }
0x477: {  	v26, v34, _ =	vpop (xrf1)  }
0x478: {  	v0 =	vmul.f32 v0, v27;
	v6 =	vperm.xlane v26, v16  }
0x479: {  	v7 =	vperm.xlane v34, v16  }
0x47a: {  	v0 =	vadd.f32 v0, v54;
	vm9 =	vge.f32 v1, v6  }
0x47b: {  	vm10 =	vlt.s32 v25, $0x186A0;
	v1 =	vsel vm9, v1, v6;
	v2 =	vsel vm9, v2, v7  }
0x47c: {  	v0 =	vnsel vm10, $0xFF61B1E6, v0;
	(xrf1) =	vsort.dscd.msk.f32 $0xffff, v1, v2  }
0x47d: {  	(xrf1) =	vsort.dscd.msk.f32 $0xffff, v0, v25;
	_ =	sdelay $0xc  }
0x47e: {  	v2 =	vld [tilespmem:$0x11060];
	v0, v1, _ =	vpop (xrf1)  }
0x47f: {  	v5, v37, _ =	vpop (xrf1)  }
0x480: {  	v5 =	vperm.xlane v5, v16  }
0x481: {  	v6 =	vperm.xlane v37, v16  }
0x482: {  	v38 =	vadd.f32 v61, v58;
	vm11 =	vge.f32 v3, v5  }
0x483: {  	vm12 =	vlt.s32 v2, $0x186A0;
	v3 =	vsel vm11, v3, v5;
	v4 =	vsel vm11, v24, v6  }
0x484: {  	(xrf1) =	vsort.dscd.msk.f32 $0xffff, v3, v4;
	v3 =	vnsel vm12, $0xFF61B1E6, v38  }
0x485: {  	(xrf1) =	vsort.dscd.msk.f32 $0xffff, v3, v2;
	_ =	sdelay $0xc  }
0x486: {  	v39 =	vld [tilespmem:$0x11160];
	v2, v3, _ =	vpop (xrf1)  }
0x487: {  	v41, v42, _ =	vpop (xrf1)  }
0x488: {  	v5 =	vperm.xlane v41, v16  }
0x489: {  	v6 =	vperm.xlane v42, v16  }
0x48a: {  	vm13 =	vge.f32 v0, v5  }
0x48b: {  	vm14 =	vlt.s32 v39, $0x186A0;
	v0 =	vsel vm13, v0, v5;
	v1 =	vsel vm13, v1, v6  }
0x48c: {  	v43 =	vnsel vm14, $0xFF61B1E6, v36;
	(xrf1) =	vsort.dscd.msk.f32 $0xffff, v0, v1  }
0x48d: {  	(xrf1) =	vsort.dscd.msk.f32 $0xffff, v43, v39;
	_ =	sdelay $0xc  }
0x48e: {  	v44 =	vld [tilespmem:$0x11070];
	v0, v1, _ =	vpop (xrf1)  }
0x48f: {  	v5, v45, _ =	vpop (xrf1)  }
0x490: {  	v46 =	vmul.f32 v53, v28;
	v5 =	vperm.xlane v5, v16  }
0x491: {  	v6 =	vperm.xlane v45, v16  }
0x492: {  	v7 =	vadd.f32 v46, v35;
	vm15 =	vge.f32 v2, v5  }
0x493: {  	vm4 =	vlt.s32 v44, $0x186A0;
	v2 =	vsel vm15, v2, v5;
	v3 =	vsel vm15, v3, v6  }
0x494: {  	(xrf1) =	vsort.dscd.msk.f32 $0xffff, v2, v3;
	v2 =	vnsel vm4, $0xFF61B1E6, v7  }
0x495: {  	(xrf1) =	vsort.dscd.msk.f32 $0xffff, v2, v44;
	_ =	sdelay $0x9  }
0x496: {  	v2 =	vld.idx.msk [tilespmem:v40+s23+$0x0], $0xffff;
	_ =	sdelay $0x2  }
0x497: {  	v49 =	vld [tilespmem:$0x11170];
	v3, v47, _ =	vpop (xrf1)  }
0x498: {  	v50, v51, _ =	vpop (xrf1)  }
0x499: {  	v2 =	vmul.f32 v2, v27;
	v6 =	vperm.xlane v50, v16  }
0x49a: {  	v7 =	vperm.xlane v51, v16  }
0x49b: {  	v2 =	vadd.f32 v2, v31;
	vm5 =	vge.f32 v0, v6  }
0x49c: {  	vm6 =	vlt.s32 v49, $0x186A0;
	v0 =	vsel vm5, v0, v6;
	v1 =	vsel vm5, v1, v7  }
0x49d: {  	v2 =	vnsel vm6, $0xFF61B1E6, v2;
	(xrf1) =	vsort.dscd.msk.f32 $0xffff, v0, v1  }
0x49e: {  	(xrf1) =	vsort.dscd.msk.f32 $0xffff, v2, v49;
	_ =	sdelay $0xc  }
0x49f: {  	v2 =	vld [tilespmem:$0x11080];
	v0, v1, _ =	vpop (xrf1)  }
0x4a0: {  	v5, v52, _ =	vpop (xrf1)  }
0x4a1: {  	v53 =	vmul.f32 v48, v28;
	v5 =	vperm.xlane v5, v16  }
0x4a2: {  	v6 =	vperm.xlane v52, v16  }
0x4a3: {  	v7 =	vadd.f32 v53, v33;
	vm7 =	vge.f32 v3, v5  }
0x4a4: {  	vm8 =	vlt.s32 v2, $0x186A0;
	v3 =	vsel vm7, v3, v5;
	v4 =	vsel vm7, v47, v6  }
0x4a5: {  	(xrf1) =	vsort.dscd.msk.f32 $0xffff, v3, v4;
	v3 =	vnsel vm8, $0xFF61B1E6, v7  }
0x4a6: {  	(xrf1) =	vsort.dscd.msk.f32 $0xffff, v3, v2;
	_ =	sdelay $0xc  }
0x4a7: {  	v54 =	vld [tilespmem:$0x11180];
	v2, v3, _ =	vpop (xrf1)  }
0x4a8: {  	v55, v56, _ =	vpop (xrf1)  }
0x4a9: {  	v5 =	vperm.xlane v55, v16  }
0x4aa: {  	v6 =	vperm.xlane v56, v16  }
0x4ab: {  	vm9 =	vge.f32 v0, v5  }
0x4ac: {  	vm10 =	vlt.s32 v54, $0x186A0;
	v0 =	vsel vm9, v0, v5;
	v1 =	vsel vm9, v1, v6  }
0x4ad: {  	v57 =	vnsel vm10, $0xFF61B1E6, v32;
	(xrf1) =	vsort.dscd.msk.f32 $0xffff, v0, v1  }
0x4ae: {  	(xrf1) =	vsort.dscd.msk.f32 $0xffff, v57, v54;
	_ =	sdelay $0xc  }
0x4af: {  	v58 =	vld [tilespmem:$0x11090];
	v0, v1, _ =	vpop (xrf1)  }
0x4b0: {  	v5, v59, _ =	vpop (xrf1)  }
0x4b1: {  	v5 =	vperm.xlane v5, v16  }
0x4b2: {  	v6 =	vperm.xlane v59, v16  }
0x4b3: {  	vm11 =	vge.f32 v2, v5  }
0x4b4: {  	vm12 =	vlt.s32 v58, $0x186A0;
	v2 =	vsel vm11, v2, v5;
	v3 =	vsel vm11, v3, v6  }
0x4b5: {  	(xrf1) =	vsort.dscd.msk.f32 $0xffff, v2, v3;
	v2 =	vnsel vm12, $0xFF61B1E6, v30  }
0x4b6: {  	(xrf1) =	vsort.dscd.msk.f32 $0xffff, v2, v58;
	_ =	sdelay $0xc  }
0x4b7: {  	v60 =	vld [tilespmem:$0x11190];
	v2, v3, _ =	vpop (xrf1)  }
0x4b8: {  	v61, v62, _ =	vpop (xrf1)  }
0x4b9: {  	v5 =	vperm.xlane v61, v16  }
0x4ba: {  	v6 =	vperm.xlane v62, v16  }
0x4bb: {  	vm13 =	vge.f32 v0, v5  }
0x4bc: {  	vm14 =	vlt.s32 v60, $0x186A0;
	v0 =	vsel vm13, v0, v5;
	v1 =	vsel vm13, v1, v6  }
0x4bd: {  	v63 =	vnsel vm14, $0xFF61B1E6, v29;
	(xrf1) =	vsort.dscd.msk.f32 $0xffff, v0, v1  }
0x4be: {  	(xrf1) =	vsort.dscd.msk.f32 $0xffff, v63, v60;
	_ =	sdelay $0xc  }
0x4bf: {  	v0, v1, _ =	vpop (xrf1)  }
0x4c0: {  	v4, v5, _ =	vpop (xrf1)  }
0x4c1: {  	v4 =	vperm.xlane v4, v16  }
0x4c2: {  	v5 =	vperm.xlane v5, v16  }
0x4c3: {  	vm15 =	vge.f32 v2, v4  }
0x4c4: {  	v2 =	vsel vm15, v2, v4;
	v3 =	vsel vm15, v3, v5  }
0x4c5: {  	(xrf1) =	vsort.dscd.msk.f32 $0xffff, v2, v3;
	_ =	sdelay $0xb  }
0x4c6: {  	s7 =	sshll.u32 s7, $0x1;
	[tilespmem:$0x11400] =	vst v0  }
0x4c7: {  	s9 =	sadd.s32 s2, s7;
	[tilespmem:$0x11410] =	vst v1  }
0x4c8: {  	[hbm4b:s9+s4] =	stream.linear.scatter [tilespmem:s29], [sflag:$0x5], $0x10, $0x38;
	v0, v1, _ =	vpop (xrf1);
	[tilespmem:$0x11420] =	vst v63  }
0x4c9: {  	_ =	swait.ge [sflag:s11], $0x10  }
0x4ca: {  	[sflag:s11] =	ssyncset.done $0x0  }
0x4cb: {  	s7 =	sadd.s32 s3, s7;
	[sflag:s11] =	ssyncadd.s32 $0xFFFFFFF0  }
0x4cc: {  	[hbm4b:s7+s4] =	stream.linear.scatter [tilespmem:s30], [sflag:$0x5], $0x10, $0x38;
	[tilespmem:$0x11420] =	vst v63  }
0x4cd: {  	_ =	swait.ge [sflag:s11], $0x10  }
0x4ce: {  	[sflag:s11] =	ssyncset.done $0x0  }
0x4cf: {  	[sflag:s11] =	ssyncadd.s32 $0xFFFFFFF0  }
0x4d0: {  	s1 =	sshll.u32 s1, $0x1;
	[tilespmem:$0x11400] =	vst v0  }
0x4d1: {  	s31 =	sadd.s32 s2, s1;
	[tilespmem:$0x11410] =	vst v1  }
0x4d2: {  	[hbm4b:s31+s4] =	stream.linear.scatter [tilespmem:s29], [sflag:$0x5], $0x10, $0x38;
	[tilespmem:$0x11420] =	vst v63  }
0x4d3: {  	s0 =	sadd.s32 $0x1, s0;
	_ =	swait.ge [sflag:s11], $0x10  }
0x4d4: {  	p0 =	sne.s32 s0, $0x10;
	[sflag:s11] =	ssyncset.done $0x0  }
.Ltmp2:
0x4d5: {  	s1 =	sadd.s32 s3, s1;
	[sflag:s11] =	ssyncadd.s32 $0xFFFFFFF0;
	(pc) =	sbr.rel @p0 .LBB2_2-.Ltmp2, $4  }
0x4d6: {  	[hbm4b:s1+s4] =	stream.linear.scatter [tilespmem:s30], [sflag:$0x5], $0x10, $0x38;
	[tilespmem:$0x11420] =	vst v63  }
0x4d7: {  	_ =	swait.ge [sflag:s11], $0x10  }
0x4d8: {  	[sflag:s11] =	ssyncset.done $0x0  }
0x4d9: {  	v1 =	vlaneseq.u32;
	[sflag:s11] =	ssyncadd.s32 $0xFFFFFFF0  }
0x4da: {  	s1 =	rddreg [dreg:$0x7]  }
0x4db: {  	s0 =	rddreg [dreg:$0x6];
	s1 =	sadd.s32 $0x1, s1  }
0x4dc: {  	p0 =	sne.s32 s1, s0  }
.Ltmp3:
0x4dd: {  	_ = 	snop;
	(pc) =	sbr.rel @p0 .LBB2_1-.Ltmp3, $1  }
0x4de: {  	_ =	sdelay $0x3  }
0x4df: {  	_ =	sfence.sel $0x180000  }
0x4e0: {  	[bflag:$0x0] =	sbarrier.arrive $0xFFFF  }
0x4e1: {  	_ =	strace $0x9000004A  }
0x4e2: {  	s0 =	stileid.u32;
	[bflag:$0x2] =	sbarrier.arrive $0xFFFF  }
0x4e3: {  	p0 =	sne.s32 s0, $0x0;
	s0 =	rddreg [dreg:$0x3]  }
0x4e4: {  	s0 =	sadd.s32 @!p0 $0x100000, s0  }
0x4e5: {  	[sflag:s0] =	ssyncadd.tile.s32 @!p0 $0x1;
	_ =	shalt  }
.Lfunc_end2:
_tile_overlayer_lowered:
.L_overlay_start_2:
0x4e6: {  	(tag) =	ssettag $0x2  }
0x4e7: {  	s0 =	rddreg [dreg:$0x0];
	s2 =	stileid.u32  }
0x4e8: {  	s1 =	rddreg [dreg:$0x1];
	p0 =	sne.s32 s2, $0x0  }
0x4e9: {  	s3 =	rddreg [dreg:$0x2];
	[bflag:$0x3] =	sbarrier.arrive $0xFFFF;
	s2 =	simm.s32 @!p0 $0x1C05  }
0x4ea: {  	[timem:s3], [sflag:s2] =	dma.local @!p0 [hbm:s0], s1  }
0x4eb: {  	s0 =	simm.s32 @!p0 $0x5  }
0x4ec: {  	_ =	swait.ge @!p0 [sflag:s0], s1  }
0x4ed: {  	s1 =	ssub.s32 @!p0 $0x0, s1;
	[sflag:s0] =	ssyncset.done @!p0 $0x0  }
0x4ee: {  	[sflag:s0] =	ssyncadd.s32 @!p0 s1  }
0x4ef: {  	[bflag:$0x3] =	sbarrier.arrive $0xFFFF  }
0x4f0: {  	_ =	shalt  }

// kernel: sparse-core-data-format-call.cloned.1.call-start
scs
called_computation_lowered:
.L_overlay_start_0:
0x0: {  	s1 =	sld [smem:$0x3FD9]  }
0x1: {  	s2 =	sld [smem:$0x3FFE];
	_ =	sdelay $0x1  }
0x2: {  	s3 =	srdreg.scid  }
0x3: {  	s0 =	sand.u32 $0x1, s3  }
0x4: {  	s17 =	sshll.u32 s0, $0xA;
	s1 =	sadd.s32 s2, s1  }
0x5: {  	s1 =	sadd.s32 s1, s17  }
0x6: {  	[smem:$0x3FC6] =	sst s1  }
0x7: {  	_ = 	snop  }
0x8: {  	(tm) =	ssettm $0x1  }
0x9: {  	s18 =	sld [smem:$0x3FFB];
	_ =	sdelay $0x3  }
0xa: {  	_ =	strace s18  }
0xb: {  	s1 =	sld [smem:$0x3FFC];
	_ =	sdelay $0x3  }
0xc: {  	_ =	strace s1  }
0xd: {  	s1 =	sld [smem:$0x3FFD];
	_ =	sdelay $0x3  }
0xe: {  	_ =	strace s1  }
0xf: {  	_ =	strace $0x8FFFFFFF  }
0x10: {  	s19 =	sld [smem:$0x3FDB];
	_ =	sdelay $0x1  }
0x11: {  	s20 =	simm.s32 $_scs_section_size  }
0x12: {  	s4 =	simm.s32 $_size__tile_overlayer_lowered;
	s5 =	simm.s32 $_tile_overlayer_lowered  }
0x13: {  	s23 =	simm.s32 $0x1BFF;
	s22 =	sshll.u32 s5, $0x1;
	s1 =	sadd.s32 s20, s19  }
0x14: {  	s6 =	simm.s32 $0x0;
	s21 =	sshll.u32 s4, $0x1;
	s4 =	sadd.s32 s22, s1  }
0x15: {  	[timem:s6], [sflag:s23] =	dma.local [hbm:s4], s21  }
0x16: {  	_ =	swait.ge [sflag:s23], s21  }
0x17: {  	s2 =	ssub.s32 $0x0, s21;
	[sflag:s23] =	ssyncset.done $0x0  }
0x18: {  	[sflag:s23] =	ssyncadd.s32 s2;
	_ =	sdelay $0x1  }
0x19: {  	s24 =	simm.s32 $0x1B8B  }
0x1a: {  	_ =	swait.ge [sflag:s24], $0x1  }
0x1b: {  	[sflag:s24] =	ssyncset.done $0x0  }
0x1c: {  	s26 =	simm.s32 $0x1B8E;
	s25 =	sld [smem:$0x3FFE];
	[sflag:s24] =	ssyncadd.s32 $0xFFFFFFFF  }
0x1d: {  	s27 =	simm.s32 $execute0_lowered;
	[smem:$0x3FD2] =	sst s26  }
0x1e: {  	s4 =	sshll.u32 s27, $0x1;
	_ =	strace $0x80000046;
	[dreg:$0x1] =	wrdreg $0xFFFFFFFF  }
0x1f: {  	s28 =	simm.s32 $_size_execute0_lowered;
	s1 =	sadd.s32 s1, s4;
	[dreg:$0x0] =	wrdreg $0x0  }
0x20: {  	s4 =	sshll.u32 s28, $0x1;
	[dreg:$0x2] =	wrdreg s1  }
0x21: {  	[dreg:$0x3] =	wrdreg s4  }
0x22: {  	[dreg:$0x4] =	wrdreg $0xC0  }
0x23: {  	_ =	task [dreg:s6], $0x5FFFF  }
0x24: {  	[dreg:$0x1] =	wrdreg $0xFFFFFFFF  }
0x25: {  	[dreg:$0x0] =	wrdreg $0x60  }
0x26: {  	[dreg:$0x2] =	wrdreg s25  }
0x27: {  	[dreg:$0x3] =	wrdreg $0x9  }
0x28: {  	_ =	task.clear_ibuf [dreg:s6], $0x4FFFF;
	_ =	strace $0x90000046  }
0x29: {  	s29 =	simm.s32 $0x9;
	_ =	strace $0x80000048  }
0x2a: {  	_ =	swait.ge [sflag:s29], $0x1  }
0x2b: {  	[sflag:s29] =	ssyncadd.s32 $0xFFFFFFFF  }
0x2c: {  	_ =	strace $0x90000048  }
0x2d: {  	_ =	sfence  }
0x2e: {  	s30 =	sld [smem:$0x0];
	_ =	sdelay $0x2  }
0x2f: {  	s31 =	sshll.u32 s3, $0xD;
	s3 =	sshrl.u32 s3, $0x2  }
0x30: {  	s2 =	sand.u32 $0x4000, s31;
	s1 =	sadd.s32 s3, s30  }
0x31: {  	s0 =	sor.u32 s2, s0;
	s1 =	sshll.u32 s1, $0x11  }
0x32: {  	s0 =	sor.u32 s1, s0  }
0x33: {  	s0 =	sadd.s32 $0x8F2B, s0  }
0x34: {  	[sflag:s0] =	ssyncadd.remote.s32 $0x1  }
0x35: {  	_ =	sfence.sel $0xFFFF  }
0x36: {  	[dreg:$0x0] =	wrdreg $0xFFFFFFFF;
	(pc) =	sbr.abs _section_cstart, $3  }
0x37: {  	[dreg:$0x1] =	wrdreg $0xFFFFFFFF  }
0x38: {  	_ =	task.clear_ibuf [dreg:s6], $0x2FFFF;
	_ =	strace $0x9FFFFFFF  }
0x39: {  	(tm) =	ssettm $0x7FFFFFFF  }
tec
execute0_lowered:
.L_overlay_start_1:
0x0: {  	(tag) =	ssettag $0x1  }
0x1: {  	s1 =	rddreg [dreg:$0x0]  }
0x2: {  	s0 =	rddreg [dreg:$0x1]  }
0x3: {  	_ =	strace $0x80000047;
	s4 =	srdreg.scid;
	s6 =	simm.s32 $0x2  }
0x4: {  	s11 =	simm.s32 $0x0;
	p0 =	por $0x0, $0x0;
	s7 =	simm.s32 $0x2000  }
.Ltmp0:
0x5: {  	s12 =	simm.s32 $0x0;
	s9 =	simm.s32 $0x0;
	(pc) =	sbr.rel .LBB1_1-.Ltmp0, $4  }
0x6: {  	s2 =	sadd.s32 $0x101000, s1;
	s3 =	sadd.s32 $0x1000, s1;
	s5 =	sshll.u32 s4, $0x4  }
0x7: {  	s1 =	stileid.u32;
	s4 =	simm.s32 $0x1;
	s5 =	sand.u32 $0x10, s5  }
0x8: {  	s8 =	simm.s32 $0x0;
	[sflag:s4] =	ssyncpa.u1 $0x0;
	s5 =	sor.u32 s1, s5  }
0x9: {  	[sflag:s6] =	ssyncpa.u1 $0x0;
	s6 =	simm.s32 $0x800;
	s10 =	smov.u32 s5  }
.LBB1_7:
0xa: {  	s13 =	sadd.s32 $0x10, s9  }
0xb: {  	s11 =	sadd.s32 $0x20, s10;
	s15 =	smov.u32 s10;
	p2 =	sgt.s32 s13, $0x3F  }
0xc: {  	p1 =	slt.u32 s8, $0x2;
	s15 =	smov.u32 @p2 s11  }
0xd: {  	s8 =	sadd.s32 $0x1, s8;
	s13 =	simm.s32 @p2 $0x0;
	p2 =	sgt.s32 s15, $0x7F  }
0xe: {  	s15 =	smov.u32 @p2 s5;
	p2 =	sne.s32 s8, $0x12  }
.Ltmp1:
0xf: {  	_ = 	snop;
	(pc) =	sbr.rel @!p2 .LBB1_8-.Ltmp1, $4  }
0x10: {  	s14 =	simm.s32 @!p1 $0x2  }
0x11: {  	s12 =	smov.u32 s10;
	_ =	swait.ge @!p1 [sflag:s14], $0x4000  }
0x12: {  	p0 =	por !p0, !p0;
	s11 =	smov.u32 s9;
	[sflag:s14] =	ssyncset.done @!p1 $0x0  }
0x13: {  	s9 =	smov.u32 s13;
	[sflag:s14] =	ssyncadd.s32 @!p1 $0xFFFFC000;
	s10 =	smov.u32 s15  }
.LBB1_1:
0x14: {  	p1 =	sgt.u32 s8, $0xF  }
0x15: {  	s13 =	sxor.u32 @!p1 $0xFFFFFFFF, s8;
	s14 =	sshll.u32 @!p1 s10, $0xD  }
0x16: {  	s15 =	sshll.u32 @!p1 s9, $0x7;
	s13 =	sshll.u32 @!p1 s13, $0xE;
	s14 =	sadd.s32 @!p1 s2, s14  }
0x17: {  	s13 =	sand.u32 @!p1 $0x4000, s13;
	s14 =	sadd.s32 @!p1 s15, s14;
	s15 =	simm.s32 @!p1 $0x0  }
0x18: {  	[tilespmem:s13], [sflag:$0x1] =	stream.linear.gather @!p1 [hbm4b:s14+s15], $0x4000, $0x38;
	[tilespmem:$0x10000] =	vst v63  }
0x19: {  	p1 =	seq.s32 s8, $0x0  }
0x1a: {  	p2 =	seq.s32 @!p1 s8, $0x11  }
0x1b: {  	p1 =	por p1, p2  }
.Ltmp2:
0x1c: {  	_ = 	snop;
	(pc) =	sbr.rel @p1 .LBB1_7-.Ltmp2, $1  }
0x1d: {  	_ =	sdelay $0x3  }
0x1e: {  	s13 =	simm.s32 $0x1;
	_ =	swait.ge [sflag:s4], $0x4000;
	s16 =	sshll.u32 s8, $0xE  }
0x1f: {  	s13 =	simm.s32 @!p0 $0x0;
	[sflag:s4] =	ssyncset.done $0x0;
	s31 =	sand.u32 $0x4000, s16  }
0x20: {  	s16 =	simm.s32 $0x0;
	s14 =	sshll.u32 s13, $0xE;
	[sflag:s4] =	ssyncadd.s32 $0xFFFFC000  }
0x21: {  	s13 =	sor.u32 $0x8040, s14;
	s15 =	sor.u32 $0x40, s14;
	s14 =	sor.u32 $0x8000, s31  }
.LBB1_3:
0x22: {  	v0 =	vmov s15;
	_ =	sdelay $0x3  }
0x23: {  	s18 =	simm.s32 $0x0  }
0x24: {  	v6 =	vld.idx.msk [tilespmem:v0+s18+$0x30 ss:$0x1], $0xffff  }
0x25: {  	v7 =	vld.idx.msk [tilespmem:v0+s18+$0xFFFFFFC0 ss:$0x1], $0xffff  }
0x26: {  	v5 =	vld.idx.msk [tilespmem:v0+s18+$0xFFFFFFD0 ss:$0x1], $0xffff  }
0x27: {  	v4 =	vld.idx.msk [tilespmem:v0+s18+$0xFFFFFFE0 ss:$0x1], $0xffff  }
0x28: {  	v3 =	vld.idx.msk [tilespmem:v0+s18+$0xFFFFFFF0 ss:$0x1], $0xffff  }
0x29: {  	v1 =	vld.idx.msk [tilespmem:v0+s18+$0x0 ss:$0x1], $0xffff  }
0x2a: {  	v2 =	vld.idx.msk [tilespmem:v0+s18+$0x10 ss:$0x1], $0xffff;
	[tilespmem:s13+$0x30] =	vst v6  }
0x2b: {  	s17 =	simm.s32 $0x80;
	s19 =	simm.s32 $0x400;
	[tilespmem:s13+$0xFFFFFFC0] =	vst v7;
	v6 =	vld.idx.msk [tilespmem:v0+s18+$0x20 ss:$0x1], $0xffff;
	s18 =	smov.u32 s13  }
.LBB1_4:
0x2c: {  	p1 =	sne.s32 s19, $0xE00;
	v7 =	vld.idx.msk [tilespmem:v0+s17+$0x30 ss:$0x1], $0xffff;
	[tilespmem:s18+$0xFFFFFFD0] =	vst v5  }
0x2d: {  	v8 =	vld.idx.msk [tilespmem:v0+s17+$0xFFFFFFC0 ss:$0x1], $0xffff;
	[tilespmem:s18+$0xFFFFFFE0] =	vst v4  }
0x2e: {  	v5 =	vld.idx.msk [tilespmem:v0+s17+$0xFFFFFFD0 ss:$0x1], $0xffff;
	[tilespmem:s18+$0xFFFFFFF0] =	vst v3  }
.Ltmp3:
0x2f: {  	v4 =	vld.idx.msk [tilespmem:v0+s17+$0xFFFFFFE0 ss:$0x1], $0xffff;
	[tilespmem:s18+$0x0] =	vst v1;
	(pc) =	sbr.rel @p1 .LBB1_4-.Ltmp3, $4  }
0x30: {  	v3 =	vld.idx.msk [tilespmem:v0+s17+$0xFFFFFFF0 ss:$0x1], $0xffff;
	[tilespmem:s18+$0x10] =	vst v2  }
0x31: {  	v1 =	vld.idx.msk [tilespmem:v0+s17+$0x0 ss:$0x1], $0xffff;
	[tilespmem:s18+$0x20] =	vst v6;
	s18 =	sadd.s32 $0x800, s18  }
0x32: {  	v2 =	vld.idx.msk [tilespmem:v0+s17+$0x10 ss:$0x1], $0xffff;
	[tilespmem:s18+$0x30] =	vst v7  }
0x33: {  	[tilespmem:s18+$0xFFFFFFC0] =	vst v8;
	v6 =	vld.idx.msk [tilespmem:v0+s17+$0x20 ss:$0x1], $0xffff;
	s17 =	sshra.s32 s19, $0x2;
	s19 =	sadd.s32 $0x200, s19  }
0x34: {  	_ =	sdelay $0x2  }
0x35: {  	[tilespmem:s18+$0xFFFFFFD0] =	vst v5  }
0x36: {  	v56 =	vld.idx.msk [tilespmem:v0+s17+$0x30 ss:$0x1], $0xffff;
	[tilespmem:s18+$0xFFFFFFE0] =	vst v4  }
0x37: {  	v57 =	vld.idx.msk [tilespmem:v0+s17+$0xFFFFFFC0 ss:$0x1], $0xffff;
	[tilespmem:s18+$0xFFFFFFF0] =	vst v3  }
0x38: {  	v58 =	vld.idx.msk [tilespmem:v0+s17+$0xFFFFFFD0 ss:$0x1], $0xffff;
	[tilespmem:s18+$0x0] =	vst v1  }
0x39: {  	v59 =	vld.idx.msk [tilespmem:v0+s17+$0xFFFFFFE0 ss:$0x1], $0xffff;
	[tilespmem:s18+$0x10] =	vst v2  }
0x3a: {  	v60 =	vld.idx.msk [tilespmem:v0+s17+$0xFFFFFFF0 ss:$0x1], $0xffff;
	s31 =	sadd.s32 $0x800, s18;
	[tilespmem:s18+$0x20] =	vst v6  }
0x3b: {  	v61 =	vld.idx.msk [tilespmem:v0+s17+$0x0 ss:$0x1], $0xffff;
	[tilespmem:s31+$0x30] =	vst v56  }
0x3c: {  	v62 =	vld.idx.msk [tilespmem:v0+s17+$0x10 ss:$0x1], $0xffff;
	s16 =	sadd.s32 $0x1, s16;
	[tilespmem:s31+$0xFFFFFFC0] =	vst v57  }
0x3d: {  	v63 =	vld.idx.msk [tilespmem:v0+s17+$0x20 ss:$0x1], $0xffff;
	p1 =	sne.s32 s16, $0x10;
	[tilespmem:s31+$0xFFFFFFD0] =	vst v58  }
.Ltmp4:
0x3e: {  	[tilespmem:s31+$0xFFFFFFE0] =	vst v59;
	(pc) =	sbr.rel @p1 .LBB1_3-.Ltmp4, $4  }
0x3f: {  	[tilespmem:s31+$0xFFFFFFF0] =	vst v60  }
0x40: {  	[tilespmem:s31+$0x0] =	vst v61  }
0x41: {  	[tilespmem:s31+$0x10] =	vst v62  }
0x42: {  	s13 =	sadd.s32 $0x80, s13;
	s15 =	sadd.s32 $0x400, s15;
	[tilespmem:s31+$0x20] =	vst v63  }
.Ltmp5:
0x43: {  	(pc) =	sbr.rel .LBB1_7-.Ltmp5, $4  }
0x44: {  	s12 =	sshll.u32 s12, $0xD;
	s11 =	sshll.u32 s11, $0x4  }
0x45: {  	s11 =	sand.u32 $0x3F0, s11;
	s12 =	sadd.s32 s3, s12  }
0x46: {  	s11 =	sadd.s32 s11, s12  }
0x47: {  	[hbm4b:s11+s6] =	stream.strided.scatter [tilespmem:s14], [sflag:$0x2], $0x4000, s7, s6, $0x38;
	[tilespmem:$0x10000] =	vst v63  }
.LBB1_8:
0x48: {  	_ =	sfence.sel $0x180000  }
0x49: {  	s2 =	simm.s32 $0x1;
	[bflag:$0x0] =	sbarrier.arrive $0xFFFF  }
0x4a: {  	s31 =	simm.s32 $0x2;
	[sflag:s2] =	ssyncpa.u1 $0x1  }
0x4b: {  	[sflag:s31] =	ssyncpa.u1 $0x1  }
0x4c: {  	p0 =	sne.s32 s1, $0x0;
	_ =	strace $0x90000047  }
0x4d: {  	s0 =	sadd.s32 @!p0 $0x100000, s0;
	[bflag:$0x2] =	sbarrier.arrive $0xFFFF  }
0x4e: {  	[sflag:s0] =	ssyncadd.tile.s32 @!p0 $0x1;
	_ =	shalt  }
.Lfunc_end1:
_tile_overlayer_lowered:
.L_overlay_start_2:
0x4f: {  	(tag) =	ssettag $0x2  }
0x50: {  	s0 =	rddreg [dreg:$0x0];
	s2 =	stileid.u32  }
0x51: {  	s1 =	rddreg [dreg:$0x1];
	p0 =	sne.s32 s2, $0x0  }
0x52: {  	s3 =	rddreg [dreg:$0x2];
	[bflag:$0x3] =	sbarrier.arrive $0xFFFF;
	s2 =	simm.s32 @!p0 $0x1C01  }
0x53: {  	[timem:s3], [sflag:s2] =	dma.local @!p0 [hbm:s0], s1  }
0x54: {  	s0 =	simm.s32 @!p0 $0x1  }
0x55: {  	_ =	swait.ge @!p0 [sflag:s0], s1  }
0x56: {  	s1 =	ssub.s32 @!p0 $0x0, s1;
	[sflag:s0] =	ssyncset.done @!p0 $0x0  }
0x57: {  	[sflag:s0] =	ssyncadd.s32 @!p0 s1  }
0x58: {  	[bflag:$0x3] =	sbarrier.arrive $0xFFFF  }
0x59: {  	_ =	shalt  }

</sc_bundles>
